<compile_context>
chip_gen: v7x
topology: tpu7x:2x2x1
jax: 0.10.2.dev20260603
libtpu: 0.0.44.dev20260713+nightly
codegen_flags: <defaults>
</compile_context>

<pallas_src>
import functools

import jax
import jax.numpy as jnp
import numpy as np
from jax import lax
from jax.experimental import pallas as pl
from jax.experimental.pallas import tpu as pltpu
from jax.experimental.pallas import tpu_sc as plsc

B, L, V, D, NB = 1024, 200, 1000000, 128, 32
N = B * L

C = 5
NCHK = N // C

NC, NS = 2, 16
NW = NC * NS
CHUNK = 80
BUF_ROWS = 160

R4 = 2048
BLK = 4 * R4
TC_GRID = N // BLK
TC_GRID_C = TC_GRID // C


def _make_sc_gather(chunk_offset, rows_total, buf_rows):
    rows_per_w = rows_total // NW
    n_groups = rows_per_w // buf_rows
    n_inner = buf_rows // CHUNK
    assert rows_per_w % buf_rows == 0 and n_groups % 2 == 0
    assert buf_rows % CHUNK == 0 and rows_per_w % 8 == 0

    @functools.partial(
        pl.kernel,
        out_type=jax.ShapeDtypeStruct((rows_total, D), jnp.float32),
        mesh=plsc.VectorSubcoreMesh(core_axis_name="c", subcore_axis_name="s"),
        scratch_types=[
            pltpu.VMEM((rows_per_w,), jnp.int32),
            pltpu.VMEM((buf_rows, D), jnp.float32),
            pltpu.VMEM((buf_rows, D), jnp.float32),
            pltpu.SemaphoreType.DMA,
            pltpu.SemaphoreType.DMA,
            pltpu.SemaphoreType.DMA,
        ],
    )
    def sc_gather(idx_hbm, table_hbm, out_hbm, idx_v, rows0, rows1,
                  gsem, wsem0, wsem1):
        wid = lax.axis_index("s") * NC + lax.axis_index("c")
        base = wid * rows_per_w
        pltpu.sync_copy(idx_hbm.at[pl.ds(chunk_offset + base, rows_per_w)],
                        idx_v)
        bufs = (rows0, rows1)
        wsems = (wsem0, wsem1)

        def outer(i, carry):
            for b in range(2):
                g = 2 * i + b
                row0 = g * buf_rows
                rows_b, wsem_b = bufs[b], wsems[b]

                @pl.when(g >= 2)
                def _():
                    pltpu.make_async_copy(
                        rows_b, out_hbm.at[pl.ds(base, buf_rows)], wsem_b
                    ).wait()

                cps = []
                for j in range(n_inner):
                    idx_slice = idx_v.at[pl.ds(row0 + j * CHUNK, CHUNK)]
                    dst = rows_b.at[pl.ds(j * CHUNK, CHUNK)]
                    cps.append(
                        pltpu.async_copy(table_hbm.at[idx_slice], dst, gsem))
                for cp in cps:
                    cp.wait()
                pltpu.async_copy(
                    rows_b, out_hbm.at[pl.ds(base + row0, buf_rows)], wsem_b)
            return carry

        lax.fori_loop(0, n_groups // 2, outer, 0)
        for b in range(2):
            pltpu.make_async_copy(
                bufs[b], out_hbm.at[pl.ds(base, buf_rows)], wsems[b]
            ).wait()

    return sc_gather


_sc_gather_chunks = [_make_sc_gather(c * NCHK, NCHK, BUF_ROWS)
                     for c in range(C)]


def _tc_common(afr_ref, tok_ref, freq_ref, w_ref, b_ref, out_ref):
    af4 = jnp.transpose(afr_ref[0], (1, 0))
    lane = lax.broadcasted_iota(jnp.int32, (R4, D), 1) // NB
    afx = jnp.where(
        lane == 0, af4[:, 0:1],
        jnp.where(lane == 1, af4[:, 1:2],
                  jnp.where(lane == 2, af4[:, 2:3], af4[:, 3:4])))
    ang = afx * freq_ref[...]
    w = w_ref[...]
    proj4 = (
        jnp.dot(jnp.sin(ang), w[:D, :], preferred_element_type=jnp.float32)
        + jnp.dot(jnp.cos(ang), w[D:, :], preferred_element_type=jnp.float32)
    )
    proj = jnp.concatenate(
        [proj4[:, g * D:(g + 1) * D] for g in range(4)], axis=0)
    out_ref[...] = proj + b_ref[...] + tok_ref[...]


def _tc_body_first(afr_ref, tok_ref, freq_ref, w_ref, b_ref, out_ref):
    _tc_common(afr_ref, tok_ref, freq_ref, w_ref, b_ref, out_ref)


def _tc_body_chained(buf_ref, afr_ref, tok_ref, freq_ref, w_ref, b_ref,
                     out_ref):
    del buf_ref
    _tc_common(afr_ref, tok_ref, freq_ref, w_ref, b_ref, out_ref)


def _tc_embed_chunk(c, buf, af_rows, tok_c, freq, w_all, b2):
    common_specs = [
        pl.BlockSpec((1, 4, R4), lambda i, c=c: (i + c * TC_GRID_C, 0, 0)),
        pl.BlockSpec((BLK, D), lambda i: (i, 0)),
        pl.BlockSpec((1, D), lambda i: (0, 0)),
        pl.BlockSpec((2 * D, 4 * D), lambda i: (0, 0)),
        pl.BlockSpec((1, D), lambda i: (0, 0)),
    ]
    out_spec = pl.BlockSpec((BLK, D), lambda i, c=c: (i + c * TC_GRID_C, 0))
    out_shape = jax.ShapeDtypeStruct((N, D), jnp.float32)
    if buf is None:
        return pl.pallas_call(
            _tc_body_first,
            grid=(TC_GRID_C,),
            in_specs=common_specs,
            out_specs=out_spec,
            out_shape=out_shape,
        )(af_rows, tok_c, freq, w_all, b2)
    return pl.pallas_call(
        _tc_body_chained,
        grid=(TC_GRID_C,),
        in_specs=[pl.BlockSpec(memory_space=pltpu.MemorySpace.HBM)]
        + common_specs,
        out_specs=out_spec,
        out_shape=out_shape,
        input_output_aliases={0: 0},
    )(buf, af_rows, tok_c, freq, w_all, b2)


_FREQ128 = np.tile((2.0 ** np.arange(NB)) * np.pi, 4).astype(np.float32)


def _build_w_all(af_W):
    ws, wc = af_W[:NB], af_W[NB:]
    zero = jnp.zeros((NB, D), jnp.float32)
    def bd(w):
        rows = []
        for g in range(4):
            rows.append(jnp.concatenate(
                [w if gg == g else zero for gg in range(4)], axis=1))
        return jnp.concatenate(rows, axis=0)
    return jnp.concatenate([bd(ws), bd(wc)], axis=0)


@jax.jit
def kernel(seq, af, table, af_W, af_b):
    idx = seq.reshape(N)
    af_rows = af.reshape(TC_GRID, 4, R4)
    freq = jnp.asarray(_FREQ128).reshape(1, D)
    w_all = _build_w_all(af_W)
    b2 = af_b.reshape(1, D)

    toks = [_sc_gather_chunks[c](idx, table) for c in range(C)]
    buf = None
    for c in range(C):
        buf = _tc_embed_chunk(c, buf, af_rows, toks[c], freq, w_all, b2)
    return buf.reshape(B, L, D)

# --- scband reference (transcript-rebuilt; emitter-appended) ---
"""Pipeline reference for scband-bertembedding-37984690765976 (READ-ONLY COPY).

The authoritative reference and input builder live on the scoring server;
editing this copy changes nothing except your own understanding.
"""

import jax, jax.numpy as jnp
import numpy as np

B, L, V, D, NB = 1024, 200, 1000000, 128, 32

def setup_inputs(seed: int = 0) -> dict:
    key = jax.random.key(seed)
    k1, k2, k3, k4 = jax.random.split(key, 4)
    seq = jax.random.randint(k1, (B, L), 0, V, dtype=jnp.int64 if jax.config.jax_enable_x64 else jnp.int32).astype(jnp.int32)
    af = jax.random.uniform(k2, (B, L), dtype=jnp.float32)
    table = jax.random.normal(k3, (V, D), dtype=jnp.float32) * 0.02
    table = table.at[0].set(0.0)  # padding_idx=0 row is zeros
    af_W = jax.random.normal(k4, (2 * NB, D), dtype=jnp.float32) * 0.02
    af_b = jnp.zeros((D,), dtype=jnp.float32)
    return {"seq": seq, "af": af, "table": table, "af_W": af_W, "af_b": af_b}

def reference(seq, af, table, af_W, af_b):
    # BERTEmbedding.forward(seq, af, pos=False) in eval mode (dropout = identity)
    num_basis = af_W.shape[0] // 2
    # 1) Haplotype token embedding: gather rows of the table
    tok = jnp.take(table, seq, axis=0)  # [B, L, D]
    # 2) AF embedding via Fourier features: sin/cos at geometric frequencies, then linear proj
    freqs = (2.0 ** jnp.arange(num_basis, dtype=jnp.float32)) * jnp.pi  # [NB]
    ang = af[..., None] * freqs  # [B, L, NB]
    feats = jnp.concatenate([jnp.sin(ang), jnp.cos(ang)], axis=-1)  # [B, L, 2*NB]
    af_emb = feats @ af_W + af_b  # [B, L, D]
    out = tok + af_emb
    return out

if __name__ == "__main__":
    import jax
    _d = setup_inputs()
    print(jax.jit(kernel)(*tuple(_d.values())))

</pallas_src>

<mosaic_0001>
#map = affine_map<(d0, d1) -> (0)>
#map1 = affine_map<(d0, d1) -> (0, 0)>
module attributes {stable_mosaic.version = 14 : i64} {
  func.func @sc_gather(%arg0: i32, %arg1: i32, %arg2: memref<204800xi32, #tpu.memory_space<hbm>>, %arg3: memref<1000000x128xf32, #tpu.memory_space<hbm>>, %arg4: memref<40960x128xf32, #tpu.memory_space<hbm>>, %arg5: memref<1280xi32, #tpu.memory_space<vmem>>, %arg6: memref<160x128xf32, #tpu.memory_space<vmem>>, %arg7: memref<160x128xf32, #tpu.memory_space<vmem>>, %arg8: memref<!tpu.dma_semaphore, #tpu.memory_space<semaphore_mem>>, %arg9: memref<!tpu.dma_semaphore, #tpu.memory_space<semaphore_mem>>, %arg10: memref<!tpu.dma_semaphore, #tpu.memory_space<semaphore_mem>>) attributes {dimension_semantics = [#tpu.dimension_semantics<core_parallel>, #tpu.dimension_semantics<subcore_parallel>], iteration_bounds = array<i64: 2, 16>, scalar_prefetch = 0 : i64, scratch_operands = 6 : i64, tpu.core_type = #tpu.core_type<sc_vector_subcore>, window_params = [{transform_indices = #map}, {transform_indices = #map1}, {transform_indices = #map1}]} {
    %mul3A = arith.constant 2 : i32
    %mul3A_0 = arith.muli %arg1, %mul3A : i32
    %add3A = arith.addi %mul3A_0, %arg0 : i32
    %mul3A_1 = arith.constant 1280 : i32
    %mul3A_2 = arith.muli %add3A, %mul3A_1 : i32
    %add3A_3 = arith.constant 0 : i32
    %add3A_4 = arith.addi %add3A_3, %mul3A_2 : i32
    "tpu.region"() ({
      %run_scoped3A = tpu.sem_alloc : memref<!tpu.dma_semaphore, #tpu.memory_space<semaphore_mem>>
      %dma_start3A = tpu.memref_slice %arg2[%add3A_4] : memref<204800xi32, #tpu.memory_space<hbm>> -> memref<1280xi32, #tpu.memory_space<hbm>>
      %dma_start3A_17 = tpu.memref_slice %arg2[%add3A_4] : memref<204800xi32, #tpu.memory_space<hbm>> -> memref<1280xi32, #tpu.memory_space<hbm>>
      tpu.enqueue_dma source(%dma_start3A_17 : memref<1280xi32, #tpu.memory_space<hbm>>) target(%arg5 : memref<1280xi32, #tpu.memory_space<vmem>>) target_semaphore(%run_scoped3A : memref<!tpu.dma_semaphore, #tpu.memory_space<semaphore_mem>>)
      %dma_wait3A_18 = tpu.memref_slice %arg2[%add3A_4] : memref<204800xi32, #tpu.memory_space<hbm>> -> memref<1280xi32, #tpu.memory_space<hbm>>
      %dma_wait3A_19 = tpu.memref_slice %arg2[%add3A_4] : memref<204800xi32, #tpu.memory_space<hbm>> -> memref<1280xi32, #tpu.memory_space<hbm>>
      tpu.wait_dma2 semaphore(%run_scoped3A : memref<!tpu.dma_semaphore, #tpu.memory_space<semaphore_mem>>) src(%dma_wait3A_19 : memref<1280xi32, #tpu.memory_space<hbm>>) dst(%arg5 : memref<1280xi32, #tpu.memory_space<vmem>>)
      tpu.yield
    }) : () -> ()
    %scan3A = arith.constant 0 : i32
    %scan3A_5 = arith.constant 0 : i32
    %scan3A_6 = arith.constant 4 : i32
    %scan3A_7 = arith.addi %scan3A_5, %scan3A_6 : i32
    %scan3A_8 = arith.constant 1 : i32
    scf.for %scan3A_17 = %scan3A_5 to %scan3A_7 step %scan3A_8  : i32 {
      %mul3A_18 = arith.constant 2 : i32
      %mul3A_19 = arith.muli %mul3A_18, %scan3A_17 : i32
      %add3A_20 = arith.constant 0 : i32
      %add3A_21 = arith.addi %mul3A_19, %add3A_20 : i32
      %mul3A_22 = arith.constant 160 : i32
      %mul3A_23 = arith.muli %add3A_21, %mul3A_22 : i32
      %ge3A = arith.constant 2 : i32
      %ge3A_24 = arith.cmpi sge, %add3A_21, %ge3A : i32
      %convert_element_type3A = arith.extui %ge3A_24 : i1 to i32
      %cond3A = arith.constant 0 : i32
      %cond3A_25 = arith.cmpi ne, %convert_element_type3A, %cond3A : i32
      scf.if %cond3A_25 {
        %dma_wait3A_110 = arith.constant 0 : i32
        %dma_wait3A_111 = tpu.memref_slice %arg4[%mul3A_2, %dma_wait3A_110] : memref<40960x128xf32, #tpu.memory_space<hbm>> -> memref<160x128xf32, #tpu.memory_space<hbm>>
        %dma_wait3A_112 = arith.constant 0 : i32
        %dma_wait3A_113 = tpu.memref_slice %arg4[%mul3A_2, %dma_wait3A_112] : memref<40960x128xf32, #tpu.memory_space<hbm>> -> memref<160x128xf32, #tpu.memory_space<hbm>>
        tpu.wait_dma2 semaphore(%arg9 : memref<!tpu.dma_semaphore, #tpu.memory_space<semaphore_mem>>) src(%arg6 : memref<160x128xf32, #tpu.memory_space<vmem>>) dst(%dma_wait3A_113 : memref<160x128xf32, #tpu.memory_space<hbm>>)
      } else {
      }
      %add3A_26 = arith.constant 0 : i32
      %add3A_27 = arith.addi %mul3A_23, %add3A_26 : i32
      %dma_start3A = arith.constant 0 : i32
      %dma_start3A_28 = arith.constant 0 : i32
      %dma_start3A_29 = tpu.memref_slice %arg6[%dma_start3A, %dma_start3A_28] : memref<160x128xf32, #tpu.memory_space<vmem>> -> memref<80x128xf32, #tpu.memory_space<vmem>>
      %dma_start3A_30 = tpu.memref_slice %arg5[%add3A_27] : memref<1280xi32, #tpu.memory_space<vmem>> -> memref<80xi32, #tpu.memory_space<vmem>>
      %dma_start3A_31 = arith.constant 0 : i32
      %dma_start3A_32 = arith.constant 0 : i32
      %dma_start3A_33 = tpu.memref_slice %arg3[%dma_start3A_31, %dma_start3A_32] : memref<1000000x128xf32, #tpu.memory_space<hbm>> -> memref<1000000x128xf32, #tpu.memory_space<hbm>>
      tpu.enqueue_indirect_dma source(%dma_start3A_33 : memref<1000000x128xf32, #tpu.memory_space<hbm>>) target(%dma_start3A_29 : memref<80x128xf32, #tpu.memory_space<vmem>>) offsets(%dma_start3A_30 : memref<80xi32, #tpu.memory_space<vmem>>) semaphore(%arg8 : memref<!tpu.dma_semaphore, #tpu.memory_space<semaphore_mem>>)
      %add3A_34 = arith.constant 80 : i32
      %add3A_35 = arith.addi %mul3A_23, %add3A_34 : i32
      %dma_start3A_36 = arith.constant 80 : i32
      %dma_start3A_37 = arith.constant 0 : i32
      %dma_start3A_38 = tpu.memref_slice %arg6[%dma_start3A_36, %dma_start3A_37] : memref<160x128xf32, #tpu.memory_space<vmem>> -> memref<80x128xf32, #tpu.memory_space<vmem>>
      %dma_start3A_39 = tpu.memref_slice %arg5[%add3A_35] : memref<1280xi32, #tpu.memory_space<vmem>> -> memref<80xi32, #tpu.memory_space<vmem>>
      %dma_start3A_40 = arith.constant 0 : i32
      %dma_start3A_41 = arith.constant 0 : i32
      %dma_start3A_42 = tpu.memref_slice %arg3[%dma_start3A_40, %dma_start3A_41] : memref<1000000x128xf32, #tpu.memory_space<hbm>> -> memref<1000000x128xf32, #tpu.memory_space<hbm>>
      tpu.enqueue_indirect_dma source(%dma_start3A_42 : memref<1000000x128xf32, #tpu.memory_space<hbm>>) target(%dma_start3A_38 : memref<80x128xf32, #tpu.memory_space<vmem>>) offsets(%dma_start3A_39 : memref<80xi32, #tpu.memory_space<vmem>>) semaphore(%arg8 : memref<!tpu.dma_semaphore, #tpu.memory_space<semaphore_mem>>)
      %dma_wait3A_43 = arith.constant 0 : i32
      %dma_wait3A_44 = arith.constant 0 : i32
      %dma_wait3A_45 = tpu.memref_slice %arg6[%dma_wait3A_43, %dma_wait3A_44] : memref<160x128xf32, #tpu.memory_space<vmem>> -> memref<80x128xf32, #tpu.memory_space<vmem>>
      %dma_wait3A_46 = tpu.memref_slice %arg5[%add3A_27] : memref<1280xi32, #tpu.memory_space<vmem>> -> memref<80xi32, #tpu.memory_space<vmem>>
      %dma_wait3A_47 = arith.constant 0 : i32
      %dma_wait3A_48 = arith.constant 0 : i32
      %dma_wait3A_49 = tpu.memref_slice %arg3[%dma_wait3A_47, %dma_wait3A_48] : memref<1000000x128xf32, #tpu.memory_space<hbm>> -> memref<1000000x128xf32, #tpu.memory_space<hbm>>
      tpu.wait_indirect_dma semaphore(%arg8 : memref<!tpu.dma_semaphore, #tpu.memory_space<semaphore_mem>>) src(%dma_wait3A_49 : memref<1000000x128xf32, #tpu.memory_space<hbm>>) dst(%dma_wait3A_45 : memref<80x128xf32, #tpu.memory_space<vmem>>)
      %dma_wait3A_50 = arith.constant 80 : i32
      %dma_wait3A_51 = arith.constant 0 : i32
      %dma_wait3A_52 = tpu.memref_slice %arg6[%dma_wait3A_50, %dma_wait3A_51] : memref<160x128xf32, #tpu.memory_space<vmem>> -> memref<80x128xf32, #tpu.memory_space<vmem>>
      %dma_wait3A_53 = tpu.memref_slice %arg5[%add3A_35] : memref<1280xi32, #tpu.memory_space<vmem>> -> memref<80xi32, #tpu.memory_space<vmem>>
      %dma_wait3A_54 = arith.constant 0 : i32
      %dma_wait3A_55 = arith.constant 0 : i32
      %dma_wait3A_56 = tpu.memref_slice %arg3[%dma_wait3A_54, %dma_wait3A_55] : memref<1000000x128xf32, #tpu.memory_space<hbm>> -> memref<1000000x128xf32, #tpu.memory_space<hbm>>
      tpu.wait_indirect_dma semaphore(%arg8 : memref<!tpu.dma_semaphore, #tpu.memory_space<semaphore_mem>>) src(%dma_wait3A_56 : memref<1000000x128xf32, #tpu.memory_space<hbm>>) dst(%dma_wait3A_52 : memref<80x128xf32, #tpu.memory_space<vmem>>)
      %add3A_57 = arith.addi %mul3A_2, %mul3A_23 : i32
      %dma_start3A_58 = arith.constant 0 : i32
      %dma_start3A_59 = tpu.memref_slice %arg4[%add3A_57, %dma_start3A_58] : memref<40960x128xf32, #tpu.memory_space<hbm>> -> memref<160x128xf32, #tpu.memory_space<hbm>>
      %dma_start3A_60 = arith.constant 0 : i32
      %dma_start3A_61 = tpu.memref_slice %arg4[%add3A_57, %dma_start3A_60] : memref<40960x128xf32, #tpu.memory_space<hbm>> -> memref<160x128xf32, #tpu.memory_space<hbm>>
      tpu.enqueue_dma source(%arg6 : memref<160x128xf32, #tpu.memory_space<vmem>>) target(%dma_start3A_61 : memref<160x128xf32, #tpu.memory_space<hbm>>) target_semaphore(%arg9 : memref<!tpu.dma_semaphore, #tpu.memory_space<semaphore_mem>>)
      %mul3A_62 = arith.constant 2 : i32
      %mul3A_63 = arith.muli %mul3A_62, %scan3A_17 : i32
      %add3A_64 = arith.constant 1 : i32
      %add3A_65 = arith.addi %mul3A_63, %add3A_64 : i32
      %mul3A_66 = arith.constant 160 : i32
      %mul3A_67 = arith.muli %add3A_65, %mul3A_66 : i32
      %ge3A_68 = arith.constant 2 : i32
      %ge3A_69 = arith.cmpi sge, %add3A_65, %ge3A_68 : i32
      %convert_element_type3A_70 = arith.extui %ge3A_69 : i1 to i32
      %cond3A_71 = arith.constant 0 : i32
      %cond3A_72 = arith.cmpi ne, %convert_element_type3A_70, %cond3A_71 : i32
      scf.if %cond3A_72 {
        %dma_wait3A_110 = arith.constant 0 : i32
        %dma_wait3A_111 = tpu.memref_slice %arg4[%mul3A_2, %dma_wait3A_110] : memref<40960x128xf32, #tpu.memory_space<hbm>> -> memref<160x128xf32, #tpu.memory_space<hbm>>
        %dma_wait3A_112 = arith.constant 0 : i32
        %dma_wait3A_113 = tpu.memref_slice %arg4[%mul3A_2, %dma_wait3A_112] : memref<40960x128xf32, #tpu.memory_space<hbm>> -> memref<160x128xf32, #tpu.memory_space<hbm>>
        tpu.wait_dma2 semaphore(%arg10 : memref<!tpu.dma_semaphore, #tpu.memory_space<semaphore_mem>>) src(%arg7 : memref<160x128xf32, #tpu.memory_space<vmem>>) dst(%dma_wait3A_113 : memref<160x128xf32, #tpu.memory_space<hbm>>)
      } else {
      }
      %add3A_73 = arith.constant 0 : i32
      %add3A_74 = arith.addi %mul3A_67, %add3A_73 : i32
      %dma_start3A_75 = arith.constant 0 : i32
      %dma_start3A_76 = arith.constant 0 : i32
      %dma_start3A_77 = tpu.memref_slice %arg7[%dma_start3A_75, %dma_start3A_76] : memref<160x128xf32, #tpu.memory_space<vmem>> -> memref<80x128xf32, #tpu.memory_space<vmem>>
      %dma_start3A_78 = tpu.memref_slice %arg5[%add3A_74] : memref<1280xi32, #tpu.memory_space<vmem>> -> memref<80xi32, #tpu.memory_space<vmem>>
      %dma_start3A_79 = arith.constant 0 : i32
      %dma_start3A_80 = arith.constant 0 : i32
      %dma_start3A_81 = tpu.memref_slice %arg3[%dma_start3A_79, %dma_start3A_80] : memref<1000000x128xf32, #tpu.memory_space<hbm>> -> memref<1000000x128xf32, #tpu.memory_space<hbm>>
      tpu.enqueue_indirect_dma source(%dma_start3A_81 : memref<1000000x128xf32, #tpu.memory_space<hbm>>) target(%dma_start3A_77 : memref<80x128xf32, #tpu.memory_space<vmem>>) offsets(%dma_start3A_78 : memref<80xi32, #tpu.memory_space<vmem>>) semaphore(%arg8 : memref<!tpu.dma_semaphore, #tpu.memory_space<semaphore_mem>>)
      %add3A_82 = arith.constant 80 : i32
      %add3A_83 = arith.addi %mul3A_67, %add3A_82 : i32
      %dma_start3A_84 = arith.constant 80 : i32
      %dma_start3A_85 = arith.constant 0 : i32
      %dma_start3A_86 = tpu.memref_slice %arg7[%dma_start3A_84, %dma_start3A_85] : memref<160x128xf32, #tpu.memory_space<vmem>> -> memref<80x128xf32, #tpu.memory_space<vmem>>
      %dma_start3A_87 = tpu.memref_slice %arg5[%add3A_83] : memref<1280xi32, #tpu.memory_space<vmem>> -> memref<80xi32, #tpu.memory_space<vmem>>
      %dma_start3A_88 = arith.constant 0 : i32
      %dma_start3A_89 = arith.constant 0 : i32
      %dma_start3A_90 = tpu.memref_slice %arg3[%dma_start3A_88, %dma_start3A_89] : memref<1000000x128xf32, #tpu.memory_space<hbm>> -> memref<1000000x128xf32, #tpu.memory_space<hbm>>
      tpu.enqueue_indirect_dma source(%dma_start3A_90 : memref<1000000x128xf32, #tpu.memory_space<hbm>>) target(%dma_start3A_86 : memref<80x128xf32, #tpu.memory_space<vmem>>) offsets(%dma_start3A_87 : memref<80xi32, #tpu.memory_space<vmem>>) semaphore(%arg8 : memref<!tpu.dma_semaphore, #tpu.memory_space<semaphore_mem>>)
      %dma_wait3A_91 = arith.constant 0 : i32
      %dma_wait3A_92 = arith.constant 0 : i32
      %dma_wait3A_93 = tpu.memref_slice %arg7[%dma_wait3A_91, %dma_wait3A_92] : memref<160x128xf32, #tpu.memory_space<vmem>> -> memref<80x128xf32, #tpu.memory_space<vmem>>
      %dma_wait3A_94 = tpu.memref_slice %arg5[%add3A_74] : memref<1280xi32, #tpu.memory_space<vmem>> -> memref<80xi32, #tpu.memory_space<vmem>>
      %dma_wait3A_95 = arith.constant 0 : i32
      %dma_wait3A_96 = arith.constant 0 : i32
      %dma_wait3A_97 = tpu.memref_slice %arg3[%dma_wait3A_95, %dma_wait3A_96] : memref<1000000x128xf32, #tpu.memory_space<hbm>> -> memref<1000000x128xf32, #tpu.memory_space<hbm>>
      tpu.wait_indirect_dma semaphore(%arg8 : memref<!tpu.dma_semaphore, #tpu.memory_space<semaphore_mem>>) src(%dma_wait3A_97 : memref<1000000x128xf32, #tpu.memory_space<hbm>>) dst(%dma_wait3A_93 : memref<80x128xf32, #tpu.memory_space<vmem>>)
      %dma_wait3A_98 = arith.constant 80 : i32
      %dma_wait3A_99 = arith.constant 0 : i32
      %dma_wait3A_100 = tpu.memref_slice %arg7[%dma_wait3A_98, %dma_wait3A_99] : memref<160x128xf32, #tpu.memory_space<vmem>> -> memref<80x128xf32, #tpu.memory_space<vmem>>
      %dma_wait3A_101 = tpu.memref_slice %arg5[%add3A_83] : memref<1280xi32, #tpu.memory_space<vmem>> -> memref<80xi32, #tpu.memory_space<vmem>>
      %dma_wait3A_102 = arith.constant 0 : i32
      %dma_wait3A_103 = arith.constant 0 : i32
      %dma_wait3A_104 = tpu.memref_slice %arg3[%dma_wait3A_102, %dma_wait3A_103] : memref<1000000x128xf32, #tpu.memory_space<hbm>> -> memref<1000000x128xf32, #tpu.memory_space<hbm>>
      tpu.wait_indirect_dma semaphore(%arg8 : memref<!tpu.dma_semaphore, #tpu.memory_space<semaphore_mem>>) src(%dma_wait3A_104 : memref<1000000x128xf32, #tpu.memory_space<hbm>>) dst(%dma_wait3A_100 : memref<80x128xf32, #tpu.memory_space<vmem>>)
      %add3A_105 = arith.addi %mul3A_2, %mul3A_67 : i32
      %dma_start3A_106 = arith.constant 0 : i32
      %dma_start3A_107 = tpu.memref_slice %arg4[%add3A_105, %dma_start3A_106] : memref<40960x128xf32, #tpu.memory_space<hbm>> -> memref<160x128xf32, #tpu.memory_space<hbm>>
      %dma_start3A_108 = arith.constant 0 : i32
      %dma_start3A_109 = tpu.memref_slice %arg4[%add3A_105, %dma_start3A_108] : memref<40960x128xf32, #tpu.memory_space<hbm>> -> memref<160x128xf32, #tpu.memory_space<hbm>>
      tpu.enqueue_dma source(%arg7 : memref<160x128xf32, #tpu.memory_space<vmem>>) target(%dma_start3A_109 : memref<160x128xf32, #tpu.memory_space<hbm>>) target_semaphore(%arg10 : memref<!tpu.dma_semaphore, #tpu.memory_space<semaphore_mem>>)
    }
    %scan3A_9 = arith.constant 4 : i32
    %dma_wait3A = arith.constant 0 : i32
    %dma_wait3A_10 = tpu.memref_slice %arg4[%mul3A_2, %dma_wait3A] : memref<40960x128xf32, #tpu.memory_space<hbm>> -> memref<160x128xf32, #tpu.memory_space<hbm>>
    %dma_wait3A_11 = arith.constant 0 : i32
    %dma_wait3A_12 = tpu.memref_slice %arg4[%mul3A_2, %dma_wait3A_11] : memref<40960x128xf32, #tpu.memory_space<hbm>> -> memref<160x128xf32, #tpu.memory_space<hbm>>
    tpu.wait_dma2 semaphore(%arg9 : memref<!tpu.dma_semaphore, #tpu.memory_space<semaphore_mem>>) src(%arg6 : memref<160x128xf32, #tpu.memory_space<vmem>>) dst(%dma_wait3A_12 : memref<160x128xf32, #tpu.memory_space<hbm>>)
    %dma_wait3A_13 = arith.constant 0 : i32
    %dma_wait3A_14 = tpu.memref_slice %arg4[%mul3A_2, %dma_wait3A_13] : memref<40960x128xf32, #tpu.memory_space<hbm>> -> memref<160x128xf32, #tpu.memory_space<hbm>>
    %dma_wait3A_15 = arith.constant 0 : i32
    %dma_wait3A_16 = tpu.memref_slice %arg4[%mul3A_2, %dma_wait3A_15] : memref<40960x128xf32, #tpu.memory_space<hbm>> -> memref<160x128xf32, #tpu.memory_space<hbm>>
    tpu.wait_dma2 semaphore(%arg10 : memref<!tpu.dma_semaphore, #tpu.memory_space<semaphore_mem>>) src(%arg7 : memref<160x128xf32, #tpu.memory_space<vmem>>) dst(%dma_wait3A_16 : memref<160x128xf32, #tpu.memory_space<hbm>>)
    return
  }
}

#map = affine_map<(d0, d1) -> (0)>
#map1 = affine_map<(d0, d1) -> (0, 0)>
module attributes {stable_mosaic.version = 14 : i64} {
  func.func @sc_gather(%arg0: i32, %arg1: i32, %arg2: memref<204800xi32, #tpu.memory_space<hbm>>, %arg3: memref<1000000x128xf32, #tpu.memory_space<hbm>>, %arg4: memref<40960x128xf32, #tpu.memory_space<hbm>>, %arg5: memref<1280xi32, #tpu.memory_space<vmem>>, %arg6: memref<160x128xf32, #tpu.memory_space<vmem>>, %arg7: memref<160x128xf32, #tpu.memory_space<vmem>>, %arg8: memref<!tpu.dma_semaphore, #tpu.memory_space<semaphore_mem>>, %arg9: memref<!tpu.dma_semaphore, #tpu.memory_space<semaphore_mem>>, %arg10: memref<!tpu.dma_semaphore, #tpu.memory_space<semaphore_mem>>) attributes {dimension_semantics = [#tpu.dimension_semantics<core_parallel>, #tpu.dimension_semantics<subcore_parallel>], iteration_bounds = array<i64: 2, 16>, scalar_prefetch = 0 : i64, scratch_operands = 6 : i64, tpu.core_type = #tpu.core_type<sc_vector_subcore>, window_params = [{transform_indices = #map}, {transform_indices = #map1}, {transform_indices = #map1}]} {
    %mul3A = arith.constant 2 : i32
    %mul3A_0 = arith.muli %arg1, %mul3A : i32
    %add3A = arith.addi %mul3A_0, %arg0 : i32
    %mul3A_1 = arith.constant 1280 : i32
    %mul3A_2 = arith.muli %add3A, %mul3A_1 : i32
    %add3A_3 = arith.constant 81920 : i32
    %add3A_4 = arith.addi %add3A_3, %mul3A_2 : i32
    "tpu.region"() ({
      %run_scoped3A = tpu.sem_alloc : memref<!tpu.dma_semaphore, #tpu.memory_space<semaphore_mem>>
      %dma_start3A = tpu.memref_slice %arg2[%add3A_4] : memref<204800xi32, #tpu.memory_space<hbm>> -> memref<1280xi32, #tpu.memory_space<hbm>>
      %dma_start3A_17 = tpu.memref_slice %arg2[%add3A_4] : memref<204800xi32, #tpu.memory_space<hbm>> -> memref<1280xi32, #tpu.memory_space<hbm>>
      tpu.enqueue_dma source(%dma_start3A_17 : memref<1280xi32, #tpu.memory_space<hbm>>) target(%arg5 : memref<1280xi32, #tpu.memory_space<vmem>>) target_semaphore(%run_scoped3A : memref<!tpu.dma_semaphore, #tpu.memory_space<semaphore_mem>>)
      %dma_wait3A_18 = tpu.memref_slice %arg2[%add3A_4] : memref<204800xi32, #tpu.memory_space<hbm>> -> memref<1280xi32, #tpu.memory_space<hbm>>
      %dma_wait3A_19 = tpu.memref_slice %arg2[%add3A_4] : memref<204800xi32, #tpu.memory_space<hbm>> -> memref<1280xi32, #tpu.memory_space<hbm>>
      tpu.wait_dma2 semaphore(%run_scoped3A : memref<!tpu.dma_semaphore, #tpu.memory_space<semaphore_mem>>) src(%dma_wait3A_19 : memref<1280xi32, #tpu.memory_space<hbm>>) dst(%arg5 : memref<1280xi32, #tpu.memory_space<vmem>>)
      tpu.yield
    }) : () -> ()
    %scan3A = arith.constant 0 : i32
    %scan3A_5 = arith.constant 0 : i32
    %scan3A_6 = arith.constant 4 : i32
    %scan3A_7 = arith.addi %scan3A_5, %scan3A_6 : i32
    %scan3A_8 = arith.constant 1 : i32
    scf.for %scan3A_17 = %scan3A_5 to %scan3A_7 step %scan3A_8  : i32 {
      %mul3A_18 = arith.constant 2 : i32
      %mul3A_19 = arith.muli %mul3A_18, %scan3A_17 : i32
      %add3A_20 = arith.constant 0 : i32
      %add3A_21 = arith.addi %mul3A_19, %add3A_20 : i32
      %mul3A_22 = arith.constant 160 : i32
      %mul3A_23 = arith.muli %add3A_21, %mul3A_22 : i32
      %ge3A = arith.constant 2 : i32
      %ge3A_24 = arith.cmpi sge, %add3A_21, %ge3A : i32
      %convert_element_type3A = arith.extui %ge3A_24 : i1 to i32
      %cond3A = arith.constant 0 : i32
      %cond3A_25 = arith.cmpi ne, %convert_element_type3A, %cond3A : i32
      scf.if %cond3A_25 {
        %dma_wait3A_110 = arith.constant 0 : i32
        %dma_wait3A_111 = tpu.memref_slice %arg4[%mul3A_2, %dma_wait3A_110] : memref<40960x128xf32, #tpu.memory_space<hbm>> -> memref<160x128xf32, #tpu.memory_space<hbm>>
        %dma_wait3A_112 = arith.constant 0 : i32
        %dma_wait3A_113 = tpu.memref_slice %arg4[%mul3A_2, %dma_wait3A_112] : memref<40960x128xf32, #tpu.memory_space<hbm>> -> memref<160x128xf32, #tpu.memory_space<hbm>>
        tpu.wait_dma2 semaphore(%arg9 : memref<!tpu.dma_semaphore, #tpu.memory_space<semaphore_mem>>) src(%arg6 : memref<160x128xf32, #tpu.memory_space<vmem>>) dst(%dma_wait3A_113 : memref<160x128xf32, #tpu.memory_space<hbm>>)
      } else {
      }
      %add3A_26 = arith.constant 0 : i32
      %add3A_27 = arith.addi %mul3A_23, %add3A_26 : i32
      %dma_start3A = arith.constant 0 : i32
      %dma_start3A_28 = arith.constant 0 : i32
      %dma_start3A_29 = tpu.memref_slice %arg6[%dma_start3A, %dma_start3A_28] : memref<160x128xf32, #tpu.memory_space<vmem>> -> memref<80x128xf32, #tpu.memory_space<vmem>>
      %dma_start3A_30 = tpu.memref_slice %arg5[%add3A_27] : memref<1280xi32, #tpu.memory_space<vmem>> -> memref<80xi32, #tpu.memory_space<vmem>>
      %dma_start3A_31 = arith.constant 0 : i32
      %dma_start3A_32 = arith.constant 0 : i32
      %dma_start3A_33 = tpu.memref_slice %arg3[%dma_start3A_31, %dma_start3A_32] : memref<1000000x128xf32, #tpu.memory_space<hbm>> -> memref<1000000x128xf32, #tpu.memory_space<hbm>>
      tpu.enqueue_indirect_dma source(%dma_start3A_33 : memref<1000000x128xf32, #tpu.memory_space<hbm>>) target(%dma_start3A_29 : memref<80x128xf32, #tpu.memory_space<vmem>>) offsets(%dma_start3A_30 : memref<80xi32, #tpu.memory_space<vmem>>) semaphore(%arg8 : memref<!tpu.dma_semaphore, #tpu.memory_space<semaphore_mem>>)
      %add3A_34 = arith.constant 80 : i32
      %add3A_35 = arith.addi %mul3A_23, %add3A_34 : i32
      %dma_start3A_36 = arith.constant 80 : i32
      %dma_start3A_37 = arith.constant 0 : i32
      %dma_start3A_38 = tpu.memref_slice %arg6[%dma_start3A_36, %dma_start3A_37] : memref<160x128xf32, #tpu.memory_space<vmem>> -> memref<80x128xf32, #tpu.memory_space<vmem>>
      %dma_start3A_39 = tpu.memref_slice %arg5[%add3A_35] : memref<1280xi32, #tpu.memory_space<vmem>> -> memref<80xi32, #tpu.memory_space<vmem>>
      %dma_start3A_40 = arith.constant 0 : i32
      %dma_start3A_41 = arith.constant 0 : i32
      %dma_start3A_42 = tpu.memref_slice %arg3[%dma_start3A_40, %dma_start3A_41] : memref<1000000x128xf32, #tpu.memory_space<hbm>> -> memref<1000000x128xf32, #tpu.memory_space<hbm>>
      tpu.enqueue_indirect_dma source(%dma_start3A_42 : memref<1000000x128xf32, #tpu.memory_space<hbm>>) target(%dma_start3A_38 : memref<80x128xf32, #tpu.memory_space<vmem>>) offsets(%dma_start3A_39 : memref<80xi32, #tpu.memory_space<vmem>>) semaphore(%arg8 : memref<!tpu.dma_semaphore, #tpu.memory_space<semaphore_mem>>)
      %dma_wait3A_43 = arith.constant 0 : i32
      %dma_wait3A_44 = arith.constant 0 : i32
      %dma_wait3A_45 = tpu.memref_slice %arg6[%dma_wait3A_43, %dma_wait3A_44] : memref<160x128xf32, #tpu.memory_space<vmem>> -> memref<80x128xf32, #tpu.memory_space<vmem>>
      %dma_wait3A_46 = tpu.memref_slice %arg5[%add3A_27] : memref<1280xi32, #tpu.memory_space<vmem>> -> memref<80xi32, #tpu.memory_space<vmem>>
      %dma_wait3A_47 = arith.constant 0 : i32
      %dma_wait3A_48 = arith.constant 0 : i32
      %dma_wait3A_49 = tpu.memref_slice %arg3[%dma_wait3A_47, %dma_wait3A_48] : memref<1000000x128xf32, #tpu.memory_space<hbm>> -> memref<1000000x128xf32, #tpu.memory_space<hbm>>
      tpu.wait_indirect_dma semaphore(%arg8 : memref<!tpu.dma_semaphore, #tpu.memory_space<semaphore_mem>>) src(%dma_wait3A_49 : memref<1000000x128xf32, #tpu.memory_space<hbm>>) dst(%dma_wait3A_45 : memref<80x128xf32, #tpu.memory_space<vmem>>)
      %dma_wait3A_50 = arith.constant 80 : i32
      %dma_wait3A_51 = arith.constant 0 : i32
      %dma_wait3A_52 = tpu.memref_slice %arg6[%dma_wait3A_50, %dma_wait3A_51] : memref<160x128xf32, #tpu.memory_space<vmem>> -> memref<80x128xf32, #tpu.memory_space<vmem>>
      %dma_wait3A_53 = tpu.memref_slice %arg5[%add3A_35] : memref<1280xi32, #tpu.memory_space<vmem>> -> memref<80xi32, #tpu.memory_space<vmem>>
      %dma_wait3A_54 = arith.constant 0 : i32
      %dma_wait3A_55 = arith.constant 0 : i32
      %dma_wait3A_56 = tpu.memref_slice %arg3[%dma_wait3A_54, %dma_wait3A_55] : memref<1000000x128xf32, #tpu.memory_space<hbm>> -> memref<1000000x128xf32, #tpu.memory_space<hbm>>
      tpu.wait_indirect_dma semaphore(%arg8 : memref<!tpu.dma_semaphore, #tpu.memory_space<semaphore_mem>>) src(%dma_wait3A_56 : memref<1000000x128xf32, #tpu.memory_space<hbm>>) dst(%dma_wait3A_52 : memref<80x128xf32, #tpu.memory_space<vmem>>)
      %add3A_57 = arith.addi %mul3A_2, %mul3A_23 : i32
      %dma_start3A_58 = arith.constant 0 : i32
      %dma_start3A_59 = tpu.memref_slice %arg4[%add3A_57, %dma_start3A_58] : memref<40960x128xf32, #tpu.memory_space<hbm>> -> memref<160x128xf32, #tpu.memory_space<hbm>>
      %dma_start3A_60 = arith.constant 0 : i32
      %dma_start3A_61 = tpu.memref_slice %arg4[%add3A_57, %dma_start3A_60] : memref<40960x128xf32, #tpu.memory_space<hbm>> -> memref<160x128xf32, #tpu.memory_space<hbm>>
      tpu.enqueue_dma source(%arg6 : memref<160x128xf32, #tpu.memory_space<vmem>>) target(%dma_start3A_61 : memref<160x128xf32, #tpu.memory_space<hbm>>) target_semaphore(%arg9 : memref<!tpu.dma_semaphore, #tpu.memory_space<semaphore_mem>>)
      %mul3A_62 = arith.constant 2 : i32
      %mul3A_63 = arith.muli %mul3A_62, %scan3A_17 : i32
      %add3A_64 = arith.constant 1 : i32
      %add3A_65 = arith.addi %mul3A_63, %add3A_64 : i32
      %mul3A_66 = arith.constant 160 : i32
      %mul3A_67 = arith.muli %add3A_65, %mul3A_66 : i32
      %ge3A_68 = arith.constant 2 : i32
      %ge3A_69 = arith.cmpi sge, %add3A_65, %ge3A_68 : i32
      %convert_element_type3A_70 = arith.extui %ge3A_69 : i1 to i32
      %cond3A_71 = arith.constant 0 : i32
      %cond3A_72 = arith.cmpi ne, %convert_element_type3A_70, %cond3A_71 : i32
      scf.if %cond3A_72 {
        %dma_wait3A_110 = arith.constant 0 : i32
        %dma_wait3A_111 = tpu.memref_slice %arg4[%mul3A_2, %dma_wait3A_110] : memref<40960x128xf32, #tpu.memory_space<hbm>> -> memref<160x128xf32, #tpu.memory_space<hbm>>
        %dma_wait3A_112 = arith.constant 0 : i32
        %dma_wait3A_113 = tpu.memref_slice %arg4[%mul3A_2, %dma_wait3A_112] : memref<40960x128xf32, #tpu.memory_space<hbm>> -> memref<160x128xf32, #tpu.memory_space<hbm>>
        tpu.wait_dma2 semaphore(%arg10 : memref<!tpu.dma_semaphore, #tpu.memory_space<semaphore_mem>>) src(%arg7 : memref<160x128xf32, #tpu.memory_space<vmem>>) dst(%dma_wait3A_113 : memref<160x128xf32, #tpu.memory_space<hbm>>)
      } else {
      }
      %add3A_73 = arith.constant 0 : i32
      %add3A_74 = arith.addi %mul3A_67, %add3A_73 : i32
      %dma_start3A_75 = arith.constant 0 : i32
      %dma_start3A_76 = arith.constant 0 : i32
      %dma_start3A_77 = tpu.memref_slice %arg7[%dma_start3A_75, %dma_start3A_76] : memref<160x128xf32, #tpu.memory_space<vmem>> -> memref<80x128xf32, #tpu.memory_space<vmem>>
      %dma_start3A_78 = tpu.memref_slice %arg5[%add3A_74] : memref<1280xi32, #tpu.memory_space<vmem>> -> memref<80xi32, #tpu.memory_space<vmem>>
      %dma_start3A_79 = arith.constant 0 : i32
      %dma_start3A_80 = arith.constant 0 : i32
      %dma_start3A_81 = tpu.memref_slice %arg3[%dma_start3A_79, %dma_start3A_80] : memref<1000000x128xf32, #tpu.memory_space<hbm>> -> memref<1000000x128xf32, #tpu.memory_space<hbm>>
      tpu.enqueue_indirect_dma source(%dma_start3A_81 : memref<1000000x128xf32, #tpu.memory_space<hbm>>) target(%dma_start3A_77 : memref<80x128xf32, #tpu.memory_space<vmem>>) offsets(%dma_start3A_78 : memref<80xi32, #tpu.memory_space<vmem>>) semaphore(%arg8 : memref<!tpu.dma_semaphore, #tpu.memory_space<semaphore_mem>>)
      %add3A_82 = arith.constant 80 : i32
      %add3A_83 = arith.addi %mul3A_67, %add3A_82 : i32
      %dma_start3A_84 = arith.constant 80 : i32
      %dma_start3A_85 = arith.constant 0 : i32
      %dma_start3A_86 = tpu.memref_slice %arg7[%dma_start3A_84, %dma_start3A_85] : memref<160x128xf32, #tpu.memory_space<vmem>> -> memref<80x128xf32, #tpu.memory_space<vmem>>
      %dma_start3A_87 = tpu.memref_slice %arg5[%add3A_83] : memref<1280xi32, #tpu.memory_space<vmem>> -> memref<80xi32, #tpu.memory_space<vmem>>
      %dma_start3A_88 = arith.constant 0 : i32
      %dma_start3A_89 = arith.constant 0 : i32
      %dma_start3A_90 = tpu.memref_slice %arg3[%dma_start3A_88, %dma_start3A_89] : memref<1000000x128xf32, #tpu.memory_space<hbm>> -> memref<1000000x128xf32, #tpu.memory_space<hbm>>
      tpu.enqueue_indirect_dma source(%dma_start3A_90 : memref<1000000x128xf32, #tpu.memory_space<hbm>>) target(%dma_start3A_86 : memref<80x128xf32, #tpu.memory_space<vmem>>) offsets(%dma_start3A_87 : memref<80xi32, #tpu.memory_space<vmem>>) semaphore(%arg8 : memref<!tpu.dma_semaphore, #tpu.memory_space<semaphore_mem>>)
      %dma_wait3A_91 = arith.constant 0 : i32
      %dma_wait3A_92 = arith.constant 0 : i32
      %dma_wait3A_93 = tpu.memref_slice %arg7[%dma_wait3A_91, %dma_wait3A_92] : memref<160x128xf32, #tpu.memory_space<vmem>> -> memref<80x128xf32, #tpu.memory_space<vmem>>
      %dma_wait3A_94 = tpu.memref_slice %arg5[%add3A_74] : memref<1280xi32, #tpu.memory_space<vmem>> -> memref<80xi32, #tpu.memory_space<vmem>>
      %dma_wait3A_95 = arith.constant 0 : i32
      %dma_wait3A_96 = arith.constant 0 : i32
      %dma_wait3A_97 = tpu.memref_slice %arg3[%dma_wait3A_95, %dma_wait3A_96] : memref<1000000x128xf32, #tpu.memory_space<hbm>> -> memref<1000000x128xf32, #tpu.memory_space<hbm>>
      tpu.wait_indirect_dma semaphore(%arg8 : memref<!tpu.dma_semaphore, #tpu.memory_space<semaphore_mem>>) src(%dma_wait3A_97 : memref<1000000x128xf32, #tpu.memory_space<hbm>>) dst(%dma_wait3A_93 : memref<80x128xf32, #tpu.memory_space<vmem>>)
      %dma_wait3A_98 = arith.constant 80 : i32
      %dma_wait3A_99 = arith.constant 0 : i32
      %dma_wait3A_100 = tpu.memref_slice %arg7[%dma_wait3A_98, %dma_wait3A_99] : memref<160x128xf32, #tpu.memory_space<vmem>> -> memref<80x128xf32, #tpu.memory_space<vmem>>
      %dma_wait3A_101 = tpu.memref_slice %arg5[%add3A_83] : memref<1280xi32, #tpu.memory_space<vmem>> -> memref<80xi32, #tpu.memory_space<vmem>>
      %dma_wait3A_102 = arith.constant 0 : i32
      %dma_wait3A_103 = arith.constant 0 : i32
      %dma_wait3A_104 = tpu.memref_slice %arg3[%dma_wait3A_102, %dma_wait3A_103] : memref<1000000x128xf32, #tpu.memory_space<hbm>> -> memref<1000000x128xf32, #tpu.memory_space<hbm>>
      tpu.wait_indirect_dma semaphore(%arg8 : memref<!tpu.dma_semaphore, #tpu.memory_space<semaphore_mem>>) src(%dma_wait3A_104 : memref<1000000x128xf32, #tpu.memory_space<hbm>>) dst(%dma_wait3A_100 : memref<80x128xf32, #tpu.memory_space<vmem>>)
      %add3A_105 = arith.addi %mul3A_2, %mul3A_67 : i32
      %dma_start3A_106 = arith.constant 0 : i32
      %dma_start3A_107 = tpu.memref_slice %arg4[%add3A_105, %dma_start3A_106] : memref<40960x128xf32, #tpu.memory_space<hbm>> -> memref<160x128xf32, #tpu.memory_space<hbm>>
      %dma_start3A_108 = arith.constant 0 : i32
      %dma_start3A_109 = tpu.memref_slice %arg4[%add3A_105, %dma_start3A_108] : memref<40960x128xf32, #tpu.memory_space<hbm>> -> memref<160x128xf32, #tpu.memory_space<hbm>>
      tpu.enqueue_dma source(%arg7 : memref<160x128xf32, #tpu.memory_space<vmem>>) target(%dma_start3A_109 : memref<160x128xf32, #tpu.memory_space<hbm>>) target_semaphore(%arg10 : memref<!tpu.dma_semaphore, #tpu.memory_space<semaphore_mem>>)
    }
    %scan3A_9 = arith.constant 4 : i32
    %dma_wait3A = arith.constant 0 : i32
    %dma_wait3A_10 = tpu.memref_slice %arg4[%mul3A_2, %dma_wait3A] : memref<40960x128xf32, #tpu.memory_space<hbm>> -> memref<160x128xf32, #tpu.memory_space<hbm>>
    %dma_wait3A_11 = arith.constant 0 : i32
    %dma_wait3A_12 = tpu.memref_slice %arg4[%mul3A_2, %dma_wait3A_11] : memref<40960x128xf32, #tpu.memory_space<hbm>> -> memref<160x128xf32, #tpu.memory_space<hbm>>
    tpu.wait_dma2 semaphore(%arg9 : memref<!tpu.dma_semaphore, #tpu.memory_space<semaphore_mem>>) src(%arg6 : memref<160x128xf32, #tpu.memory_space<vmem>>) dst(%dma_wait3A_12 : memref<160x128xf32, #tpu.memory_space<hbm>>)
    %dma_wait3A_13 = arith.constant 0 : i32
    %dma_wait3A_14 = tpu.memref_slice %arg4[%mul3A_2, %dma_wait3A_13] : memref<40960x128xf32, #tpu.memory_space<hbm>> -> memref<160x128xf32, #tpu.memory_space<hbm>>
    %dma_wait3A_15 = arith.constant 0 : i32
    %dma_wait3A_16 = tpu.memref_slice %arg4[%mul3A_2, %dma_wait3A_15] : memref<40960x128xf32, #tpu.memory_space<hbm>> -> memref<160x128xf32, #tpu.memory_space<hbm>>
    tpu.wait_dma2 semaphore(%arg10 : memref<!tpu.dma_semaphore, #tpu.memory_space<semaphore_mem>>) src(%arg7 : memref<160x128xf32, #tpu.memory_space<vmem>>) dst(%dma_wait3A_16 : memref<160x128xf32, #tpu.memory_space<hbm>>)
    return
  }
}

#map = affine_map<(d0, d1) -> (0)>
#map1 = affine_map<(d0, d1) -> (0, 0)>
module attributes {stable_mosaic.version = 14 : i64} {
  func.func @sc_gather(%arg0: i32, %arg1: i32, %arg2: memref<204800xi32, #tpu.memory_space<hbm>>, %arg3: memref<1000000x128xf32, #tpu.memory_space<hbm>>, %arg4: memref<40960x128xf32, #tpu.memory_space<hbm>>, %arg5: memref<1280xi32, #tpu.memory_space<vmem>>, %arg6: memref<160x128xf32, #tpu.memory_space<vmem>>, %arg7: memref<160x128xf32, #tpu.memory_space<vmem>>, %arg8: memref<!tpu.dma_semaphore, #tpu.memory_space<semaphore_mem>>, %arg9: memref<!tpu.dma_semaphore, #tpu.memory_space<semaphore_mem>>, %arg10: memref<!tpu.dma_semaphore, #tpu.memory_space<semaphore_mem>>) attributes {dimension_semantics = [#tpu.dimension_semantics<core_parallel>, #tpu.dimension_semantics<subcore_parallel>], iteration_bounds = array<i64: 2, 16>, scalar_prefetch = 0 : i64, scratch_operands = 6 : i64, tpu.core_type = #tpu.core_type<sc_vector_subcore>, window_params = [{transform_indices = #map}, {transform_indices = #map1}, {transform_indices = #map1}]} {
    %mul3A = arith.constant 2 : i32
    %mul3A_0 = arith.muli %arg1, %mul3A : i32
    %add3A = arith.addi %mul3A_0, %arg0 : i32
    %mul3A_1 = arith.constant 1280 : i32
    %mul3A_2 = arith.muli %add3A, %mul3A_1 : i32
    %add3A_3 = arith.constant 122880 : i32
    %add3A_4 = arith.addi %add3A_3, %mul3A_2 : i32
    "tpu.region"() ({
      %run_scoped3A = tpu.sem_alloc : memref<!tpu.dma_semaphore, #tpu.memory_space<semaphore_mem>>
      %dma_start3A = tpu.memref_slice %arg2[%add3A_4] : memref<204800xi32, #tpu.memory_space<hbm>> -> memref<1280xi32, #tpu.memory_space<hbm>>
      %dma_start3A_17 = tpu.memref_slice %arg2[%add3A_4] : memref<204800xi32, #tpu.memory_space<hbm>> -> memref<1280xi32, #tpu.memory_space<hbm>>
      tpu.enqueue_dma source(%dma_start3A_17 : memref<1280xi32, #tpu.memory_space<hbm>>) target(%arg5 : memref<1280xi32, #tpu.memory_space<vmem>>) target_semaphore(%run_scoped3A : memref<!tpu.dma_semaphore, #tpu.memory_space<semaphore_mem>>)
      %dma_wait3A_18 = tpu.memref_slice %arg2[%add3A_4] : memref<204800xi32, #tpu.memory_space<hbm>> -> memref<1280xi32, #tpu.memory_space<hbm>>
      %dma_wait3A_19 = tpu.memref_slice %arg2[%add3A_4] : memref<204800xi32, #tpu.memory_space<hbm>> -> memref<1280xi32, #tpu.memory_space<hbm>>
      tpu.wait_dma2 semaphore(%run_scoped3A : memref<!tpu.dma_semaphore, #tpu.memory_space<semaphore_mem>>) src(%dma_wait3A_19 : memref<1280xi32, #tpu.memory_space<hbm>>) dst(%arg5 : memref<1280xi32, #tpu.memory_space<vmem>>)
      tpu.yield
    }) : () -> ()
    %scan3A = arith.constant 0 : i32
    %scan3A_5 = arith.constant 0 : i32
    %scan3A_6 = arith.constant 4 : i32
    %scan3A_7 = arith.addi %scan3A_5, %scan3A_6 : i32
    %scan3A_8 = arith.constant 1 : i32
    scf.for %scan3A_17 = %scan3A_5 to %scan3A_7 step %scan3A_8  : i32 {
      %mul3A_18 = arith.constant 2 : i32
      %mul3A_19 = arith.muli %mul3A_18, %scan3A_17 : i32
      %add3A_20 = arith.constant 0 : i32
      %add3A_21 = arith.addi %mul3A_19, %add3A_20 : i32
      %mul3A_22 = arith.constant 160 : i32
      %mul3A_23 = arith.muli %add3A_21, %mul3A_22 : i32
      %ge3A = arith.constant 2 : i32
      %ge3A_24 = arith.cmpi sge, %add3A_21, %ge3A : i32
      %convert_element_type3A = arith.extui %ge3A_24 : i1 to i32
      %cond3A = arith.constant 0 : i32
      %cond3A_25 = arith.cmpi ne, %convert_element_type3A, %cond3A : i32
      scf.if %cond3A_25 {
        %dma_wait3A_110 = arith.constant 0 : i32
        %dma_wait3A_111 = tpu.memref_slice %arg4[%mul3A_2, %dma_wait3A_110] : memref<40960x128xf32, #tpu.memory_space<hbm>> -> memref<160x128xf32, #tpu.memory_space<hbm>>
        %dma_wait3A_112 = arith.constant 0 : i32
        %dma_wait3A_113 = tpu.memref_slice %arg4[%mul3A_2, %dma_wait3A_112] : memref<40960x128xf32, #tpu.memory_space<hbm>> -> memref<160x128xf32, #tpu.memory_space<hbm>>
        tpu.wait_dma2 semaphore(%arg9 : memref<!tpu.dma_semaphore, #tpu.memory_space<semaphore_mem>>) src(%arg6 : memref<160x128xf32, #tpu.memory_space<vmem>>) dst(%dma_wait3A_113 : memref<160x128xf32, #tpu.memory_space<hbm>>)
      } else {
      }
      %add3A_26 = arith.constant 0 : i32
      %add3A_27 = arith.addi %mul3A_23, %add3A_26 : i32
      %dma_start3A = arith.constant 0 : i32
      %dma_start3A_28 = arith.constant 0 : i32
      %dma_start3A_29 = tpu.memref_slice %arg6[%dma_start3A, %dma_start3A_28] : memref<160x128xf32, #tpu.memory_space<vmem>> -> memref<80x128xf32, #tpu.memory_space<vmem>>
      %dma_start3A_30 = tpu.memref_slice %arg5[%add3A_27] : memref<1280xi32, #tpu.memory_space<vmem>> -> memref<80xi32, #tpu.memory_space<vmem>>
      %dma_start3A_31 = arith.constant 0 : i32
      %dma_start3A_32 = arith.constant 0 : i32
      %dma_start3A_33 = tpu.memref_slice %arg3[%dma_start3A_31, %dma_start3A_32] : memref<1000000x128xf32, #tpu.memory_space<hbm>> -> memref<1000000x128xf32, #tpu.memory_space<hbm>>
      tpu.enqueue_indirect_dma source(%dma_start3A_33 : memref<1000000x128xf32, #tpu.memory_space<hbm>>) target(%dma_start3A_29 : memref<80x128xf32, #tpu.memory_space<vmem>>) offsets(%dma_start3A_30 : memref<80xi32, #tpu.memory_space<vmem>>) semaphore(%arg8 : memref<!tpu.dma_semaphore, #tpu.memory_space<semaphore_mem>>)
      %add3A_34 = arith.constant 80 : i32
      %add3A_35 = arith.addi %mul3A_23, %add3A_34 : i32
      %dma_start3A_36 = arith.constant 80 : i32
      %dma_start3A_37 = arith.constant 0 : i32
      %dma_start3A_38 = tpu.memref_slice %arg6[%dma_start3A_36, %dma_start3A_37] : memref<160x128xf32, #tpu.memory_space<vmem>> -> memref<80x128xf32, #tpu.memory_space<vmem>>
      %dma_start3A_39 = tpu.memref_slice %arg5[%add3A_35] : memref<1280xi32, #tpu.memory_space<vmem>> -> memref<80xi32, #tpu.memory_space<vmem>>
      %dma_start3A_40 = arith.constant 0 : i32
      %dma_start3A_41 = arith.constant 0 : i32
      %dma_start3A_42 = tpu.memref_slice %arg3[%dma_start3A_40, %dma_start3A_41] : memref<1000000x128xf32, #tpu.memory_space<hbm>> -> memref<1000000x128xf32, #tpu.memory_space<hbm>>
      tpu.enqueue_indirect_dma source(%dma_start3A_42 : memref<1000000x128xf32, #tpu.memory_space<hbm>>) target(%dma_start3A_38 : memref<80x128xf32, #tpu.memory_space<vmem>>) offsets(%dma_start3A_39 : memref<80xi32, #tpu.memory_space<vmem>>) semaphore(%arg8 : memref<!tpu.dma_semaphore, #tpu.memory_space<semaphore_mem>>)
      %dma_wait3A_43 = arith.constant 0 : i32
      %dma_wait3A_44 = arith.constant 0 : i32
      %dma_wait3A_45 = tpu.memref_slice %arg6[%dma_wait3A_43, %dma_wait3A_44] : memref<160x128xf32, #tpu.memory_space<vmem>> -> memref<80x128xf32, #tpu.memory_space<vmem>>
      %dma_wait3A_46 = tpu.memref_slice %arg5[%add3A_27] : memref<1280xi32, #tpu.memory_space<vmem>> -> memref<80xi32, #tpu.memory_space<vmem>>
      %dma_wait3A_47 = arith.constant 0 : i32
      %dma_wait3A_48 = arith.constant 0 : i32
      %dma_wait3A_49 = tpu.memref_slice %arg3[%dma_wait3A_47, %dma_wait3A_48] : memref<1000000x128xf32, #tpu.memory_space<hbm>> -> memref<1000000x128xf32, #tpu.memory_space<hbm>>
      tpu.wait_indirect_dma semaphore(%arg8 : memref<!tpu.dma_semaphore, #tpu.memory_space<semaphore_mem>>) src(%dma_wait3A_49 : memref<1000000x128xf32, #tpu.memory_space<hbm>>) dst(%dma_wait3A_45 : memref<80x128xf32, #tpu.memory_space<vmem>>)
      %dma_wait3A_50 = arith.constant 80 : i32
      %dma_wait3A_51 = arith.constant 0 : i32
      %dma_wait3A_52 = tpu.memref_slice %arg6[%dma_wait3A_50, %dma_wait3A_51] : memref<160x128xf32, #tpu.memory_space<vmem>> -> memref<80x128xf32, #tpu.memory_space<vmem>>
      %dma_wait3A_53 = tpu.memref_slice %arg5[%add3A_35] : memref<1280xi32, #tpu.memory_space<vmem>> -> memref<80xi32, #tpu.memory_space<vmem>>
      %dma_wait3A_54 = arith.constant 0 : i32
      %dma_wait3A_55 = arith.constant 0 : i32
      %dma_wait3A_56 = tpu.memref_slice %arg3[%dma_wait3A_54, %dma_wait3A_55] : memref<1000000x128xf32, #tpu.memory_space<hbm>> -> memref<1000000x128xf32, #tpu.memory_space<hbm>>
      tpu.wait_indirect_dma semaphore(%arg8 : memref<!tpu.dma_semaphore, #tpu.memory_space<semaphore_mem>>) src(%dma_wait3A_56 : memref<1000000x128xf32, #tpu.memory_space<hbm>>) dst(%dma_wait3A_52 : memref<80x128xf32, #tpu.memory_space<vmem>>)
      %add3A_57 = arith.addi %mul3A_2, %mul3A_23 : i32
      %dma_start3A_58 = arith.constant 0 : i32
      %dma_start3A_59 = tpu.memref_slice %arg4[%add3A_57, %dma_start3A_58] : memref<40960x128xf32, #tpu.memory_space<hbm>> -> memref<160x128xf32, #tpu.memory_space<hbm>>
      %dma_start3A_60 = arith.constant 0 : i32
      %dma_start3A_61 = tpu.memref_slice %arg4[%add3A_57, %dma_start3A_60] : memref<40960x128xf32, #tpu.memory_space<hbm>> -> memref<160x128xf32, #tpu.memory_space<hbm>>
      tpu.enqueue_dma source(%arg6 : memref<160x128xf32, #tpu.memory_space<vmem>>) target(%dma_start3A_61 : memref<160x128xf32, #tpu.memory_space<hbm>>) target_semaphore(%arg9 : memref<!tpu.dma_semaphore, #tpu.memory_space<semaphore_mem>>)
      %mul3A_62 = arith.constant 2 : i32
      %mul3A_63 = arith.muli %mul3A_62, %scan3A_17 : i32
      %add3A_64 = arith.constant 1 : i32
      %add3A_65 = arith.addi %mul3A_63, %add3A_64 : i32
      %mul3A_66 = arith.constant 160 : i32
      %mul3A_67 = arith.muli %add3A_65, %mul3A_66 : i32
      %ge3A_68 = arith.constant 2 : i32
      %ge3A_69 = arith.cmpi sge, %add3A_65, %ge3A_68 : i32
      %convert_element_type3A_70 = arith.extui %ge3A_69 : i1 to i32
      %cond3A_71 = arith.constant 0 : i32
      %cond3A_72 = arith.cmpi ne, %convert_element_type3A_70, %cond3A_71 : i32
      scf.if %cond3A_72 {
        %dma_wait3A_110 = arith.constant 0 : i32
        %dma_wait3A_111 = tpu.memref_slice %arg4[%mul3A_2, %dma_wait3A_110] : memref<40960x128xf32, #tpu.memory_space<hbm>> -> memref<160x128xf32, #tpu.memory_space<hbm>>
        %dma_wait3A_112 = arith.constant 0 : i32
        %dma_wait3A_113 = tpu.memref_slice %arg4[%mul3A_2, %dma_wait3A_112] : memref<40960x128xf32, #tpu.memory_space<hbm>> -> memref<160x128xf32, #tpu.memory_space<hbm>>
        tpu.wait_dma2 semaphore(%arg10 : memref<!tpu.dma_semaphore, #tpu.memory_space<semaphore_mem>>) src(%arg7 : memref<160x128xf32, #tpu.memory_space<vmem>>) dst(%dma_wait3A_113 : memref<160x128xf32, #tpu.memory_space<hbm>>)
      } else {
      }
      %add3A_73 = arith.constant 0 : i32
      %add3A_74 = arith.addi %mul3A_67, %add3A_73 : i32
      %dma_start3A_75 = arith.constant 0 : i32
      %dma_start3A_76 = arith.constant 0 : i32
      %dma_start3A_77 = tpu.memref_slice %arg7[%dma_start3A_75, %dma_start3A_76] : memref<160x128xf32, #tpu.memory_space<vmem>> -> memref<80x128xf32, #tpu.memory_space<vmem>>
      %dma_start3A_78 = tpu.memref_slice %arg5[%add3A_74] : memref<1280xi32, #tpu.memory_space<vmem>> -> memref<80xi32, #tpu.memory_space<vmem>>
      %dma_start3A_79 = arith.constant 0 : i32
      %dma_start3A_80 = arith.constant 0 : i32
      %dma_start3A_81 = tpu.memref_slice %arg3[%dma_start3A_79, %dma_start3A_80] : memref<1000000x128xf32, #tpu.memory_space<hbm>> -> memref<1000000x128xf32, #tpu.memory_space<hbm>>
      tpu.enqueue_indirect_dma source(%dma_start3A_81 : memref<1000000x128xf32, #tpu.memory_space<hbm>>) target(%dma_start3A_77 : memref<80x128xf32, #tpu.memory_space<vmem>>) offsets(%dma_start3A_78 : memref<80xi32, #tpu.memory_space<vmem>>) semaphore(%arg8 : memref<!tpu.dma_semaphore, #tpu.memory_space<semaphore_mem>>)
      %add3A_82 = arith.constant 80 : i32
      %add3A_83 = arith.addi %mul3A_67, %add3A_82 : i32
      %dma_start3A_84 = arith.constant 80 : i32
      %dma_start3A_85 = arith.constant 0 : i32
      %dma_start3A_86 = tpu.memref_slice %arg7[%dma_start3A_84, %dma_start3A_85] : memref<160x128xf32, #tpu.memory_space<vmem>> -> memref<80x128xf32, #tpu.memory_space<vmem>>
      %dma_start3A_87 = tpu.memref_slice %arg5[%add3A_83] : memref<1280xi32, #tpu.memory_space<vmem>> -> memref<80xi32, #tpu.memory_space<vmem>>
      %dma_start3A_88 = arith.constant 0 : i32
      %dma_start3A_89 = arith.constant 0 : i32
      %dma_start3A_90 = tpu.memref_slice %arg3[%dma_start3A_88, %dma_start3A_89] : memref<1000000x128xf32, #tpu.memory_space<hbm>> -> memref<1000000x128xf32, #tpu.memory_space<hbm>>
      tpu.enqueue_indirect_dma source(%dma_start3A_90 : memref<1000000x128xf32, #tpu.memory_space<hbm>>) target(%dma_start3A_86 : memref<80x128xf32, #tpu.memory_space<vmem>>) offsets(%dma_start3A_87 : memref<80xi32, #tpu.memory_space<vmem>>) semaphore(%arg8 : memref<!tpu.dma_semaphore, #tpu.memory_space<semaphore_mem>>)
      %dma_wait3A_91 = arith.constant 0 : i32
      %dma_wait3A_92 = arith.constant 0 : i32
      %dma_wait3A_93 = tpu.memref_slice %arg7[%dma_wait3A_91, %dma_wait3A_92] : memref<160x128xf32, #tpu.memory_space<vmem>> -> memref<80x128xf32, #tpu.memory_space<vmem>>
      %dma_wait3A_94 = tpu.memref_slice %arg5[%add3A_74] : memref<1280xi32, #tpu.memory_space<vmem>> -> memref<80xi32, #tpu.memory_space<vmem>>
      %dma_wait3A_95 = arith.constant 0 : i32
      %dma_wait3A_96 = arith.constant 0 : i32
      %dma_wait3A_97 = tpu.memref_slice %arg3[%dma_wait3A_95, %dma_wait3A_96] : memref<1000000x128xf32, #tpu.memory_space<hbm>> -> memref<1000000x128xf32, #tpu.memory_space<hbm>>
      tpu.wait_indirect_dma semaphore(%arg8 : memref<!tpu.dma_semaphore, #tpu.memory_space<semaphore_mem>>) src(%dma_wait3A_97 : memref<1000000x128xf32, #tpu.memory_space<hbm>>) dst(%dma_wait3A_93 : memref<80x128xf32, #tpu.memory_space<vmem>>)
      %dma_wait3A_98 = arith.constant 80 : i32
      %dma_wait3A_99 = arith.constant 0 : i32
      %dma_wait3A_100 = tpu.memref_slice %arg7[%dma_wait3A_98, %dma_wait3A_99] : memref<160x128xf32, #tpu.memory_space<vmem>> -> memref<80x128xf32, #tpu.memory_space<vmem>>
      %dma_wait3A_101 = tpu.memref_slice %arg5[%add3A_83] : memref<1280xi32, #tpu.memory_space<vmem>> -> memref<80xi32, #tpu.memory_space<vmem>>
      %dma_wait3A_102 = arith.constant 0 : i32
      %dma_wait3A_103 = arith.constant 0 : i32
      %dma_wait3A_104 = tpu.memref_slice %arg3[%dma_wait3A_102, %dma_wait3A_103] : memref<1000000x128xf32, #tpu.memory_space<hbm>> -> memref<1000000x128xf32, #tpu.memory_space<hbm>>
      tpu.wait_indirect_dma semaphore(%arg8 : memref<!tpu.dma_semaphore, #tpu.memory_space<semaphore_mem>>) src(%dma_wait3A_104 : memref<1000000x128xf32, #tpu.memory_space<hbm>>) dst(%dma_wait3A_100 : memref<80x128xf32, #tpu.memory_space<vmem>>)
      %add3A_105 = arith.addi %mul3A_2, %mul3A_67 : i32
      %dma_start3A_106 = arith.constant 0 : i32
      %dma_start3A_107 = tpu.memref_slice %arg4[%add3A_105, %dma_start3A_106] : memref<40960x128xf32, #tpu.memory_space<hbm>> -> memref<160x128xf32, #tpu.memory_space<hbm>>
      %dma_start3A_108 = arith.constant 0 : i32
      %dma_start3A_109 = tpu.memref_slice %arg4[%add3A_105, %dma_start3A_108] : memref<40960x128xf32, #tpu.memory_space<hbm>> -> memref<160x128xf32, #tpu.memory_space<hbm>>
      tpu.enqueue_dma source(%arg7 : memref<160x128xf32, #tpu.memory_space<vmem>>) target(%dma_start3A_109 : memref<160x128xf32, #tpu.memory_space<hbm>>) target_semaphore(%arg10 : memref<!tpu.dma_semaphore, #tpu.memory_space<semaphore_mem>>)
    }
    %scan3A_9 = arith.constant 4 : i32
    %dma_wait3A = arith.constant 0 : i32
    %dma_wait3A_10 = tpu.memref_slice %arg4[%mul3A_2, %dma_wait3A] : memref<40960x128xf32, #tpu.memory_space<hbm>> -> memref<160x128xf32, #tpu.memory_space<hbm>>
    %dma_wait3A_11 = arith.constant 0 : i32
    %dma_wait3A_12 = tpu.memref_slice %arg4[%mul3A_2, %dma_wait3A_11] : memref<40960x128xf32, #tpu.memory_space<hbm>> -> memref<160x128xf32, #tpu.memory_space<hbm>>
    tpu.wait_dma2 semaphore(%arg9 : memref<!tpu.dma_semaphore, #tpu.memory_space<semaphore_mem>>) src(%arg6 : memref<160x128xf32, #tpu.memory_space<vmem>>) dst(%dma_wait3A_12 : memref<160x128xf32, #tpu.memory_space<hbm>>)
    %dma_wait3A_13 = arith.constant 0 : i32
    %dma_wait3A_14 = tpu.memref_slice %arg4[%mul3A_2, %dma_wait3A_13] : memref<40960x128xf32, #tpu.memory_space<hbm>> -> memref<160x128xf32, #tpu.memory_space<hbm>>
    %dma_wait3A_15 = arith.constant 0 : i32
    %dma_wait3A_16 = tpu.memref_slice %arg4[%mul3A_2, %dma_wait3A_15] : memref<40960x128xf32, #tpu.memory_space<hbm>> -> memref<160x128xf32, #tpu.memory_space<hbm>>
    tpu.wait_dma2 semaphore(%arg10 : memref<!tpu.dma_semaphore, #tpu.memory_space<semaphore_mem>>) src(%arg7 : memref<160x128xf32, #tpu.memory_space<vmem>>) dst(%dma_wait3A_16 : memref<160x128xf32, #tpu.memory_space<hbm>>)
    return
  }
}

#map = affine_map<(d0, d1) -> (0)>
#map1 = affine_map<(d0, d1) -> (0, 0)>
module attributes {stable_mosaic.version = 14 : i64} {
  func.func @sc_gather(%arg0: i32, %arg1: i32, %arg2: memref<204800xi32, #tpu.memory_space<hbm>>, %arg3: memref<1000000x128xf32, #tpu.memory_space<hbm>>, %arg4: memref<40960x128xf32, #tpu.memory_space<hbm>>, %arg5: memref<1280xi32, #tpu.memory_space<vmem>>, %arg6: memref<160x128xf32, #tpu.memory_space<vmem>>, %arg7: memref<160x128xf32, #tpu.memory_space<vmem>>, %arg8: memref<!tpu.dma_semaphore, #tpu.memory_space<semaphore_mem>>, %arg9: memref<!tpu.dma_semaphore, #tpu.memory_space<semaphore_mem>>, %arg10: memref<!tpu.dma_semaphore, #tpu.memory_space<semaphore_mem>>) attributes {dimension_semantics = [#tpu.dimension_semantics<core_parallel>, #tpu.dimension_semantics<subcore_parallel>], iteration_bounds = array<i64: 2, 16>, scalar_prefetch = 0 : i64, scratch_operands = 6 : i64, tpu.core_type = #tpu.core_type<sc_vector_subcore>, window_params = [{transform_indices = #map}, {transform_indices = #map1}, {transform_indices = #map1}]} {
    %mul3A = arith.constant 2 : i32
    %mul3A_0 = arith.muli %arg1, %mul3A : i32
    %add3A = arith.addi %mul3A_0, %arg0 : i32
    %mul3A_1 = arith.constant 1280 : i32
    %mul3A_2 = arith.muli %add3A, %mul3A_1 : i32
    %add3A_3 = arith.constant 40960 : i32
    %add3A_4 = arith.addi %add3A_3, %mul3A_2 : i32
    "tpu.region"() ({
      %run_scoped3A = tpu.sem_alloc : memref<!tpu.dma_semaphore, #tpu.memory_space<semaphore_mem>>
      %dma_start3A = tpu.memref_slice %arg2[%add3A_4] : memref<204800xi32, #tpu.memory_space<hbm>> -> memref<1280xi32, #tpu.memory_space<hbm>>
      %dma_start3A_17 = tpu.memref_slice %arg2[%add3A_4] : memref<204800xi32, #tpu.memory_space<hbm>> -> memref<1280xi32, #tpu.memory_space<hbm>>
      tpu.enqueue_dma source(%dma_start3A_17 : memref<1280xi32, #tpu.memory_space<hbm>>) target(%arg5 : memref<1280xi32, #tpu.memory_space<vmem>>) target_semaphore(%run_scoped3A : memref<!tpu.dma_semaphore, #tpu.memory_space<semaphore_mem>>)
      %dma_wait3A_18 = tpu.memref_slice %arg2[%add3A_4] : memref<204800xi32, #tpu.memory_space<hbm>> -> memref<1280xi32, #tpu.memory_space<hbm>>
      %dma_wait3A_19 = tpu.memref_slice %arg2[%add3A_4] : memref<204800xi32, #tpu.memory_space<hbm>> -> memref<1280xi32, #tpu.memory_space<hbm>>
      tpu.wait_dma2 semaphore(%run_scoped3A : memref<!tpu.dma_semaphore, #tpu.memory_space<semaphore_mem>>) src(%dma_wait3A_19 : memref<1280xi32, #tpu.memory_space<hbm>>) dst(%arg5 : memref<1280xi32, #tpu.memory_space<vmem>>)
      tpu.yield
    }) : () -> ()
    %scan3A = arith.constant 0 : i32
    %scan3A_5 = arith.constant 0 : i32
    %scan3A_6 = arith.constant 4 : i32
    %scan3A_7 = arith.addi %scan3A_5, %scan3A_6 : i32
    %scan3A_8 = arith.constant 1 : i32
    scf.for %scan3A_17 = %scan3A_5 to %scan3A_7 step %scan3A_8  : i32 {
      %mul3A_18 = arith.constant 2 : i32
      %mul3A_19 = arith.muli %mul3A_18, %scan3A_17 : i32
      %add3A_20 = arith.constant 0 : i32
      %add3A_21 = arith.addi %mul3A_19, %add3A_20 : i32
      %mul3A_22 = arith.constant 160 : i32
      %mul3A_23 = arith.muli %add3A_21, %mul3A_22 : i32
      %ge3A = arith.constant 2 : i32
      %ge3A_24 = arith.cmpi sge, %add3A_21, %ge3A : i32
      %convert_element_type3A = arith.extui %ge3A_24 : i1 to i32
      %cond3A = arith.constant 0 : i32
      %cond3A_25 = arith.cmpi ne, %convert_element_type3A, %cond3A : i32
      scf.if %cond3A_25 {
        %dma_wait3A_110 = arith.constant 0 : i32
        %dma_wait3A_111 = tpu.memref_slice %arg4[%mul3A_2, %dma_wait3A_110] : memref<40960x128xf32, #tpu.memory_space<hbm>> -> memref<160x128xf32, #tpu.memory_space<hbm>>
        %dma_wait3A_112 = arith.constant 0 : i32
        %dma_wait3A_113 = tpu.memref_slice %arg4[%mul3A_2, %dma_wait3A_112] : memref<40960x128xf32, #tpu.memory_space<hbm>> -> memref<160x128xf32, #tpu.memory_space<hbm>>
        tpu.wait_dma2 semaphore(%arg9 : memref<!tpu.dma_semaphore, #tpu.memory_space<semaphore_mem>>) src(%arg6 : memref<160x128xf32, #tpu.memory_space<vmem>>) dst(%dma_wait3A_113 : memref<160x128xf32, #tpu.memory_space<hbm>>)
      } else {
      }
      %add3A_26 = arith.constant 0 : i32
      %add3A_27 = arith.addi %mul3A_23, %add3A_26 : i32
      %dma_start3A = arith.constant 0 : i32
      %dma_start3A_28 = arith.constant 0 : i32
      %dma_start3A_29 = tpu.memref_slice %arg6[%dma_start3A, %dma_start3A_28] : memref<160x128xf32, #tpu.memory_space<vmem>> -> memref<80x128xf32, #tpu.memory_space<vmem>>
      %dma_start3A_30 = tpu.memref_slice %arg5[%add3A_27] : memref<1280xi32, #tpu.memory_space<vmem>> -> memref<80xi32, #tpu.memory_space<vmem>>
      %dma_start3A_31 = arith.constant 0 : i32
      %dma_start3A_32 = arith.constant 0 : i32
      %dma_start3A_33 = tpu.memref_slice %arg3[%dma_start3A_31, %dma_start3A_32] : memref<1000000x128xf32, #tpu.memory_space<hbm>> -> memref<1000000x128xf32, #tpu.memory_space<hbm>>
      tpu.enqueue_indirect_dma source(%dma_start3A_33 : memref<1000000x128xf32, #tpu.memory_space<hbm>>) target(%dma_start3A_29 : memref<80x128xf32, #tpu.memory_space<vmem>>) offsets(%dma_start3A_30 : memref<80xi32, #tpu.memory_space<vmem>>) semaphore(%arg8 : memref<!tpu.dma_semaphore, #tpu.memory_space<semaphore_mem>>)
      %add3A_34 = arith.constant 80 : i32
      %add3A_35 = arith.addi %mul3A_23, %add3A_34 : i32
      %dma_start3A_36 = arith.constant 80 : i32
      %dma_start3A_37 = arith.constant 0 : i32
      %dma_start3A_38 = tpu.memref_slice %arg6[%dma_start3A_36, %dma_start3A_37] : memref<160x128xf32, #tpu.memory_space<vmem>> -> memref<80x128xf32, #tpu.memory_space<vmem>>
      %dma_start3A_39 = tpu.memref_slice %arg5[%add3A_35] : memref<1280xi32, #tpu.memory_space<vmem>> -> memref<80xi32, #tpu.memory_space<vmem>>
      %dma_start3A_40 = arith.constant 0 : i32
      %dma_start3A_41 = arith.constant 0 : i32
      %dma_start3A_42 = tpu.memref_slice %arg3[%dma_start3A_40, %dma_start3A_41] : memref<1000000x128xf32, #tpu.memory_space<hbm>> -> memref<1000000x128xf32, #tpu.memory_space<hbm>>
      tpu.enqueue_indirect_dma source(%dma_start3A_42 : memref<1000000x128xf32, #tpu.memory_space<hbm>>) target(%dma_start3A_38 : memref<80x128xf32, #tpu.memory_space<vmem>>) offsets(%dma_start3A_39 : memref<80xi32, #tpu.memory_space<vmem>>) semaphore(%arg8 : memref<!tpu.dma_semaphore, #tpu.memory_space<semaphore_mem>>)
      %dma_wait3A_43 = arith.constant 0 : i32
      %dma_wait3A_44 = arith.constant 0 : i32
      %dma_wait3A_45 = tpu.memref_slice %arg6[%dma_wait3A_43, %dma_wait3A_44] : memref<160x128xf32, #tpu.memory_space<vmem>> -> memref<80x128xf32, #tpu.memory_space<vmem>>
      %dma_wait3A_46 = tpu.memref_slice %arg5[%add3A_27] : memref<1280xi32, #tpu.memory_space<vmem>> -> memref<80xi32, #tpu.memory_space<vmem>>
      %dma_wait3A_47 = arith.constant 0 : i32
      %dma_wait3A_48 = arith.constant 0 : i32
      %dma_wait3A_49 = tpu.memref_slice %arg3[%dma_wait3A_47, %dma_wait3A_48] : memref<1000000x128xf32, #tpu.memory_space<hbm>> -> memref<1000000x128xf32, #tpu.memory_space<hbm>>
      tpu.wait_indirect_dma semaphore(%arg8 : memref<!tpu.dma_semaphore, #tpu.memory_space<semaphore_mem>>) src(%dma_wait3A_49 : memref<1000000x128xf32, #tpu.memory_space<hbm>>) dst(%dma_wait3A_45 : memref<80x128xf32, #tpu.memory_space<vmem>>)
      %dma_wait3A_50 = arith.constant 80 : i32
      %dma_wait3A_51 = arith.constant 0 : i32
      %dma_wait3A_52 = tpu.memref_slice %arg6[%dma_wait3A_50, %dma_wait3A_51] : memref<160x128xf32, #tpu.memory_space<vmem>> -> memref<80x128xf32, #tpu.memory_space<vmem>>
      %dma_wait3A_53 = tpu.memref_slice %arg5[%add3A_35] : memref<1280xi32, #tpu.memory_space<vmem>> -> memref<80xi32, #tpu.memory_space<vmem>>
      %dma_wait3A_54 = arith.constant 0 : i32
      %dma_wait3A_55 = arith.constant 0 : i32
      %dma_wait3A_56 = tpu.memref_slice %arg3[%dma_wait3A_54, %dma_wait3A_55] : memref<1000000x128xf32, #tpu.memory_space<hbm>> -> memref<1000000x128xf32, #tpu.memory_space<hbm>>
      tpu.wait_indirect_dma semaphore(%arg8 : memref<!tpu.dma_semaphore, #tpu.memory_space<semaphore_mem>>) src(%dma_wait3A_56 : memref<1000000x128xf32, #tpu.memory_space<hbm>>) dst(%dma_wait3A_52 : memref<80x128xf32, #tpu.memory_space<vmem>>)
      %add3A_57 = arith.addi %mul3A_2, %mul3A_23 : i32
      %dma_start3A_58 = arith.constant 0 : i32
      %dma_start3A_59 = tpu.memref_slice %arg4[%add3A_57, %dma_start3A_58] : memref<40960x128xf32, #tpu.memory_space<hbm>> -> memref<160x128xf32, #tpu.memory_space<hbm>>
      %dma_start3A_60 = arith.constant 0 : i32
      %dma_start3A_61 = tpu.memref_slice %arg4[%add3A_57, %dma_start3A_60] : memref<40960x128xf32, #tpu.memory_space<hbm>> -> memref<160x128xf32, #tpu.memory_space<hbm>>
      tpu.enqueue_dma source(%arg6 : memref<160x128xf32, #tpu.memory_space<vmem>>) target(%dma_start3A_61 : memref<160x128xf32, #tpu.memory_space<hbm>>) target_semaphore(%arg9 : memref<!tpu.dma_semaphore, #tpu.memory_space<semaphore_mem>>)
      %mul3A_62 = arith.constant 2 : i32
      %mul3A_63 = arith.muli %mul3A_62, %scan3A_17 : i32
      %add3A_64 = arith.constant 1 : i32
      %add3A_65 = arith.addi %mul3A_63, %add3A_64 : i32
      %mul3A_66 = arith.constant 160 : i32
      %mul3A_67 = arith.muli %add3A_65, %mul3A_66 : i32
      %ge3A_68 = arith.constant 2 : i32
      %ge3A_69 = arith.cmpi sge, %add3A_65, %ge3A_68 : i32
      %convert_element_type3A_70 = arith.extui %ge3A_69 : i1 to i32
      %cond3A_71 = arith.constant 0 : i32
      %cond3A_72 = arith.cmpi ne, %convert_element_type3A_70, %cond3A_71 : i32
      scf.if %cond3A_72 {
        %dma_wait3A_110 = arith.constant 0 : i32
        %dma_wait3A_111 = tpu.memref_slice %arg4[%mul3A_2, %dma_wait3A_110] : memref<40960x128xf32, #tpu.memory_space<hbm>> -> memref<160x128xf32, #tpu.memory_space<hbm>>
        %dma_wait3A_112 = arith.constant 0 : i32
        %dma_wait3A_113 = tpu.memref_slice %arg4[%mul3A_2, %dma_wait3A_112] : memref<40960x128xf32, #tpu.memory_space<hbm>> -> memref<160x128xf32, #tpu.memory_space<hbm>>
        tpu.wait_dma2 semaphore(%arg10 : memref<!tpu.dma_semaphore, #tpu.memory_space<semaphore_mem>>) src(%arg7 : memref<160x128xf32, #tpu.memory_space<vmem>>) dst(%dma_wait3A_113 : memref<160x128xf32, #tpu.memory_space<hbm>>)
      } else {
      }
      %add3A_73 = arith.constant 0 : i32
      %add3A_74 = arith.addi %mul3A_67, %add3A_73 : i32
      %dma_start3A_75 = arith.constant 0 : i32
      %dma_start3A_76 = arith.constant 0 : i32
      %dma_start3A_77 = tpu.memref_slice %arg7[%dma_start3A_75, %dma_start3A_76] : memref<160x128xf32, #tpu.memory_space<vmem>> -> memref<80x128xf32, #tpu.memory_space<vmem>>
      %dma_start3A_78 = tpu.memref_slice %arg5[%add3A_74] : memref<1280xi32, #tpu.memory_space<vmem>> -> memref<80xi32, #tpu.memory_space<vmem>>
      %dma_start3A_79 = arith.constant 0 : i32
      %dma_start3A_80 = arith.constant 0 : i32
      %dma_start3A_81 = tpu.memref_slice %arg3[%dma_start3A_79, %dma_start3A_80] : memref<1000000x128xf32, #tpu.memory_space<hbm>> -> memref<1000000x128xf32, #tpu.memory_space<hbm>>
      tpu.enqueue_indirect_dma source(%dma_start3A_81 : memref<1000000x128xf32, #tpu.memory_space<hbm>>) target(%dma_start3A_77 : memref<80x128xf32, #tpu.memory_space<vmem>>) offsets(%dma_start3A_78 : memref<80xi32, #tpu.memory_space<vmem>>) semaphore(%arg8 : memref<!tpu.dma_semaphore, #tpu.memory_space<semaphore_mem>>)
      %add3A_82 = arith.constant 80 : i32
      %add3A_83 = arith.addi %mul3A_67, %add3A_82 : i32
      %dma_start3A_84 = arith.constant 80 : i32
      %dma_start3A_85 = arith.constant 0 : i32
      %dma_start3A_86 = tpu.memref_slice %arg7[%dma_start3A_84, %dma_start3A_85] : memref<160x128xf32, #tpu.memory_space<vmem>> -> memref<80x128xf32, #tpu.memory_space<vmem>>
      %dma_start3A_87 = tpu.memref_slice %arg5[%add3A_83] : memref<1280xi32, #tpu.memory_space<vmem>> -> memref<80xi32, #tpu.memory_space<vmem>>
      %dma_start3A_88 = arith.constant 0 : i32
      %dma_start3A_89 = arith.constant 0 : i32
      %dma_start3A_90 = tpu.memref_slice %arg3[%dma_start3A_88, %dma_start3A_89] : memref<1000000x128xf32, #tpu.memory_space<hbm>> -> memref<1000000x128xf32, #tpu.memory_space<hbm>>
      tpu.enqueue_indirect_dma source(%dma_start3A_90 : memref<1000000x128xf32, #tpu.memory_space<hbm>>) target(%dma_start3A_86 : memref<80x128xf32, #tpu.memory_space<vmem>>) offsets(%dma_start3A_87 : memref<80xi32, #tpu.memory_space<vmem>>) semaphore(%arg8 : memref<!tpu.dma_semaphore, #tpu.memory_space<semaphore_mem>>)
      %dma_wait3A_91 = arith.constant 0 : i32
      %dma_wait3A_92 = arith.constant 0 : i32
      %dma_wait3A_93 = tpu.memref_slice %arg7[%dma_wait3A_91, %dma_wait3A_92] : memref<160x128xf32, #tpu.memory_space<vmem>> -> memref<80x128xf32, #tpu.memory_space<vmem>>
      %dma_wait3A_94 = tpu.memref_slice %arg5[%add3A_74] : memref<1280xi32, #tpu.memory_space<vmem>> -> memref<80xi32, #tpu.memory_space<vmem>>
      %dma_wait3A_95 = arith.constant 0 : i32
      %dma_wait3A_96 = arith.constant 0 : i32
      %dma_wait3A_97 = tpu.memref_slice %arg3[%dma_wait3A_95, %dma_wait3A_96] : memref<1000000x128xf32, #tpu.memory_space<hbm>> -> memref<1000000x128xf32, #tpu.memory_space<hbm>>
      tpu.wait_indirect_dma semaphore(%arg8 : memref<!tpu.dma_semaphore, #tpu.memory_space<semaphore_mem>>) src(%dma_wait3A_97 : memref<1000000x128xf32, #tpu.memory_space<hbm>>) dst(%dma_wait3A_93 : memref<80x128xf32, #tpu.memory_space<vmem>>)
      %dma_wait3A_98 = arith.constant 80 : i32
      %dma_wait3A_99 = arith.constant 0 : i32
      %dma_wait3A_100 = tpu.memref_slice %arg7[%dma_wait3A_98, %dma_wait3A_99] : memref<160x128xf32, #tpu.memory_space<vmem>> -> memref<80x128xf32, #tpu.memory_space<vmem>>
      %dma_wait3A_101 = tpu.memref_slice %arg5[%add3A_83] : memref<1280xi32, #tpu.memory_space<vmem>> -> memref<80xi32, #tpu.memory_space<vmem>>
      %dma_wait3A_102 = arith.constant 0 : i32
      %dma_wait3A_103 = arith.constant 0 : i32
      %dma_wait3A_104 = tpu.memref_slice %arg3[%dma_wait3A_102, %dma_wait3A_103] : memref<1000000x128xf32, #tpu.memory_space<hbm>> -> memref<1000000x128xf32, #tpu.memory_space<hbm>>
      tpu.wait_indirect_dma semaphore(%arg8 : memref<!tpu.dma_semaphore, #tpu.memory_space<semaphore_mem>>) src(%dma_wait3A_104 : memref<1000000x128xf32, #tpu.memory_space<hbm>>) dst(%dma_wait3A_100 : memref<80x128xf32, #tpu.memory_space<vmem>>)
      %add3A_105 = arith.addi %mul3A_2, %mul3A_67 : i32
      %dma_start3A_106 = arith.constant 0 : i32
      %dma_start3A_107 = tpu.memref_slice %arg4[%add3A_105, %dma_start3A_106] : memref<40960x128xf32, #tpu.memory_space<hbm>> -> memref<160x128xf32, #tpu.memory_space<hbm>>
      %dma_start3A_108 = arith.constant 0 : i32
      %dma_start3A_109 = tpu.memref_slice %arg4[%add3A_105, %dma_start3A_108] : memref<40960x128xf32, #tpu.memory_space<hbm>> -> memref<160x128xf32, #tpu.memory_space<hbm>>
      tpu.enqueue_dma source(%arg7 : memref<160x128xf32, #tpu.memory_space<vmem>>) target(%dma_start3A_109 : memref<160x128xf32, #tpu.memory_space<hbm>>) target_semaphore(%arg10 : memref<!tpu.dma_semaphore, #tpu.memory_space<semaphore_mem>>)
    }
    %scan3A_9 = arith.constant 4 : i32
    %dma_wait3A = arith.constant 0 : i32
    %dma_wait3A_10 = tpu.memref_slice %arg4[%mul3A_2, %dma_wait3A] : memref<40960x128xf32, #tpu.memory_space<hbm>> -> memref<160x128xf32, #tpu.memory_space<hbm>>
    %dma_wait3A_11 = arith.constant 0 : i32
    %dma_wait3A_12 = tpu.memref_slice %arg4[%mul3A_2, %dma_wait3A_11] : memref<40960x128xf32, #tpu.memory_space<hbm>> -> memref<160x128xf32, #tpu.memory_space<hbm>>
    tpu.wait_dma2 semaphore(%arg9 : memref<!tpu.dma_semaphore, #tpu.memory_space<semaphore_mem>>) src(%arg6 : memref<160x128xf32, #tpu.memory_space<vmem>>) dst(%dma_wait3A_12 : memref<160x128xf32, #tpu.memory_space<hbm>>)
    %dma_wait3A_13 = arith.constant 0 : i32
    %dma_wait3A_14 = tpu.memref_slice %arg4[%mul3A_2, %dma_wait3A_13] : memref<40960x128xf32, #tpu.memory_space<hbm>> -> memref<160x128xf32, #tpu.memory_space<hbm>>
    %dma_wait3A_15 = arith.constant 0 : i32
    %dma_wait3A_16 = tpu.memref_slice %arg4[%mul3A_2, %dma_wait3A_15] : memref<40960x128xf32, #tpu.memory_space<hbm>> -> memref<160x128xf32, #tpu.memory_space<hbm>>
    tpu.wait_dma2 semaphore(%arg10 : memref<!tpu.dma_semaphore, #tpu.memory_space<semaphore_mem>>) src(%arg7 : memref<160x128xf32, #tpu.memory_space<vmem>>) dst(%dma_wait3A_16 : memref<160x128xf32, #tpu.memory_space<hbm>>)
    return
  }
}

#map = affine_map<(d0, d1) -> (0)>
#map1 = affine_map<(d0, d1) -> (0, 0)>
module attributes {stable_mosaic.version = 14 : i64} {
  func.func @sc_gather(%arg0: i32, %arg1: i32, %arg2: memref<204800xi32, #tpu.memory_space<hbm>>, %arg3: memref<1000000x128xf32, #tpu.memory_space<hbm>>, %arg4: memref<40960x128xf32, #tpu.memory_space<hbm>>, %arg5: memref<1280xi32, #tpu.memory_space<vmem>>, %arg6: memref<160x128xf32, #tpu.memory_space<vmem>>, %arg7: memref<160x128xf32, #tpu.memory_space<vmem>>, %arg8: memref<!tpu.dma_semaphore, #tpu.memory_space<semaphore_mem>>, %arg9: memref<!tpu.dma_semaphore, #tpu.memory_space<semaphore_mem>>, %arg10: memref<!tpu.dma_semaphore, #tpu.memory_space<semaphore_mem>>) attributes {dimension_semantics = [#tpu.dimension_semantics<core_parallel>, #tpu.dimension_semantics<subcore_parallel>], iteration_bounds = array<i64: 2, 16>, scalar_prefetch = 0 : i64, scratch_operands = 6 : i64, tpu.core_type = #tpu.core_type<sc_vector_subcore>, window_params = [{transform_indices = #map}, {transform_indices = #map1}, {transform_indices = #map1}]} {
    %mul3A = arith.constant 2 : i32
    %mul3A_0 = arith.muli %arg1, %mul3A : i32
    %add3A = arith.addi %mul3A_0, %arg0 : i32
    %mul3A_1 = arith.constant 1280 : i32
    %mul3A_2 = arith.muli %add3A, %mul3A_1 : i32
    %add3A_3 = arith.constant 163840 : i32
    %add3A_4 = arith.addi %add3A_3, %mul3A_2 : i32
    "tpu.region"() ({
      %run_scoped3A = tpu.sem_alloc : memref<!tpu.dma_semaphore, #tpu.memory_space<semaphore_mem>>
      %dma_start3A = tpu.memref_slice %arg2[%add3A_4] : memref<204800xi32, #tpu.memory_space<hbm>> -> memref<1280xi32, #tpu.memory_space<hbm>>
      %dma_start3A_17 = tpu.memref_slice %arg2[%add3A_4] : memref<204800xi32, #tpu.memory_space<hbm>> -> memref<1280xi32, #tpu.memory_space<hbm>>
      tpu.enqueue_dma source(%dma_start3A_17 : memref<1280xi32, #tpu.memory_space<hbm>>) target(%arg5 : memref<1280xi32, #tpu.memory_space<vmem>>) target_semaphore(%run_scoped3A : memref<!tpu.dma_semaphore, #tpu.memory_space<semaphore_mem>>)
      %dma_wait3A_18 = tpu.memref_slice %arg2[%add3A_4] : memref<204800xi32, #tpu.memory_space<hbm>> -> memref<1280xi32, #tpu.memory_space<hbm>>
      %dma_wait3A_19 = tpu.memref_slice %arg2[%add3A_4] : memref<204800xi32, #tpu.memory_space<hbm>> -> memref<1280xi32, #tpu.memory_space<hbm>>
      tpu.wait_dma2 semaphore(%run_scoped3A : memref<!tpu.dma_semaphore, #tpu.memory_space<semaphore_mem>>) src(%dma_wait3A_19 : memref<1280xi32, #tpu.memory_space<hbm>>) dst(%arg5 : memref<1280xi32, #tpu.memory_space<vmem>>)
      tpu.yield
    }) : () -> ()
    %scan3A = arith.constant 0 : i32
    %scan3A_5 = arith.constant 0 : i32
    %scan3A_6 = arith.constant 4 : i32
    %scan3A_7 = arith.addi %scan3A_5, %scan3A_6 : i32
    %scan3A_8 = arith.constant 1 : i32
    scf.for %scan3A_17 = %scan3A_5 to %scan3A_7 step %scan3A_8  : i32 {
      %mul3A_18 = arith.constant 2 : i32
      %mul3A_19 = arith.muli %mul3A_18, %scan3A_17 : i32
      %add3A_20 = arith.constant 0 : i32
      %add3A_21 = arith.addi %mul3A_19, %add3A_20 : i32
      %mul3A_22 = arith.constant 160 : i32
      %mul3A_23 = arith.muli %add3A_21, %mul3A_22 : i32
      %ge3A = arith.constant 2 : i32
      %ge3A_24 = arith.cmpi sge, %add3A_21, %ge3A : i32
      %convert_element_type3A = arith.extui %ge3A_24 : i1 to i32
      %cond3A = arith.constant 0 : i32
      %cond3A_25 = arith.cmpi ne, %convert_element_type3A, %cond3A : i32
      scf.if %cond3A_25 {
        %dma_wait3A_110 = arith.constant 0 : i32
        %dma_wait3A_111 = tpu.memref_slice %arg4[%mul3A_2, %dma_wait3A_110] : memref<40960x128xf32, #tpu.memory_space<hbm>> -> memref<160x128xf32, #tpu.memory_space<hbm>>
        %dma_wait3A_112 = arith.constant 0 : i32
        %dma_wait3A_113 = tpu.memref_slice %arg4[%mul3A_2, %dma_wait3A_112] : memref<40960x128xf32, #tpu.memory_space<hbm>> -> memref<160x128xf32, #tpu.memory_space<hbm>>
        tpu.wait_dma2 semaphore(%arg9 : memref<!tpu.dma_semaphore, #tpu.memory_space<semaphore_mem>>) src(%arg6 : memref<160x128xf32, #tpu.memory_space<vmem>>) dst(%dma_wait3A_113 : memref<160x128xf32, #tpu.memory_space<hbm>>)
      } else {
      }
      %add3A_26 = arith.constant 0 : i32
      %add3A_27 = arith.addi %mul3A_23, %add3A_26 : i32
      %dma_start3A = arith.constant 0 : i32
      %dma_start3A_28 = arith.constant 0 : i32
      %dma_start3A_29 = tpu.memref_slice %arg6[%dma_start3A, %dma_start3A_28] : memref<160x128xf32, #tpu.memory_space<vmem>> -> memref<80x128xf32, #tpu.memory_space<vmem>>
      %dma_start3A_30 = tpu.memref_slice %arg5[%add3A_27] : memref<1280xi32, #tpu.memory_space<vmem>> -> memref<80xi32, #tpu.memory_space<vmem>>
      %dma_start3A_31 = arith.constant 0 : i32
      %dma_start3A_32 = arith.constant 0 : i32
      %dma_start3A_33 = tpu.memref_slice %arg3[%dma_start3A_31, %dma_start3A_32] : memref<1000000x128xf32, #tpu.memory_space<hbm>> -> memref<1000000x128xf32, #tpu.memory_space<hbm>>
      tpu.enqueue_indirect_dma source(%dma_start3A_33 : memref<1000000x128xf32, #tpu.memory_space<hbm>>) target(%dma_start3A_29 : memref<80x128xf32, #tpu.memory_space<vmem>>) offsets(%dma_start3A_30 : memref<80xi32, #tpu.memory_space<vmem>>) semaphore(%arg8 : memref<!tpu.dma_semaphore, #tpu.memory_space<semaphore_mem>>)
      %add3A_34 = arith.constant 80 : i32
      %add3A_35 = arith.addi %mul3A_23, %add3A_34 : i32
      %dma_start3A_36 = arith.constant 80 : i32
      %dma_start3A_37 = arith.constant 0 : i32
      %dma_start3A_38 = tpu.memref_slice %arg6[%dma_start3A_36, %dma_start3A_37] : memref<160x128xf32, #tpu.memory_space<vmem>> -> memref<80x128xf32, #tpu.memory_space<vmem>>
      %dma_start3A_39 = tpu.memref_slice %arg5[%add3A_35] : memref<1280xi32, #tpu.memory_space<vmem>> -> memref<80xi32, #tpu.memory_space<vmem>>
      %dma_start3A_40 = arith.constant 0 : i32
      %dma_start3A_41 = arith.constant 0 : i32
      %dma_start3A_42 = tpu.memref_slice %arg3[%dma_start3A_40, %dma_start3A_41] : memref<1000000x128xf32, #tpu.memory_space<hbm>> -> memref<1000000x128xf32, #tpu.memory_space<hbm>>
      tpu.enqueue_indirect_dma source(%dma_start3A_42 : memref<1000000x128xf32, #tpu.memory_space<hbm>>) target(%dma_start3A_38 : memref<80x128xf32, #tpu.memory_space<vmem>>) offsets(%dma_start3A_39 : memref<80xi32, #tpu.memory_space<vmem>>) semaphore(%arg8 : memref<!tpu.dma_semaphore, #tpu.memory_space<semaphore_mem>>)
      %dma_wait3A_43 = arith.constant 0 : i32
      %dma_wait3A_44 = arith.constant 0 : i32
      %dma_wait3A_45 = tpu.memref_slice %arg6[%dma_wait3A_43, %dma_wait3A_44] : memref<160x128xf32, #tpu.memory_space<vmem>> -> memref<80x128xf32, #tpu.memory_space<vmem>>
      %dma_wait3A_46 = tpu.memref_slice %arg5[%add3A_27] : memref<1280xi32, #tpu.memory_space<vmem>> -> memref<80xi32, #tpu.memory_space<vmem>>
      %dma_wait3A_47 = arith.constant 0 : i32
      %dma_wait3A_48 = arith.constant 0 : i32
      %dma_wait3A_49 = tpu.memref_slice %arg3[%dma_wait3A_47, %dma_wait3A_48] : memref<1000000x128xf32, #tpu.memory_space<hbm>> -> memref<1000000x128xf32, #tpu.memory_space<hbm>>
      tpu.wait_indirect_dma semaphore(%arg8 : memref<!tpu.dma_semaphore, #tpu.memory_space<semaphore_mem>>) src(%dma_wait3A_49 : memref<1000000x128xf32, #tpu.memory_space<hbm>>) dst(%dma_wait3A_45 : memref<80x128xf32, #tpu.memory_space<vmem>>)
      %dma_wait3A_50 = arith.constant 80 : i32
      %dma_wait3A_51 = arith.constant 0 : i32
      %dma_wait3A_52 = tpu.memref_slice %arg6[%dma_wait3A_50, %dma_wait3A_51] : memref<160x128xf32, #tpu.memory_space<vmem>> -> memref<80x128xf32, #tpu.memory_space<vmem>>
      %dma_wait3A_53 = tpu.memref_slice %arg5[%add3A_35] : memref<1280xi32, #tpu.memory_space<vmem>> -> memref<80xi32, #tpu.memory_space<vmem>>
      %dma_wait3A_54 = arith.constant 0 : i32
      %dma_wait3A_55 = arith.constant 0 : i32
      %dma_wait3A_56 = tpu.memref_slice %arg3[%dma_wait3A_54, %dma_wait3A_55] : memref<1000000x128xf32, #tpu.memory_space<hbm>> -> memref<1000000x128xf32, #tpu.memory_space<hbm>>
      tpu.wait_indirect_dma semaphore(%arg8 : memref<!tpu.dma_semaphore, #tpu.memory_space<semaphore_mem>>) src(%dma_wait3A_56 : memref<1000000x128xf32, #tpu.memory_space<hbm>>) dst(%dma_wait3A_52 : memref<80x128xf32, #tpu.memory_space<vmem>>)
      %add3A_57 = arith.addi %mul3A_2, %mul3A_23 : i32
      %dma_start3A_58 = arith.constant 0 : i32
      %dma_start3A_59 = tpu.memref_slice %arg4[%add3A_57, %dma_start3A_58] : memref<40960x128xf32, #tpu.memory_space<hbm>> -> memref<160x128xf32, #tpu.memory_space<hbm>>
      %dma_start3A_60 = arith.constant 0 : i32
      %dma_start3A_61 = tpu.memref_slice %arg4[%add3A_57, %dma_start3A_60] : memref<40960x128xf32, #tpu.memory_space<hbm>> -> memref<160x128xf32, #tpu.memory_space<hbm>>
      tpu.enqueue_dma source(%arg6 : memref<160x128xf32, #tpu.memory_space<vmem>>) target(%dma_start3A_61 : memref<160x128xf32, #tpu.memory_space<hbm>>) target_semaphore(%arg9 : memref<!tpu.dma_semaphore, #tpu.memory_space<semaphore_mem>>)
      %mul3A_62 = arith.constant 2 : i32
      %mul3A_63 = arith.muli %mul3A_62, %scan3A_17 : i32
      %add3A_64 = arith.constant 1 : i32
      %add3A_65 = arith.addi %mul3A_63, %add3A_64 : i32
      %mul3A_66 = arith.constant 160 : i32
      %mul3A_67 = arith.muli %add3A_65, %mul3A_66 : i32
      %ge3A_68 = arith.constant 2 : i32
      %ge3A_69 = arith.cmpi sge, %add3A_65, %ge3A_68 : i32
      %convert_element_type3A_70 = arith.extui %ge3A_69 : i1 to i32
      %cond3A_71 = arith.constant 0 : i32
      %cond3A_72 = arith.cmpi ne, %convert_element_type3A_70, %cond3A_71 : i32
      scf.if %cond3A_72 {
        %dma_wait3A_110 = arith.constant 0 : i32
        %dma_wait3A_111 = tpu.memref_slice %arg4[%mul3A_2, %dma_wait3A_110] : memref<40960x128xf32, #tpu.memory_space<hbm>> -> memref<160x128xf32, #tpu.memory_space<hbm>>
        %dma_wait3A_112 = arith.constant 0 : i32
        %dma_wait3A_113 = tpu.memref_slice %arg4[%mul3A_2, %dma_wait3A_112] : memref<40960x128xf32, #tpu.memory_space<hbm>> -> memref<160x128xf32, #tpu.memory_space<hbm>>
        tpu.wait_dma2 semaphore(%arg10 : memref<!tpu.dma_semaphore, #tpu.memory_space<semaphore_mem>>) src(%arg7 : memref<160x128xf32, #tpu.memory_space<vmem>>) dst(%dma_wait3A_113 : memref<160x128xf32, #tpu.memory_space<hbm>>)
      } else {
      }
      %add3A_73 = arith.constant 0 : i32
      %add3A_74 = arith.addi %mul3A_67, %add3A_73 : i32
      %dma_start3A_75 = arith.constant 0 : i32
      %dma_start3A_76 = arith.constant 0 : i32
      %dma_start3A_77 = tpu.memref_slice %arg7[%dma_start3A_75, %dma_start3A_76] : memref<160x128xf32, #tpu.memory_space<vmem>> -> memref<80x128xf32, #tpu.memory_space<vmem>>
      %dma_start3A_78 = tpu.memref_slice %arg5[%add3A_74] : memref<1280xi32, #tpu.memory_space<vmem>> -> memref<80xi32, #tpu.memory_space<vmem>>
      %dma_start3A_79 = arith.constant 0 : i32
      %dma_start3A_80 = arith.constant 0 : i32
      %dma_start3A_81 = tpu.memref_slice %arg3[%dma_start3A_79, %dma_start3A_80] : memref<1000000x128xf32, #tpu.memory_space<hbm>> -> memref<1000000x128xf32, #tpu.memory_space<hbm>>
      tpu.enqueue_indirect_dma source(%dma_start3A_81 : memref<1000000x128xf32, #tpu.memory_space<hbm>>) target(%dma_start3A_77 : memref<80x128xf32, #tpu.memory_space<vmem>>) offsets(%dma_start3A_78 : memref<80xi32, #tpu.memory_space<vmem>>) semaphore(%arg8 : memref<!tpu.dma_semaphore, #tpu.memory_space<semaphore_mem>>)
      %add3A_82 = arith.constant 80 : i32
      %add3A_83 = arith.addi %mul3A_67, %add3A_82 : i32
      %dma_start3A_84 = arith.constant 80 : i32
      %dma_start3A_85 = arith.constant 0 : i32
      %dma_start3A_86 = tpu.memref_slice %arg7[%dma_start3A_84, %dma_start3A_85] : memref<160x128xf32, #tpu.memory_space<vmem>> -> memref<80x128xf32, #tpu.memory_space<vmem>>
      %dma_start3A_87 = tpu.memref_slice %arg5[%add3A_83] : memref<1280xi32, #tpu.memory_space<vmem>> -> memref<80xi32, #tpu.memory_space<vmem>>
      %dma_start3A_88 = arith.constant 0 : i32
      %dma_start3A_89 = arith.constant 0 : i32
      %dma_start3A_90 = tpu.memref_slice %arg3[%dma_start3A_88, %dma_start3A_89] : memref<1000000x128xf32, #tpu.memory_space<hbm>> -> memref<1000000x128xf32, #tpu.memory_space<hbm>>
      tpu.enqueue_indirect_dma source(%dma_start3A_90 : memref<1000000x128xf32, #tpu.memory_space<hbm>>) target(%dma_start3A_86 : memref<80x128xf32, #tpu.memory_space<vmem>>) offsets(%dma_start3A_87 : memref<80xi32, #tpu.memory_space<vmem>>) semaphore(%arg8 : memref<!tpu.dma_semaphore, #tpu.memory_space<semaphore_mem>>)
      %dma_wait3A_91 = arith.constant 0 : i32
      %dma_wait3A_92 = arith.constant 0 : i32
      %dma_wait3A_93 = tpu.memref_slice %arg7[%dma_wait3A_91, %dma_wait3A_92] : memref<160x128xf32, #tpu.memory_space<vmem>> -> memref<80x128xf32, #tpu.memory_space<vmem>>
      %dma_wait3A_94 = tpu.memref_slice %arg5[%add3A_74] : memref<1280xi32, #tpu.memory_space<vmem>> -> memref<80xi32, #tpu.memory_space<vmem>>
      %dma_wait3A_95 = arith.constant 0 : i32
      %dma_wait3A_96 = arith.constant 0 : i32
      %dma_wait3A_97 = tpu.memref_slice %arg3[%dma_wait3A_95, %dma_wait3A_96] : memref<1000000x128xf32, #tpu.memory_space<hbm>> -> memref<1000000x128xf32, #tpu.memory_space<hbm>>
      tpu.wait_indirect_dma semaphore(%arg8 : memref<!tpu.dma_semaphore, #tpu.memory_space<semaphore_mem>>) src(%dma_wait3A_97 : memref<1000000x128xf32, #tpu.memory_space<hbm>>) dst(%dma_wait3A_93 : memref<80x128xf32, #tpu.memory_space<vmem>>)
      %dma_wait3A_98 = arith.constant 80 : i32
      %dma_wait3A_99 = arith.constant 0 : i32
      %dma_wait3A_100 = tpu.memref_slice %arg7[%dma_wait3A_98, %dma_wait3A_99] : memref<160x128xf32, #tpu.memory_space<vmem>> -> memref<80x128xf32, #tpu.memory_space<vmem>>
      %dma_wait3A_101 = tpu.memref_slice %arg5[%add3A_83] : memref<1280xi32, #tpu.memory_space<vmem>> -> memref<80xi32, #tpu.memory_space<vmem>>
      %dma_wait3A_102 = arith.constant 0 : i32
      %dma_wait3A_103 = arith.constant 0 : i32
      %dma_wait3A_104 = tpu.memref_slice %arg3[%dma_wait3A_102, %dma_wait3A_103] : memref<1000000x128xf32, #tpu.memory_space<hbm>> -> memref<1000000x128xf32, #tpu.memory_space<hbm>>
      tpu.wait_indirect_dma semaphore(%arg8 : memref<!tpu.dma_semaphore, #tpu.memory_space<semaphore_mem>>) src(%dma_wait3A_104 : memref<1000000x128xf32, #tpu.memory_space<hbm>>) dst(%dma_wait3A_100 : memref<80x128xf32, #tpu.memory_space<vmem>>)
      %add3A_105 = arith.addi %mul3A_2, %mul3A_67 : i32
      %dma_start3A_106 = arith.constant 0 : i32
      %dma_start3A_107 = tpu.memref_slice %arg4[%add3A_105, %dma_start3A_106] : memref<40960x128xf32, #tpu.memory_space<hbm>> -> memref<160x128xf32, #tpu.memory_space<hbm>>
      %dma_start3A_108 = arith.constant 0 : i32
      %dma_start3A_109 = tpu.memref_slice %arg4[%add3A_105, %dma_start3A_108] : memref<40960x128xf32, #tpu.memory_space<hbm>> -> memref<160x128xf32, #tpu.memory_space<hbm>>
      tpu.enqueue_dma source(%arg7 : memref<160x128xf32, #tpu.memory_space<vmem>>) target(%dma_start3A_109 : memref<160x128xf32, #tpu.memory_space<hbm>>) target_semaphore(%arg10 : memref<!tpu.dma_semaphore, #tpu.memory_space<semaphore_mem>>)
    }
    %scan3A_9 = arith.constant 4 : i32
    %dma_wait3A = arith.constant 0 : i32
    %dma_wait3A_10 = tpu.memref_slice %arg4[%mul3A_2, %dma_wait3A] : memref<40960x128xf32, #tpu.memory_space<hbm>> -> memref<160x128xf32, #tpu.memory_space<hbm>>
    %dma_wait3A_11 = arith.constant 0 : i32
    %dma_wait3A_12 = tpu.memref_slice %arg4[%mul3A_2, %dma_wait3A_11] : memref<40960x128xf32, #tpu.memory_space<hbm>> -> memref<160x128xf32, #tpu.memory_space<hbm>>
    tpu.wait_dma2 semaphore(%arg9 : memref<!tpu.dma_semaphore, #tpu.memory_space<semaphore_mem>>) src(%arg6 : memref<160x128xf32, #tpu.memory_space<vmem>>) dst(%dma_wait3A_12 : memref<160x128xf32, #tpu.memory_space<hbm>>)
    %dma_wait3A_13 = arith.constant 0 : i32
    %dma_wait3A_14 = tpu.memref_slice %arg4[%mul3A_2, %dma_wait3A_13] : memref<40960x128xf32, #tpu.memory_space<hbm>> -> memref<160x128xf32, #tpu.memory_space<hbm>>
    %dma_wait3A_15 = arith.constant 0 : i32
    %dma_wait3A_16 = tpu.memref_slice %arg4[%mul3A_2, %dma_wait3A_15] : memref<40960x128xf32, #tpu.memory_space<hbm>> -> memref<160x128xf32, #tpu.memory_space<hbm>>
    tpu.wait_dma2 semaphore(%arg10 : memref<!tpu.dma_semaphore, #tpu.memory_space<semaphore_mem>>) src(%arg7 : memref<160x128xf32, #tpu.memory_space<vmem>>) dst(%dma_wait3A_16 : memref<160x128xf32, #tpu.memory_space<hbm>>)
    return
  }
}

module attributes {stable_mosaic.version = 14 : i64} {
  func.func @_tc_body_first(%arg0: i32, %arg1: memref<1x4x2048xf32, #tpu.memory_space<vmem>>, %arg2: memref<8192x128xf32, #tpu.memory_space<vmem>>, %arg3: memref<1x128xf32, #tpu.memory_space<vmem>>, %arg4: memref<256x512xf32, #tpu.memory_space<vmem>>, %arg5: memref<1x128xf32, #tpu.memory_space<vmem>>, %arg6: memref<8192x128xf32, #tpu.memory_space<vmem>>) attributes {dimension_semantics = [#tpu.dimension_semantics<arbitrary>], iteration_bounds = array<i64: 5>, scalar_prefetch = 0 : i64, scratch_operands = 0 : i64, tpu.core_type = #tpu.core_type<tc>, window_params = [{transform_indices = @transform_0, window_bounds = array<i64: 1, 4, 2048>}, {transform_indices = @transform_1, window_bounds = array<i64: 8192, 128>}, {pipeline_mode = #tpu.pipeline_mode<synchronous>, transform_indices = @transform_2, window_bounds = array<i64: 1, 128>}, {pipeline_mode = #tpu.pipeline_mode<synchronous>, transform_indices = @transform_3, window_bounds = array<i64: 256, 512>}, {pipeline_mode = #tpu.pipeline_mode<synchronous>, transform_indices = @transform_4, window_bounds = array<i64: 1, 128>}, {transform_indices = @transform_5, window_bounds = array<i64: 8192, 128>}]} {
    %get3A = arith.constant 0 : index
    %get3A_0 = arith.constant 0 : index
    %get3A_1 = arith.constant 0 : index
    %get3A_2 = vector.load %arg1[%get3A, %get3A_0, %get3A_1] : memref<1x4x2048xf32, #tpu.memory_space<vmem>>, vector<1x4x2048xf32>
    %get3A_3 = vector.shape_cast %get3A_2 : vector<1x4x2048xf32> to vector<4x2048xf32>
    %transpose3A = tpu.transpose %get3A_3, [1, 0] : vector<4x2048xf32> -> vector<2048x4xf32>
    %iota3A = tpu.iota {dimensions = array<i32: 1>} : vector<2048x128xi32>
    %jit3A = arith.constant 32 : i32
    %div3A = vector.broadcast %jit3A : i32 to vector<2048x128xi32>
    %div3A_4 = arith.divsi %iota3A, %div3A : vector<2048x128xi32>
    %sign3A = arith.constant 0 : i32
    %sign3A_5 = vector.broadcast %sign3A : i32 to vector<2048x128xi32>
    %sign3A_6 = arith.cmpi sgt, %iota3A, %sign3A_5 : vector<2048x128xi32>
    %sign3A_7 = arith.extui %sign3A_6 : vector<2048x128xi1> to vector<2048x128xi32>
    %sign3A_8 = arith.constant 0 : i32
    %sign3A_9 = vector.broadcast %sign3A_8 : i32 to vector<2048x128xi32>
    %sign3A_10 = arith.cmpi slt, %iota3A, %sign3A_9 : vector<2048x128xi32>
    %sign3A_11 = arith.extui %sign3A_10 : vector<2048x128xi1> to vector<2048x128xi32>
    %sign3A_12 = arith.subi %sign3A_7, %sign3A_11 : vector<2048x128xi32>
    %sign3A_13 = arith.constant 0 : i32
    %sign3A_14 = arith.cmpi sgt, %jit3A, %sign3A_13 : i32
    %sign3A_15 = arith.extui %sign3A_14 : i1 to i32
    %sign3A_16 = arith.constant 0 : i32
    %sign3A_17 = arith.cmpi slt, %jit3A, %sign3A_16 : i32
    %sign3A_18 = arith.extui %sign3A_17 : i1 to i32
    %sign3A_19 = arith.subi %sign3A_15, %sign3A_18 : i32
    %ne3A = vector.broadcast %sign3A_19 : i32 to vector<2048x128xi32>
    %ne3A_20 = arith.cmpi ne, %sign3A_12, %ne3A : vector<2048x128xi32>
    %rem3A = vector.broadcast %jit3A : i32 to vector<2048x128xi32>
    %rem3A_21 = arith.remsi %iota3A, %rem3A : vector<2048x128xi32>
    %ne3A_22 = arith.constant 0 : i32
    %ne3A_23 = vector.broadcast %ne3A_22 : i32 to vector<2048x128xi32>
    %ne3A_24 = arith.cmpi ne, %rem3A_21, %ne3A_23 : vector<2048x128xi32>
    %and3A = arith.andi %ne3A_20, %ne3A_24 : vector<2048x128xi1>
    %sub3A = arith.constant 1 : i32
    %sub3A_25 = vector.broadcast %sub3A : i32 to vector<2048x128xi32>
    %sub3A_26 = arith.subi %div3A_4, %sub3A_25 : vector<2048x128xi32>
    %select_n3A = arith.select %and3A, %sub3A_26, %div3A_4 : vector<2048x128xi1>, vector<2048x128xi32>
    %eq3A = arith.constant 0 : i32
    %eq3A_27 = vector.broadcast %eq3A : i32 to vector<2048x128xi32>
    %eq3A_28 = arith.cmpi eq, %select_n3A, %eq3A_27 : vector<2048x128xi32>
    %slice3A = vector.extract_strided_slice %transpose3A {offsets = [0, 0], sizes = [2048, 1], strides = [1, 1]} : vector<2048x4xf32> to vector<2048x1xf32>
    %eq3A_29 = arith.constant 1 : i32
    %eq3A_30 = vector.broadcast %eq3A_29 : i32 to vector<2048x128xi32>
    %eq3A_31 = arith.cmpi eq, %select_n3A, %eq3A_30 : vector<2048x128xi32>
    %slice3A_32 = vector.extract_strided_slice %transpose3A {offsets = [0, 1], sizes = [2048, 1], strides = [1, 1]} : vector<2048x4xf32> to vector<2048x1xf32>
    %eq3A_33 = arith.constant 2 : i32
    %eq3A_34 = vector.broadcast %eq3A_33 : i32 to vector<2048x128xi32>
    %eq3A_35 = arith.cmpi eq, %select_n3A, %eq3A_34 : vector<2048x128xi32>
    %slice3A_36 = vector.extract_strided_slice %transpose3A {offsets = [0, 2], sizes = [2048, 1], strides = [1, 1]} : vector<2048x4xf32> to vector<2048x1xf32>
    %slice3A_37 = vector.extract_strided_slice %transpose3A {offsets = [0, 3], sizes = [2048, 1], strides = [1, 1]} : vector<2048x4xf32> to vector<2048x1xf32>
    %broadcast_in_dim3A = vector.shape_cast %slice3A_36 : vector<2048x1xf32> to vector<2048x1xf32>
    %broadcast_in_dim3A_38 = vector.broadcast %broadcast_in_dim3A : vector<2048x1xf32> to vector<2048x128xf32>
    %broadcast_in_dim3A_39 = vector.shape_cast %slice3A_37 : vector<2048x1xf32> to vector<2048x1xf32>
    %broadcast_in_dim3A_40 = vector.broadcast %broadcast_in_dim3A_39 : vector<2048x1xf32> to vector<2048x128xf32>
    %select_n3A_41 = arith.select %eq3A_35, %broadcast_in_dim3A_38, %broadcast_in_dim3A_40 : vector<2048x128xi1>, vector<2048x128xf32>
    %broadcast_in_dim3A_42 = vector.shape_cast %slice3A_32 : vector<2048x1xf32> to vector<2048x1xf32>
    %broadcast_in_dim3A_43 = vector.broadcast %broadcast_in_dim3A_42 : vector<2048x1xf32> to vector<2048x128xf32>
    %select_n3A_44 = arith.select %eq3A_31, %broadcast_in_dim3A_43, %select_n3A_41 : vector<2048x128xi1>, vector<2048x128xf32>
    %broadcast_in_dim3A_45 = vector.shape_cast %slice3A : vector<2048x1xf32> to vector<2048x1xf32>
    %broadcast_in_dim3A_46 = vector.broadcast %broadcast_in_dim3A_45 : vector<2048x1xf32> to vector<2048x128xf32>
    %select_n3A_47 = arith.select %eq3A_28, %broadcast_in_dim3A_46, %select_n3A_44 : vector<2048x128xi1>, vector<2048x128xf32>
    %get3A_48 = arith.constant 0 : index
    %get3A_49 = arith.constant 0 : index
    %get3A_50 = vector.load %arg3[%get3A_48, %get3A_49] : memref<1x128xf32, #tpu.memory_space<vmem>>, vector<1x128xf32>
    %mul3A = vector.broadcast %get3A_50 : vector<1x128xf32> to vector<2048x128xf32>
    %mul3A_51 = arith.mulf %select_n3A_47, %mul3A : vector<2048x128xf32>
    %get3A_52 = arith.constant 0 : index
    %get3A_53 = arith.constant 0 : index
    %get3A_54 = vector.load %arg4[%get3A_52, %get3A_53] : memref<256x512xf32, #tpu.memory_space<vmem>>, vector<256x512xf32>
    %sin3A = math.sin %mul3A_51 : vector<2048x128xf32>
    %slice3A_55 = vector.extract_strided_slice %get3A_54 {offsets = [0, 0], sizes = [128, 512], strides = [1, 1]} : vector<256x512xf32> to vector<128x512xf32>
    %dot_general3A = arith.constant dense<0.000000e+00> : vector<2048x512xf32>
    %dot_general3A_56 = tpu.matmul %sin3A, %slice3A_55, %dot_general3A {dimension_numbers = #tpu.dot_dimension_numbers<[1], [0], [0], [1], [0, 0, 1, 1], [], []>, transpose_lhs_hint = false} : vector<2048x128xf32>, vector<128x512xf32>, vector<2048x512xf32> -> vector<2048x512xf32>
    %cos3A = math.cos %mul3A_51 : vector<2048x128xf32>
    %slice3A_57 = vector.extract_strided_slice %get3A_54 {offsets = [128, 0], sizes = [128, 512], strides = [1, 1]} : vector<256x512xf32> to vector<128x512xf32>
    %dot_general3A_58 = arith.constant dense<0.000000e+00> : vector<2048x512xf32>
    %dot_general3A_59 = tpu.matmul %cos3A, %slice3A_57, %dot_general3A_58 {dimension_numbers = #tpu.dot_dimension_numbers<[1], [0], [0], [1], [0, 0, 1, 1], [], []>, transpose_lhs_hint = false} : vector<2048x128xf32>, vector<128x512xf32>, vector<2048x512xf32> -> vector<2048x512xf32>
    %add3A = arith.addf %dot_general3A_56, %dot_general3A_59 : vector<2048x512xf32>
    %slice3A_60 = vector.extract_strided_slice %add3A {offsets = [0, 0], sizes = [2048, 128], strides = [1, 1]} : vector<2048x512xf32> to vector<2048x128xf32>
    %slice3A_61 = vector.extract_strided_slice %add3A {offsets = [0, 128], sizes = [2048, 128], strides = [1, 1]} : vector<2048x512xf32> to vector<2048x128xf32>
    %slice3A_62 = vector.extract_strided_slice %add3A {offsets = [0, 256], sizes = [2048, 128], strides = [1, 1]} : vector<2048x512xf32> to vector<2048x128xf32>
    %slice3A_63 = vector.extract_strided_slice %add3A {offsets = [0, 384], sizes = [2048, 128], strides = [1, 1]} : vector<2048x512xf32> to vector<2048x128xf32>
    %concatenate3A = tpu.concatenate %slice3A_60, %slice3A_61, %slice3A_62, %slice3A_63 in 0 : vector<2048x128xf32>, vector<2048x128xf32>, vector<2048x128xf32>, vector<2048x128xf32> -> vector<8192x128xf32>
    %get3A_64 = arith.constant 0 : index
    %get3A_65 = arith.constant 0 : index
    %get3A_66 = vector.load %arg5[%get3A_64, %get3A_65] : memref<1x128xf32, #tpu.memory_space<vmem>>, vector<1x128xf32>
    %add3A_67 = vector.broadcast %get3A_66 : vector<1x128xf32> to vector<8192x128xf32>
    %add3A_68 = arith.addf %concatenate3A, %add3A_67 : vector<8192x128xf32>
    %get3A_69 = arith.constant 0 : index
    %get3A_70 = arith.constant 0 : index
    %get3A_71 = vector.load %arg2[%get3A_69, %get3A_70] : memref<8192x128xf32, #tpu.memory_space<vmem>>, vector<8192x128xf32>
    %add3A_72 = arith.addf %add3A_68, %get3A_71 : vector<8192x128xf32>
    %swap3A = arith.constant 0 : index
    %swap3A_73 = arith.constant 0 : index
    %swap3A_74 = vector.load %arg6[%swap3A, %swap3A_73] : memref<8192x128xf32, #tpu.memory_space<vmem>>, vector<8192x128xf32>
    tpu.vector_store %arg6[%swap3A, %swap3A_73], %add3A_72 {strides = array<i32>} : memref<8192x128xf32, #tpu.memory_space<vmem>>, vector<8192x128xf32>,
    return
  }
  func.func @transform_0(%arg0: i32) -> (i32, i32, i32) {
    %add3A = arith.constant 0 : i32
    %add3A_0 = arith.addi %arg0, %add3A : i32
    %c0_i32 = arith.constant 0 : i32
    %c0_i32_1 = arith.constant 0 : i32
    %c0_i32_2 = arith.constant 0 : i32
    return %add3A_0, %c0_i32, %c0_i32_1 : i32, i32, i32
  }
  func.func @transform_1(%arg0: i32) -> (i32, i32) {
    %c0_i32 = arith.constant 0 : i32
    %c0_i32_0 = arith.constant 0 : i32
    return %arg0, %c0_i32 : i32, i32
  }
  func.func @transform_2(%arg0: i32) -> (i32, i32) {
    %c0_i32 = arith.constant 0 : i32
    %c0_i32_0 = arith.constant 0 : i32
    %c0_i32_1 = arith.constant 0 : i32
    return %c0_i32, %c0_i32_0 : i32, i32
  }
  func.func @transform_3(%arg0: i32) -> (i32, i32) {
    %c0_i32 = arith.constant 0 : i32
    %c0_i32_0 = arith.constant 0 : i32
    %c0_i32_1 = arith.constant 0 : i32
    return %c0_i32, %c0_i32_0 : i32, i32
  }
  func.func @transform_4(%arg0: i32) -> (i32, i32) {
    %c0_i32 = arith.constant 0 : i32
    %c0_i32_0 = arith.constant 0 : i32
    %c0_i32_1 = arith.constant 0 : i32
    return %c0_i32, %c0_i32_0 : i32, i32
  }
  func.func @transform_5(%arg0: i32) -> (i32, i32) {
    %add3A = arith.constant 0 : i32
    %add3A_0 = arith.addi %arg0, %add3A : i32
    %c0_i32 = arith.constant 0 : i32
    %c0_i32_1 = arith.constant 0 : i32
    return %add3A_0, %c0_i32 : i32, i32
  }
}

module attributes {stable_mosaic.version = 14 : i64} {
  func.func @_tc_body_chained(%arg0: i32, %arg1: memref<204800x128xf32, #tpu.memory_space<hbm>>, %arg2: memref<1x4x2048xf32, #tpu.memory_space<vmem>>, %arg3: memref<8192x128xf32, #tpu.memory_space<vmem>>, %arg4: memref<1x128xf32, #tpu.memory_space<vmem>>, %arg5: memref<256x512xf32, #tpu.memory_space<vmem>>, %arg6: memref<1x128xf32, #tpu.memory_space<vmem>>, %arg7: memref<8192x128xf32, #tpu.memory_space<vmem>>) attributes {dimension_semantics = [#tpu.dimension_semantics<arbitrary>], iteration_bounds = array<i64: 5>, scalar_prefetch = 0 : i64, scratch_operands = 0 : i64, tpu.core_type = #tpu.core_type<tc>, window_params = [{}, {transform_indices = @transform_1, window_bounds = array<i64: 1, 4, 2048>}, {transform_indices = @transform_2, window_bounds = array<i64: 8192, 128>}, {pipeline_mode = #tpu.pipeline_mode<synchronous>, transform_indices = @transform_3, window_bounds = array<i64: 1, 128>}, {pipeline_mode = #tpu.pipeline_mode<synchronous>, transform_indices = @transform_4, window_bounds = array<i64: 256, 512>}, {pipeline_mode = #tpu.pipeline_mode<synchronous>, transform_indices = @transform_5, window_bounds = array<i64: 1, 128>}, {transform_indices = @transform_6, window_bounds = array<i64: 8192, 128>}]} {
    %get3A = arith.constant 0 : index
    %get3A_0 = arith.constant 0 : index
    %get3A_1 = arith.constant 0 : index
    %get3A_2 = vector.load %arg2[%get3A, %get3A_0, %get3A_1] : memref<1x4x2048xf32, #tpu.memory_space<vmem>>, vector<1x4x2048xf32>
    %get3A_3 = vector.shape_cast %get3A_2 : vector<1x4x2048xf32> to vector<4x2048xf32>
    %transpose3A = tpu.transpose %get3A_3, [1, 0] : vector<4x2048xf32> -> vector<2048x4xf32>
    %iota3A = tpu.iota {dimensions = array<i32: 1>} : vector<2048x128xi32>
    %jit3A = arith.constant 32 : i32
    %div3A = vector.broadcast %jit3A : i32 to vector<2048x128xi32>
    %div3A_4 = arith.divsi %iota3A, %div3A : vector<2048x128xi32>
    %sign3A = arith.constant 0 : i32
    %sign3A_5 = vector.broadcast %sign3A : i32 to vector<2048x128xi32>
    %sign3A_6 = arith.cmpi sgt, %iota3A, %sign3A_5 : vector<2048x128xi32>
    %sign3A_7 = arith.extui %sign3A_6 : vector<2048x128xi1> to vector<2048x128xi32>
    %sign3A_8 = arith.constant 0 : i32
    %sign3A_9 = vector.broadcast %sign3A_8 : i32 to vector<2048x128xi32>
    %sign3A_10 = arith.cmpi slt, %iota3A, %sign3A_9 : vector<2048x128xi32>
    %sign3A_11 = arith.extui %sign3A_10 : vector<2048x128xi1> to vector<2048x128xi32>
    %sign3A_12 = arith.subi %sign3A_7, %sign3A_11 : vector<2048x128xi32>
    %sign3A_13 = arith.constant 0 : i32
    %sign3A_14 = arith.cmpi sgt, %jit3A, %sign3A_13 : i32
    %sign3A_15 = arith.extui %sign3A_14 : i1 to i32
    %sign3A_16 = arith.constant 0 : i32
    %sign3A_17 = arith.cmpi slt, %jit3A, %sign3A_16 : i32
    %sign3A_18 = arith.extui %sign3A_17 : i1 to i32
    %sign3A_19 = arith.subi %sign3A_15, %sign3A_18 : i32
    %ne3A = vector.broadcast %sign3A_19 : i32 to vector<2048x128xi32>
    %ne3A_20 = arith.cmpi ne, %sign3A_12, %ne3A : vector<2048x128xi32>
    %rem3A = vector.broadcast %jit3A : i32 to vector<2048x128xi32>
    %rem3A_21 = arith.remsi %iota3A, %rem3A : vector<2048x128xi32>
    %ne3A_22 = arith.constant 0 : i32
    %ne3A_23 = vector.broadcast %ne3A_22 : i32 to vector<2048x128xi32>
    %ne3A_24 = arith.cmpi ne, %rem3A_21, %ne3A_23 : vector<2048x128xi32>
    %and3A = arith.andi %ne3A_20, %ne3A_24 : vector<2048x128xi1>
    %sub3A = arith.constant 1 : i32
    %sub3A_25 = vector.broadcast %sub3A : i32 to vector<2048x128xi32>
    %sub3A_26 = arith.subi %div3A_4, %sub3A_25 : vector<2048x128xi32>
    %select_n3A = arith.select %and3A, %sub3A_26, %div3A_4 : vector<2048x128xi1>, vector<2048x128xi32>
    %eq3A = arith.constant 0 : i32
    %eq3A_27 = vector.broadcast %eq3A : i32 to vector<2048x128xi32>
    %eq3A_28 = arith.cmpi eq, %select_n3A, %eq3A_27 : vector<2048x128xi32>
    %slice3A = vector.extract_strided_slice %transpose3A {offsets = [0, 0], sizes = [2048, 1], strides = [1, 1]} : vector<2048x4xf32> to vector<2048x1xf32>
    %eq3A_29 = arith.constant 1 : i32
    %eq3A_30 = vector.broadcast %eq3A_29 : i32 to vector<2048x128xi32>
    %eq3A_31 = arith.cmpi eq, %select_n3A, %eq3A_30 : vector<2048x128xi32>
    %slice3A_32 = vector.extract_strided_slice %transpose3A {offsets = [0, 1], sizes = [2048, 1], strides = [1, 1]} : vector<2048x4xf32> to vector<2048x1xf32>
    %eq3A_33 = arith.constant 2 : i32
    %eq3A_34 = vector.broadcast %eq3A_33 : i32 to vector<2048x128xi32>
    %eq3A_35 = arith.cmpi eq, %select_n3A, %eq3A_34 : vector<2048x128xi32>
    %slice3A_36 = vector.extract_strided_slice %transpose3A {offsets = [0, 2], sizes = [2048, 1], strides = [1, 1]} : vector<2048x4xf32> to vector<2048x1xf32>
    %slice3A_37 = vector.extract_strided_slice %transpose3A {offsets = [0, 3], sizes = [2048, 1], strides = [1, 1]} : vector<2048x4xf32> to vector<2048x1xf32>
    %broadcast_in_dim3A = vector.shape_cast %slice3A_36 : vector<2048x1xf32> to vector<2048x1xf32>
    %broadcast_in_dim3A_38 = vector.broadcast %broadcast_in_dim3A : vector<2048x1xf32> to vector<2048x128xf32>
    %broadcast_in_dim3A_39 = vector.shape_cast %slice3A_37 : vector<2048x1xf32> to vector<2048x1xf32>
    %broadcast_in_dim3A_40 = vector.broadcast %broadcast_in_dim3A_39 : vector<2048x1xf32> to vector<2048x128xf32>
    %select_n3A_41 = arith.select %eq3A_35, %broadcast_in_dim3A_38, %broadcast_in_dim3A_40 : vector<2048x128xi1>, vector<2048x128xf32>
    %broadcast_in_dim3A_42 = vector.shape_cast %slice3A_32 : vector<2048x1xf32> to vector<2048x1xf32>
    %broadcast_in_dim3A_43 = vector.broadcast %broadcast_in_dim3A_42 : vector<2048x1xf32> to vector<2048x128xf32>
    %select_n3A_44 = arith.select %eq3A_31, %broadcast_in_dim3A_43, %select_n3A_41 : vector<2048x128xi1>, vector<2048x128xf32>
    %broadcast_in_dim3A_45 = vector.shape_cast %slice3A : vector<2048x1xf32> to vector<2048x1xf32>
    %broadcast_in_dim3A_46 = vector.broadcast %broadcast_in_dim3A_45 : vector<2048x1xf32> to vector<2048x128xf32>
    %select_n3A_47 = arith.select %eq3A_28, %broadcast_in_dim3A_46, %select_n3A_44 : vector<2048x128xi1>, vector<2048x128xf32>
    %get3A_48 = arith.constant 0 : index
    %get3A_49 = arith.constant 0 : index
    %get3A_50 = vector.load %arg4[%get3A_48, %get3A_49] : memref<1x128xf32, #tpu.memory_space<vmem>>, vector<1x128xf32>
    %mul3A = vector.broadcast %get3A_50 : vector<1x128xf32> to vector<2048x128xf32>
    %mul3A_51 = arith.mulf %select_n3A_47, %mul3A : vector<2048x128xf32>
    %get3A_52 = arith.constant 0 : index
    %get3A_53 = arith.constant 0 : index
    %get3A_54 = vector.load %arg5[%get3A_52, %get3A_53] : memref<256x512xf32, #tpu.memory_space<vmem>>, vector<256x512xf32>
    %sin3A = math.sin %mul3A_51 : vector<2048x128xf32>
    %slice3A_55 = vector.extract_strided_slice %get3A_54 {offsets = [0, 0], sizes = [128, 512], strides = [1, 1]} : vector<256x512xf32> to vector<128x512xf32>
    %dot_general3A = arith.constant dense<0.000000e+00> : vector<2048x512xf32>
    %dot_general3A_56 = tpu.matmul %sin3A, %slice3A_55, %dot_general3A {dimension_numbers = #tpu.dot_dimension_numbers<[1], [0], [0], [1], [0, 0, 1, 1], [], []>, transpose_lhs_hint = false} : vector<2048x128xf32>, vector<128x512xf32>, vector<2048x512xf32> -> vector<2048x512xf32>
    %cos3A = math.cos %mul3A_51 : vector<2048x128xf32>
    %slice3A_57 = vector.extract_strided_slice %get3A_54 {offsets = [128, 0], sizes = [128, 512], strides = [1, 1]} : vector<256x512xf32> to vector<128x512xf32>
    %dot_general3A_58 = arith.constant dense<0.000000e+00> : vector<2048x512xf32>
    %dot_general3A_59 = tpu.matmul %cos3A, %slice3A_57, %dot_general3A_58 {dimension_numbers = #tpu.dot_dimension_numbers<[1], [0], [0], [1], [0, 0, 1, 1], [], []>, transpose_lhs_hint = false} : vector<2048x128xf32>, vector<128x512xf32>, vector<2048x512xf32> -> vector<2048x512xf32>
    %add3A = arith.addf %dot_general3A_56, %dot_general3A_59 : vector<2048x512xf32>
    %slice3A_60 = vector.extract_strided_slice %add3A {offsets = [0, 0], sizes = [2048, 128], strides = [1, 1]} : vector<2048x512xf32> to vector<2048x128xf32>
    %slice3A_61 = vector.extract_strided_slice %add3A {offsets = [0, 128], sizes = [2048, 128], strides = [1, 1]} : vector<2048x512xf32> to vector<2048x128xf32>
    %slice3A_62 = vector.extract_strided_slice %add3A {offsets = [0, 256], sizes = [2048, 128], strides = [1, 1]} : vector<2048x512xf32> to vector<2048x128xf32>
    %slice3A_63 = vector.extract_strided_slice %add3A {offsets = [0, 384], sizes = [2048, 128], strides = [1, 1]} : vector<2048x512xf32> to vector<2048x128xf32>
    %concatenate3A = tpu.concatenate %slice3A_60, %slice3A_61, %slice3A_62, %slice3A_63 in 0 : vector<2048x128xf32>, vector<2048x128xf32>, vector<2048x128xf32>, vector<2048x128xf32> -> vector<8192x128xf32>
    %get3A_64 = arith.constant 0 : index
    %get3A_65 = arith.constant 0 : index
    %get3A_66 = vector.load %arg6[%get3A_64, %get3A_65] : memref<1x128xf32, #tpu.memory_space<vmem>>, vector<1x128xf32>
    %add3A_67 = vector.broadcast %get3A_66 : vector<1x128xf32> to vector<8192x128xf32>
    %add3A_68 = arith.addf %concatenate3A, %add3A_67 : vector<8192x128xf32>
    %get3A_69 = arith.constant 0 : index
    %get3A_70 = arith.constant 0 : index
    %get3A_71 = vector.load %arg3[%get3A_69, %get3A_70] : memref<8192x128xf32, #tpu.memory_space<vmem>>, vector<8192x128xf32>
    %add3A_72 = arith.addf %add3A_68, %get3A_71 : vector<8192x128xf32>
    %swap3A = arith.constant 0 : index
    %swap3A_73 = arith.constant 0 : index
    %swap3A_74 = vector.load %arg7[%swap3A, %swap3A_73] : memref<8192x128xf32, #tpu.memory_space<vmem>>, vector<8192x128xf32>
    tpu.vector_store %arg7[%swap3A, %swap3A_73], %add3A_72 {strides = array<i32>} : memref<8192x128xf32, #tpu.memory_space<vmem>>, vector<8192x128xf32>,
    return
  }
  func.func @transform_1(%arg0: i32) -> (i32, i32, i32) {
    %add3A = arith.constant 5 : i32
    %add3A_0 = arith.addi %arg0, %add3A : i32
    %c0_i32 = arith.constant 0 : i32
    %c0_i32_1 = arith.constant 0 : i32
    %c0_i32_2 = arith.constant 0 : i32
    return %add3A_0, %c0_i32, %c0_i32_1 : i32, i32, i32
  }
  func.func @transform_2(%arg0: i32) -> (i32, i32) {
    %c0_i32 = arith.constant 0 : i32
    %c0_i32_0 = arith.constant 0 : i32
    return %arg0, %c0_i32 : i32, i32
  }
  func.func @transform_3(%arg0: i32) -> (i32, i32) {
    %c0_i32 = arith.constant 0 : i32
    %c0_i32_0 = arith.constant 0 : i32
    %c0_i32_1 = arith.constant 0 : i32
    return %c0_i32, %c0_i32_0 : i32, i32
  }
  func.func @transform_4(%arg0: i32) -> (i32, i32) {
    %c0_i32 = arith.constant 0 : i32
    %c0_i32_0 = arith.constant 0 : i32
    %c0_i32_1 = arith.constant 0 : i32
    return %c0_i32, %c0_i32_0 : i32, i32
  }
  func.func @transform_5(%arg0: i32) -> (i32, i32) {
    %c0_i32 = arith.constant 0 : i32
    %c0_i32_0 = arith.constant 0 : i32
    %c0_i32_1 = arith.constant 0 : i32
    return %c0_i32, %c0_i32_0 : i32, i32
  }
  func.func @transform_6(%arg0: i32) -> (i32, i32) {
    %add3A = arith.constant 5 : i32
    %add3A_0 = arith.addi %arg0, %add3A : i32
    %c0_i32 = arith.constant 0 : i32
    %c0_i32_1 = arith.constant 0 : i32
    return %add3A_0, %c0_i32 : i32, i32
  }
}

module attributes {stable_mosaic.version = 14 : i64} {
  func.func @_tc_body_chained(%arg0: i32, %arg1: memref<204800x128xf32, #tpu.memory_space<hbm>>, %arg2: memref<1x4x2048xf32, #tpu.memory_space<vmem>>, %arg3: memref<8192x128xf32, #tpu.memory_space<vmem>>, %arg4: memref<1x128xf32, #tpu.memory_space<vmem>>, %arg5: memref<256x512xf32, #tpu.memory_space<vmem>>, %arg6: memref<1x128xf32, #tpu.memory_space<vmem>>, %arg7: memref<8192x128xf32, #tpu.memory_space<vmem>>) attributes {dimension_semantics = [#tpu.dimension_semantics<arbitrary>], iteration_bounds = array<i64: 5>, scalar_prefetch = 0 : i64, scratch_operands = 0 : i64, tpu.core_type = #tpu.core_type<tc>, window_params = [{}, {transform_indices = @transform_1, window_bounds = array<i64: 1, 4, 2048>}, {transform_indices = @transform_2, window_bounds = array<i64: 8192, 128>}, {pipeline_mode = #tpu.pipeline_mode<synchronous>, transform_indices = @transform_3, window_bounds = array<i64: 1, 128>}, {pipeline_mode = #tpu.pipeline_mode<synchronous>, transform_indices = @transform_4, window_bounds = array<i64: 256, 512>}, {pipeline_mode = #tpu.pipeline_mode<synchronous>, transform_indices = @transform_5, window_bounds = array<i64: 1, 128>}, {transform_indices = @transform_6, window_bounds = array<i64: 8192, 128>}]} {
    %get3A = arith.constant 0 : index
    %get3A_0 = arith.constant 0 : index
    %get3A_1 = arith.constant 0 : index
    %get3A_2 = vector.load %arg2[%get3A, %get3A_0, %get3A_1] : memref<1x4x2048xf32, #tpu.memory_space<vmem>>, vector<1x4x2048xf32>
    %get3A_3 = vector.shape_cast %get3A_2 : vector<1x4x2048xf32> to vector<4x2048xf32>
    %transpose3A = tpu.transpose %get3A_3, [1, 0] : vector<4x2048xf32> -> vector<2048x4xf32>
    %iota3A = tpu.iota {dimensions = array<i32: 1>} : vector<2048x128xi32>
    %jit3A = arith.constant 32 : i32
    %div3A = vector.broadcast %jit3A : i32 to vector<2048x128xi32>
    %div3A_4 = arith.divsi %iota3A, %div3A : vector<2048x128xi32>
    %sign3A = arith.constant 0 : i32
    %sign3A_5 = vector.broadcast %sign3A : i32 to vector<2048x128xi32>
    %sign3A_6 = arith.cmpi sgt, %iota3A, %sign3A_5 : vector<2048x128xi32>
    %sign3A_7 = arith.extui %sign3A_6 : vector<2048x128xi1> to vector<2048x128xi32>
    %sign3A_8 = arith.constant 0 : i32
    %sign3A_9 = vector.broadcast %sign3A_8 : i32 to vector<2048x128xi32>
    %sign3A_10 = arith.cmpi slt, %iota3A, %sign3A_9 : vector<2048x128xi32>
    %sign3A_11 = arith.extui %sign3A_10 : vector<2048x128xi1> to vector<2048x128xi32>
    %sign3A_12 = arith.subi %sign3A_7, %sign3A_11 : vector<2048x128xi32>
    %sign3A_13 = arith.constant 0 : i32
    %sign3A_14 = arith.cmpi sgt, %jit3A, %sign3A_13 : i32
    %sign3A_15 = arith.extui %sign3A_14 : i1 to i32
    %sign3A_16 = arith.constant 0 : i32
    %sign3A_17 = arith.cmpi slt, %jit3A, %sign3A_16 : i32
    %sign3A_18 = arith.extui %sign3A_17 : i1 to i32
    %sign3A_19 = arith.subi %sign3A_15, %sign3A_18 : i32
    %ne3A = vector.broadcast %sign3A_19 : i32 to vector<2048x128xi32>
    %ne3A_20 = arith.cmpi ne, %sign3A_12, %ne3A : vector<2048x128xi32>
    %rem3A = vector.broadcast %jit3A : i32 to vector<2048x128xi32>
    %rem3A_21 = arith.remsi %iota3A, %rem3A : vector<2048x128xi32>
    %ne3A_22 = arith.constant 0 : i32
    %ne3A_23 = vector.broadcast %ne3A_22 : i32 to vector<2048x128xi32>
    %ne3A_24 = arith.cmpi ne, %rem3A_21, %ne3A_23 : vector<2048x128xi32>
    %and3A = arith.andi %ne3A_20, %ne3A_24 : vector<2048x128xi1>
    %sub3A = arith.constant 1 : i32
    %sub3A_25 = vector.broadcast %sub3A : i32 to vector<2048x128xi32>
    %sub3A_26 = arith.subi %div3A_4, %sub3A_25 : vector<2048x128xi32>
    %select_n3A = arith.select %and3A, %sub3A_26, %div3A_4 : vector<2048x128xi1>, vector<2048x128xi32>
    %eq3A = arith.constant 0 : i32
    %eq3A_27 = vector.broadcast %eq3A : i32 to vector<2048x128xi32>
    %eq3A_28 = arith.cmpi eq, %select_n3A, %eq3A_27 : vector<2048x128xi32>
    %slice3A = vector.extract_strided_slice %transpose3A {offsets = [0, 0], sizes = [2048, 1], strides = [1, 1]} : vector<2048x4xf32> to vector<2048x1xf32>
    %eq3A_29 = arith.constant 1 : i32
    %eq3A_30 = vector.broadcast %eq3A_29 : i32 to vector<2048x128xi32>
    %eq3A_31 = arith.cmpi eq, %select_n3A, %eq3A_30 : vector<2048x128xi32>
    %slice3A_32 = vector.extract_strided_slice %transpose3A {offsets = [0, 1], sizes = [2048, 1], strides = [1, 1]} : vector<2048x4xf32> to vector<2048x1xf32>
    %eq3A_33 = arith.constant 2 : i32
    %eq3A_34 = vector.broadcast %eq3A_33 : i32 to vector<2048x128xi32>
    %eq3A_35 = arith.cmpi eq, %select_n3A, %eq3A_34 : vector<2048x128xi32>
    %slice3A_36 = vector.extract_strided_slice %transpose3A {offsets = [0, 2], sizes = [2048, 1], strides = [1, 1]} : vector<2048x4xf32> to vector<2048x1xf32>
    %slice3A_37 = vector.extract_strided_slice %transpose3A {offsets = [0, 3], sizes = [2048, 1], strides = [1, 1]} : vector<2048x4xf32> to vector<2048x1xf32>
    %broadcast_in_dim3A = vector.shape_cast %slice3A_36 : vector<2048x1xf32> to vector<2048x1xf32>
    %broadcast_in_dim3A_38 = vector.broadcast %broadcast_in_dim3A : vector<2048x1xf32> to vector<2048x128xf32>
    %broadcast_in_dim3A_39 = vector.shape_cast %slice3A_37 : vector<2048x1xf32> to vector<2048x1xf32>
    %broadcast_in_dim3A_40 = vector.broadcast %broadcast_in_dim3A_39 : vector<2048x1xf32> to vector<2048x128xf32>
    %select_n3A_41 = arith.select %eq3A_35, %broadcast_in_dim3A_38, %broadcast_in_dim3A_40 : vector<2048x128xi1>, vector<2048x128xf32>
    %broadcast_in_dim3A_42 = vector.shape_cast %slice3A_32 : vector<2048x1xf32> to vector<2048x1xf32>
    %broadcast_in_dim3A_43 = vector.broadcast %broadcast_in_dim3A_42 : vector<2048x1xf32> to vector<2048x128xf32>
    %select_n3A_44 = arith.select %eq3A_31, %broadcast_in_dim3A_43, %select_n3A_41 : vector<2048x128xi1>, vector<2048x128xf32>
    %broadcast_in_dim3A_45 = vector.shape_cast %slice3A : vector<2048x1xf32> to vector<2048x1xf32>
    %broadcast_in_dim3A_46 = vector.broadcast %broadcast_in_dim3A_45 : vector<2048x1xf32> to vector<2048x128xf32>
    %select_n3A_47 = arith.select %eq3A_28, %broadcast_in_dim3A_46, %select_n3A_44 : vector<2048x128xi1>, vector<2048x128xf32>
    %get3A_48 = arith.constant 0 : index
    %get3A_49 = arith.constant 0 : index
    %get3A_50 = vector.load %arg4[%get3A_48, %get3A_49] : memref<1x128xf32, #tpu.memory_space<vmem>>, vector<1x128xf32>
    %mul3A = vector.broadcast %get3A_50 : vector<1x128xf32> to vector<2048x128xf32>
    %mul3A_51 = arith.mulf %select_n3A_47, %mul3A : vector<2048x128xf32>
    %get3A_52 = arith.constant 0 : index
    %get3A_53 = arith.constant 0 : index
    %get3A_54 = vector.load %arg5[%get3A_52, %get3A_53] : memref<256x512xf32, #tpu.memory_space<vmem>>, vector<256x512xf32>
    %sin3A = math.sin %mul3A_51 : vector<2048x128xf32>
    %slice3A_55 = vector.extract_strided_slice %get3A_54 {offsets = [0, 0], sizes = [128, 512], strides = [1, 1]} : vector<256x512xf32> to vector<128x512xf32>
    %dot_general3A = arith.constant dense<0.000000e+00> : vector<2048x512xf32>
    %dot_general3A_56 = tpu.matmul %sin3A, %slice3A_55, %dot_general3A {dimension_numbers = #tpu.dot_dimension_numbers<[1], [0], [0], [1], [0, 0, 1, 1], [], []>, transpose_lhs_hint = false} : vector<2048x128xf32>, vector<128x512xf32>, vector<2048x512xf32> -> vector<2048x512xf32>
    %cos3A = math.cos %mul3A_51 : vector<2048x128xf32>
    %slice3A_57 = vector.extract_strided_slice %get3A_54 {offsets = [128, 0], sizes = [128, 512], strides = [1, 1]} : vector<256x512xf32> to vector<128x512xf32>
    %dot_general3A_58 = arith.constant dense<0.000000e+00> : vector<2048x512xf32>
    %dot_general3A_59 = tpu.matmul %cos3A, %slice3A_57, %dot_general3A_58 {dimension_numbers = #tpu.dot_dimension_numbers<[1], [0], [0], [1], [0, 0, 1, 1], [], []>, transpose_lhs_hint = false} : vector<2048x128xf32>, vector<128x512xf32>, vector<2048x512xf32> -> vector<2048x512xf32>
    %add3A = arith.addf %dot_general3A_56, %dot_general3A_59 : vector<2048x512xf32>
    %slice3A_60 = vector.extract_strided_slice %add3A {offsets = [0, 0], sizes = [2048, 128], strides = [1, 1]} : vector<2048x512xf32> to vector<2048x128xf32>
    %slice3A_61 = vector.extract_strided_slice %add3A {offsets = [0, 128], sizes = [2048, 128], strides = [1, 1]} : vector<2048x512xf32> to vector<2048x128xf32>
    %slice3A_62 = vector.extract_strided_slice %add3A {offsets = [0, 256], sizes = [2048, 128], strides = [1, 1]} : vector<2048x512xf32> to vector<2048x128xf32>
    %slice3A_63 = vector.extract_strided_slice %add3A {offsets = [0, 384], sizes = [2048, 128], strides = [1, 1]} : vector<2048x512xf32> to vector<2048x128xf32>
    %concatenate3A = tpu.concatenate %slice3A_60, %slice3A_61, %slice3A_62, %slice3A_63 in 0 : vector<2048x128xf32>, vector<2048x128xf32>, vector<2048x128xf32>, vector<2048x128xf32> -> vector<8192x128xf32>
    %get3A_64 = arith.constant 0 : index
    %get3A_65 = arith.constant 0 : index
    %get3A_66 = vector.load %arg6[%get3A_64, %get3A_65] : memref<1x128xf32, #tpu.memory_space<vmem>>, vector<1x128xf32>
    %add3A_67 = vector.broadcast %get3A_66 : vector<1x128xf32> to vector<8192x128xf32>
    %add3A_68 = arith.addf %concatenate3A, %add3A_67 : vector<8192x128xf32>
    %get3A_69 = arith.constant 0 : index
    %get3A_70 = arith.constant 0 : index
    %get3A_71 = vector.load %arg3[%get3A_69, %get3A_70] : memref<8192x128xf32, #tpu.memory_space<vmem>>, vector<8192x128xf32>
    %add3A_72 = arith.addf %add3A_68, %get3A_71 : vector<8192x128xf32>
    %swap3A = arith.constant 0 : index
    %swap3A_73 = arith.constant 0 : index
    %swap3A_74 = vector.load %arg7[%swap3A, %swap3A_73] : memref<8192x128xf32, #tpu.memory_space<vmem>>, vector<8192x128xf32>
    tpu.vector_store %arg7[%swap3A, %swap3A_73], %add3A_72 {strides = array<i32>} : memref<8192x128xf32, #tpu.memory_space<vmem>>, vector<8192x128xf32>,
    return
  }
  func.func @transform_1(%arg0: i32) -> (i32, i32, i32) {
    %add3A = arith.constant 10 : i32
    %add3A_0 = arith.addi %arg0, %add3A : i32
    %c0_i32 = arith.constant 0 : i32
    %c0_i32_1 = arith.constant 0 : i32
    %c0_i32_2 = arith.constant 0 : i32
    return %add3A_0, %c0_i32, %c0_i32_1 : i32, i32, i32
  }
  func.func @transform_2(%arg0: i32) -> (i32, i32) {
    %c0_i32 = arith.constant 0 : i32
    %c0_i32_0 = arith.constant 0 : i32
    return %arg0, %c0_i32 : i32, i32
  }
  func.func @transform_3(%arg0: i32) -> (i32, i32) {
    %c0_i32 = arith.constant 0 : i32
    %c0_i32_0 = arith.constant 0 : i32
    %c0_i32_1 = arith.constant 0 : i32
    return %c0_i32, %c0_i32_0 : i32, i32
  }
  func.func @transform_4(%arg0: i32) -> (i32, i32) {
    %c0_i32 = arith.constant 0 : i32
    %c0_i32_0 = arith.constant 0 : i32
    %c0_i32_1 = arith.constant 0 : i32
    return %c0_i32, %c0_i32_0 : i32, i32
  }
  func.func @transform_5(%arg0: i32) -> (i32, i32) {
    %c0_i32 = arith.constant 0 : i32
    %c0_i32_0 = arith.constant 0 : i32
    %c0_i32_1 = arith.constant 0 : i32
    return %c0_i32, %c0_i32_0 : i32, i32
  }
  func.func @transform_6(%arg0: i32) -> (i32, i32) {
    %add3A = arith.constant 10 : i32
    %add3A_0 = arith.addi %arg0, %add3A : i32
    %c0_i32 = arith.constant 0 : i32
    %c0_i32_1 = arith.constant 0 : i32
    return %add3A_0, %c0_i32 : i32, i32
  }
}

module attributes {stable_mosaic.version = 14 : i64} {
  func.func @_tc_body_chained(%arg0: i32, %arg1: memref<204800x128xf32, #tpu.memory_space<hbm>>, %arg2: memref<1x4x2048xf32, #tpu.memory_space<vmem>>, %arg3: memref<8192x128xf32, #tpu.memory_space<vmem>>, %arg4: memref<1x128xf32, #tpu.memory_space<vmem>>, %arg5: memref<256x512xf32, #tpu.memory_space<vmem>>, %arg6: memref<1x128xf32, #tpu.memory_space<vmem>>, %arg7: memref<8192x128xf32, #tpu.memory_space<vmem>>) attributes {dimension_semantics = [#tpu.dimension_semantics<arbitrary>], iteration_bounds = array<i64: 5>, scalar_prefetch = 0 : i64, scratch_operands = 0 : i64, tpu.core_type = #tpu.core_type<tc>, window_params = [{}, {transform_indices = @transform_1, window_bounds = array<i64: 1, 4, 2048>}, {transform_indices = @transform_2, window_bounds = array<i64: 8192, 128>}, {pipeline_mode = #tpu.pipeline_mode<synchronous>, transform_indices = @transform_3, window_bounds = array<i64: 1, 128>}, {pipeline_mode = #tpu.pipeline_mode<synchronous>, transform_indices = @transform_4, window_bounds = array<i64: 256, 512>}, {pipeline_mode = #tpu.pipeline_mode<synchronous>, transform_indices = @transform_5, window_bounds = array<i64: 1, 128>}, {transform_indices = @transform_6, window_bounds = array<i64: 8192, 128>}]} {
    %get3A = arith.constant 0 : index
    %get3A_0 = arith.constant 0 : index
    %get3A_1 = arith.constant 0 : index
    %get3A_2 = vector.load %arg2[%get3A, %get3A_0, %get3A_1] : memref<1x4x2048xf32, #tpu.memory_space<vmem>>, vector<1x4x2048xf32>
    %get3A_3 = vector.shape_cast %get3A_2 : vector<1x4x2048xf32> to vector<4x2048xf32>
    %transpose3A = tpu.transpose %get3A_3, [1, 0] : vector<4x2048xf32> -> vector<2048x4xf32>
    %iota3A = tpu.iota {dimensions = array<i32: 1>} : vector<2048x128xi32>
    %jit3A = arith.constant 32 : i32
    %div3A = vector.broadcast %jit3A : i32 to vector<2048x128xi32>
    %div3A_4 = arith.divsi %iota3A, %div3A : vector<2048x128xi32>
    %sign3A = arith.constant 0 : i32
    %sign3A_5 = vector.broadcast %sign3A : i32 to vector<2048x128xi32>
    %sign3A_6 = arith.cmpi sgt, %iota3A, %sign3A_5 : vector<2048x128xi32>
    %sign3A_7 = arith.extui %sign3A_6 : vector<2048x128xi1> to vector<2048x128xi32>
    %sign3A_8 = arith.constant 0 : i32
    %sign3A_9 = vector.broadcast %sign3A_8 : i32 to vector<2048x128xi32>
    %sign3A_10 = arith.cmpi slt, %iota3A, %sign3A_9 : vector<2048x128xi32>
    %sign3A_11 = arith.extui %sign3A_10 : vector<2048x128xi1> to vector<2048x128xi32>
    %sign3A_12 = arith.subi %sign3A_7, %sign3A_11 : vector<2048x128xi32>
    %sign3A_13 = arith.constant 0 : i32
    %sign3A_14 = arith.cmpi sgt, %jit3A, %sign3A_13 : i32
    %sign3A_15 = arith.extui %sign3A_14 : i1 to i32
    %sign3A_16 = arith.constant 0 : i32
    %sign3A_17 = arith.cmpi slt, %jit3A, %sign3A_16 : i32
    %sign3A_18 = arith.extui %sign3A_17 : i1 to i32
    %sign3A_19 = arith.subi %sign3A_15, %sign3A_18 : i32
    %ne3A = vector.broadcast %sign3A_19 : i32 to vector<2048x128xi32>
    %ne3A_20 = arith.cmpi ne, %sign3A_12, %ne3A : vector<2048x128xi32>
    %rem3A = vector.broadcast %jit3A : i32 to vector<2048x128xi32>
    %rem3A_21 = arith.remsi %iota3A, %rem3A : vector<2048x128xi32>
    %ne3A_22 = arith.constant 0 : i32
    %ne3A_23 = vector.broadcast %ne3A_22 : i32 to vector<2048x128xi32>
    %ne3A_24 = arith.cmpi ne, %rem3A_21, %ne3A_23 : vector<2048x128xi32>
    %and3A = arith.andi %ne3A_20, %ne3A_24 : vector<2048x128xi1>
    %sub3A = arith.constant 1 : i32
    %sub3A_25 = vector.broadcast %sub3A : i32 to vector<2048x128xi32>
    %sub3A_26 = arith.subi %div3A_4, %sub3A_25 : vector<2048x128xi32>
    %select_n3A = arith.select %and3A, %sub3A_26, %div3A_4 : vector<2048x128xi1>, vector<2048x128xi32>
    %eq3A = arith.constant 0 : i32
    %eq3A_27 = vector.broadcast %eq3A : i32 to vector<2048x128xi32>
    %eq3A_28 = arith.cmpi eq, %select_n3A, %eq3A_27 : vector<2048x128xi32>
    %slice3A = vector.extract_strided_slice %transpose3A {offsets = [0, 0], sizes = [2048, 1], strides = [1, 1]} : vector<2048x4xf32> to vector<2048x1xf32>
    %eq3A_29 = arith.constant 1 : i32
    %eq3A_30 = vector.broadcast %eq3A_29 : i32 to vector<2048x128xi32>
    %eq3A_31 = arith.cmpi eq, %select_n3A, %eq3A_30 : vector<2048x128xi32>
    %slice3A_32 = vector.extract_strided_slice %transpose3A {offsets = [0, 1], sizes = [2048, 1], strides = [1, 1]} : vector<2048x4xf32> to vector<2048x1xf32>
    %eq3A_33 = arith.constant 2 : i32
    %eq3A_34 = vector.broadcast %eq3A_33 : i32 to vector<2048x128xi32>
    %eq3A_35 = arith.cmpi eq, %select_n3A, %eq3A_34 : vector<2048x128xi32>
    %slice3A_36 = vector.extract_strided_slice %transpose3A {offsets = [0, 2], sizes = [2048, 1], strides = [1, 1]} : vector<2048x4xf32> to vector<2048x1xf32>
    %slice3A_37 = vector.extract_strided_slice %transpose3A {offsets = [0, 3], sizes = [2048, 1], strides = [1, 1]} : vector<2048x4xf32> to vector<2048x1xf32>
    %broadcast_in_dim3A = vector.shape_cast %slice3A_36 : vector<2048x1xf32> to vector<2048x1xf32>
    %broadcast_in_dim3A_38 = vector.broadcast %broadcast_in_dim3A : vector<2048x1xf32> to vector<2048x128xf32>
    %broadcast_in_dim3A_39 = vector.shape_cast %slice3A_37 : vector<2048x1xf32> to vector<2048x1xf32>
    %broadcast_in_dim3A_40 = vector.broadcast %broadcast_in_dim3A_39 : vector<2048x1xf32> to vector<2048x128xf32>
    %select_n3A_41 = arith.select %eq3A_35, %broadcast_in_dim3A_38, %broadcast_in_dim3A_40 : vector<2048x128xi1>, vector<2048x128xf32>
    %broadcast_in_dim3A_42 = vector.shape_cast %slice3A_32 : vector<2048x1xf32> to vector<2048x1xf32>
    %broadcast_in_dim3A_43 = vector.broadcast %broadcast_in_dim3A_42 : vector<2048x1xf32> to vector<2048x128xf32>
    %select_n3A_44 = arith.select %eq3A_31, %broadcast_in_dim3A_43, %select_n3A_41 : vector<2048x128xi1>, vector<2048x128xf32>
    %broadcast_in_dim3A_45 = vector.shape_cast %slice3A : vector<2048x1xf32> to vector<2048x1xf32>
    %broadcast_in_dim3A_46 = vector.broadcast %broadcast_in_dim3A_45 : vector<2048x1xf32> to vector<2048x128xf32>
    %select_n3A_47 = arith.select %eq3A_28, %broadcast_in_dim3A_46, %select_n3A_44 : vector<2048x128xi1>, vector<2048x128xf32>
    %get3A_48 = arith.constant 0 : index
    %get3A_49 = arith.constant 0 : index
    %get3A_50 = vector.load %arg4[%get3A_48, %get3A_49] : memref<1x128xf32, #tpu.memory_space<vmem>>, vector<1x128xf32>
    %mul3A = vector.broadcast %get3A_50 : vector<1x128xf32> to vector<2048x128xf32>
    %mul3A_51 = arith.mulf %select_n3A_47, %mul3A : vector<2048x128xf32>
    %get3A_52 = arith.constant 0 : index
    %get3A_53 = arith.constant 0 : index
    %get3A_54 = vector.load %arg5[%get3A_52, %get3A_53] : memref<256x512xf32, #tpu.memory_space<vmem>>, vector<256x512xf32>
    %sin3A = math.sin %mul3A_51 : vector<2048x128xf32>
    %slice3A_55 = vector.extract_strided_slice %get3A_54 {offsets = [0, 0], sizes = [128, 512], strides = [1, 1]} : vector<256x512xf32> to vector<128x512xf32>
    %dot_general3A = arith.constant dense<0.000000e+00> : vector<2048x512xf32>
    %dot_general3A_56 = tpu.matmul %sin3A, %slice3A_55, %dot_general3A {dimension_numbers = #tpu.dot_dimension_numbers<[1], [0], [0], [1], [0, 0, 1, 1], [], []>, transpose_lhs_hint = false} : vector<2048x128xf32>, vector<128x512xf32>, vector<2048x512xf32> -> vector<2048x512xf32>
    %cos3A = math.cos %mul3A_51 : vector<2048x128xf32>
    %slice3A_57 = vector.extract_strided_slice %get3A_54 {offsets = [128, 0], sizes = [128, 512], strides = [1, 1]} : vector<256x512xf32> to vector<128x512xf32>
    %dot_general3A_58 = arith.constant dense<0.000000e+00> : vector<2048x512xf32>
    %dot_general3A_59 = tpu.matmul %cos3A, %slice3A_57, %dot_general3A_58 {dimension_numbers = #tpu.dot_dimension_numbers<[1], [0], [0], [1], [0, 0, 1, 1], [], []>, transpose_lhs_hint = false} : vector<2048x128xf32>, vector<128x512xf32>, vector<2048x512xf32> -> vector<2048x512xf32>
    %add3A = arith.addf %dot_general3A_56, %dot_general3A_59 : vector<2048x512xf32>
    %slice3A_60 = vector.extract_strided_slice %add3A {offsets = [0, 0], sizes = [2048, 128], strides = [1, 1]} : vector<2048x512xf32> to vector<2048x128xf32>
    %slice3A_61 = vector.extract_strided_slice %add3A {offsets = [0, 128], sizes = [2048, 128], strides = [1, 1]} : vector<2048x512xf32> to vector<2048x128xf32>
    %slice3A_62 = vector.extract_strided_slice %add3A {offsets = [0, 256], sizes = [2048, 128], strides = [1, 1]} : vector<2048x512xf32> to vector<2048x128xf32>
    %slice3A_63 = vector.extract_strided_slice %add3A {offsets = [0, 384], sizes = [2048, 128], strides = [1, 1]} : vector<2048x512xf32> to vector<2048x128xf32>
    %concatenate3A = tpu.concatenate %slice3A_60, %slice3A_61, %slice3A_62, %slice3A_63 in 0 : vector<2048x128xf32>, vector<2048x128xf32>, vector<2048x128xf32>, vector<2048x128xf32> -> vector<8192x128xf32>
    %get3A_64 = arith.constant 0 : index
    %get3A_65 = arith.constant 0 : index
    %get3A_66 = vector.load %arg6[%get3A_64, %get3A_65] : memref<1x128xf32, #tpu.memory_space<vmem>>, vector<1x128xf32>
    %add3A_67 = vector.broadcast %get3A_66 : vector<1x128xf32> to vector<8192x128xf32>
    %add3A_68 = arith.addf %concatenate3A, %add3A_67 : vector<8192x128xf32>
    %get3A_69 = arith.constant 0 : index
    %get3A_70 = arith.constant 0 : index
    %get3A_71 = vector.load %arg3[%get3A_69, %get3A_70] : memref<8192x128xf32, #tpu.memory_space<vmem>>, vector<8192x128xf32>
    %add3A_72 = arith.addf %add3A_68, %get3A_71 : vector<8192x128xf32>
    %swap3A = arith.constant 0 : index
    %swap3A_73 = arith.constant 0 : index
    %swap3A_74 = vector.load %arg7[%swap3A, %swap3A_73] : memref<8192x128xf32, #tpu.memory_space<vmem>>, vector<8192x128xf32>
    tpu.vector_store %arg7[%swap3A, %swap3A_73], %add3A_72 {strides = array<i32>} : memref<8192x128xf32, #tpu.memory_space<vmem>>, vector<8192x128xf32>,
    return
  }
  func.func @transform_1(%arg0: i32) -> (i32, i32, i32) {
    %add3A = arith.constant 15 : i32
    %add3A_0 = arith.addi %arg0, %add3A : i32
    %c0_i32 = arith.constant 0 : i32
    %c0_i32_1 = arith.constant 0 : i32
    %c0_i32_2 = arith.constant 0 : i32
    return %add3A_0, %c0_i32, %c0_i32_1 : i32, i32, i32
  }
  func.func @transform_2(%arg0: i32) -> (i32, i32) {
    %c0_i32 = arith.constant 0 : i32
    %c0_i32_0 = arith.constant 0 : i32
    return %arg0, %c0_i32 : i32, i32
  }
  func.func @transform_3(%arg0: i32) -> (i32, i32) {
    %c0_i32 = arith.constant 0 : i32
    %c0_i32_0 = arith.constant 0 : i32
    %c0_i32_1 = arith.constant 0 : i32
    return %c0_i32, %c0_i32_0 : i32, i32
  }
  func.func @transform_4(%arg0: i32) -> (i32, i32) {
    %c0_i32 = arith.constant 0 : i32
    %c0_i32_0 = arith.constant 0 : i32
    %c0_i32_1 = arith.constant 0 : i32
    return %c0_i32, %c0_i32_0 : i32, i32
  }
  func.func @transform_5(%arg0: i32) -> (i32, i32) {
    %c0_i32 = arith.constant 0 : i32
    %c0_i32_0 = arith.constant 0 : i32
    %c0_i32_1 = arith.constant 0 : i32
    return %c0_i32, %c0_i32_0 : i32, i32
  }
  func.func @transform_6(%arg0: i32) -> (i32, i32) {
    %add3A = arith.constant 15 : i32
    %add3A_0 = arith.addi %arg0, %add3A : i32
    %c0_i32 = arith.constant 0 : i32
    %c0_i32_1 = arith.constant 0 : i32
    return %add3A_0, %c0_i32 : i32, i32
  }
}

module attributes {stable_mosaic.version = 14 : i64} {
  func.func @_tc_body_chained(%arg0: i32, %arg1: memref<204800x128xf32, #tpu.memory_space<hbm>>, %arg2: memref<1x4x2048xf32, #tpu.memory_space<vmem>>, %arg3: memref<8192x128xf32, #tpu.memory_space<vmem>>, %arg4: memref<1x128xf32, #tpu.memory_space<vmem>>, %arg5: memref<256x512xf32, #tpu.memory_space<vmem>>, %arg6: memref<1x128xf32, #tpu.memory_space<vmem>>, %arg7: memref<8192x128xf32, #tpu.memory_space<vmem>>) attributes {dimension_semantics = [#tpu.dimension_semantics<arbitrary>], iteration_bounds = array<i64: 5>, scalar_prefetch = 0 : i64, scratch_operands = 0 : i64, tpu.core_type = #tpu.core_type<tc>, window_params = [{}, {transform_indices = @transform_1, window_bounds = array<i64: 1, 4, 2048>}, {transform_indices = @transform_2, window_bounds = array<i64: 8192, 128>}, {pipeline_mode = #tpu.pipeline_mode<synchronous>, transform_indices = @transform_3, window_bounds = array<i64: 1, 128>}, {pipeline_mode = #tpu.pipeline_mode<synchronous>, transform_indices = @transform_4, window_bounds = array<i64: 256, 512>}, {pipeline_mode = #tpu.pipeline_mode<synchronous>, transform_indices = @transform_5, window_bounds = array<i64: 1, 128>}, {transform_indices = @transform_6, window_bounds = array<i64: 8192, 128>}]} {
    %get3A = arith.constant 0 : index
    %get3A_0 = arith.constant 0 : index
    %get3A_1 = arith.constant 0 : index
    %get3A_2 = vector.load %arg2[%get3A, %get3A_0, %get3A_1] : memref<1x4x2048xf32, #tpu.memory_space<vmem>>, vector<1x4x2048xf32>
    %get3A_3 = vector.shape_cast %get3A_2 : vector<1x4x2048xf32> to vector<4x2048xf32>
    %transpose3A = tpu.transpose %get3A_3, [1, 0] : vector<4x2048xf32> -> vector<2048x4xf32>
    %iota3A = tpu.iota {dimensions = array<i32: 1>} : vector<2048x128xi32>
    %jit3A = arith.constant 32 : i32
    %div3A = vector.broadcast %jit3A : i32 to vector<2048x128xi32>
    %div3A_4 = arith.divsi %iota3A, %div3A : vector<2048x128xi32>
    %sign3A = arith.constant 0 : i32
    %sign3A_5 = vector.broadcast %sign3A : i32 to vector<2048x128xi32>
    %sign3A_6 = arith.cmpi sgt, %iota3A, %sign3A_5 : vector<2048x128xi32>
    %sign3A_7 = arith.extui %sign3A_6 : vector<2048x128xi1> to vector<2048x128xi32>
    %sign3A_8 = arith.constant 0 : i32
    %sign3A_9 = vector.broadcast %sign3A_8 : i32 to vector<2048x128xi32>
    %sign3A_10 = arith.cmpi slt, %iota3A, %sign3A_9 : vector<2048x128xi32>
    %sign3A_11 = arith.extui %sign3A_10 : vector<2048x128xi1> to vector<2048x128xi32>
    %sign3A_12 = arith.subi %sign3A_7, %sign3A_11 : vector<2048x128xi32>
    %sign3A_13 = arith.constant 0 : i32
    %sign3A_14 = arith.cmpi sgt, %jit3A, %sign3A_13 : i32
    %sign3A_15 = arith.extui %sign3A_14 : i1 to i32
    %sign3A_16 = arith.constant 0 : i32
    %sign3A_17 = arith.cmpi slt, %jit3A, %sign3A_16 : i32
    %sign3A_18 = arith.extui %sign3A_17 : i1 to i32
    %sign3A_19 = arith.subi %sign3A_15, %sign3A_18 : i32
    %ne3A = vector.broadcast %sign3A_19 : i32 to vector<2048x128xi32>
    %ne3A_20 = arith.cmpi ne, %sign3A_12, %ne3A : vector<2048x128xi32>
    %rem3A = vector.broadcast %jit3A : i32 to vector<2048x128xi32>
    %rem3A_21 = arith.remsi %iota3A, %rem3A : vector<2048x128xi32>
    %ne3A_22 = arith.constant 0 : i32
    %ne3A_23 = vector.broadcast %ne3A_22 : i32 to vector<2048x128xi32>
    %ne3A_24 = arith.cmpi ne, %rem3A_21, %ne3A_23 : vector<2048x128xi32>
    %and3A = arith.andi %ne3A_20, %ne3A_24 : vector<2048x128xi1>
    %sub3A = arith.constant 1 : i32
    %sub3A_25 = vector.broadcast %sub3A : i32 to vector<2048x128xi32>
    %sub3A_26 = arith.subi %div3A_4, %sub3A_25 : vector<2048x128xi32>
    %select_n3A = arith.select %and3A, %sub3A_26, %div3A_4 : vector<2048x128xi1>, vector<2048x128xi32>
    %eq3A = arith.constant 0 : i32
    %eq3A_27 = vector.broadcast %eq3A : i32 to vector<2048x128xi32>
    %eq3A_28 = arith.cmpi eq, %select_n3A, %eq3A_27 : vector<2048x128xi32>
    %slice3A = vector.extract_strided_slice %transpose3A {offsets = [0, 0], sizes = [2048, 1], strides = [1, 1]} : vector<2048x4xf32> to vector<2048x1xf32>
    %eq3A_29 = arith.constant 1 : i32
    %eq3A_30 = vector.broadcast %eq3A_29 : i32 to vector<2048x128xi32>
    %eq3A_31 = arith.cmpi eq, %select_n3A, %eq3A_30 : vector<2048x128xi32>
    %slice3A_32 = vector.extract_strided_slice %transpose3A {offsets = [0, 1], sizes = [2048, 1], strides = [1, 1]} : vector<2048x4xf32> to vector<2048x1xf32>
    %eq3A_33 = arith.constant 2 : i32
    %eq3A_34 = vector.broadcast %eq3A_33 : i32 to vector<2048x128xi32>
    %eq3A_35 = arith.cmpi eq, %select_n3A, %eq3A_34 : vector<2048x128xi32>
    %slice3A_36 = vector.extract_strided_slice %transpose3A {offsets = [0, 2], sizes = [2048, 1], strides = [1, 1]} : vector<2048x4xf32> to vector<2048x1xf32>
    %slice3A_37 = vector.extract_strided_slice %transpose3A {offsets = [0, 3], sizes = [2048, 1], strides = [1, 1]} : vector<2048x4xf32> to vector<2048x1xf32>
    %broadcast_in_dim3A = vector.shape_cast %slice3A_36 : vector<2048x1xf32> to vector<2048x1xf32>
    %broadcast_in_dim3A_38 = vector.broadcast %broadcast_in_dim3A : vector<2048x1xf32> to vector<2048x128xf32>
    %broadcast_in_dim3A_39 = vector.shape_cast %slice3A_37 : vector<2048x1xf32> to vector<2048x1xf32>
    %broadcast_in_dim3A_40 = vector.broadcast %broadcast_in_dim3A_39 : vector<2048x1xf32> to vector<2048x128xf32>
    %select_n3A_41 = arith.select %eq3A_35, %broadcast_in_dim3A_38, %broadcast_in_dim3A_40 : vector<2048x128xi1>, vector<2048x128xf32>
    %broadcast_in_dim3A_42 = vector.shape_cast %slice3A_32 : vector<2048x1xf32> to vector<2048x1xf32>
    %broadcast_in_dim3A_43 = vector.broadcast %broadcast_in_dim3A_42 : vector<2048x1xf32> to vector<2048x128xf32>
    %select_n3A_44 = arith.select %eq3A_31, %broadcast_in_dim3A_43, %select_n3A_41 : vector<2048x128xi1>, vector<2048x128xf32>
    %broadcast_in_dim3A_45 = vector.shape_cast %slice3A : vector<2048x1xf32> to vector<2048x1xf32>
    %broadcast_in_dim3A_46 = vector.broadcast %broadcast_in_dim3A_45 : vector<2048x1xf32> to vector<2048x128xf32>
    %select_n3A_47 = arith.select %eq3A_28, %broadcast_in_dim3A_46, %select_n3A_44 : vector<2048x128xi1>, vector<2048x128xf32>
    %get3A_48 = arith.constant 0 : index
    %get3A_49 = arith.constant 0 : index
    %get3A_50 = vector.load %arg4[%get3A_48, %get3A_49] : memref<1x128xf32, #tpu.memory_space<vmem>>, vector<1x128xf32>
    %mul3A = vector.broadcast %get3A_50 : vector<1x128xf32> to vector<2048x128xf32>
    %mul3A_51 = arith.mulf %select_n3A_47, %mul3A : vector<2048x128xf32>
    %get3A_52 = arith.constant 0 : index
    %get3A_53 = arith.constant 0 : index
    %get3A_54 = vector.load %arg5[%get3A_52, %get3A_53] : memref<256x512xf32, #tpu.memory_space<vmem>>, vector<256x512xf32>
    %sin3A = math.sin %mul3A_51 : vector<2048x128xf32>
    %slice3A_55 = vector.extract_strided_slice %get3A_54 {offsets = [0, 0], sizes = [128, 512], strides = [1, 1]} : vector<256x512xf32> to vector<128x512xf32>
    %dot_general3A = arith.constant dense<0.000000e+00> : vector<2048x512xf32>
    %dot_general3A_56 = tpu.matmul %sin3A, %slice3A_55, %dot_general3A {dimension_numbers = #tpu.dot_dimension_numbers<[1], [0], [0], [1], [0, 0, 1, 1], [], []>, transpose_lhs_hint = false} : vector<2048x128xf32>, vector<128x512xf32>, vector<2048x512xf32> -> vector<2048x512xf32>
    %cos3A = math.cos %mul3A_51 : vector<2048x128xf32>
    %slice3A_57 = vector.extract_strided_slice %get3A_54 {offsets = [128, 0], sizes = [128, 512], strides = [1, 1]} : vector<256x512xf32> to vector<128x512xf32>
    %dot_general3A_58 = arith.constant dense<0.000000e+00> : vector<2048x512xf32>
    %dot_general3A_59 = tpu.matmul %cos3A, %slice3A_57, %dot_general3A_58 {dimension_numbers = #tpu.dot_dimension_numbers<[1], [0], [0], [1], [0, 0, 1, 1], [], []>, transpose_lhs_hint = false} : vector<2048x128xf32>, vector<128x512xf32>, vector<2048x512xf32> -> vector<2048x512xf32>
    %add3A = arith.addf %dot_general3A_56, %dot_general3A_59 : vector<2048x512xf32>
    %slice3A_60 = vector.extract_strided_slice %add3A {offsets = [0, 0], sizes = [2048, 128], strides = [1, 1]} : vector<2048x512xf32> to vector<2048x128xf32>
    %slice3A_61 = vector.extract_strided_slice %add3A {offsets = [0, 128], sizes = [2048, 128], strides = [1, 1]} : vector<2048x512xf32> to vector<2048x128xf32>
    %slice3A_62 = vector.extract_strided_slice %add3A {offsets = [0, 256], sizes = [2048, 128], strides = [1, 1]} : vector<2048x512xf32> to vector<2048x128xf32>
    %slice3A_63 = vector.extract_strided_slice %add3A {offsets = [0, 384], sizes = [2048, 128], strides = [1, 1]} : vector<2048x512xf32> to vector<2048x128xf32>
    %concatenate3A = tpu.concatenate %slice3A_60, %slice3A_61, %slice3A_62, %slice3A_63 in 0 : vector<2048x128xf32>, vector<2048x128xf32>, vector<2048x128xf32>, vector<2048x128xf32> -> vector<8192x128xf32>
    %get3A_64 = arith.constant 0 : index
    %get3A_65 = arith.constant 0 : index
    %get3A_66 = vector.load %arg6[%get3A_64, %get3A_65] : memref<1x128xf32, #tpu.memory_space<vmem>>, vector<1x128xf32>
    %add3A_67 = vector.broadcast %get3A_66 : vector<1x128xf32> to vector<8192x128xf32>
    %add3A_68 = arith.addf %concatenate3A, %add3A_67 : vector<8192x128xf32>
    %get3A_69 = arith.constant 0 : index
    %get3A_70 = arith.constant 0 : index
    %get3A_71 = vector.load %arg3[%get3A_69, %get3A_70] : memref<8192x128xf32, #tpu.memory_space<vmem>>, vector<8192x128xf32>
    %add3A_72 = arith.addf %add3A_68, %get3A_71 : vector<8192x128xf32>
    %swap3A = arith.constant 0 : index
    %swap3A_73 = arith.constant 0 : index
    %swap3A_74 = vector.load %arg7[%swap3A, %swap3A_73] : memref<8192x128xf32, #tpu.memory_space<vmem>>, vector<8192x128xf32>
    tpu.vector_store %arg7[%swap3A, %swap3A_73], %add3A_72 {strides = array<i32>} : memref<8192x128xf32, #tpu.memory_space<vmem>>, vector<8192x128xf32>,
    return
  }
  func.func @transform_1(%arg0: i32) -> (i32, i32, i32) {
    %add3A = arith.constant 20 : i32
    %add3A_0 = arith.addi %arg0, %add3A : i32
    %c0_i32 = arith.constant 0 : i32
    %c0_i32_1 = arith.constant 0 : i32
    %c0_i32_2 = arith.constant 0 : i32
    return %add3A_0, %c0_i32, %c0_i32_1 : i32, i32, i32
  }
  func.func @transform_2(%arg0: i32) -> (i32, i32) {
    %c0_i32 = arith.constant 0 : i32
    %c0_i32_0 = arith.constant 0 : i32
    return %arg0, %c0_i32 : i32, i32
  }
  func.func @transform_3(%arg0: i32) -> (i32, i32) {
    %c0_i32 = arith.constant 0 : i32
    %c0_i32_0 = arith.constant 0 : i32
    %c0_i32_1 = arith.constant 0 : i32
    return %c0_i32, %c0_i32_0 : i32, i32
  }
  func.func @transform_4(%arg0: i32) -> (i32, i32) {
    %c0_i32 = arith.constant 0 : i32
    %c0_i32_0 = arith.constant 0 : i32
    %c0_i32_1 = arith.constant 0 : i32
    return %c0_i32, %c0_i32_0 : i32, i32
  }
  func.func @transform_5(%arg0: i32) -> (i32, i32) {
    %c0_i32 = arith.constant 0 : i32
    %c0_i32_0 = arith.constant 0 : i32
    %c0_i32_1 = arith.constant 0 : i32
    return %c0_i32, %c0_i32_0 : i32, i32
  }
  func.func @transform_6(%arg0: i32) -> (i32, i32) {
    %add3A = arith.constant 20 : i32
    %add3A_0 = arith.addi %arg0, %add3A : i32
    %c0_i32 = arith.constant 0 : i32
    %c0_i32_1 = arith.constant 0 : i32
    return %add3A_0, %c0_i32 : i32, i32
  }
}

</mosaic_0001>

<sc_bundles>
// kernel: kernel.12.cloned.1.call-start
scs
__scs_entry_jumppad:
0x0: {  	(pc) =	sbr.rel $0x88, $3  }
0x1: {  	(tag) =	ssettag $0x0;
	lr =	simm.s32 $0x1  }
0x2: {  	[smem:$0x3F9C] =	sst lr;
	_ =	strace $0xD0000000  }
0x3: {  	_ = 	snop  }
0x4: {  	_ = 	snop  }
0x5: {  	_ = 	snop  }
0x6: {  	_ = 	snop  }
0x7: {  	_ = 	snop  }
__scs_overlays_trampoline_lowered:
0x8: {  	[smem:$0x3FAB] =	sst s0  }
0x9: {  	[smem:$0x3FAC] =	sst s1  }
0xa: {  	[smem:$0x3FAD] =	sst s2  }
0xb: {  	[smem:$0x3FAE] =	sst s3  }
0xc: {  	[smem:$0x3FAF] =	sst s4  }
0xd: {  	[smem:$0x3FB0] =	sst s5  }
0xe: {  	[smem:$0x3FB1] =	sst s6  }
0xf: {  	[smem:$0x3FB2] =	sst s7  }
0x10: {  	[smem:$0x3FB3] =	sst s8  }
0x11: {  	[smem:$0x3FB4] =	sst s9;
	s0 =	simm.s32 @!p0 $0x0  }
0x12: {  	s1 =	sld [smem:$0x3F9A];
	s0 =	simm.s32 @p0 $0x1  }
0x13: {  	[smem:$0x3FB5] =	sst s0;
	s0 =	simm.s32 @!p1 $0x0  }
0x14: {  	s2 =	sld [smem:$0x3F99];
	s0 =	simm.s32 @p1 $0x1  }
0x15: {  	[smem:$0x3FB6] =	sst s0;
	s0 =	simm.s32 @!p2 $0x0  }
0x16: {  	s3 =	sld [smem:$0x3FDB];
	s0 =	simm.s32 @p2 $0x1  }
0x17: {  	s4 =	simm.s32 $0x1BF5;
	[smem:$0x3FB8] =	sst s0  }
0x18: {  	s0 =	sld [smem:$0x3F9B];
	_ =	swait.ge [sflag:s4], $0x0  }
0x19: {  	s7 =	sld [smem:$0x3F9C]  }
0x1a: {  	s8 =	sadd.s32 $0xFFFFE003, lr  }
0x1b: {  	s9 =	sadd.s32 $0xFFFFFEF7, lr;
	s5 =	simm.s32 $0xFFFFFFFF;
	p2 =	slt.u32 s8, $0xFFFFF086  }
0x1c: {  	p1 =	slt.u32 s9, $0xF7A;
	s5 =	simm.s32 @!p2 $0x0  }
0x1d: {  	s5 =	simm.s32 @p1 $0x1;
	p0 =	seq.s32 s7, s2  }
0x1e: {  	s7 =	smul.u32 @!p0 $0xF7A, s2;
	p2 =	seq.s32 @!p0 s5, $0x0  }
0x1f: {  	s9 =	smul.u32 $0xF7A, s1;
	s8 =	simm.s32 @!p0 $0x1BF5;
	p2 =	por !p2, p0  }
0x20: {  	[sflag:s8] =	ssyncset.s32 @!p0 $0xFFFFF086;
	s6 =	sadd.s32 @!p0 s3, s7;
	s7 =	simm.s32 @!p0 $0x108  }
0x21: {  	s3 =	sadd.s32 s3, s9;
	s6 =	sadd.s32 @!p0 $0x88, s6;
	s7 =	simm.s32 @p2 $0x1082  }
0x22: {  	[simem:s7], [sflag:s8] =	dma.local @!p0 [hbm:s6], $0xF7A  }
0x23: {  	s9 =	sor.u32 $0xD0000000, s2;
	s6 =	simm.s32 $0x108;
	_ =	swait.ge @!p0 [sflag:s8], $0x0  }
0x24: {  	s3 =	sadd.s32 $0x88, s3;
	s6 =	simm.s32 @!p1 $0x1082;
	[sflag:s4] =	ssyncset.s32 $0xFFFFF086  }
0x25: {  	[simem:s6], [sflag:s4] =	dma.local [hbm:s3], $0xF7A  }
0x26: {  	[smem:$0x3F9C] =	sst s1;
	(tag) =	ssettag s2;
	_ =	strace s9  }
0x27: {  	s1 =	sld [smem:$0x3FAC]  }
0x28: {  	s2 =	sld [smem:$0x3FAD]  }
0x29: {  	s4 =	sld [smem:$0x3FAF]  }
0x2a: {  	p0 =	seq.s32 s5, $0x0;
	s5 =	sld [smem:$0x3FB0]  }
0x2b: {  	s6 =	sld [smem:$0x3FB1]  }
0x2c: {  	s7 =	sld [smem:$0x3FB2]  }
0x2d: {  	s3 =	simm.s32 $0x108;
	s8 =	sld [smem:$0x3FB3]  }
0x2e: {  	s3 =	simm.s32 @!p0 $0x1082;
	s9 =	sld [smem:$0x3FB4]  }
0x2f: {  	lr =	sadd.s32 s0, s3;
	s0 =	sld [smem:$0x3FAB]  }
0x30: {  	s3 =	sld [smem:$0x3FAE]  }
0x31: {  	[smem:$0x3FB7] =	sst s10  }
0x32: {  	s10 =	sld [smem:$0x3FB5];
	_ =	sdelay $0x3  }
0x33: {  	p0 =	seq.s32 s10, $0x1;
	s10 =	sld [smem:$0x3FB7];
	_ =	sdelay $0x3  }
0x34: {  	[smem:$0x3FB7] =	sst s10  }
0x35: {  	s10 =	sld [smem:$0x3FB6];
	_ =	sdelay $0x3  }
0x36: {  	p1 =	seq.s32 s10, $0x1;
	s10 =	sld [smem:$0x3FB7];
	_ =	sdelay $0x3  }
0x37: {  	[smem:$0x3FB7] =	sst s10  }
0x38: {  	s10 =	sld [smem:$0x3FB8]  }
0x39: {  	_ = 	snop;
	(pc) =	sbr.ind lr, $3  }
0x3a: {  	_ = 	snop  }
0x3b: {  	_ = 	snop  }
0x3c: {  	p2 =	seq.s32 s10, $0x1;
	s10 =	sld [smem:$0x3FB7]  }
0x3d: {  	_ =	shalt  }
0x3e: {  	_ =	shalt  }
0x3f: {  	_ =	shalt  }
0x40: {  	_ =	shalt  }
0x41: {  	_ =	shalt  }
0x42: {  	_ =	shalt  }
0x43: {  	_ =	shalt  }
0x44: {  	_ =	shalt  }
0x45: {  	_ =	shalt  }
0x46: {  	_ =	shalt  }
0x47: {  	_ =	shalt  }
0x48: {  	_ =	shalt  }
0x49: {  	_ =	shalt  }
0x4a: {  	_ =	shalt  }
0x4b: {  	_ =	shalt  }
0x4c: {  	_ =	shalt  }
0x4d: {  	_ =	shalt  }
0x4e: {  	_ =	shalt  }
0x4f: {  	_ =	shalt  }
0x50: {  	_ =	shalt  }
0x51: {  	_ =	shalt  }
0x52: {  	_ =	shalt  }
0x53: {  	_ =	shalt  }
0x54: {  	_ =	shalt  }
0x55: {  	_ =	shalt  }
0x56: {  	_ =	shalt  }
0x57: {  	_ =	shalt  }
0x58: {  	_ =	shalt  }
0x59: {  	_ =	shalt  }
0x5a: {  	_ =	shalt  }
0x5b: {  	_ =	shalt  }
0x5c: {  	_ =	shalt  }
0x5d: {  	_ =	shalt  }
0x5e: {  	_ =	shalt  }
0x5f: {  	_ =	shalt  }
0x60: {  	_ =	shalt  }
0x61: {  	_ =	shalt  }
0x62: {  	_ =	shalt  }
0x63: {  	_ =	shalt  }
0x64: {  	_ =	shalt  }
0x65: {  	_ =	shalt  }
0x66: {  	_ =	shalt  }
0x67: {  	_ =	shalt  }
0x68: {  	_ =	shalt  }
0x69: {  	_ =	shalt  }
0x6a: {  	_ =	shalt  }
0x6b: {  	_ =	shalt  }
0x6c: {  	_ =	shalt  }
0x6d: {  	_ =	shalt  }
0x6e: {  	_ =	shalt  }
0x6f: {  	_ =	shalt  }
0x70: {  	_ =	shalt  }
0x71: {  	_ =	shalt  }
0x72: {  	_ =	shalt  }
0x73: {  	_ =	shalt  }
0x74: {  	_ =	shalt  }
0x75: {  	_ =	shalt  }
0x76: {  	_ =	shalt  }
0x77: {  	_ =	shalt  }
0x78: {  	_ =	shalt  }
0x79: {  	_ =	shalt  }
0x7a: {  	_ =	shalt  }
0x7b: {  	_ =	shalt  }
0x7c: {  	_ =	shalt  }
0x7d: {  	_ =	shalt  }
0x7e: {  	_ =	shalt  }
0x7f: {  	_ =	shalt  }
0x80: {  	_ =	shalt  }
0x81: {  	_ =	shalt  }
0x82: {  	_ =	shalt  }
0x83: {  	_ =	shalt  }
0x84: {  	_ =	shalt  }
0x85: {  	_ =	shalt  }
0x86: {  	_ =	shalt  }
0x87: {  	_ =	shalt  }
.Lfunc_end0:
.L_simem_size_0:
called_computation_lowered:
.L_overlay_start_0:
0x88: {  	s2 =	sld [smem:$0x3FD9]  }
0x89: {  	s3 =	sld [smem:$0x3FFE];
	_ =	sdelay $0x1  }
0x8a: {  	s1 =	srdreg.scid  }
0x8b: {  	s0 =	sand.u32 $0x1, s1  }
0x8c: {  	s17 =	sshll.u32 s0, $0xA;
	s2 =	sadd.s32 s3, s2  }
0x8d: {  	s2 =	sadd.s32 s2, s17  }
0x8e: {  	[smem:$0x3FC3] =	sst s2  }
0x8f: {  	_ = 	snop  }
0x90: {  	s2 =	sld [smem:$0x3FC7]  }
0x91: {  	s18 =	sld [smem:$0x3FD0];
	(tm) =	ssettm $0x1  }
0x92: {  	s4 =	sld [smem:$0x3FFB];
	_ =	sdelay $0x3  }
0x93: {  	_ =	strace s4  }
0x94: {  	s4 =	sld [smem:$0x3FFC];
	_ =	sdelay $0x3  }
0x95: {  	_ =	strace s4  }
0x96: {  	s4 =	sld [smem:$0x3FFD];
	_ =	sdelay $0x3  }
0x97: {  	_ =	strace s4  }
0x98: {  	_ =	strace $0x8FFFFFFF  }
0x99: {  	s19 =	sld [smem:$0x3FDB];
	_ =	sdelay $0x1  }
0x9a: {  	s5 =	simm.s32 $_scs_section_size  }
0x9b: {  	s6 =	simm.s32 $_size__tile_overlayer_lowered;
	s7 =	simm.s32 $_tile_overlayer_lowered  }
0x9c: {  	s22 =	simm.s32 $0x1BFF;
	s21 =	sshll.u32 s7, $0x1;
	s4 =	sadd.s32 s5, s19  }
0x9d: {  	s8 =	simm.s32 $0x0;
	s20 =	sshll.u32 s6, $0x1;
	s6 =	sadd.s32 s21, s4  }
0x9e: {  	[timem:s8], [sflag:s22] =	dma.local [hbm:s6], s20  }
0x9f: {  	_ =	swait.ge [sflag:s22], s20  }
0xa0: {  	s5 =	ssub.s32 $0x0, s20;
	[sflag:s22] =	ssyncset.done $0x0  }
0xa1: {  	[sflag:s22] =	ssyncadd.s32 s5;
	_ =	sdelay $0x1  }
0xa2: {  	s23 =	simm.s32 $0x1B8B  }
0xa3: {  	_ =	swait.ge [sflag:s23], $0x1  }
0xa4: {  	[sflag:s23] =	ssyncset.done $0x0  }
0xa5: {  	s25 =	simm.s32 $0x1B8E;
	s24 =	sld [smem:$0x3FFE];
	[sflag:s23] =	ssyncadd.s32 $0xFFFFFFFF  }
0xa6: {  	s26 =	simm.s32 $execute0_lowered;
	[smem:$0x3FD2] =	sst s25  }
0xa7: {  	s6 =	sshll.u32 s26, $0x1;
	_ =	strace $0x80000046;
	[dreg:$0x1] =	wrdreg $0xFFFFFFFF  }
0xa8: {  	s28 =	simm.s32 $_size_execute0_lowered;
	s4 =	sadd.s32 s4, s6;
	[dreg:$0x0] =	wrdreg $0x0  }
0xa9: {  	s6 =	sshll.u32 s28, $0x1;
	[dreg:$0x2] =	wrdreg s4  }
0xaa: {  	[dreg:$0x3] =	wrdreg s6  }
0xab: {  	[dreg:$0x4] =	wrdreg $0xC0  }
0xac: {  	_ =	task [dreg:s8], $0x5FFFF  }
0xad: {  	[dreg:$0x1] =	wrdreg $0xFFFFFFFF  }
0xae: {  	[dreg:$0x0] =	wrdreg $0x60  }
0xaf: {  	[dreg:$0x2] =	wrdreg s24  }
0xb0: {  	[dreg:$0x3] =	wrdreg s2  }
0xb1: {  	[dreg:$0x4] =	wrdreg s18  }
0xb2: {  	[dreg:$0x5] =	wrdreg $0x9  }
0xb3: {  	_ =	task.clear_ibuf [dreg:s8], $0x6FFFF;
	_ =	strace $0x90000046  }
0xb4: {  	s29 =	simm.s32 $0x9;
	_ =	strace $0x80000048  }
0xb5: {  	_ =	swait.ge [sflag:s29], $0x1  }
0xb6: {  	[sflag:s29] =	ssyncadd.s32 $0xFFFFFFFF  }
0xb7: {  	_ =	strace $0x90000048  }
0xb8: {  	_ =	sfence  }
0xb9: {  	s30 =	sld [smem:$0x0];
	_ =	sdelay $0x2  }
0xba: {  	s31 =	sshll.u32 s1, $0xD;
	s1 =	sshrl.u32 s1, $0x2  }
0xbb: {  	s3 =	sand.u32 $0x4000, s31;
	s1 =	sadd.s32 s1, s30  }
0xbc: {  	s0 =	sor.u32 s3, s0;
	s1 =	sshll.u32 s1, $0x11  }
0xbd: {  	s0 =	sor.u32 s1, s0  }
0xbe: {  	s0 =	sadd.s32 $0x8F2B, s0  }
0xbf: {  	[sflag:s0] =	ssyncadd.remote.s32 $0x1  }
0xc0: {  	_ =	sfence.sel $0xFFFF  }
0xc1: {  	[dreg:$0x0] =	wrdreg $0xFFFFFFFF;
	(pc) =	sbr.abs _section_cstart, $3  }
0xc2: {  	[dreg:$0x1] =	wrdreg $0xFFFFFFFF  }
0xc3: {  	_ =	task.clear_ibuf [dreg:s8], $0x2FFFF;
	_ =	strace $0x9FFFFFFF  }
0xc4: {  	(tm) =	ssettm $0x7FFFFFFF  }
0xc5: {  	_ =	shalt  }
tec
execute0_lowered:
.L_overlay_start_1:
0x0: {  	(tag) =	ssettag $0x1  }
0x1: {  	s1 =	rddreg [dreg:$0x0]  }
0x2: {  	s0 =	srdreg.scid;
	s3 =	rddreg [dreg:$0x1]  }
0x3: {  	s2 =	stileid.u32;
	s5 =	rddreg [dreg:$0x2];
	s31 =	simm.s32 $0x4  }
0x4: {  	s9 =	simm.s32 $0x50;
	s11 =	simm.s32 $0x500;
	s14 =	simm.s32 $0x2D00  }
0x5: {  	s29 =	simm.s32 $0xA0;
	s30 =	simm.s32 $0xF0;
	s12 =	simm.s32 $0x7D00  }
0x6: {  	s7 =	simm.s32 $0x2;
	s28 =	simm.s32 $0x190;
	s8 =	simm.s32 $0x3  }
0x7: {  	p0 =	por $0x0, $0x0;
	s19 =	simm.s32 $0x320;
	s20 =	simm.s32 $0x370  }
0x8: {  	s17 =	simm.s32 $0x3C0;
	s0 =	sand.u32 $0x1, s0;
	s2 =	sshll.u32 s2, $0x1  }
0x9: {  	s18 =	simm.s32 $0x410;
	s15 =	simm.s32 $0x460;
	s4 =	sor.u32 s0, s2  }
0xa: {  	s2 =	simm.s32 $0x0;
	s0 =	ssub.s32 $0x2, s0;
	s6 =	smul.u32 $0xA0, s4  }
0xb: {  	s4 =	smul.u32 $0x5000, s4;
	[smem:$0x7FF] =	sst s2;
	s24 =	sshrl.u32 s0, $0x1  }
0xc: {  	s16 =	simm.s32 $0x4B0;
	_ =	strace $0x80000047;
	s0 =	ssub.s32 s0, s24  }
0xd: {  	s24 =	simm.s32 $0x1E0;
	s1 =	sadd.s32 s6, s1;
	s23 =	sadd.s32 s5, s4  }
0xe: {  	s0 =	smax.u32 s0, $0x1;
	s5 =	simm.s32 $0x1;
	s1 =	sadd.s32 $0x2800, s1  }
0xf: {  	s6 =	simm.s32 $0x5500;
	s21 =	sadd.s32 $0xA00, s23;
	[dreg:$0x4] =	wrdreg s1  }
0x10: {  	s22 =	sadd.s32 $0x1400, s23;
	p1 =	sne.s32 s0, $0x1;
	[dreg:$0x5] =	wrdreg s21  }
.Ltmp0:
0x11: {  	s25 =	sadd.s32 $0x1E00, s23;
	[dreg:$0x6] =	wrdreg s22;
	(pc) =	sbr.rel @!p1 .LBB2_3-.Ltmp0, $4  }
0x12: {  	s26 =	sadd.s32 $0x2800, s23;
	s13 =	sadd.s32 $0x3200, s23;
	[dreg:$0x7] =	wrdreg s25  }
0x13: {  	s10 =	sadd.s32 $0x3C00, s23;
	s4 =	sadd.s32 $0x4600, s23;
	[dreg:$0x8] =	wrdreg s26  }
0x14: {  	s26 =	simm.s32 $0x140;
	s25 =	simm.s32 $0x230;
	s21 =	simm.s32 $0x280  }
0x15: {  	s22 =	simm.s32 $0x2D0;
	s1 =	sadd.s32 $0xFFFFFFFF, s0;
	s0 =	rddreg [dreg:$0x4]  }
0x16: {  	[tilespmem:s2], [sflag:$0x4] =	stream.linear.gather [hbm4b:s0+s2], $0x500, $0x38;
	[tilespmem:$0xA500] =	vst v63  }
0x17: {  	_ =	swait.ge [sflag:s31], $0x500  }
0x18: {  	[sflag:s31] =	ssyncset.done $0x0  }
0x19: {  	[sflag:s31] =	ssyncadd.s32 $0xFFFFFB00  }
0x1a: {  	[tilespmem:s11], [sflag:$0x1] =	stream.indirect.gather [hbm4b:s3+s9], $0x80, s2, s9, $0xb8;
	[tilespmem:$0xA500] =	vst v63  }
0x1b: {  	_ = 	snop  }
0x1c: {  	[tilespmem:s14], [sflag:$0x1] =	stream.indirect.gather [hbm4b:s3+s9], $0x80, s9, s9, $0xb8;
	[tilespmem:$0xA500] =	vst v63  }
0x1d: {  	_ =	swait.ge [sflag:s5], $0x2800  }
0x1e: {  	[sflag:s5] =	ssyncset.done $0x0  }
0x1f: {  	[sflag:s5] =	ssyncadd.s32 $0xFFFFD800  }
0x20: {  	_ =	swait.ge [sflag:s5], $0x2800  }
0x21: {  	[sflag:s5] =	ssyncset.done $0x0  }
0x22: {  	[sflag:s5] =	ssyncadd.s32 $0xFFFFD800  }
0x23: {  	[hbm4b:s23+s2] =	stream.linear.scatter [tilespmem:s11], [sflag:$0x2], $0x5000, $0x38;
	[tilespmem:$0xA500] =	vst v63  }
0x24: {  	_ = 	snop  }
0x25: {  	[tilespmem:s6], [sflag:$0x1] =	stream.indirect.gather [hbm4b:s3+s9], $0x80, s29, s9, $0xb8;
	[tilespmem:$0xA500] =	vst v63  }
0x26: {  	_ = 	snop  }
0x27: {  	[tilespmem:s12], [sflag:$0x1] =	stream.indirect.gather [hbm4b:s3+s9], $0x80, s30, s9, $0xb8;
	[tilespmem:$0xA500] =	vst v63  }
0x28: {  	_ =	swait.ge [sflag:s5], $0x2800  }
0x29: {  	[sflag:s5] =	ssyncset.done $0x0  }
0x2a: {  	[sflag:s5] =	ssyncadd.s32 $0xFFFFD800  }
0x2b: {  	_ =	swait.ge [sflag:s5], $0x2800  }
0x2c: {  	[sflag:s5] =	ssyncset.done $0x0  }
0x2d: {  	s0 =	rddreg [dreg:$0x5];
	[sflag:s5] =	ssyncadd.s32 $0xFFFFD800  }
0x2e: {  	[hbm4b:s0+s2] =	stream.linear.scatter [tilespmem:s6], [sflag:$0x3], $0x5000, $0x38;
	[tilespmem:$0xA500] =	vst v63  }
0x2f: {  	_ =	swait.ge [sflag:s7], $0x5000  }
0x30: {  	[sflag:s7] =	ssyncset.done $0x0  }
0x31: {  	[sflag:s7] =	ssyncadd.s32 $0xFFFFB000  }
0x32: {  	[tilespmem:s11], [sflag:$0x1] =	stream.indirect.gather [hbm4b:s3+s9], $0x80, s26, s9, $0xb8;
	[tilespmem:$0xA500] =	vst v63  }
0x33: {  	_ = 	snop  }
0x34: {  	[tilespmem:s14], [sflag:$0x1] =	stream.indirect.gather [hbm4b:s3+s9], $0x80, s28, s9, $0xb8;
	[tilespmem:$0xA500] =	vst v63  }
0x35: {  	_ =	swait.ge [sflag:s5], $0x2800  }
0x36: {  	[sflag:s5] =	ssyncset.done $0x0  }
0x37: {  	[sflag:s5] =	ssyncadd.s32 $0xFFFFD800  }
0x38: {  	_ =	swait.ge [sflag:s5], $0x2800  }
0x39: {  	[sflag:s5] =	ssyncset.done $0x0  }
0x3a: {  	s0 =	rddreg [dreg:$0x6];
	[sflag:s5] =	ssyncadd.s32 $0xFFFFD800  }
0x3b: {  	[hbm4b:s0+s2] =	stream.linear.scatter [tilespmem:s11], [sflag:$0x2], $0x5000, $0x38;
	[tilespmem:$0xA500] =	vst v63  }
0x3c: {  	_ =	swait.ge [sflag:s8], $0x5000  }
0x3d: {  	[sflag:s8] =	ssyncset.done $0x0  }
0x3e: {  	[sflag:s8] =	ssyncadd.s32 $0xFFFFB000  }
0x3f: {  	[tilespmem:s6], [sflag:$0x1] =	stream.indirect.gather [hbm4b:s3+s9], $0x80, s24, s9, $0xb8;
	[tilespmem:$0xA500] =	vst v63  }
0x40: {  	_ = 	snop  }
0x41: {  	[tilespmem:s12], [sflag:$0x1] =	stream.indirect.gather [hbm4b:s3+s9], $0x80, s25, s9, $0xb8;
	[tilespmem:$0xA500] =	vst v63  }
0x42: {  	_ =	swait.ge [sflag:s5], $0x2800  }
0x43: {  	[sflag:s5] =	ssyncset.done $0x0  }
0x44: {  	[sflag:s5] =	ssyncadd.s32 $0xFFFFD800  }
0x45: {  	_ =	swait.ge [sflag:s5], $0x2800  }
0x46: {  	[sflag:s5] =	ssyncset.done $0x0  }
0x47: {  	s0 =	rddreg [dreg:$0x7];
	[sflag:s5] =	ssyncadd.s32 $0xFFFFD800  }
0x48: {  	[hbm4b:s0+s2] =	stream.linear.scatter [tilespmem:s6], [sflag:$0x3], $0x5000, $0x38;
	[tilespmem:$0xA500] =	vst v63  }
0x49: {  	_ =	swait.ge [sflag:s7], $0x5000  }
0x4a: {  	[sflag:s7] =	ssyncset.done $0x0  }
0x4b: {  	[sflag:s7] =	ssyncadd.s32 $0xFFFFB000  }
0x4c: {  	[tilespmem:s11], [sflag:$0x1] =	stream.indirect.gather [hbm4b:s3+s9], $0x80, s21, s9, $0xb8;
	[tilespmem:$0xA500] =	vst v63  }
0x4d: {  	_ = 	snop  }
0x4e: {  	[tilespmem:s14], [sflag:$0x1] =	stream.indirect.gather [hbm4b:s3+s9], $0x80, s22, s9, $0xb8;
	[tilespmem:$0xA500] =	vst v63  }
0x4f: {  	_ =	swait.ge [sflag:s5], $0x2800  }
0x50: {  	[sflag:s5] =	ssyncset.done $0x0  }
0x51: {  	[sflag:s5] =	ssyncadd.s32 $0xFFFFD800  }
0x52: {  	_ =	swait.ge [sflag:s5], $0x2800  }
0x53: {  	[sflag:s5] =	ssyncset.done $0x0  }
0x54: {  	s0 =	rddreg [dreg:$0x8];
	[sflag:s5] =	ssyncadd.s32 $0xFFFFD800  }
0x55: {  	[hbm4b:s0+s2] =	stream.linear.scatter [tilespmem:s11], [sflag:$0x2], $0x5000, $0x38;
	[tilespmem:$0xA500] =	vst v63  }
0x56: {  	_ =	swait.ge [sflag:s8], $0x5000  }
0x57: {  	[sflag:s8] =	ssyncset.done $0x0  }
0x58: {  	[sflag:s8] =	ssyncadd.s32 $0xFFFFB000  }
0x59: {  	[tilespmem:s6], [sflag:$0x1] =	stream.indirect.gather [hbm4b:s3+s9], $0x80, s19, s9, $0xb8;
	[tilespmem:$0xA500] =	vst v63  }
0x5a: {  	_ = 	snop  }
0x5b: {  	[tilespmem:s12], [sflag:$0x1] =	stream.indirect.gather [hbm4b:s3+s9], $0x80, s20, s9, $0xb8;
	[tilespmem:$0xA500] =	vst v63  }
0x5c: {  	_ =	swait.ge [sflag:s5], $0x2800  }
0x5d: {  	[sflag:s5] =	ssyncset.done $0x0  }
0x5e: {  	[sflag:s5] =	ssyncadd.s32 $0xFFFFD800  }
0x5f: {  	_ =	swait.ge [sflag:s5], $0x2800  }
0x60: {  	[sflag:s5] =	ssyncset.done $0x0  }
0x61: {  	[sflag:s5] =	ssyncadd.s32 $0xFFFFD800  }
0x62: {  	[hbm4b:s13+s2] =	stream.linear.scatter [tilespmem:s6], [sflag:$0x3], $0x5000, $0x38;
	[tilespmem:$0xA500] =	vst v63  }
0x63: {  	_ =	swait.ge [sflag:s7], $0x5000  }
0x64: {  	[sflag:s7] =	ssyncset.done $0x0  }
0x65: {  	[sflag:s7] =	ssyncadd.s32 $0xFFFFB000  }
0x66: {  	[tilespmem:s11], [sflag:$0x1] =	stream.indirect.gather [hbm4b:s3+s9], $0x80, s17, s9, $0xb8;
	[tilespmem:$0xA500] =	vst v63  }
0x67: {  	_ = 	snop  }
0x68: {  	[tilespmem:s14], [sflag:$0x1] =	stream.indirect.gather [hbm4b:s3+s9], $0x80, s18, s9, $0xb8;
	[tilespmem:$0xA500] =	vst v63  }
0x69: {  	_ =	swait.ge [sflag:s5], $0x2800  }
0x6a: {  	[sflag:s5] =	ssyncset.done $0x0  }
0x6b: {  	[sflag:s5] =	ssyncadd.s32 $0xFFFFD800  }
0x6c: {  	_ =	swait.ge [sflag:s5], $0x2800  }
0x6d: {  	[sflag:s5] =	ssyncset.done $0x0  }
0x6e: {  	[sflag:s5] =	ssyncadd.s32 $0xFFFFD800  }
0x6f: {  	[hbm4b:s10+s2] =	stream.linear.scatter [tilespmem:s11], [sflag:$0x2], $0x5000, $0x38;
	[tilespmem:$0xA500] =	vst v63  }
0x70: {  	_ =	swait.ge [sflag:s8], $0x5000  }
0x71: {  	[sflag:s8] =	ssyncset.done $0x0  }
0x72: {  	[sflag:s8] =	ssyncadd.s32 $0xFFFFB000  }
0x73: {  	[tilespmem:s6], [sflag:$0x1] =	stream.indirect.gather [hbm4b:s3+s9], $0x80, s15, s9, $0xb8;
	[tilespmem:$0xA500] =	vst v63  }
0x74: {  	_ = 	snop  }
0x75: {  	[tilespmem:s12], [sflag:$0x1] =	stream.indirect.gather [hbm4b:s3+s9], $0x80, s16, s9, $0xb8;
	[tilespmem:$0xA500] =	vst v63  }
0x76: {  	_ =	swait.ge [sflag:s5], $0x2800  }
0x77: {  	[sflag:s5] =	ssyncset.done $0x0  }
0x78: {  	[sflag:s5] =	ssyncadd.s32 $0xFFFFD800  }
0x79: {  	_ =	swait.ge [sflag:s5], $0x2800  }
0x7a: {  	[sflag:s5] =	ssyncset.done $0x0  }
0x7b: {  	p1 =	sne.s32 s1, $0x1;
	[sflag:s5] =	ssyncadd.s32 $0xFFFFD800  }
0x7c: {  	[hbm4b:s4+s2] =	stream.linear.scatter [tilespmem:s6], [sflag:$0x3], $0x5000, $0x38;
	[tilespmem:$0xA500] =	vst v63  }
.Ltmp1:
0x7d: {  	_ =	swait.ge [sflag:s7], $0x5000;
	(pc) =	sbr.rel @!p1 .LBB2_3-.Ltmp1, $4  }
0x7e: {  	[sflag:s7] =	ssyncset.done $0x0  }
0x7f: {  	[sflag:s7] =	ssyncadd.s32 $0xFFFFB000  }
0x80: {  	s1 =	sadd.s32 $0xFFFFFFFF, s1;
	_ =	swait.ge [sflag:s8], $0x5000  }
0x81: {  	p0 =	por $0x1, $0x1;
	s0 =	rddreg [dreg:$0x4];
	[sflag:s8] =	ssyncset.done $0x0  }
.LBB2_2:
0x82: {  	[sflag:s8] =	ssyncadd.s32 $0xFFFFB000  }
0x83: {  	[tilespmem:s2], [sflag:$0x4] =	stream.linear.gather [hbm4b:s0+s2], $0x500, $0x38;
	[tilespmem:$0xA500] =	vst v63  }
0x84: {  	_ =	swait.ge [sflag:s31], $0x500  }
0x85: {  	[sflag:s31] =	ssyncset.done $0x0  }
0x86: {  	[sflag:s31] =	ssyncadd.s32 $0xFFFFFB00  }
0x87: {  	[tilespmem:s11], [sflag:$0x1] =	stream.indirect.gather [hbm4b:s3+s9], $0x80, s2, s9, $0xb8;
	[tilespmem:$0xA500] =	vst v63  }
0x88: {  	_ = 	snop  }
0x89: {  	[tilespmem:s14], [sflag:$0x1] =	stream.indirect.gather [hbm4b:s3+s9], $0x80, s9, s9, $0xb8;
	[tilespmem:$0xA500] =	vst v63  }
0x8a: {  	_ =	swait.ge [sflag:s5], $0x2800  }
0x8b: {  	[sflag:s5] =	ssyncset.done $0x0  }
0x8c: {  	[sflag:s5] =	ssyncadd.s32 $0xFFFFD800  }
0x8d: {  	_ =	swait.ge [sflag:s5], $0x2800  }
0x8e: {  	[sflag:s5] =	ssyncset.done $0x0  }
0x8f: {  	[sflag:s5] =	ssyncadd.s32 $0xFFFFD800  }
0x90: {  	[hbm4b:s23+s2] =	stream.linear.scatter [tilespmem:s11], [sflag:$0x2], $0x5000, $0x38;
	[tilespmem:$0xA500] =	vst v63  }
0x91: {  	_ = 	snop  }
0x92: {  	[tilespmem:s6], [sflag:$0x1] =	stream.indirect.gather [hbm4b:s3+s9], $0x80, s29, s9, $0xb8;
	[tilespmem:$0xA500] =	vst v63  }
0x93: {  	_ = 	snop  }
0x94: {  	[tilespmem:s12], [sflag:$0x1] =	stream.indirect.gather [hbm4b:s3+s9], $0x80, s30, s9, $0xb8;
	[tilespmem:$0xA500] =	vst v63  }
0x95: {  	_ =	swait.ge [sflag:s5], $0x2800  }
0x96: {  	[sflag:s5] =	ssyncset.done $0x0  }
0x97: {  	[sflag:s5] =	ssyncadd.s32 $0xFFFFD800  }
0x98: {  	_ =	swait.ge [sflag:s5], $0x2800  }
0x99: {  	[sflag:s5] =	ssyncset.done $0x0  }
0x9a: {  	s0 =	rddreg [dreg:$0x5];
	[sflag:s5] =	ssyncadd.s32 $0xFFFFD800  }
0x9b: {  	[hbm4b:s0+s2] =	stream.linear.scatter [tilespmem:s6], [sflag:$0x3], $0x5000, $0x38;
	[tilespmem:$0xA500] =	vst v63  }
0x9c: {  	_ =	swait.ge [sflag:s7], $0x5000  }
0x9d: {  	[sflag:s7] =	ssyncset.done $0x0  }
0x9e: {  	[sflag:s7] =	ssyncadd.s32 $0xFFFFB000  }
0x9f: {  	[tilespmem:s11], [sflag:$0x1] =	stream.indirect.gather [hbm4b:s3+s9], $0x80, s26, s9, $0xb8;
	[tilespmem:$0xA500] =	vst v63  }
0xa0: {  	_ = 	snop  }
0xa1: {  	[tilespmem:s14], [sflag:$0x1] =	stream.indirect.gather [hbm4b:s3+s9], $0x80, s28, s9, $0xb8;
	[tilespmem:$0xA500] =	vst v63  }
0xa2: {  	_ =	swait.ge [sflag:s5], $0x2800  }
0xa3: {  	[sflag:s5] =	ssyncset.done $0x0  }
0xa4: {  	[sflag:s5] =	ssyncadd.s32 $0xFFFFD800  }
0xa5: {  	_ =	swait.ge [sflag:s5], $0x2800  }
0xa6: {  	[sflag:s5] =	ssyncset.done $0x0  }
0xa7: {  	s0 =	rddreg [dreg:$0x6];
	[sflag:s5] =	ssyncadd.s32 $0xFFFFD800  }
0xa8: {  	[hbm4b:s0+s2] =	stream.linear.scatter [tilespmem:s11], [sflag:$0x2], $0x5000, $0x38;
	[tilespmem:$0xA500] =	vst v63  }
0xa9: {  	_ =	swait.ge [sflag:s8], $0x5000  }
0xaa: {  	[sflag:s8] =	ssyncset.done $0x0  }
0xab: {  	[sflag:s8] =	ssyncadd.s32 $0xFFFFB000  }
0xac: {  	[tilespmem:s6], [sflag:$0x1] =	stream.indirect.gather [hbm4b:s3+s9], $0x80, s24, s9, $0xb8;
	[tilespmem:$0xA500] =	vst v63  }
0xad: {  	_ = 	snop  }
0xae: {  	[tilespmem:s12], [sflag:$0x1] =	stream.indirect.gather [hbm4b:s3+s9], $0x80, s25, s9, $0xb8;
	[tilespmem:$0xA500] =	vst v63  }
0xaf: {  	_ =	swait.ge [sflag:s5], $0x2800  }
0xb0: {  	[sflag:s5] =	ssyncset.done $0x0  }
0xb1: {  	[sflag:s5] =	ssyncadd.s32 $0xFFFFD800  }
0xb2: {  	_ =	swait.ge [sflag:s5], $0x2800  }
0xb3: {  	[sflag:s5] =	ssyncset.done $0x0  }
0xb4: {  	s0 =	rddreg [dreg:$0x7];
	[sflag:s5] =	ssyncadd.s32 $0xFFFFD800  }
0xb5: {  	[hbm4b:s0+s2] =	stream.linear.scatter [tilespmem:s6], [sflag:$0x3], $0x5000, $0x38;
	[tilespmem:$0xA500] =	vst v63  }
0xb6: {  	_ =	swait.ge [sflag:s7], $0x5000  }
0xb7: {  	[sflag:s7] =	ssyncset.done $0x0  }
0xb8: {  	[sflag:s7] =	ssyncadd.s32 $0xFFFFB000  }
0xb9: {  	[tilespmem:s11], [sflag:$0x1] =	stream.indirect.gather [hbm4b:s3+s9], $0x80, s21, s9, $0xb8;
	[tilespmem:$0xA500] =	vst v63  }
0xba: {  	_ = 	snop  }
0xbb: {  	[tilespmem:s14], [sflag:$0x1] =	stream.indirect.gather [hbm4b:s3+s9], $0x80, s22, s9, $0xb8;
	[tilespmem:$0xA500] =	vst v63  }
0xbc: {  	_ =	swait.ge [sflag:s5], $0x2800  }
0xbd: {  	[sflag:s5] =	ssyncset.done $0x0  }
0xbe: {  	[sflag:s5] =	ssyncadd.s32 $0xFFFFD800  }
0xbf: {  	_ =	swait.ge [sflag:s5], $0x2800  }
0xc0: {  	[sflag:s5] =	ssyncset.done $0x0  }
0xc1: {  	s0 =	rddreg [dreg:$0x8];
	[sflag:s5] =	ssyncadd.s32 $0xFFFFD800  }
0xc2: {  	[hbm4b:s0+s2] =	stream.linear.scatter [tilespmem:s11], [sflag:$0x2], $0x5000, $0x38;
	[tilespmem:$0xA500] =	vst v63  }
0xc3: {  	_ =	swait.ge [sflag:s8], $0x5000  }
0xc4: {  	[sflag:s8] =	ssyncset.done $0x0  }
0xc5: {  	[sflag:s8] =	ssyncadd.s32 $0xFFFFB000  }
0xc6: {  	[tilespmem:s6], [sflag:$0x1] =	stream.indirect.gather [hbm4b:s3+s9], $0x80, s19, s9, $0xb8;
	[tilespmem:$0xA500] =	vst v63  }
0xc7: {  	_ = 	snop  }
0xc8: {  	[tilespmem:s12], [sflag:$0x1] =	stream.indirect.gather [hbm4b:s3+s9], $0x80, s20, s9, $0xb8;
	[tilespmem:$0xA500] =	vst v63  }
0xc9: {  	_ =	swait.ge [sflag:s5], $0x2800  }
0xca: {  	[sflag:s5] =	ssyncset.done $0x0  }
0xcb: {  	[sflag:s5] =	ssyncadd.s32 $0xFFFFD800  }
0xcc: {  	_ =	swait.ge [sflag:s5], $0x2800  }
0xcd: {  	[sflag:s5] =	ssyncset.done $0x0  }
0xce: {  	[sflag:s5] =	ssyncadd.s32 $0xFFFFD800  }
0xcf: {  	[hbm4b:s13+s2] =	stream.linear.scatter [tilespmem:s6], [sflag:$0x3], $0x5000, $0x38;
	[tilespmem:$0xA500] =	vst v63  }
0xd0: {  	_ =	swait.ge [sflag:s7], $0x5000  }
0xd1: {  	[sflag:s7] =	ssyncset.done $0x0  }
0xd2: {  	[sflag:s7] =	ssyncadd.s32 $0xFFFFB000  }
0xd3: {  	[tilespmem:s11], [sflag:$0x1] =	stream.indirect.gather [hbm4b:s3+s9], $0x80, s17, s9, $0xb8;
	[tilespmem:$0xA500] =	vst v63  }
0xd4: {  	_ = 	snop  }
0xd5: {  	[tilespmem:s14], [sflag:$0x1] =	stream.indirect.gather [hbm4b:s3+s9], $0x80, s18, s9, $0xb8;
	[tilespmem:$0xA500] =	vst v63  }
0xd6: {  	_ =	swait.ge [sflag:s5], $0x2800  }
0xd7: {  	[sflag:s5] =	ssyncset.done $0x0  }
0xd8: {  	[sflag:s5] =	ssyncadd.s32 $0xFFFFD800  }
0xd9: {  	_ =	swait.ge [sflag:s5], $0x2800  }
0xda: {  	[sflag:s5] =	ssyncset.done $0x0  }
0xdb: {  	[sflag:s5] =	ssyncadd.s32 $0xFFFFD800  }
0xdc: {  	[hbm4b:s10+s2] =	stream.linear.scatter [tilespmem:s11], [sflag:$0x2], $0x5000, $0x38;
	[tilespmem:$0xA500] =	vst v63  }
0xdd: {  	_ =	swait.ge [sflag:s8], $0x5000  }
0xde: {  	[sflag:s8] =	ssyncset.done $0x0  }
0xdf: {  	[sflag:s8] =	ssyncadd.s32 $0xFFFFB000  }
0xe0: {  	[tilespmem:s6], [sflag:$0x1] =	stream.indirect.gather [hbm4b:s3+s9], $0x80, s15, s9, $0xb8;
	[tilespmem:$0xA500] =	vst v63  }
0xe1: {  	_ = 	snop  }
0xe2: {  	[tilespmem:s12], [sflag:$0x1] =	stream.indirect.gather [hbm4b:s3+s9], $0x80, s16, s9, $0xb8;
	[tilespmem:$0xA500] =	vst v63  }
0xe3: {  	_ =	swait.ge [sflag:s5], $0x2800  }
0xe4: {  	[sflag:s5] =	ssyncset.done $0x0  }
0xe5: {  	[sflag:s5] =	ssyncadd.s32 $0xFFFFD800  }
0xe6: {  	_ =	swait.ge [sflag:s5], $0x2800  }
0xe7: {  	[sflag:s5] =	ssyncset.done $0x0  }
0xe8: {  	p1 =	sne.s32 s1, $0x1;
	[sflag:s5] =	ssyncadd.s32 $0xFFFFD800  }
0xe9: {  	[hbm4b:s4+s2] =	stream.linear.scatter [tilespmem:s6], [sflag:$0x3], $0x5000, $0x38;
	[tilespmem:$0xA500] =	vst v63  }
.Ltmp2:
0xea: {  	_ =	swait.ge [sflag:s7], $0x5000;
	(pc) =	sbr.rel @p1 .LBB2_2-.Ltmp2, $4  }
0xeb: {  	[sflag:s7] =	ssyncset.done $0x0  }
0xec: {  	[sflag:s7] =	ssyncadd.s32 $0xFFFFB000  }
0xed: {  	_ =	swait.ge [sflag:s8], $0x5000  }
0xee: {  	s1 =	sadd.s32 $0xFFFFFFFF, s1;
	s0 =	rddreg [dreg:$0x4];
	[sflag:s8] =	ssyncset.done $0x0  }
.LBB2_3:
0xef: {  	[sflag:s8] =	ssyncadd.s32 @p0 $0xFFFFB000  }
0xf0: {  	[tilespmem:s2], [sflag:$0x4] =	stream.linear.gather [hbm4b:s0+s2], $0x500, $0x38;
	[tilespmem:$0xA500] =	vst v63  }
0xf1: {  	_ =	swait.ge [sflag:s31], $0x500  }
0xf2: {  	[sflag:s31] =	ssyncset.done $0x0  }
0xf3: {  	[sflag:s31] =	ssyncadd.s32 $0xFFFFFB00  }
0xf4: {  	[tilespmem:s11], [sflag:$0x1] =	stream.indirect.gather [hbm4b:s3+s9], $0x80, s2, s9, $0xb8;
	[tilespmem:$0xA500] =	vst v63  }
0xf5: {  	_ = 	snop  }
0xf6: {  	[tilespmem:s14], [sflag:$0x1] =	stream.indirect.gather [hbm4b:s3+s9], $0x80, s9, s9, $0xb8;
	[tilespmem:$0xA500] =	vst v63  }
0xf7: {  	_ =	swait.ge [sflag:s5], $0x2800  }
0xf8: {  	[sflag:s5] =	ssyncset.done $0x0  }
0xf9: {  	[sflag:s5] =	ssyncadd.s32 $0xFFFFD800  }
0xfa: {  	_ =	swait.ge [sflag:s5], $0x2800  }
0xfb: {  	[sflag:s5] =	ssyncset.done $0x0  }
0xfc: {  	[sflag:s5] =	ssyncadd.s32 $0xFFFFD800  }
0xfd: {  	[hbm4b:s23+s2] =	stream.linear.scatter [tilespmem:s11], [sflag:$0x2], $0x5000, $0x38;
	[tilespmem:$0xA500] =	vst v63  }
0xfe: {  	_ = 	snop  }
0xff: {  	[tilespmem:s6], [sflag:$0x1] =	stream.indirect.gather [hbm4b:s3+s9], $0x80, s29, s9, $0xb8;
	[tilespmem:$0xA500] =	vst v63  }
0x100: {  	_ = 	snop  }
0x101: {  	[tilespmem:s12], [sflag:$0x1] =	stream.indirect.gather [hbm4b:s3+s9], $0x80, s30, s9, $0xb8;
	[tilespmem:$0xA500] =	vst v63  }
0x102: {  	_ =	swait.ge [sflag:s5], $0x2800  }
0x103: {  	[sflag:s5] =	ssyncset.done $0x0  }
0x104: {  	[sflag:s5] =	ssyncadd.s32 $0xFFFFD800  }
0x105: {  	_ =	swait.ge [sflag:s5], $0x2800  }
0x106: {  	[sflag:s5] =	ssyncset.done $0x0  }
0x107: {  	s23 =	rddreg [dreg:$0x5];
	[sflag:s5] =	ssyncadd.s32 $0xFFFFD800  }
0x108: {  	[hbm4b:s23+s2] =	stream.linear.scatter [tilespmem:s6], [sflag:$0x3], $0x5000, $0x38;
	[tilespmem:$0xA500] =	vst v63  }
0x109: {  	_ =	swait.ge [sflag:s7], $0x5000  }
0x10a: {  	[sflag:s7] =	ssyncset.done $0x0  }
0x10b: {  	[sflag:s7] =	ssyncadd.s32 $0xFFFFB000  }
0x10c: {  	[tilespmem:s11], [sflag:$0x1] =	stream.indirect.gather [hbm4b:s3+s9], $0x80, s26, s9, $0xb8;
	[tilespmem:$0xA500] =	vst v63  }
0x10d: {  	_ = 	snop  }
0x10e: {  	[tilespmem:s14], [sflag:$0x1] =	stream.indirect.gather [hbm4b:s3+s9], $0x80, s28, s9, $0xb8;
	[tilespmem:$0xA500] =	vst v63  }
0x10f: {  	_ =	swait.ge [sflag:s5], $0x2800  }
0x110: {  	[sflag:s5] =	ssyncset.done $0x0  }
0x111: {  	[sflag:s5] =	ssyncadd.s32 $0xFFFFD800  }
0x112: {  	_ =	swait.ge [sflag:s5], $0x2800  }
0x113: {  	[sflag:s5] =	ssyncset.done $0x0  }
0x114: {  	s28 =	rddreg [dreg:$0x6];
	[sflag:s5] =	ssyncadd.s32 $0xFFFFD800  }
0x115: {  	[hbm4b:s28+s2] =	stream.linear.scatter [tilespmem:s11], [sflag:$0x2], $0x5000, $0x38;
	[tilespmem:$0xA500] =	vst v63  }
0x116: {  	_ =	swait.ge [sflag:s8], $0x5000  }
0x117: {  	[sflag:s8] =	ssyncset.done $0x0  }
0x118: {  	[sflag:s8] =	ssyncadd.s32 $0xFFFFB000  }
0x119: {  	[tilespmem:s6], [sflag:$0x1] =	stream.indirect.gather [hbm4b:s3+s9], $0x80, s24, s9, $0xb8;
	[tilespmem:$0xA500] =	vst v63  }
0x11a: {  	_ = 	snop  }
0x11b: {  	[tilespmem:s12], [sflag:$0x1] =	stream.indirect.gather [hbm4b:s3+s9], $0x80, s25, s9, $0xb8;
	[tilespmem:$0xA500] =	vst v63  }
0x11c: {  	_ =	swait.ge [sflag:s5], $0x2800  }
0x11d: {  	[sflag:s5] =	ssyncset.done $0x0  }
0x11e: {  	[sflag:s5] =	ssyncadd.s32 $0xFFFFD800  }
0x11f: {  	_ =	swait.ge [sflag:s5], $0x2800  }
0x120: {  	[sflag:s5] =	ssyncset.done $0x0  }
0x121: {  	s29 =	rddreg [dreg:$0x7];
	[sflag:s5] =	ssyncadd.s32 $0xFFFFD800  }
0x122: {  	[hbm4b:s29+s2] =	stream.linear.scatter [tilespmem:s6], [sflag:$0x3], $0x5000, $0x38;
	[tilespmem:$0xA500] =	vst v63  }
0x123: {  	_ =	swait.ge [sflag:s7], $0x5000  }
0x124: {  	[sflag:s7] =	ssyncset.done $0x0  }
0x125: {  	[sflag:s7] =	ssyncadd.s32 $0xFFFFB000  }
0x126: {  	[tilespmem:s11], [sflag:$0x1] =	stream.indirect.gather [hbm4b:s3+s9], $0x80, s21, s9, $0xb8;
	[tilespmem:$0xA500] =	vst v63  }
0x127: {  	_ = 	snop  }
0x128: {  	[tilespmem:s14], [sflag:$0x1] =	stream.indirect.gather [hbm4b:s3+s9], $0x80, s22, s9, $0xb8;
	[tilespmem:$0xA500] =	vst v63  }
0x129: {  	_ =	swait.ge [sflag:s5], $0x2800  }
0x12a: {  	[sflag:s5] =	ssyncset.done $0x0  }
0x12b: {  	[sflag:s5] =	ssyncadd.s32 $0xFFFFD800  }
0x12c: {  	_ =	swait.ge [sflag:s5], $0x2800  }
0x12d: {  	[sflag:s5] =	ssyncset.done $0x0  }
0x12e: {  	s30 =	rddreg [dreg:$0x8];
	[sflag:s5] =	ssyncadd.s32 $0xFFFFD800  }
0x12f: {  	[hbm4b:s30+s2] =	stream.linear.scatter [tilespmem:s11], [sflag:$0x2], $0x5000, $0x38;
	[tilespmem:$0xA500] =	vst v63  }
0x130: {  	_ =	swait.ge [sflag:s8], $0x5000  }
0x131: {  	[sflag:s8] =	ssyncset.done $0x0  }
0x132: {  	[sflag:s8] =	ssyncadd.s32 $0xFFFFB000  }
0x133: {  	[tilespmem:s6], [sflag:$0x1] =	stream.indirect.gather [hbm4b:s3+s9], $0x80, s19, s9, $0xb8;
	[tilespmem:$0xA500] =	vst v63  }
0x134: {  	_ = 	snop  }
0x135: {  	[tilespmem:s12], [sflag:$0x1] =	stream.indirect.gather [hbm4b:s3+s9], $0x80, s20, s9, $0xb8;
	[tilespmem:$0xA500] =	vst v63  }
0x136: {  	_ =	swait.ge [sflag:s5], $0x2800  }
0x137: {  	[sflag:s5] =	ssyncset.done $0x0  }
0x138: {  	[sflag:s5] =	ssyncadd.s32 $0xFFFFD800  }
0x139: {  	_ =	swait.ge [sflag:s5], $0x2800  }
0x13a: {  	[sflag:s5] =	ssyncset.done $0x0  }
0x13b: {  	[sflag:s5] =	ssyncadd.s32 $0xFFFFD800  }
0x13c: {  	[hbm4b:s13+s2] =	stream.linear.scatter [tilespmem:s6], [sflag:$0x3], $0x5000, $0x38;
	[tilespmem:$0xA500] =	vst v63  }
0x13d: {  	_ =	swait.ge [sflag:s7], $0x5000  }
0x13e: {  	[sflag:s7] =	ssyncset.done $0x0  }
0x13f: {  	[sflag:s7] =	ssyncadd.s32 $0xFFFFB000  }
0x140: {  	[tilespmem:s11], [sflag:$0x1] =	stream.indirect.gather [hbm4b:s3+s9], $0x80, s17, s9, $0xb8;
	[tilespmem:$0xA500] =	vst v63  }
0x141: {  	_ = 	snop  }
0x142: {  	[tilespmem:s14], [sflag:$0x1] =	stream.indirect.gather [hbm4b:s3+s9], $0x80, s18, s9, $0xb8;
	[tilespmem:$0xA500] =	vst v63  }
0x143: {  	_ =	swait.ge [sflag:s5], $0x2800  }
0x144: {  	[sflag:s5] =	ssyncset.done $0x0  }
0x145: {  	[sflag:s5] =	ssyncadd.s32 $0xFFFFD800  }
0x146: {  	_ =	swait.ge [sflag:s5], $0x2800  }
0x147: {  	[sflag:s5] =	ssyncset.done $0x0  }
0x148: {  	[sflag:s5] =	ssyncadd.s32 $0xFFFFD800  }
0x149: {  	[hbm4b:s10+s2] =	stream.linear.scatter [tilespmem:s11], [sflag:$0x2], $0x5000, $0x38;
	[tilespmem:$0xA500] =	vst v63  }
0x14a: {  	_ =	swait.ge [sflag:s8], $0x5000  }
0x14b: {  	[sflag:s8] =	ssyncset.done $0x0  }
0x14c: {  	[sflag:s8] =	ssyncadd.s32 $0xFFFFB000  }
0x14d: {  	[tilespmem:s6], [sflag:$0x1] =	stream.indirect.gather [hbm4b:s3+s9], $0x80, s15, s9, $0xb8;
	[tilespmem:$0xA500] =	vst v63  }
0x14e: {  	_ = 	snop  }
0x14f: {  	[tilespmem:s12], [sflag:$0x1] =	stream.indirect.gather [hbm4b:s3+s9], $0x80, s16, s9, $0xb8;
	[tilespmem:$0xA500] =	vst v63  }
0x150: {  	_ =	swait.ge [sflag:s5], $0x2800  }
0x151: {  	[sflag:s5] =	ssyncset.done $0x0  }
0x152: {  	[sflag:s5] =	ssyncadd.s32 $0xFFFFD800  }
0x153: {  	_ =	swait.ge [sflag:s5], $0x2800  }
0x154: {  	[sflag:s5] =	ssyncset.done $0x0  }
0x155: {  	[sflag:s5] =	ssyncadd.s32 $0xFFFFD800  }
0x156: {  	[hbm4b:s4+s2] =	stream.linear.scatter [tilespmem:s6], [sflag:$0x3], $0x5000, $0x38;
	[tilespmem:$0xA500] =	vst v63  }
0x157: {  	_ =	swait.ge [sflag:s7], $0x5000  }
0x158: {  	[sflag:s7] =	ssyncset.done $0x0  }
0x159: {  	[sflag:s7] =	ssyncadd.s32 $0xFFFFB000  }
0x15a: {  	_ =	swait.ge [sflag:s8], $0x5000  }
0x15b: {  	[sflag:s8] =	ssyncset.done $0x0  }
0x15c: {  	[sflag:s8] =	ssyncadd.s32 $0xFFFFB000  }
0x15d: {  	_ =	sfence.sel $0x180000  }
0x15e: {  	[bflag:$0x0] =	sbarrier.arrive $0xFFFF  }
0x15f: {  	_ =	strace $0x90000047  }
0x160: {  	s31 =	stileid.u32;
	[bflag:$0x2] =	sbarrier.arrive $0xFFFF  }
0x161: {  	p0 =	sne.s32 s31, $0x0;
	s0 =	rddreg [dreg:$0x3]  }
0x162: {  	s0 =	sadd.s32 @!p0 $0x100000, s0  }
0x163: {  	[sflag:s0] =	ssyncadd.tile.s32 @!p0 $0x1;
	_ =	shalt  }
.Lfunc_end2:
_tile_overlayer_lowered:
.L_overlay_start_2:
0x164: {  	(tag) =	ssettag $0x2  }
0x165: {  	s0 =	rddreg [dreg:$0x0];
	s2 =	stileid.u32  }
0x166: {  	s1 =	rddreg [dreg:$0x1];
	p0 =	sne.s32 s2, $0x0  }
0x167: {  	s3 =	rddreg [dreg:$0x2];
	[bflag:$0x3] =	sbarrier.arrive $0xFFFF;
	s2 =	simm.s32 @!p0 $0x1C04  }
0x168: {  	[timem:s3], [sflag:s2] =	dma.local @!p0 [hbm:s0], s1  }
0x169: {  	s0 =	simm.s32 @!p0 $0x4  }
0x16a: {  	_ =	swait.ge @!p0 [sflag:s0], s1  }
0x16b: {  	s1 =	ssub.s32 @!p0 $0x0, s1;
	[sflag:s0] =	ssyncset.done @!p0 $0x0  }
0x16c: {  	[sflag:s0] =	ssyncadd.s32 @!p0 s1  }
0x16d: {  	[bflag:$0x3] =	sbarrier.arrive $0xFFFF  }
0x16e: {  	_ =	shalt  }

// kernel: kernel.15.cloned.1.call-start
scs
__scs_entry_jumppad:
0x0: {  	(pc) =	sbr.rel $0x88, $3  }
0x1: {  	(tag) =	ssettag $0x0;
	lr =	simm.s32 $0x1  }
0x2: {  	[smem:$0x3F9C] =	sst lr;
	_ =	strace $0xD0000000  }
0x3: {  	_ = 	snop  }
0x4: {  	_ = 	snop  }
0x5: {  	_ = 	snop  }
0x6: {  	_ = 	snop  }
0x7: {  	_ = 	snop  }
__scs_overlays_trampoline_lowered:
0x8: {  	[smem:$0x3FAB] =	sst s0  }
0x9: {  	[smem:$0x3FAC] =	sst s1  }
0xa: {  	[smem:$0x3FAD] =	sst s2  }
0xb: {  	[smem:$0x3FAE] =	sst s3  }
0xc: {  	[smem:$0x3FAF] =	sst s4  }
0xd: {  	[smem:$0x3FB0] =	sst s5  }
0xe: {  	[smem:$0x3FB1] =	sst s6  }
0xf: {  	[smem:$0x3FB2] =	sst s7  }
0x10: {  	[smem:$0x3FB3] =	sst s8  }
0x11: {  	[smem:$0x3FB4] =	sst s9;
	s0 =	simm.s32 @!p0 $0x0  }
0x12: {  	s1 =	sld [smem:$0x3F9A];
	s0 =	simm.s32 @p0 $0x1  }
0x13: {  	[smem:$0x3FB5] =	sst s0;
	s0 =	simm.s32 @!p1 $0x0  }
0x14: {  	s2 =	sld [smem:$0x3F99];
	s0 =	simm.s32 @p1 $0x1  }
0x15: {  	[smem:$0x3FB6] =	sst s0;
	s0 =	simm.s32 @!p2 $0x0  }
0x16: {  	s3 =	sld [smem:$0x3FDB];
	s0 =	simm.s32 @p2 $0x1  }
0x17: {  	s4 =	simm.s32 $0x1BF5;
	[smem:$0x3FB8] =	sst s0  }
0x18: {  	s0 =	sld [smem:$0x3F9B];
	_ =	swait.ge [sflag:s4], $0x0  }
0x19: {  	s7 =	sld [smem:$0x3F9C]  }
0x1a: {  	s8 =	sadd.s32 $0xFFFFE003, lr  }
0x1b: {  	s9 =	sadd.s32 $0xFFFFFEF7, lr;
	s5 =	simm.s32 $0xFFFFFFFF;
	p2 =	slt.u32 s8, $0xFFFFF086  }
0x1c: {  	p1 =	slt.u32 s9, $0xF7A;
	s5 =	simm.s32 @!p2 $0x0  }
0x1d: {  	s5 =	simm.s32 @p1 $0x1;
	p0 =	seq.s32 s7, s2  }
0x1e: {  	s7 =	smul.u32 @!p0 $0xF7A, s2;
	p2 =	seq.s32 @!p0 s5, $0x0  }
0x1f: {  	s9 =	smul.u32 $0xF7A, s1;
	s8 =	simm.s32 @!p0 $0x1BF5;
	p2 =	por !p2, p0  }
0x20: {  	[sflag:s8] =	ssyncset.s32 @!p0 $0xFFFFF086;
	s6 =	sadd.s32 @!p0 s3, s7;
	s7 =	simm.s32 @!p0 $0x108  }
0x21: {  	s3 =	sadd.s32 s3, s9;
	s6 =	sadd.s32 @!p0 $0x88, s6;
	s7 =	simm.s32 @p2 $0x1082  }
0x22: {  	[simem:s7], [sflag:s8] =	dma.local @!p0 [hbm:s6], $0xF7A  }
0x23: {  	s9 =	sor.u32 $0xD0000000, s2;
	s6 =	simm.s32 $0x108;
	_ =	swait.ge @!p0 [sflag:s8], $0x0  }
0x24: {  	s3 =	sadd.s32 $0x88, s3;
	s6 =	simm.s32 @!p1 $0x1082;
	[sflag:s4] =	ssyncset.s32 $0xFFFFF086  }
0x25: {  	[simem:s6], [sflag:s4] =	dma.local [hbm:s3], $0xF7A  }
0x26: {  	[smem:$0x3F9C] =	sst s1;
	(tag) =	ssettag s2;
	_ =	strace s9  }
0x27: {  	s1 =	sld [smem:$0x3FAC]  }
0x28: {  	s2 =	sld [smem:$0x3FAD]  }
0x29: {  	s4 =	sld [smem:$0x3FAF]  }
0x2a: {  	p0 =	seq.s32 s5, $0x0;
	s5 =	sld [smem:$0x3FB0]  }
0x2b: {  	s6 =	sld [smem:$0x3FB1]  }
0x2c: {  	s7 =	sld [smem:$0x3FB2]  }
0x2d: {  	s3 =	simm.s32 $0x108;
	s8 =	sld [smem:$0x3FB3]  }
0x2e: {  	s3 =	simm.s32 @!p0 $0x1082;
	s9 =	sld [smem:$0x3FB4]  }
0x2f: {  	lr =	sadd.s32 s0, s3;
	s0 =	sld [smem:$0x3FAB]  }
0x30: {  	s3 =	sld [smem:$0x3FAE]  }
0x31: {  	[smem:$0x3FB7] =	sst s10  }
0x32: {  	s10 =	sld [smem:$0x3FB5];
	_ =	sdelay $0x3  }
0x33: {  	p0 =	seq.s32 s10, $0x1;
	s10 =	sld [smem:$0x3FB7];
	_ =	sdelay $0x3  }
0x34: {  	[smem:$0x3FB7] =	sst s10  }
0x35: {  	s10 =	sld [smem:$0x3FB6];
	_ =	sdelay $0x3  }
0x36: {  	p1 =	seq.s32 s10, $0x1;
	s10 =	sld [smem:$0x3FB7];
	_ =	sdelay $0x3  }
0x37: {  	[smem:$0x3FB7] =	sst s10  }
0x38: {  	s10 =	sld [smem:$0x3FB8]  }
0x39: {  	_ = 	snop;
	(pc) =	sbr.ind lr, $3  }
0x3a: {  	_ = 	snop  }
0x3b: {  	_ = 	snop  }
0x3c: {  	p2 =	seq.s32 s10, $0x1;
	s10 =	sld [smem:$0x3FB7]  }
0x3d: {  	_ =	shalt  }
0x3e: {  	_ =	shalt  }
0x3f: {  	_ =	shalt  }
0x40: {  	_ =	shalt  }
0x41: {  	_ =	shalt  }
0x42: {  	_ =	shalt  }
0x43: {  	_ =	shalt  }
0x44: {  	_ =	shalt  }
0x45: {  	_ =	shalt  }
0x46: {  	_ =	shalt  }
0x47: {  	_ =	shalt  }
0x48: {  	_ =	shalt  }
0x49: {  	_ =	shalt  }
0x4a: {  	_ =	shalt  }
0x4b: {  	_ =	shalt  }
0x4c: {  	_ =	shalt  }
0x4d: {  	_ =	shalt  }
0x4e: {  	_ =	shalt  }
0x4f: {  	_ =	shalt  }
0x50: {  	_ =	shalt  }
0x51: {  	_ =	shalt  }
0x52: {  	_ =	shalt  }
0x53: {  	_ =	shalt  }
0x54: {  	_ =	shalt  }
0x55: {  	_ =	shalt  }
0x56: {  	_ =	shalt  }
0x57: {  	_ =	shalt  }
0x58: {  	_ =	shalt  }
0x59: {  	_ =	shalt  }
0x5a: {  	_ =	shalt  }
0x5b: {  	_ =	shalt  }
0x5c: {  	_ =	shalt  }
0x5d: {  	_ =	shalt  }
0x5e: {  	_ =	shalt  }
0x5f: {  	_ =	shalt  }
0x60: {  	_ =	shalt  }
0x61: {  	_ =	shalt  }
0x62: {  	_ =	shalt  }
0x63: {  	_ =	shalt  }
0x64: {  	_ =	shalt  }
0x65: {  	_ =	shalt  }
0x66: {  	_ =	shalt  }
0x67: {  	_ =	shalt  }
0x68: {  	_ =	shalt  }
0x69: {  	_ =	shalt  }
0x6a: {  	_ =	shalt  }
0x6b: {  	_ =	shalt  }
0x6c: {  	_ =	shalt  }
0x6d: {  	_ =	shalt  }
0x6e: {  	_ =	shalt  }
0x6f: {  	_ =	shalt  }
0x70: {  	_ =	shalt  }
0x71: {  	_ =	shalt  }
0x72: {  	_ =	shalt  }
0x73: {  	_ =	shalt  }
0x74: {  	_ =	shalt  }
0x75: {  	_ =	shalt  }
0x76: {  	_ =	shalt  }
0x77: {  	_ =	shalt  }
0x78: {  	_ =	shalt  }
0x79: {  	_ =	shalt  }
0x7a: {  	_ =	shalt  }
0x7b: {  	_ =	shalt  }
0x7c: {  	_ =	shalt  }
0x7d: {  	_ =	shalt  }
0x7e: {  	_ =	shalt  }
0x7f: {  	_ =	shalt  }
0x80: {  	_ =	shalt  }
0x81: {  	_ =	shalt  }
0x82: {  	_ =	shalt  }
0x83: {  	_ =	shalt  }
0x84: {  	_ =	shalt  }
0x85: {  	_ =	shalt  }
0x86: {  	_ =	shalt  }
0x87: {  	_ =	shalt  }
.Lfunc_end0:
.L_simem_size_0:
called_computation.1_lowered:
.L_overlay_start_0:
0x88: {  	s2 =	sld [smem:$0x3FD9]  }
0x89: {  	s3 =	sld [smem:$0x3FFE];
	_ =	sdelay $0x1  }
0x8a: {  	s1 =	srdreg.scid  }
0x8b: {  	s0 =	sand.u32 $0x1, s1  }
0x8c: {  	s17 =	sshll.u32 s0, $0xA;
	s2 =	sadd.s32 s3, s2  }
0x8d: {  	s2 =	sadd.s32 s2, s17  }
0x8e: {  	[smem:$0x3FC3] =	sst s2  }
0x8f: {  	_ = 	snop  }
0x90: {  	s18 =	sld [smem:$0x3FC7];
	(tm) =	ssettm $0x1  }
0x91: {  	s19 =	sld [smem:$0x3FFB];
	_ =	sdelay $0x3  }
0x92: {  	_ =	strace s19  }
0x93: {  	s2 =	sld [smem:$0x3FFC];
	_ =	sdelay $0x3  }
0x94: {  	_ =	strace s2  }
0x95: {  	s2 =	sld [smem:$0x3FFD];
	_ =	sdelay $0x3  }
0x96: {  	_ =	strace s2  }
0x97: {  	_ =	strace $0x8FFFFFFF  }
0x98: {  	s20 =	sld [smem:$0x3FDB];
	_ =	sdelay $0x1  }
0x99: {  	s4 =	simm.s32 $_scs_section_size  }
0x9a: {  	s5 =	simm.s32 $_size__tile_overlayer_lowered;
	s6 =	simm.s32 $_tile_overlayer_lowered  }
0x9b: {  	s7 =	simm.s32 $0x1BFF;
	s21 =	sshll.u32 s6, $0x1;
	s4 =	sadd.s32 s4, s20  }
0x9c: {  	s22 =	simm.s32 $0x0;
	s5 =	sshll.u32 s5, $0x1;
	s6 =	sadd.s32 s21, s4  }
0x9d: {  	[timem:s22], [sflag:s7] =	dma.local [hbm:s6], s5  }
0x9e: {  	_ =	swait.ge [sflag:s7], s5  }
0x9f: {  	s5 =	ssub.s32 $0x0, s5;
	[sflag:s7] =	ssyncset.done $0x0  }
0xa0: {  	[sflag:s7] =	ssyncadd.s32 s5;
	_ =	sdelay $0x1  }
0xa1: {  	s23 =	simm.s32 $0x1B8B  }
0xa2: {  	_ =	swait.ge [sflag:s23], $0x1  }
0xa3: {  	[sflag:s23] =	ssyncset.done $0x0  }
0xa4: {  	[sflag:s23] =	ssyncadd.s32 $0xFFFFFFFF  }
0xa5: {  	s5 =	sld [smem:$0x0]  }
0xa6: {  	s6 =	sand.u32 $0xFFFFFFFE, s1  }
0xa7: {  	p0 =	sne.s32 s1, s6  }
0xa8: {  	s6 =	sshll.u32 @p0 s6, $0xE  }
0xa9: {  	s6 =	sadd.s32 @p0 $0x11B8D, s6;
	s7 =	sshll.u32 @p0 s5, $0x11  }
0xaa: {  	s6 =	sor.u32 @p0 s7, s6  }
0xab: {  	[sflag:s6] =	ssyncadd.remote.s32 @p0 $0x1;
	_ =	sdelay $0x1  }
0xac: {  	s6 =	simm.s32 @p0 $0x1B8D  }
0xad: {  	_ =	swait.eq @p0 [sflag:s6], $0x1  }
0xae: {  	[sflag:s6] =	ssyncadd.s32 @p0 $0xFFFFFFFF  }
0xaf: {  	s7 =	sshll.u32 @!p0 s1, $0xE  }
0xb0: {  	s7 =	sor.u32 @!p0 $0x4000, s7;
	s6 =	simm.s32 @!p0 $0x1B8D  }
0xb1: {  	s5 =	sshll.u32 @!p0 s5, $0x11;
	s7 =	sadd.s32 @!p0 $0x11B8D, s7;
	_ =	swait.eq @!p0 [sflag:s6], $0x1  }
0xb2: {  	s5 =	sor.u32 @!p0 s5, s7;
	[sflag:s6] =	ssyncadd.s32 @!p0 $0xFFFFFFFF  }
0xb3: {  	s25 =	simm.s32 $0x1B8E;
	s24 =	sld [smem:$0x3FFE];
	[sflag:s5] =	ssyncadd.remote.s32 @!p0 $0x1  }
0xb4: {  	s26 =	simm.s32 $execute0_lowered;
	[smem:$0x3FD2] =	sst s25  }
0xb5: {  	s6 =	sshll.u32 s26, $0x1;
	_ =	strace $0x80000049;
	[dreg:$0x1] =	wrdreg $0xFFFFFFFF  }
0xb6: {  	s28 =	simm.s32 $_size_execute0_lowered;
	s4 =	sadd.s32 s4, s6;
	[dreg:$0x0] =	wrdreg $0x0  }
0xb7: {  	s6 =	sshll.u32 s28, $0x1;
	[dreg:$0x2] =	wrdreg s4  }
0xb8: {  	[dreg:$0x3] =	wrdreg s6  }
0xb9: {  	[dreg:$0x4] =	wrdreg $0xC0  }
0xba: {  	_ =	task [dreg:s22], $0x5FFFF  }
0xbb: {  	[dreg:$0x1] =	wrdreg $0xFFFFFFFF  }
0xbc: {  	[dreg:$0x0] =	wrdreg $0x60  }
0xbd: {  	[dreg:$0x2] =	wrdreg s24  }
0xbe: {  	[dreg:$0x3] =	wrdreg s18  }
0xbf: {  	[dreg:$0x4] =	wrdreg $0xA  }
0xc0: {  	_ =	task.clear_ibuf [dreg:s22], $0x5FFFF;
	_ =	strace $0x90000049  }
0xc1: {  	s29 =	simm.s32 $0xA;
	_ =	strace $0x8000004B  }
0xc2: {  	_ =	swait.ge [sflag:s29], $0x1  }
0xc3: {  	[sflag:s29] =	ssyncadd.s32 $0xFFFFFFFF  }
0xc4: {  	_ =	strace $0x9000004B  }
0xc5: {  	_ =	sfence  }
0xc6: {  	s30 =	sld [smem:$0x0];
	_ =	sdelay $0x2  }
0xc7: {  	s31 =	sshll.u32 s1, $0xD;
	s1 =	sshrl.u32 s1, $0x2  }
0xc8: {  	s4 =	sand.u32 $0x4000, s31;
	s1 =	sadd.s32 s1, s30  }
0xc9: {  	s0 =	sor.u32 s4, s0;
	s1 =	sshll.u32 s1, $0x11  }
0xca: {  	s0 =	sor.u32 s1, s0  }
0xcb: {  	s0 =	sadd.s32 $0x8F2B, s0  }
0xcc: {  	[sflag:s0] =	ssyncadd.remote.s32 $0x1  }
0xcd: {  	_ =	sfence.sel $0xFFFF  }
0xce: {  	[dreg:$0x0] =	wrdreg $0xFFFFFFFF;
	(pc) =	sbr.abs _section_cstart, $3  }
0xcf: {  	[dreg:$0x1] =	wrdreg $0xFFFFFFFF  }
0xd0: {  	_ =	task.clear_ibuf [dreg:s22], $0x2FFFF;
	_ =	strace $0x9FFFFFFF  }
0xd1: {  	(tm) =	ssettm $0x7FFFFFFF  }
tec
execute0_lowered:
.L_overlay_start_1:
0x0: {  	(tag) =	ssettag $0x1  }
0x1: {  	s0 =	srdreg.scid;
	s4 =	rddreg [dreg:$0x0]  }
0x2: {  	s1 =	stileid.u32;
	s3 =	rddreg [dreg:$0x1]  }
0x3: {  	s2 =	simm.s32 $0x0;
	s31 =	simm.s32 $0x4;
	s9 =	simm.s32 $0x50  }
0x4: {  	s11 =	simm.s32 $0x500;
	s14 =	simm.s32 $0x2D00;
	s29 =	simm.s32 $0xA0  }
0x5: {  	s6 =	simm.s32 $0x5500;
	s30 =	simm.s32 $0xF0;
	s12 =	simm.s32 $0x7D00  }
0x6: {  	s7 =	simm.s32 $0x2;
	s28 =	simm.s32 $0x190;
	s8 =	simm.s32 $0x3  }
0x7: {  	p0 =	por $0x0, $0x0;
	s20 =	simm.s32 $0x320;
	s18 =	simm.s32 $0x3C0  }
0x8: {  	s19 =	simm.s32 $0x410;
	s0 =	sand.u32 $0x1, s0;
	s1 =	sshll.u32 s1, $0x1  }
0x9: {  	s16 =	simm.s32 $0x460;
	s17 =	simm.s32 $0x4B0;
	s1 =	sor.u32 s0, s1  }
0xa: {  	[smem:$0x7FF] =	sst s2;
	s0 =	ssub.s32 $0x2, s0;
	s5 =	smul.u32 $0x500, s1  }
0xb: {  	_ =	strace $0x8000004A;
	s1 =	smul.u32 $0x5000, s1;
	s24 =	sshrl.u32 s0, $0x1  }
0xc: {  	s0 =	ssub.s32 s0, s24;
	s24 =	simm.s32 $0x1E0;
	s5 =	sshrl.u32 s5, $0x3  }
0xd: {  	s1 =	sadd.s32 s1, s4;
	s0 =	smax.u32 s0, $0x1;
	s5 =	sadd.s32 s4, s5  }
0xe: {  	s22 =	sadd.s32 $0x8C00, s1;
	s23 =	sadd.s32 $0x9600, s1;
	s25 =	sadd.s32 $0xA000, s1  }
0xf: {  	s26 =	sadd.s32 $0xAA00, s1;
	s15 =	sadd.s32 $0xB400, s1;
	s13 =	sadd.s32 $0xBE00, s1  }
0x10: {  	s10 =	sadd.s32 $0xC800, s1;
	p1 =	sne.s32 s0, $0x1;
	[dreg:$0x4] =	wrdreg s22  }
.Ltmp0:
0x11: {  	s4 =	sadd.s32 $0xD200, s1;
	[dreg:$0x5] =	wrdreg s23;
	(pc) =	sbr.rel @!p1 .LBB2_3-.Ltmp0, $4  }
0x12: {  	s1 =	sadd.s32 $0xFFFFFFFF, s0;
	s21 =	sadd.s32 $0x3C00, s5;
	[dreg:$0x6] =	wrdreg s25  }
0x13: {  	[dreg:$0x7] =	wrdreg s26;
	s5 =	simm.s32 $0x1;
	s26 =	simm.s32 $0x140  }
0x14: {  	s25 =	simm.s32 $0x230;
	s22 =	simm.s32 $0x280;
	[dreg:$0x3] =	wrdreg s21  }
0x15: {  	s23 =	simm.s32 $0x2D0;
	s21 =	simm.s32 $0x370;
	s0 =	rddreg [dreg:$0x3]  }
0x16: {  	[tilespmem:s2], [sflag:$0x4] =	stream.linear.gather [hbm4b:s0+s2], $0x500, $0x38;
	[tilespmem:$0xA500] =	vst v63  }
0x17: {  	_ =	swait.ge [sflag:s31], $0x500  }
0x18: {  	[sflag:s31] =	ssyncset.done $0x0  }
0x19: {  	[sflag:s31] =	ssyncadd.s32 $0xFFFFFB00  }
0x1a: {  	[tilespmem:s11], [sflag:$0x1] =	stream.indirect.gather [hbm4b:s3+s9], $0x80, s2, s9, $0xb8;
	[tilespmem:$0xA500] =	vst v63  }
0x1b: {  	_ = 	snop  }
0x1c: {  	[tilespmem:s14], [sflag:$0x1] =	stream.indirect.gather [hbm4b:s3+s9], $0x80, s9, s9, $0xb8;
	[tilespmem:$0xA500] =	vst v63  }
0x1d: {  	_ =	swait.ge [sflag:s5], $0x2800  }
0x1e: {  	[sflag:s5] =	ssyncset.done $0x0  }
0x1f: {  	[sflag:s5] =	ssyncadd.s32 $0xFFFFD800  }
0x20: {  	_ =	swait.ge [sflag:s5], $0x2800  }
0x21: {  	[sflag:s5] =	ssyncset.done $0x0  }
0x22: {  	s0 =	rddreg [dreg:$0x4];
	[sflag:s5] =	ssyncadd.s32 $0xFFFFD800  }
0x23: {  	[hbm4b:s0+s2] =	stream.linear.scatter [tilespmem:s11], [sflag:$0x2], $0x5000, $0x38;
	[tilespmem:$0xA500] =	vst v63  }
0x24: {  	_ = 	snop  }
0x25: {  	[tilespmem:s6], [sflag:$0x1] =	stream.indirect.gather [hbm4b:s3+s9], $0x80, s29, s9, $0xb8;
	[tilespmem:$0xA500] =	vst v63  }
0x26: {  	_ = 	snop  }
0x27: {  	[tilespmem:s12], [sflag:$0x1] =	stream.indirect.gather [hbm4b:s3+s9], $0x80, s30, s9, $0xb8;
	[tilespmem:$0xA500] =	vst v63  }
0x28: {  	_ =	swait.ge [sflag:s5], $0x2800  }
0x29: {  	[sflag:s5] =	ssyncset.done $0x0  }
0x2a: {  	[sflag:s5] =	ssyncadd.s32 $0xFFFFD800  }
0x2b: {  	_ =	swait.ge [sflag:s5], $0x2800  }
0x2c: {  	[sflag:s5] =	ssyncset.done $0x0  }
0x2d: {  	s0 =	rddreg [dreg:$0x5];
	[sflag:s5] =	ssyncadd.s32 $0xFFFFD800  }
0x2e: {  	[hbm4b:s0+s2] =	stream.linear.scatter [tilespmem:s6], [sflag:$0x3], $0x5000, $0x38;
	[tilespmem:$0xA500] =	vst v63  }
0x2f: {  	_ =	swait.ge [sflag:s7], $0x5000  }
0x30: {  	[sflag:s7] =	ssyncset.done $0x0  }
0x31: {  	[sflag:s7] =	ssyncadd.s32 $0xFFFFB000  }
0x32: {  	[tilespmem:s11], [sflag:$0x1] =	stream.indirect.gather [hbm4b:s3+s9], $0x80, s26, s9, $0xb8;
	[tilespmem:$0xA500] =	vst v63  }
0x33: {  	_ = 	snop  }
0x34: {  	[tilespmem:s14], [sflag:$0x1] =	stream.indirect.gather [hbm4b:s3+s9], $0x80, s28, s9, $0xb8;
	[tilespmem:$0xA500] =	vst v63  }
0x35: {  	_ =	swait.ge [sflag:s5], $0x2800  }
0x36: {  	[sflag:s5] =	ssyncset.done $0x0  }
0x37: {  	[sflag:s5] =	ssyncadd.s32 $0xFFFFD800  }
0x38: {  	_ =	swait.ge [sflag:s5], $0x2800  }
0x39: {  	[sflag:s5] =	ssyncset.done $0x0  }
0x3a: {  	s0 =	rddreg [dreg:$0x6];
	[sflag:s5] =	ssyncadd.s32 $0xFFFFD800  }
0x3b: {  	[hbm4b:s0+s2] =	stream.linear.scatter [tilespmem:s11], [sflag:$0x2], $0x5000, $0x38;
	[tilespmem:$0xA500] =	vst v63  }
0x3c: {  	_ =	swait.ge [sflag:s8], $0x5000  }
0x3d: {  	[sflag:s8] =	ssyncset.done $0x0  }
0x3e: {  	[sflag:s8] =	ssyncadd.s32 $0xFFFFB000  }
0x3f: {  	[tilespmem:s6], [sflag:$0x1] =	stream.indirect.gather [hbm4b:s3+s9], $0x80, s24, s9, $0xb8;
	[tilespmem:$0xA500] =	vst v63  }
0x40: {  	_ = 	snop  }
0x41: {  	[tilespmem:s12], [sflag:$0x1] =	stream.indirect.gather [hbm4b:s3+s9], $0x80, s25, s9, $0xb8;
	[tilespmem:$0xA500] =	vst v63  }
0x42: {  	_ =	swait.ge [sflag:s5], $0x2800  }
0x43: {  	[sflag:s5] =	ssyncset.done $0x0  }
0x44: {  	[sflag:s5] =	ssyncadd.s32 $0xFFFFD800  }
0x45: {  	_ =	swait.ge [sflag:s5], $0x2800  }
0x46: {  	[sflag:s5] =	ssyncset.done $0x0  }
0x47: {  	s0 =	rddreg [dreg:$0x7];
	[sflag:s5] =	ssyncadd.s32 $0xFFFFD800  }
0x48: {  	[hbm4b:s0+s2] =	stream.linear.scatter [tilespmem:s6], [sflag:$0x3], $0x5000, $0x38;
	[tilespmem:$0xA500] =	vst v63  }
0x49: {  	_ =	swait.ge [sflag:s7], $0x5000  }
0x4a: {  	[sflag:s7] =	ssyncset.done $0x0  }
0x4b: {  	[sflag:s7] =	ssyncadd.s32 $0xFFFFB000  }
0x4c: {  	[tilespmem:s11], [sflag:$0x1] =	stream.indirect.gather [hbm4b:s3+s9], $0x80, s22, s9, $0xb8;
	[tilespmem:$0xA500] =	vst v63  }
0x4d: {  	_ = 	snop  }
0x4e: {  	[tilespmem:s14], [sflag:$0x1] =	stream.indirect.gather [hbm4b:s3+s9], $0x80, s23, s9, $0xb8;
	[tilespmem:$0xA500] =	vst v63  }
0x4f: {  	_ =	swait.ge [sflag:s5], $0x2800  }
0x50: {  	[sflag:s5] =	ssyncset.done $0x0  }
0x51: {  	[sflag:s5] =	ssyncadd.s32 $0xFFFFD800  }
0x52: {  	_ =	swait.ge [sflag:s5], $0x2800  }
0x53: {  	[sflag:s5] =	ssyncset.done $0x0  }
0x54: {  	[sflag:s5] =	ssyncadd.s32 $0xFFFFD800  }
0x55: {  	[hbm4b:s15+s2] =	stream.linear.scatter [tilespmem:s11], [sflag:$0x2], $0x5000, $0x38;
	[tilespmem:$0xA500] =	vst v63  }
0x56: {  	_ =	swait.ge [sflag:s8], $0x5000  }
0x57: {  	[sflag:s8] =	ssyncset.done $0x0  }
0x58: {  	[sflag:s8] =	ssyncadd.s32 $0xFFFFB000  }
0x59: {  	[tilespmem:s6], [sflag:$0x1] =	stream.indirect.gather [hbm4b:s3+s9], $0x80, s20, s9, $0xb8;
	[tilespmem:$0xA500] =	vst v63  }
0x5a: {  	_ = 	snop  }
0x5b: {  	[tilespmem:s12], [sflag:$0x1] =	stream.indirect.gather [hbm4b:s3+s9], $0x80, s21, s9, $0xb8;
	[tilespmem:$0xA500] =	vst v63  }
0x5c: {  	_ =	swait.ge [sflag:s5], $0x2800  }
0x5d: {  	[sflag:s5] =	ssyncset.done $0x0  }
0x5e: {  	[sflag:s5] =	ssyncadd.s32 $0xFFFFD800  }
0x5f: {  	_ =	swait.ge [sflag:s5], $0x2800  }
0x60: {  	[sflag:s5] =	ssyncset.done $0x0  }
0x61: {  	[sflag:s5] =	ssyncadd.s32 $0xFFFFD800  }
0x62: {  	[hbm4b:s13+s2] =	stream.linear.scatter [tilespmem:s6], [sflag:$0x3], $0x5000, $0x38;
	[tilespmem:$0xA500] =	vst v63  }
0x63: {  	_ =	swait.ge [sflag:s7], $0x5000  }
0x64: {  	[sflag:s7] =	ssyncset.done $0x0  }
0x65: {  	[sflag:s7] =	ssyncadd.s32 $0xFFFFB000  }
0x66: {  	[tilespmem:s11], [sflag:$0x1] =	stream.indirect.gather [hbm4b:s3+s9], $0x80, s18, s9, $0xb8;
	[tilespmem:$0xA500] =	vst v63  }
0x67: {  	_ = 	snop  }
0x68: {  	[tilespmem:s14], [sflag:$0x1] =	stream.indirect.gather [hbm4b:s3+s9], $0x80, s19, s9, $0xb8;
	[tilespmem:$0xA500] =	vst v63  }
0x69: {  	_ =	swait.ge [sflag:s5], $0x2800  }
0x6a: {  	[sflag:s5] =	ssyncset.done $0x0  }
0x6b: {  	[sflag:s5] =	ssyncadd.s32 $0xFFFFD800  }
0x6c: {  	_ =	swait.ge [sflag:s5], $0x2800  }
0x6d: {  	[sflag:s5] =	ssyncset.done $0x0  }
0x6e: {  	[sflag:s5] =	ssyncadd.s32 $0xFFFFD800  }
0x6f: {  	[hbm4b:s10+s2] =	stream.linear.scatter [tilespmem:s11], [sflag:$0x2], $0x5000, $0x38;
	[tilespmem:$0xA500] =	vst v63  }
0x70: {  	_ =	swait.ge [sflag:s8], $0x5000  }
0x71: {  	[sflag:s8] =	ssyncset.done $0x0  }
0x72: {  	[sflag:s8] =	ssyncadd.s32 $0xFFFFB000  }
0x73: {  	[tilespmem:s6], [sflag:$0x1] =	stream.indirect.gather [hbm4b:s3+s9], $0x80, s16, s9, $0xb8;
	[tilespmem:$0xA500] =	vst v63  }
0x74: {  	_ = 	snop  }
0x75: {  	[tilespmem:s12], [sflag:$0x1] =	stream.indirect.gather [hbm4b:s3+s9], $0x80, s17, s9, $0xb8;
	[tilespmem:$0xA500] =	vst v63  }
0x76: {  	_ =	swait.ge [sflag:s5], $0x2800  }
0x77: {  	[sflag:s5] =	ssyncset.done $0x0  }
0x78: {  	[sflag:s5] =	ssyncadd.s32 $0xFFFFD800  }
0x79: {  	_ =	swait.ge [sflag:s5], $0x2800  }
0x7a: {  	[sflag:s5] =	ssyncset.done $0x0  }
0x7b: {  	p1 =	sne.s32 s1, $0x1;
	[sflag:s5] =	ssyncadd.s32 $0xFFFFD800  }
0x7c: {  	[hbm4b:s4+s2] =	stream.linear.scatter [tilespmem:s6], [sflag:$0x3], $0x5000, $0x38;
	[tilespmem:$0xA500] =	vst v63  }
.Ltmp1:
0x7d: {  	_ =	swait.ge [sflag:s7], $0x5000;
	(pc) =	sbr.rel @!p1 .LBB2_3-.Ltmp1, $4  }
0x7e: {  	[sflag:s7] =	ssyncset.done $0x0  }
0x7f: {  	[sflag:s7] =	ssyncadd.s32 $0xFFFFB000  }
0x80: {  	s1 =	sadd.s32 $0xFFFFFFFF, s1;
	_ =	swait.ge [sflag:s8], $0x5000  }
0x81: {  	p0 =	por $0x1, $0x1;
	s0 =	rddreg [dreg:$0x3];
	[sflag:s8] =	ssyncset.done $0x0  }
.LBB2_2:
0x82: {  	[sflag:s8] =	ssyncadd.s32 $0xFFFFB000  }
0x83: {  	[tilespmem:s2], [sflag:$0x4] =	stream.linear.gather [hbm4b:s0+s2], $0x500, $0x38;
	[tilespmem:$0xA500] =	vst v63  }
0x84: {  	_ =	swait.ge [sflag:s31], $0x500  }
0x85: {  	[sflag:s31] =	ssyncset.done $0x0  }
0x86: {  	[sflag:s31] =	ssyncadd.s32 $0xFFFFFB00  }
0x87: {  	[tilespmem:s11], [sflag:$0x1] =	stream.indirect.gather [hbm4b:s3+s9], $0x80, s2, s9, $0xb8;
	[tilespmem:$0xA500] =	vst v63  }
0x88: {  	_ = 	snop  }
0x89: {  	[tilespmem:s14], [sflag:$0x1] =	stream.indirect.gather [hbm4b:s3+s9], $0x80, s9, s9, $0xb8;
	[tilespmem:$0xA500] =	vst v63  }
0x8a: {  	_ =	swait.ge [sflag:s5], $0x2800  }
0x8b: {  	[sflag:s5] =	ssyncset.done $0x0  }
0x8c: {  	[sflag:s5] =	ssyncadd.s32 $0xFFFFD800  }
0x8d: {  	_ =	swait.ge [sflag:s5], $0x2800  }
0x8e: {  	[sflag:s5] =	ssyncset.done $0x0  }
0x8f: {  	s0 =	rddreg [dreg:$0x4];
	[sflag:s5] =	ssyncadd.s32 $0xFFFFD800  }
0x90: {  	[hbm4b:s0+s2] =	stream.linear.scatter [tilespmem:s11], [sflag:$0x2], $0x5000, $0x38;
	[tilespmem:$0xA500] =	vst v63  }
0x91: {  	_ = 	snop  }
0x92: {  	[tilespmem:s6], [sflag:$0x1] =	stream.indirect.gather [hbm4b:s3+s9], $0x80, s29, s9, $0xb8;
	[tilespmem:$0xA500] =	vst v63  }
0x93: {  	_ = 	snop  }
0x94: {  	[tilespmem:s12], [sflag:$0x1] =	stream.indirect.gather [hbm4b:s3+s9], $0x80, s30, s9, $0xb8;
	[tilespmem:$0xA500] =	vst v63  }
0x95: {  	_ =	swait.ge [sflag:s5], $0x2800  }
0x96: {  	[sflag:s5] =	ssyncset.done $0x0  }
0x97: {  	[sflag:s5] =	ssyncadd.s32 $0xFFFFD800  }
0x98: {  	_ =	swait.ge [sflag:s5], $0x2800  }
0x99: {  	[sflag:s5] =	ssyncset.done $0x0  }
0x9a: {  	s0 =	rddreg [dreg:$0x5];
	[sflag:s5] =	ssyncadd.s32 $0xFFFFD800  }
0x9b: {  	[hbm4b:s0+s2] =	stream.linear.scatter [tilespmem:s6], [sflag:$0x3], $0x5000, $0x38;
	[tilespmem:$0xA500] =	vst v63  }
0x9c: {  	_ =	swait.ge [sflag:s7], $0x5000  }
0x9d: {  	[sflag:s7] =	ssyncset.done $0x0  }
0x9e: {  	[sflag:s7] =	ssyncadd.s32 $0xFFFFB000  }
0x9f: {  	[tilespmem:s11], [sflag:$0x1] =	stream.indirect.gather [hbm4b:s3+s9], $0x80, s26, s9, $0xb8;
	[tilespmem:$0xA500] =	vst v63  }
0xa0: {  	_ = 	snop  }
0xa1: {  	[tilespmem:s14], [sflag:$0x1] =	stream.indirect.gather [hbm4b:s3+s9], $0x80, s28, s9, $0xb8;
	[tilespmem:$0xA500] =	vst v63  }
0xa2: {  	_ =	swait.ge [sflag:s5], $0x2800  }
0xa3: {  	[sflag:s5] =	ssyncset.done $0x0  }
0xa4: {  	[sflag:s5] =	ssyncadd.s32 $0xFFFFD800  }
0xa5: {  	_ =	swait.ge [sflag:s5], $0x2800  }
0xa6: {  	[sflag:s5] =	ssyncset.done $0x0  }
0xa7: {  	s0 =	rddreg [dreg:$0x6];
	[sflag:s5] =	ssyncadd.s32 $0xFFFFD800  }
0xa8: {  	[hbm4b:s0+s2] =	stream.linear.scatter [tilespmem:s11], [sflag:$0x2], $0x5000, $0x38;
	[tilespmem:$0xA500] =	vst v63  }
0xa9: {  	_ =	swait.ge [sflag:s8], $0x5000  }
0xaa: {  	[sflag:s8] =	ssyncset.done $0x0  }
0xab: {  	[sflag:s8] =	ssyncadd.s32 $0xFFFFB000  }
0xac: {  	[tilespmem:s6], [sflag:$0x1] =	stream.indirect.gather [hbm4b:s3+s9], $0x80, s24, s9, $0xb8;
	[tilespmem:$0xA500] =	vst v63  }
0xad: {  	_ = 	snop  }
0xae: {  	[tilespmem:s12], [sflag:$0x1] =	stream.indirect.gather [hbm4b:s3+s9], $0x80, s25, s9, $0xb8;
	[tilespmem:$0xA500] =	vst v63  }
0xaf: {  	_ =	swait.ge [sflag:s5], $0x2800  }
0xb0: {  	[sflag:s5] =	ssyncset.done $0x0  }
0xb1: {  	[sflag:s5] =	ssyncadd.s32 $0xFFFFD800  }
0xb2: {  	_ =	swait.ge [sflag:s5], $0x2800  }
0xb3: {  	[sflag:s5] =	ssyncset.done $0x0  }
0xb4: {  	s0 =	rddreg [dreg:$0x7];
	[sflag:s5] =	ssyncadd.s32 $0xFFFFD800  }
0xb5: {  	[hbm4b:s0+s2] =	stream.linear.scatter [tilespmem:s6], [sflag:$0x3], $0x5000, $0x38;
	[tilespmem:$0xA500] =	vst v63  }
0xb6: {  	_ =	swait.ge [sflag:s7], $0x5000  }
0xb7: {  	[sflag:s7] =	ssyncset.done $0x0  }
0xb8: {  	[sflag:s7] =	ssyncadd.s32 $0xFFFFB000  }
0xb9: {  	[tilespmem:s11], [sflag:$0x1] =	stream.indirect.gather [hbm4b:s3+s9], $0x80, s22, s9, $0xb8;
	[tilespmem:$0xA500] =	vst v63  }
0xba: {  	_ = 	snop  }
0xbb: {  	[tilespmem:s14], [sflag:$0x1] =	stream.indirect.gather [hbm4b:s3+s9], $0x80, s23, s9, $0xb8;
	[tilespmem:$0xA500] =	vst v63  }
0xbc: {  	_ =	swait.ge [sflag:s5], $0x2800  }
0xbd: {  	[sflag:s5] =	ssyncset.done $0x0  }
0xbe: {  	[sflag:s5] =	ssyncadd.s32 $0xFFFFD800  }
0xbf: {  	_ =	swait.ge [sflag:s5], $0x2800  }
0xc0: {  	[sflag:s5] =	ssyncset.done $0x0  }
0xc1: {  	[sflag:s5] =	ssyncadd.s32 $0xFFFFD800  }
0xc2: {  	[hbm4b:s15+s2] =	stream.linear.scatter [tilespmem:s11], [sflag:$0x2], $0x5000, $0x38;
	[tilespmem:$0xA500] =	vst v63  }
0xc3: {  	_ =	swait.ge [sflag:s8], $0x5000  }
0xc4: {  	[sflag:s8] =	ssyncset.done $0x0  }
0xc5: {  	[sflag:s8] =	ssyncadd.s32 $0xFFFFB000  }
0xc6: {  	[tilespmem:s6], [sflag:$0x1] =	stream.indirect.gather [hbm4b:s3+s9], $0x80, s20, s9, $0xb8;
	[tilespmem:$0xA500] =	vst v63  }
0xc7: {  	_ = 	snop  }
0xc8: {  	[tilespmem:s12], [sflag:$0x1] =	stream.indirect.gather [hbm4b:s3+s9], $0x80, s21, s9, $0xb8;
	[tilespmem:$0xA500] =	vst v63  }
0xc9: {  	_ =	swait.ge [sflag:s5], $0x2800  }
0xca: {  	[sflag:s5] =	ssyncset.done $0x0  }
0xcb: {  	[sflag:s5] =	ssyncadd.s32 $0xFFFFD800  }
0xcc: {  	_ =	swait.ge [sflag:s5], $0x2800  }
0xcd: {  	[sflag:s5] =	ssyncset.done $0x0  }
0xce: {  	[sflag:s5] =	ssyncadd.s32 $0xFFFFD800  }
0xcf: {  	[hbm4b:s13+s2] =	stream.linear.scatter [tilespmem:s6], [sflag:$0x3], $0x5000, $0x38;
	[tilespmem:$0xA500] =	vst v63  }
0xd0: {  	_ =	swait.ge [sflag:s7], $0x5000  }
0xd1: {  	[sflag:s7] =	ssyncset.done $0x0  }
0xd2: {  	[sflag:s7] =	ssyncadd.s32 $0xFFFFB000  }
0xd3: {  	[tilespmem:s11], [sflag:$0x1] =	stream.indirect.gather [hbm4b:s3+s9], $0x80, s18, s9, $0xb8;
	[tilespmem:$0xA500] =	vst v63  }
0xd4: {  	_ = 	snop  }
0xd5: {  	[tilespmem:s14], [sflag:$0x1] =	stream.indirect.gather [hbm4b:s3+s9], $0x80, s19, s9, $0xb8;
	[tilespmem:$0xA500] =	vst v63  }
0xd6: {  	_ =	swait.ge [sflag:s5], $0x2800  }
0xd7: {  	[sflag:s5] =	ssyncset.done $0x0  }
0xd8: {  	[sflag:s5] =	ssyncadd.s32 $0xFFFFD800  }
0xd9: {  	_ =	swait.ge [sflag:s5], $0x2800  }
0xda: {  	[sflag:s5] =	ssyncset.done $0x0  }
0xdb: {  	[sflag:s5] =	ssyncadd.s32 $0xFFFFD800  }
0xdc: {  	[hbm4b:s10+s2] =	stream.linear.scatter [tilespmem:s11], [sflag:$0x2], $0x5000, $0x38;
	[tilespmem:$0xA500] =	vst v63  }
0xdd: {  	_ =	swait.ge [sflag:s8], $0x5000  }
0xde: {  	[sflag:s8] =	ssyncset.done $0x0  }
0xdf: {  	[sflag:s8] =	ssyncadd.s32 $0xFFFFB000  }
0xe0: {  	[tilespmem:s6], [sflag:$0x1] =	stream.indirect.gather [hbm4b:s3+s9], $0x80, s16, s9, $0xb8;
	[tilespmem:$0xA500] =	vst v63  }
0xe1: {  	_ = 	snop  }
0xe2: {  	[tilespmem:s12], [sflag:$0x1] =	stream.indirect.gather [hbm4b:s3+s9], $0x80, s17, s9, $0xb8;
	[tilespmem:$0xA500] =	vst v63  }
0xe3: {  	_ =	swait.ge [sflag:s5], $0x2800  }
0xe4: {  	[sflag:s5] =	ssyncset.done $0x0  }
0xe5: {  	[sflag:s5] =	ssyncadd.s32 $0xFFFFD800  }
0xe6: {  	_ =	swait.ge [sflag:s5], $0x2800  }
0xe7: {  	[sflag:s5] =	ssyncset.done $0x0  }
0xe8: {  	p1 =	sne.s32 s1, $0x1;
	[sflag:s5] =	ssyncadd.s32 $0xFFFFD800  }
0xe9: {  	[hbm4b:s4+s2] =	stream.linear.scatter [tilespmem:s6], [sflag:$0x3], $0x5000, $0x38;
	[tilespmem:$0xA500] =	vst v63  }
.Ltmp2:
0xea: {  	_ =	swait.ge [sflag:s7], $0x5000;
	(pc) =	sbr.rel @p1 .LBB2_2-.Ltmp2, $4  }
0xeb: {  	[sflag:s7] =	ssyncset.done $0x0  }
0xec: {  	[sflag:s7] =	ssyncadd.s32 $0xFFFFB000  }
0xed: {  	_ =	swait.ge [sflag:s8], $0x5000  }
0xee: {  	s1 =	sadd.s32 $0xFFFFFFFF, s1;
	s0 =	rddreg [dreg:$0x3];
	[sflag:s8] =	ssyncset.done $0x0  }
.LBB2_3:
0xef: {  	[sflag:s8] =	ssyncadd.s32 @p0 $0xFFFFB000  }
0xf0: {  	[tilespmem:s2], [sflag:$0x4] =	stream.linear.gather [hbm4b:s0+s2], $0x500, $0x38;
	[tilespmem:$0xA500] =	vst v63  }
0xf1: {  	_ =	swait.ge [sflag:s31], $0x500  }
0xf2: {  	[sflag:s31] =	ssyncset.done $0x0  }
0xf3: {  	[sflag:s31] =	ssyncadd.s32 $0xFFFFFB00  }
0xf4: {  	[tilespmem:s11], [sflag:$0x1] =	stream.indirect.gather [hbm4b:s3+s9], $0x80, s2, s9, $0xb8;
	[tilespmem:$0xA500] =	vst v63  }
0xf5: {  	_ = 	snop  }
0xf6: {  	[tilespmem:s14], [sflag:$0x1] =	stream.indirect.gather [hbm4b:s3+s9], $0x80, s9, s9, $0xb8;
	[tilespmem:$0xA500] =	vst v63  }
0xf7: {  	_ =	swait.ge [sflag:s5], $0x2800  }
0xf8: {  	[sflag:s5] =	ssyncset.done $0x0  }
0xf9: {  	[sflag:s5] =	ssyncadd.s32 $0xFFFFD800  }
0xfa: {  	_ =	swait.ge [sflag:s5], $0x2800  }
0xfb: {  	[sflag:s5] =	ssyncset.done $0x0  }
0xfc: {  	s31 =	rddreg [dreg:$0x4];
	[sflag:s5] =	ssyncadd.s32 $0xFFFFD800  }
0xfd: {  	[hbm4b:s31+s2] =	stream.linear.scatter [tilespmem:s11], [sflag:$0x2], $0x5000, $0x38;
	[tilespmem:$0xA500] =	vst v63  }
0xfe: {  	_ = 	snop  }
0xff: {  	[tilespmem:s6], [sflag:$0x1] =	stream.indirect.gather [hbm4b:s3+s9], $0x80, s29, s9, $0xb8;
	[tilespmem:$0xA500] =	vst v63  }
0x100: {  	_ = 	snop  }
0x101: {  	[tilespmem:s12], [sflag:$0x1] =	stream.indirect.gather [hbm4b:s3+s9], $0x80, s30, s9, $0xb8;
	[tilespmem:$0xA500] =	vst v63  }
0x102: {  	_ =	swait.ge [sflag:s5], $0x2800  }
0x103: {  	[sflag:s5] =	ssyncset.done $0x0  }
0x104: {  	[sflag:s5] =	ssyncadd.s32 $0xFFFFD800  }
0x105: {  	_ =	swait.ge [sflag:s5], $0x2800  }
0x106: {  	[sflag:s5] =	ssyncset.done $0x0  }
0x107: {  	s1 =	rddreg [dreg:$0x5];
	[sflag:s5] =	ssyncadd.s32 $0xFFFFD800  }
0x108: {  	[hbm4b:s1+s2] =	stream.linear.scatter [tilespmem:s6], [sflag:$0x3], $0x5000, $0x38;
	[tilespmem:$0xA500] =	vst v63  }
0x109: {  	_ =	swait.ge [sflag:s7], $0x5000  }
0x10a: {  	[sflag:s7] =	ssyncset.done $0x0  }
0x10b: {  	[sflag:s7] =	ssyncadd.s32 $0xFFFFB000  }
0x10c: {  	[tilespmem:s11], [sflag:$0x1] =	stream.indirect.gather [hbm4b:s3+s9], $0x80, s26, s9, $0xb8;
	[tilespmem:$0xA500] =	vst v63  }
0x10d: {  	_ = 	snop  }
0x10e: {  	[tilespmem:s14], [sflag:$0x1] =	stream.indirect.gather [hbm4b:s3+s9], $0x80, s28, s9, $0xb8;
	[tilespmem:$0xA500] =	vst v63  }
0x10f: {  	_ =	swait.ge [sflag:s5], $0x2800  }
0x110: {  	[sflag:s5] =	ssyncset.done $0x0  }
0x111: {  	[sflag:s5] =	ssyncadd.s32 $0xFFFFD800  }
0x112: {  	_ =	swait.ge [sflag:s5], $0x2800  }
0x113: {  	[sflag:s5] =	ssyncset.done $0x0  }
0x114: {  	s29 =	rddreg [dreg:$0x6];
	[sflag:s5] =	ssyncadd.s32 $0xFFFFD800  }
0x115: {  	[hbm4b:s29+s2] =	stream.linear.scatter [tilespmem:s11], [sflag:$0x2], $0x5000, $0x38;
	[tilespmem:$0xA500] =	vst v63  }
0x116: {  	_ =	swait.ge [sflag:s8], $0x5000  }
0x117: {  	[sflag:s8] =	ssyncset.done $0x0  }
0x118: {  	[sflag:s8] =	ssyncadd.s32 $0xFFFFB000  }
0x119: {  	[tilespmem:s6], [sflag:$0x1] =	stream.indirect.gather [hbm4b:s3+s9], $0x80, s24, s9, $0xb8;
	[tilespmem:$0xA500] =	vst v63  }
0x11a: {  	_ = 	snop  }
0x11b: {  	[tilespmem:s12], [sflag:$0x1] =	stream.indirect.gather [hbm4b:s3+s9], $0x80, s25, s9, $0xb8;
	[tilespmem:$0xA500] =	vst v63  }
0x11c: {  	_ =	swait.ge [sflag:s5], $0x2800  }
0x11d: {  	[sflag:s5] =	ssyncset.done $0x0  }
0x11e: {  	[sflag:s5] =	ssyncadd.s32 $0xFFFFD800  }
0x11f: {  	_ =	swait.ge [sflag:s5], $0x2800  }
0x120: {  	[sflag:s5] =	ssyncset.done $0x0  }
0x121: {  	s30 =	rddreg [dreg:$0x7];
	[sflag:s5] =	ssyncadd.s32 $0xFFFFD800  }
0x122: {  	[hbm4b:s30+s2] =	stream.linear.scatter [tilespmem:s6], [sflag:$0x3], $0x5000, $0x38;
	[tilespmem:$0xA500] =	vst v63  }
0x123: {  	_ =	swait.ge [sflag:s7], $0x5000  }
0x124: {  	[sflag:s7] =	ssyncset.done $0x0  }
0x125: {  	[sflag:s7] =	ssyncadd.s32 $0xFFFFB000  }
0x126: {  	[tilespmem:s11], [sflag:$0x1] =	stream.indirect.gather [hbm4b:s3+s9], $0x80, s22, s9, $0xb8;
	[tilespmem:$0xA500] =	vst v63  }
0x127: {  	_ = 	snop  }
0x128: {  	[tilespmem:s14], [sflag:$0x1] =	stream.indirect.gather [hbm4b:s3+s9], $0x80, s23, s9, $0xb8;
	[tilespmem:$0xA500] =	vst v63  }
0x129: {  	_ =	swait.ge [sflag:s5], $0x2800  }
0x12a: {  	[sflag:s5] =	ssyncset.done $0x0  }
0x12b: {  	[sflag:s5] =	ssyncadd.s32 $0xFFFFD800  }
0x12c: {  	_ =	swait.ge [sflag:s5], $0x2800  }
0x12d: {  	[sflag:s5] =	ssyncset.done $0x0  }
0x12e: {  	[sflag:s5] =	ssyncadd.s32 $0xFFFFD800  }
0x12f: {  	[hbm4b:s15+s2] =	stream.linear.scatter [tilespmem:s11], [sflag:$0x2], $0x5000, $0x38;
	[tilespmem:$0xA500] =	vst v63  }
0x130: {  	_ =	swait.ge [sflag:s8], $0x5000  }
0x131: {  	[sflag:s8] =	ssyncset.done $0x0  }
0x132: {  	[sflag:s8] =	ssyncadd.s32 $0xFFFFB000  }
0x133: {  	[tilespmem:s6], [sflag:$0x1] =	stream.indirect.gather [hbm4b:s3+s9], $0x80, s20, s9, $0xb8;
	[tilespmem:$0xA500] =	vst v63  }
0x134: {  	_ = 	snop  }
0x135: {  	[tilespmem:s12], [sflag:$0x1] =	stream.indirect.gather [hbm4b:s3+s9], $0x80, s21, s9, $0xb8;
	[tilespmem:$0xA500] =	vst v63  }
0x136: {  	_ =	swait.ge [sflag:s5], $0x2800  }
0x137: {  	[sflag:s5] =	ssyncset.done $0x0  }
0x138: {  	[sflag:s5] =	ssyncadd.s32 $0xFFFFD800  }
0x139: {  	_ =	swait.ge [sflag:s5], $0x2800  }
0x13a: {  	[sflag:s5] =	ssyncset.done $0x0  }
0x13b: {  	[sflag:s5] =	ssyncadd.s32 $0xFFFFD800  }
0x13c: {  	[hbm4b:s13+s2] =	stream.linear.scatter [tilespmem:s6], [sflag:$0x3], $0x5000, $0x38;
	[tilespmem:$0xA500] =	vst v63  }
0x13d: {  	_ =	swait.ge [sflag:s7], $0x5000  }
0x13e: {  	[sflag:s7] =	ssyncset.done $0x0  }
0x13f: {  	[sflag:s7] =	ssyncadd.s32 $0xFFFFB000  }
0x140: {  	[tilespmem:s11], [sflag:$0x1] =	stream.indirect.gather [hbm4b:s3+s9], $0x80, s18, s9, $0xb8;
	[tilespmem:$0xA500] =	vst v63  }
0x141: {  	_ = 	snop  }
0x142: {  	[tilespmem:s14], [sflag:$0x1] =	stream.indirect.gather [hbm4b:s3+s9], $0x80, s19, s9, $0xb8;
	[tilespmem:$0xA500] =	vst v63  }
0x143: {  	_ =	swait.ge [sflag:s5], $0x2800  }
0x144: {  	[sflag:s5] =	ssyncset.done $0x0  }
0x145: {  	[sflag:s5] =	ssyncadd.s32 $0xFFFFD800  }
0x146: {  	_ =	swait.ge [sflag:s5], $0x2800  }
0x147: {  	[sflag:s5] =	ssyncset.done $0x0  }
0x148: {  	[sflag:s5] =	ssyncadd.s32 $0xFFFFD800  }
0x149: {  	[hbm4b:s10+s2] =	stream.linear.scatter [tilespmem:s11], [sflag:$0x2], $0x5000, $0x38;
	[tilespmem:$0xA500] =	vst v63  }
0x14a: {  	_ =	swait.ge [sflag:s8], $0x5000  }
0x14b: {  	[sflag:s8] =	ssyncset.done $0x0  }
0x14c: {  	[sflag:s8] =	ssyncadd.s32 $0xFFFFB000  }
0x14d: {  	[tilespmem:s6], [sflag:$0x1] =	stream.indirect.gather [hbm4b:s3+s9], $0x80, s16, s9, $0xb8;
	[tilespmem:$0xA500] =	vst v63  }
0x14e: {  	_ = 	snop  }
0x14f: {  	[tilespmem:s12], [sflag:$0x1] =	stream.indirect.gather [hbm4b:s3+s9], $0x80, s17, s9, $0xb8;
	[tilespmem:$0xA500] =	vst v63  }
0x150: {  	_ =	swait.ge [sflag:s5], $0x2800  }
0x151: {  	[sflag:s5] =	ssyncset.done $0x0  }
0x152: {  	[sflag:s5] =	ssyncadd.s32 $0xFFFFD800  }
0x153: {  	_ =	swait.ge [sflag:s5], $0x2800  }
0x154: {  	[sflag:s5] =	ssyncset.done $0x0  }
0x155: {  	[sflag:s5] =	ssyncadd.s32 $0xFFFFD800  }
0x156: {  	[hbm4b:s4+s2] =	stream.linear.scatter [tilespmem:s6], [sflag:$0x3], $0x5000, $0x38;
	[tilespmem:$0xA500] =	vst v63  }
0x157: {  	_ =	swait.ge [sflag:s7], $0x5000  }
0x158: {  	[sflag:s7] =	ssyncset.done $0x0  }
0x159: {  	[sflag:s7] =	ssyncadd.s32 $0xFFFFB000  }
0x15a: {  	_ =	swait.ge [sflag:s8], $0x5000  }
0x15b: {  	[sflag:s8] =	ssyncset.done $0x0  }
0x15c: {  	[sflag:s8] =	ssyncadd.s32 $0xFFFFB000  }
0x15d: {  	_ =	sfence.sel $0x180000  }
0x15e: {  	[bflag:$0x0] =	sbarrier.arrive $0xFFFF  }
0x15f: {  	_ =	strace $0x9000004A  }
0x160: {  	s31 =	stileid.u32;
	[bflag:$0x2] =	sbarrier.arrive $0xFFFF  }
0x161: {  	p0 =	sne.s32 s31, $0x0;
	s0 =	rddreg [dreg:$0x2]  }
0x162: {  	s0 =	sadd.s32 @!p0 $0x100000, s0  }
0x163: {  	[sflag:s0] =	ssyncadd.tile.s32 @!p0 $0x1;
	_ =	shalt  }
.Lfunc_end2:
_tile_overlayer_lowered:
.L_overlay_start_2:
0x164: {  	(tag) =	ssettag $0x2  }
0x165: {  	s0 =	rddreg [dreg:$0x0];
	s2 =	stileid.u32  }
0x166: {  	s1 =	rddreg [dreg:$0x1];
	p0 =	sne.s32 s2, $0x0  }
0x167: {  	s3 =	rddreg [dreg:$0x2];
	[bflag:$0x3] =	sbarrier.arrive $0xFFFF;
	s2 =	simm.s32 @!p0 $0x1C04  }
0x168: {  	[timem:s3], [sflag:s2] =	dma.local @!p0 [hbm:s0], s1  }
0x169: {  	s0 =	simm.s32 @!p0 $0x4  }
0x16a: {  	_ =	swait.ge @!p0 [sflag:s0], s1  }
0x16b: {  	s1 =	ssub.s32 @!p0 $0x0, s1;
	[sflag:s0] =	ssyncset.done @!p0 $0x0  }
0x16c: {  	[sflag:s0] =	ssyncadd.s32 @!p0 s1  }
0x16d: {  	[bflag:$0x3] =	sbarrier.arrive $0xFFFF  }
0x16e: {  	_ =	shalt  }

// kernel: kernel.18.cloned.1.call-start
scs
__scs_entry_jumppad:
0x0: {  	(pc) =	sbr.rel $0x88, $3  }
0x1: {  	(tag) =	ssettag $0x0;
	lr =	simm.s32 $0x1  }
0x2: {  	[smem:$0x3F9C] =	sst lr;
	_ =	strace $0xD0000000  }
0x3: {  	_ = 	snop  }
0x4: {  	_ = 	snop  }
0x5: {  	_ = 	snop  }
0x6: {  	_ = 	snop  }
0x7: {  	_ = 	snop  }
__scs_overlays_trampoline_lowered:
0x8: {  	[smem:$0x3FAB] =	sst s0  }
0x9: {  	[smem:$0x3FAC] =	sst s1  }
0xa: {  	[smem:$0x3FAD] =	sst s2  }
0xb: {  	[smem:$0x3FAE] =	sst s3  }
0xc: {  	[smem:$0x3FAF] =	sst s4  }
0xd: {  	[smem:$0x3FB0] =	sst s5  }
0xe: {  	[smem:$0x3FB1] =	sst s6  }
0xf: {  	[smem:$0x3FB2] =	sst s7  }
0x10: {  	[smem:$0x3FB3] =	sst s8  }
0x11: {  	[smem:$0x3FB4] =	sst s9;
	s0 =	simm.s32 @!p0 $0x0  }
0x12: {  	s1 =	sld [smem:$0x3F9A];
	s0 =	simm.s32 @p0 $0x1  }
0x13: {  	[smem:$0x3FB5] =	sst s0;
	s0 =	simm.s32 @!p1 $0x0  }
0x14: {  	s2 =	sld [smem:$0x3F99];
	s0 =	simm.s32 @p1 $0x1  }
0x15: {  	[smem:$0x3FB6] =	sst s0;
	s0 =	simm.s32 @!p2 $0x0  }
0x16: {  	s3 =	sld [smem:$0x3FDB];
	s0 =	simm.s32 @p2 $0x1  }
0x17: {  	s4 =	simm.s32 $0x1BF5;
	[smem:$0x3FB8] =	sst s0  }
0x18: {  	s0 =	sld [smem:$0x3F9B];
	_ =	swait.ge [sflag:s4], $0x0  }
0x19: {  	s7 =	sld [smem:$0x3F9C]  }
0x1a: {  	s8 =	sadd.s32 $0xFFFFE003, lr  }
0x1b: {  	s9 =	sadd.s32 $0xFFFFFEF7, lr;
	s5 =	simm.s32 $0xFFFFFFFF;
	p2 =	slt.u32 s8, $0xFFFFF086  }
0x1c: {  	p1 =	slt.u32 s9, $0xF7A;
	s5 =	simm.s32 @!p2 $0x0  }
0x1d: {  	s5 =	simm.s32 @p1 $0x1;
	p0 =	seq.s32 s7, s2  }
0x1e: {  	s7 =	smul.u32 @!p0 $0xF7A, s2;
	p2 =	seq.s32 @!p0 s5, $0x0  }
0x1f: {  	s9 =	smul.u32 $0xF7A, s1;
	s8 =	simm.s32 @!p0 $0x1BF5;
	p2 =	por !p2, p0  }
0x20: {  	[sflag:s8] =	ssyncset.s32 @!p0 $0xFFFFF086;
	s6 =	sadd.s32 @!p0 s3, s7;
	s7 =	simm.s32 @!p0 $0x108  }
0x21: {  	s3 =	sadd.s32 s3, s9;
	s6 =	sadd.s32 @!p0 $0x88, s6;
	s7 =	simm.s32 @p2 $0x1082  }
0x22: {  	[simem:s7], [sflag:s8] =	dma.local @!p0 [hbm:s6], $0xF7A  }
0x23: {  	s9 =	sor.u32 $0xD0000000, s2;
	s6 =	simm.s32 $0x108;
	_ =	swait.ge @!p0 [sflag:s8], $0x0  }
0x24: {  	s3 =	sadd.s32 $0x88, s3;
	s6 =	simm.s32 @!p1 $0x1082;
	[sflag:s4] =	ssyncset.s32 $0xFFFFF086  }
0x25: {  	[simem:s6], [sflag:s4] =	dma.local [hbm:s3], $0xF7A  }
0x26: {  	[smem:$0x3F9C] =	sst s1;
	(tag) =	ssettag s2;
	_ =	strace s9  }
0x27: {  	s1 =	sld [smem:$0x3FAC]  }
0x28: {  	s2 =	sld [smem:$0x3FAD]  }
0x29: {  	s4 =	sld [smem:$0x3FAF]  }
0x2a: {  	p0 =	seq.s32 s5, $0x0;
	s5 =	sld [smem:$0x3FB0]  }
0x2b: {  	s6 =	sld [smem:$0x3FB1]  }
0x2c: {  	s7 =	sld [smem:$0x3FB2]  }
0x2d: {  	s3 =	simm.s32 $0x108;
	s8 =	sld [smem:$0x3FB3]  }
0x2e: {  	s3 =	simm.s32 @!p0 $0x1082;
	s9 =	sld [smem:$0x3FB4]  }
0x2f: {  	lr =	sadd.s32 s0, s3;
	s0 =	sld [smem:$0x3FAB]  }
0x30: {  	s3 =	sld [smem:$0x3FAE]  }
0x31: {  	[smem:$0x3FB7] =	sst s10  }
0x32: {  	s10 =	sld [smem:$0x3FB5];
	_ =	sdelay $0x3  }
0x33: {  	p0 =	seq.s32 s10, $0x1;
	s10 =	sld [smem:$0x3FB7];
	_ =	sdelay $0x3  }
0x34: {  	[smem:$0x3FB7] =	sst s10  }
0x35: {  	s10 =	sld [smem:$0x3FB6];
	_ =	sdelay $0x3  }
0x36: {  	p1 =	seq.s32 s10, $0x1;
	s10 =	sld [smem:$0x3FB7];
	_ =	sdelay $0x3  }
0x37: {  	[smem:$0x3FB7] =	sst s10  }
0x38: {  	s10 =	sld [smem:$0x3FB8]  }
0x39: {  	_ = 	snop;
	(pc) =	sbr.ind lr, $3  }
0x3a: {  	_ = 	snop  }
0x3b: {  	_ = 	snop  }
0x3c: {  	p2 =	seq.s32 s10, $0x1;
	s10 =	sld [smem:$0x3FB7]  }
0x3d: {  	_ =	shalt  }
0x3e: {  	_ =	shalt  }
0x3f: {  	_ =	shalt  }
0x40: {  	_ =	shalt  }
0x41: {  	_ =	shalt  }
0x42: {  	_ =	shalt  }
0x43: {  	_ =	shalt  }
0x44: {  	_ =	shalt  }
0x45: {  	_ =	shalt  }
0x46: {  	_ =	shalt  }
0x47: {  	_ =	shalt  }
0x48: {  	_ =	shalt  }
0x49: {  	_ =	shalt  }
0x4a: {  	_ =	shalt  }
0x4b: {  	_ =	shalt  }
0x4c: {  	_ =	shalt  }
0x4d: {  	_ =	shalt  }
0x4e: {  	_ =	shalt  }
0x4f: {  	_ =	shalt  }
0x50: {  	_ =	shalt  }
0x51: {  	_ =	shalt  }
0x52: {  	_ =	shalt  }
0x53: {  	_ =	shalt  }
0x54: {  	_ =	shalt  }
0x55: {  	_ =	shalt  }
0x56: {  	_ =	shalt  }
0x57: {  	_ =	shalt  }
0x58: {  	_ =	shalt  }
0x59: {  	_ =	shalt  }
0x5a: {  	_ =	shalt  }
0x5b: {  	_ =	shalt  }
0x5c: {  	_ =	shalt  }
0x5d: {  	_ =	shalt  }
0x5e: {  	_ =	shalt  }
0x5f: {  	_ =	shalt  }
0x60: {  	_ =	shalt  }
0x61: {  	_ =	shalt  }
0x62: {  	_ =	shalt  }
0x63: {  	_ =	shalt  }
0x64: {  	_ =	shalt  }
0x65: {  	_ =	shalt  }
0x66: {  	_ =	shalt  }
0x67: {  	_ =	shalt  }
0x68: {  	_ =	shalt  }
0x69: {  	_ =	shalt  }
0x6a: {  	_ =	shalt  }
0x6b: {  	_ =	shalt  }
0x6c: {  	_ =	shalt  }
0x6d: {  	_ =	shalt  }
0x6e: {  	_ =	shalt  }
0x6f: {  	_ =	shalt  }
0x70: {  	_ =	shalt  }
0x71: {  	_ =	shalt  }
0x72: {  	_ =	shalt  }
0x73: {  	_ =	shalt  }
0x74: {  	_ =	shalt  }
0x75: {  	_ =	shalt  }
0x76: {  	_ =	shalt  }
0x77: {  	_ =	shalt  }
0x78: {  	_ =	shalt  }
0x79: {  	_ =	shalt  }
0x7a: {  	_ =	shalt  }
0x7b: {  	_ =	shalt  }
0x7c: {  	_ =	shalt  }
0x7d: {  	_ =	shalt  }
0x7e: {  	_ =	shalt  }
0x7f: {  	_ =	shalt  }
0x80: {  	_ =	shalt  }
0x81: {  	_ =	shalt  }
0x82: {  	_ =	shalt  }
0x83: {  	_ =	shalt  }
0x84: {  	_ =	shalt  }
0x85: {  	_ =	shalt  }
0x86: {  	_ =	shalt  }
0x87: {  	_ =	shalt  }
.Lfunc_end0:
.L_simem_size_0:
called_computation.2_lowered:
.L_overlay_start_0:
0x88: {  	s2 =	sld [smem:$0x3FD9]  }
0x89: {  	s3 =	sld [smem:$0x3FFE];
	_ =	sdelay $0x1  }
0x8a: {  	s1 =	srdreg.scid  }
0x8b: {  	s0 =	sand.u32 $0x1, s1  }
0x8c: {  	s17 =	sshll.u32 s0, $0xA;
	s2 =	sadd.s32 s3, s2  }
0x8d: {  	s2 =	sadd.s32 s2, s17  }
0x8e: {  	[smem:$0x3FC3] =	sst s2  }
0x8f: {  	_ = 	snop  }
0x90: {  	s18 =	sld [smem:$0x3FC7];
	(tm) =	ssettm $0x1  }
0x91: {  	s19 =	sld [smem:$0x3FFB];
	_ =	sdelay $0x3  }
0x92: {  	_ =	strace s19  }
0x93: {  	s2 =	sld [smem:$0x3FFC];
	_ =	sdelay $0x3  }
0x94: {  	_ =	strace s2  }
0x95: {  	s2 =	sld [smem:$0x3FFD];
	_ =	sdelay $0x3  }
0x96: {  	_ =	strace s2  }
0x97: {  	_ =	strace $0x8FFFFFFF  }
0x98: {  	s20 =	sld [smem:$0x3FDB];
	_ =	sdelay $0x1  }
0x99: {  	s4 =	simm.s32 $_scs_section_size  }
0x9a: {  	s5 =	simm.s32 $_size__tile_overlayer_lowered;
	s6 =	simm.s32 $_tile_overlayer_lowered  }
0x9b: {  	s7 =	simm.s32 $0x1BFF;
	s21 =	sshll.u32 s6, $0x1;
	s4 =	sadd.s32 s4, s20  }
0x9c: {  	s22 =	simm.s32 $0x0;
	s5 =	sshll.u32 s5, $0x1;
	s6 =	sadd.s32 s21, s4  }
0x9d: {  	[timem:s22], [sflag:s7] =	dma.local [hbm:s6], s5  }
0x9e: {  	_ =	swait.ge [sflag:s7], s5  }
0x9f: {  	s5 =	ssub.s32 $0x0, s5;
	[sflag:s7] =	ssyncset.done $0x0  }
0xa0: {  	[sflag:s7] =	ssyncadd.s32 s5;
	_ =	sdelay $0x1  }
0xa1: {  	s23 =	simm.s32 $0x1B8B  }
0xa2: {  	_ =	swait.ge [sflag:s23], $0x1  }
0xa3: {  	[sflag:s23] =	ssyncset.done $0x0  }
0xa4: {  	[sflag:s23] =	ssyncadd.s32 $0xFFFFFFFF  }
0xa5: {  	s5 =	sld [smem:$0x0]  }
0xa6: {  	s6 =	sand.u32 $0xFFFFFFFE, s1  }
0xa7: {  	p0 =	sne.s32 s1, s6  }
0xa8: {  	s6 =	sshll.u32 @p0 s6, $0xE  }
0xa9: {  	s6 =	sadd.s32 @p0 $0x11B8D, s6;
	s7 =	sshll.u32 @p0 s5, $0x11  }
0xaa: {  	s6 =	sor.u32 @p0 s7, s6  }
0xab: {  	[sflag:s6] =	ssyncadd.remote.s32 @p0 $0x1;
	_ =	sdelay $0x1  }
0xac: {  	s6 =	simm.s32 @p0 $0x1B8D  }
0xad: {  	_ =	swait.eq @p0 [sflag:s6], $0x1  }
0xae: {  	[sflag:s6] =	ssyncadd.s32 @p0 $0xFFFFFFFF  }
0xaf: {  	s7 =	sshll.u32 @!p0 s1, $0xE  }
0xb0: {  	s7 =	sor.u32 @!p0 $0x4000, s7;
	s6 =	simm.s32 @!p0 $0x1B8D  }
0xb1: {  	s5 =	sshll.u32 @!p0 s5, $0x11;
	s7 =	sadd.s32 @!p0 $0x11B8D, s7;
	_ =	swait.eq @!p0 [sflag:s6], $0x1  }
0xb2: {  	s5 =	sor.u32 @!p0 s5, s7;
	[sflag:s6] =	ssyncadd.s32 @!p0 $0xFFFFFFFF  }
0xb3: {  	s25 =	simm.s32 $0x1B8E;
	s24 =	sld [smem:$0x3FFE];
	[sflag:s5] =	ssyncadd.remote.s32 @!p0 $0x1  }
0xb4: {  	s26 =	simm.s32 $execute0_lowered;
	[smem:$0x3FD2] =	sst s25  }
0xb5: {  	s6 =	sshll.u32 s26, $0x1;
	_ =	strace $0x8000004C;
	[dreg:$0x1] =	wrdreg $0xFFFFFFFF  }
0xb6: {  	s28 =	simm.s32 $_size_execute0_lowered;
	s4 =	sadd.s32 s4, s6;
	[dreg:$0x0] =	wrdreg $0x0  }
0xb7: {  	s6 =	sshll.u32 s28, $0x1;
	[dreg:$0x2] =	wrdreg s4  }
0xb8: {  	[dreg:$0x3] =	wrdreg s6  }
0xb9: {  	[dreg:$0x4] =	wrdreg $0xC0  }
0xba: {  	_ =	task [dreg:s22], $0x5FFFF  }
0xbb: {  	[dreg:$0x1] =	wrdreg $0xFFFFFFFF  }
0xbc: {  	[dreg:$0x0] =	wrdreg $0x60  }
0xbd: {  	[dreg:$0x2] =	wrdreg s24  }
0xbe: {  	[dreg:$0x3] =	wrdreg s18  }
0xbf: {  	[dreg:$0x4] =	wrdreg $0xB  }
0xc0: {  	_ =	task.clear_ibuf [dreg:s22], $0x5FFFF;
	_ =	strace $0x9000004C  }
0xc1: {  	s29 =	simm.s32 $0xB;
	_ =	strace $0x8000004E  }
0xc2: {  	_ =	swait.ge [sflag:s29], $0x1  }
0xc3: {  	[sflag:s29] =	ssyncadd.s32 $0xFFFFFFFF  }
0xc4: {  	_ =	strace $0x9000004E  }
0xc5: {  	_ =	sfence  }
0xc6: {  	s30 =	sld [smem:$0x0];
	_ =	sdelay $0x2  }
0xc7: {  	s31 =	sshll.u32 s1, $0xD;
	s1 =	sshrl.u32 s1, $0x2  }
0xc8: {  	s4 =	sand.u32 $0x4000, s31;
	s1 =	sadd.s32 s1, s30  }
0xc9: {  	s0 =	sor.u32 s4, s0;
	s1 =	sshll.u32 s1, $0x11  }
0xca: {  	s0 =	sor.u32 s1, s0  }
0xcb: {  	s0 =	sadd.s32 $0x8F2B, s0  }
0xcc: {  	[sflag:s0] =	ssyncadd.remote.s32 $0x1  }
0xcd: {  	_ =	sfence.sel $0xFFFF  }
0xce: {  	[dreg:$0x0] =	wrdreg $0xFFFFFFFF;
	(pc) =	sbr.abs _section_cstart, $3  }
0xcf: {  	[dreg:$0x1] =	wrdreg $0xFFFFFFFF  }
0xd0: {  	_ =	task.clear_ibuf [dreg:s22], $0x2FFFF;
	_ =	strace $0x9FFFFFFF  }
0xd1: {  	(tm) =	ssettm $0x7FFFFFFF  }
tec
execute0_lowered:
.L_overlay_start_1:
0x0: {  	(tag) =	ssettag $0x1  }
0x1: {  	s0 =	srdreg.scid;
	s4 =	rddreg [dreg:$0x0]  }
0x2: {  	s1 =	stileid.u32;
	s3 =	rddreg [dreg:$0x1]  }
0x3: {  	s2 =	simm.s32 $0x0;
	s31 =	simm.s32 $0x4;
	s9 =	simm.s32 $0x50  }
0x4: {  	s11 =	simm.s32 $0x500;
	s14 =	simm.s32 $0x2D00;
	s29 =	simm.s32 $0xA0  }
0x5: {  	s6 =	simm.s32 $0x5500;
	s30 =	simm.s32 $0xF0;
	s12 =	simm.s32 $0x7D00  }
0x6: {  	s7 =	simm.s32 $0x2;
	s28 =	simm.s32 $0x190;
	s8 =	simm.s32 $0x3  }
0x7: {  	p0 =	por $0x0, $0x0;
	s20 =	simm.s32 $0x320;
	s18 =	simm.s32 $0x3C0  }
0x8: {  	s19 =	simm.s32 $0x410;
	s0 =	sand.u32 $0x1, s0;
	s1 =	sshll.u32 s1, $0x1  }
0x9: {  	s16 =	simm.s32 $0x460;
	s17 =	simm.s32 $0x4B0;
	s1 =	sor.u32 s0, s1  }
0xa: {  	[smem:$0x7FF] =	sst s2;
	s0 =	ssub.s32 $0x2, s0;
	s5 =	smul.u32 $0x500, s1  }
0xb: {  	_ =	strace $0x8000004D;
	s1 =	smul.u32 $0x5000, s1;
	s24 =	sshrl.u32 s0, $0x1  }
0xc: {  	s0 =	ssub.s32 s0, s24;
	s24 =	simm.s32 $0x1E0;
	s5 =	sshrl.u32 s5, $0x3  }
0xd: {  	s1 =	sadd.s32 s1, s4;
	s0 =	smax.u32 s0, $0x1;
	s5 =	sadd.s32 s4, s5  }
0xe: {  	s22 =	sadd.s32 $0xA8C00, s1;
	s23 =	sadd.s32 $0xA9600, s1;
	s25 =	sadd.s32 $0xAA000, s1  }
0xf: {  	s26 =	sadd.s32 $0xAAA00, s1;
	s15 =	sadd.s32 $0xAB400, s1;
	s13 =	sadd.s32 $0xABE00, s1  }
0x10: {  	s10 =	sadd.s32 $0xAC800, s1;
	p1 =	sne.s32 s0, $0x1;
	[dreg:$0x4] =	wrdreg s22  }
.Ltmp0:
0x11: {  	s4 =	sadd.s32 $0xAD200, s1;
	[dreg:$0x5] =	wrdreg s23;
	(pc) =	sbr.rel @!p1 .LBB2_3-.Ltmp0, $4  }
0x12: {  	s1 =	sadd.s32 $0xFFFFFFFF, s0;
	s21 =	sadd.s32 $0x5000, s5;
	[dreg:$0x6] =	wrdreg s25  }
0x13: {  	[dreg:$0x7] =	wrdreg s26;
	s5 =	simm.s32 $0x1;
	s26 =	simm.s32 $0x140  }
0x14: {  	s25 =	simm.s32 $0x230;
	s22 =	simm.s32 $0x280;
	[dreg:$0x3] =	wrdreg s21  }
0x15: {  	s23 =	simm.s32 $0x2D0;
	s21 =	simm.s32 $0x370;
	s0 =	rddreg [dreg:$0x3]  }
0x16: {  	[tilespmem:s2], [sflag:$0x4] =	stream.linear.gather [hbm4b:s0+s2], $0x500, $0x38;
	[tilespmem:$0xA500] =	vst v63  }
0x17: {  	_ =	swait.ge [sflag:s31], $0x500  }
0x18: {  	[sflag:s31] =	ssyncset.done $0x0  }
0x19: {  	[sflag:s31] =	ssyncadd.s32 $0xFFFFFB00  }
0x1a: {  	[tilespmem:s11], [sflag:$0x1] =	stream.indirect.gather [hbm4b:s3+s9], $0x80, s2, s9, $0xb8;
	[tilespmem:$0xA500] =	vst v63  }
0x1b: {  	_ = 	snop  }
0x1c: {  	[tilespmem:s14], [sflag:$0x1] =	stream.indirect.gather [hbm4b:s3+s9], $0x80, s9, s9, $0xb8;
	[tilespmem:$0xA500] =	vst v63  }
0x1d: {  	_ =	swait.ge [sflag:s5], $0x2800  }
0x1e: {  	[sflag:s5] =	ssyncset.done $0x0  }
0x1f: {  	[sflag:s5] =	ssyncadd.s32 $0xFFFFD800  }
0x20: {  	_ =	swait.ge [sflag:s5], $0x2800  }
0x21: {  	[sflag:s5] =	ssyncset.done $0x0  }
0x22: {  	s0 =	rddreg [dreg:$0x4];
	[sflag:s5] =	ssyncadd.s32 $0xFFFFD800  }
0x23: {  	[hbm4b:s0+s2] =	stream.linear.scatter [tilespmem:s11], [sflag:$0x2], $0x5000, $0x38;
	[tilespmem:$0xA500] =	vst v63  }
0x24: {  	_ = 	snop  }
0x25: {  	[tilespmem:s6], [sflag:$0x1] =	stream.indirect.gather [hbm4b:s3+s9], $0x80, s29, s9, $0xb8;
	[tilespmem:$0xA500] =	vst v63  }
0x26: {  	_ = 	snop  }
0x27: {  	[tilespmem:s12], [sflag:$0x1] =	stream.indirect.gather [hbm4b:s3+s9], $0x80, s30, s9, $0xb8;
	[tilespmem:$0xA500] =	vst v63  }
0x28: {  	_ =	swait.ge [sflag:s5], $0x2800  }
0x29: {  	[sflag:s5] =	ssyncset.done $0x0  }
0x2a: {  	[sflag:s5] =	ssyncadd.s32 $0xFFFFD800  }
0x2b: {  	_ =	swait.ge [sflag:s5], $0x2800  }
0x2c: {  	[sflag:s5] =	ssyncset.done $0x0  }
0x2d: {  	s0 =	rddreg [dreg:$0x5];
	[sflag:s5] =	ssyncadd.s32 $0xFFFFD800  }
0x2e: {  	[hbm4b:s0+s2] =	stream.linear.scatter [tilespmem:s6], [sflag:$0x3], $0x5000, $0x38;
	[tilespmem:$0xA500] =	vst v63  }
0x2f: {  	_ =	swait.ge [sflag:s7], $0x5000  }
0x30: {  	[sflag:s7] =	ssyncset.done $0x0  }
0x31: {  	[sflag:s7] =	ssyncadd.s32 $0xFFFFB000  }
0x32: {  	[tilespmem:s11], [sflag:$0x1] =	stream.indirect.gather [hbm4b:s3+s9], $0x80, s26, s9, $0xb8;
	[tilespmem:$0xA500] =	vst v63  }
0x33: {  	_ = 	snop  }
0x34: {  	[tilespmem:s14], [sflag:$0x1] =	stream.indirect.gather [hbm4b:s3+s9], $0x80, s28, s9, $0xb8;
	[tilespmem:$0xA500] =	vst v63  }
0x35: {  	_ =	swait.ge [sflag:s5], $0x2800  }
0x36: {  	[sflag:s5] =	ssyncset.done $0x0  }
0x37: {  	[sflag:s5] =	ssyncadd.s32 $0xFFFFD800  }
0x38: {  	_ =	swait.ge [sflag:s5], $0x2800  }
0x39: {  	[sflag:s5] =	ssyncset.done $0x0  }
0x3a: {  	s0 =	rddreg [dreg:$0x6];
	[sflag:s5] =	ssyncadd.s32 $0xFFFFD800  }
0x3b: {  	[hbm4b:s0+s2] =	stream.linear.scatter [tilespmem:s11], [sflag:$0x2], $0x5000, $0x38;
	[tilespmem:$0xA500] =	vst v63  }
0x3c: {  	_ =	swait.ge [sflag:s8], $0x5000  }
0x3d: {  	[sflag:s8] =	ssyncset.done $0x0  }
0x3e: {  	[sflag:s8] =	ssyncadd.s32 $0xFFFFB000  }
0x3f: {  	[tilespmem:s6], [sflag:$0x1] =	stream.indirect.gather [hbm4b:s3+s9], $0x80, s24, s9, $0xb8;
	[tilespmem:$0xA500] =	vst v63  }
0x40: {  	_ = 	snop  }
0x41: {  	[tilespmem:s12], [sflag:$0x1] =	stream.indirect.gather [hbm4b:s3+s9], $0x80, s25, s9, $0xb8;
	[tilespmem:$0xA500] =	vst v63  }
0x42: {  	_ =	swait.ge [sflag:s5], $0x2800  }
0x43: {  	[sflag:s5] =	ssyncset.done $0x0  }
0x44: {  	[sflag:s5] =	ssyncadd.s32 $0xFFFFD800  }
0x45: {  	_ =	swait.ge [sflag:s5], $0x2800  }
0x46: {  	[sflag:s5] =	ssyncset.done $0x0  }
0x47: {  	s0 =	rddreg [dreg:$0x7];
	[sflag:s5] =	ssyncadd.s32 $0xFFFFD800  }
0x48: {  	[hbm4b:s0+s2] =	stream.linear.scatter [tilespmem:s6], [sflag:$0x3], $0x5000, $0x38;
	[tilespmem:$0xA500] =	vst v63  }
0x49: {  	_ =	swait.ge [sflag:s7], $0x5000  }
0x4a: {  	[sflag:s7] =	ssyncset.done $0x0  }
0x4b: {  	[sflag:s7] =	ssyncadd.s32 $0xFFFFB000  }
0x4c: {  	[tilespmem:s11], [sflag:$0x1] =	stream.indirect.gather [hbm4b:s3+s9], $0x80, s22, s9, $0xb8;
	[tilespmem:$0xA500] =	vst v63  }
0x4d: {  	_ = 	snop  }
0x4e: {  	[tilespmem:s14], [sflag:$0x1] =	stream.indirect.gather [hbm4b:s3+s9], $0x80, s23, s9, $0xb8;
	[tilespmem:$0xA500] =	vst v63  }
0x4f: {  	_ =	swait.ge [sflag:s5], $0x2800  }
0x50: {  	[sflag:s5] =	ssyncset.done $0x0  }
0x51: {  	[sflag:s5] =	ssyncadd.s32 $0xFFFFD800  }
0x52: {  	_ =	swait.ge [sflag:s5], $0x2800  }
0x53: {  	[sflag:s5] =	ssyncset.done $0x0  }
0x54: {  	[sflag:s5] =	ssyncadd.s32 $0xFFFFD800  }
0x55: {  	[hbm4b:s15+s2] =	stream.linear.scatter [tilespmem:s11], [sflag:$0x2], $0x5000, $0x38;
	[tilespmem:$0xA500] =	vst v63  }
0x56: {  	_ =	swait.ge [sflag:s8], $0x5000  }
0x57: {  	[sflag:s8] =	ssyncset.done $0x0  }
0x58: {  	[sflag:s8] =	ssyncadd.s32 $0xFFFFB000  }
0x59: {  	[tilespmem:s6], [sflag:$0x1] =	stream.indirect.gather [hbm4b:s3+s9], $0x80, s20, s9, $0xb8;
	[tilespmem:$0xA500] =	vst v63  }
0x5a: {  	_ = 	snop  }
0x5b: {  	[tilespmem:s12], [sflag:$0x1] =	stream.indirect.gather [hbm4b:s3+s9], $0x80, s21, s9, $0xb8;
	[tilespmem:$0xA500] =	vst v63  }
0x5c: {  	_ =	swait.ge [sflag:s5], $0x2800  }
0x5d: {  	[sflag:s5] =	ssyncset.done $0x0  }
0x5e: {  	[sflag:s5] =	ssyncadd.s32 $0xFFFFD800  }
0x5f: {  	_ =	swait.ge [sflag:s5], $0x2800  }
0x60: {  	[sflag:s5] =	ssyncset.done $0x0  }
0x61: {  	[sflag:s5] =	ssyncadd.s32 $0xFFFFD800  }
0x62: {  	[hbm4b:s13+s2] =	stream.linear.scatter [tilespmem:s6], [sflag:$0x3], $0x5000, $0x38;
	[tilespmem:$0xA500] =	vst v63  }
0x63: {  	_ =	swait.ge [sflag:s7], $0x5000  }
0x64: {  	[sflag:s7] =	ssyncset.done $0x0  }
0x65: {  	[sflag:s7] =	ssyncadd.s32 $0xFFFFB000  }
0x66: {  	[tilespmem:s11], [sflag:$0x1] =	stream.indirect.gather [hbm4b:s3+s9], $0x80, s18, s9, $0xb8;
	[tilespmem:$0xA500] =	vst v63  }
0x67: {  	_ = 	snop  }
0x68: {  	[tilespmem:s14], [sflag:$0x1] =	stream.indirect.gather [hbm4b:s3+s9], $0x80, s19, s9, $0xb8;
	[tilespmem:$0xA500] =	vst v63  }
0x69: {  	_ =	swait.ge [sflag:s5], $0x2800  }
0x6a: {  	[sflag:s5] =	ssyncset.done $0x0  }
0x6b: {  	[sflag:s5] =	ssyncadd.s32 $0xFFFFD800  }
0x6c: {  	_ =	swait.ge [sflag:s5], $0x2800  }
0x6d: {  	[sflag:s5] =	ssyncset.done $0x0  }
0x6e: {  	[sflag:s5] =	ssyncadd.s32 $0xFFFFD800  }
0x6f: {  	[hbm4b:s10+s2] =	stream.linear.scatter [tilespmem:s11], [sflag:$0x2], $0x5000, $0x38;
	[tilespmem:$0xA500] =	vst v63  }
0x70: {  	_ =	swait.ge [sflag:s8], $0x5000  }
0x71: {  	[sflag:s8] =	ssyncset.done $0x0  }
0x72: {  	[sflag:s8] =	ssyncadd.s32 $0xFFFFB000  }
0x73: {  	[tilespmem:s6], [sflag:$0x1] =	stream.indirect.gather [hbm4b:s3+s9], $0x80, s16, s9, $0xb8;
	[tilespmem:$0xA500] =	vst v63  }
0x74: {  	_ = 	snop  }
0x75: {  	[tilespmem:s12], [sflag:$0x1] =	stream.indirect.gather [hbm4b:s3+s9], $0x80, s17, s9, $0xb8;
	[tilespmem:$0xA500] =	vst v63  }
0x76: {  	_ =	swait.ge [sflag:s5], $0x2800  }
0x77: {  	[sflag:s5] =	ssyncset.done $0x0  }
0x78: {  	[sflag:s5] =	ssyncadd.s32 $0xFFFFD800  }
0x79: {  	_ =	swait.ge [sflag:s5], $0x2800  }
0x7a: {  	[sflag:s5] =	ssyncset.done $0x0  }
0x7b: {  	p1 =	sne.s32 s1, $0x1;
	[sflag:s5] =	ssyncadd.s32 $0xFFFFD800  }
0x7c: {  	[hbm4b:s4+s2] =	stream.linear.scatter [tilespmem:s6], [sflag:$0x3], $0x5000, $0x38;
	[tilespmem:$0xA500] =	vst v63  }
.Ltmp1:
0x7d: {  	_ =	swait.ge [sflag:s7], $0x5000;
	(pc) =	sbr.rel @!p1 .LBB2_3-.Ltmp1, $4  }
0x7e: {  	[sflag:s7] =	ssyncset.done $0x0  }
0x7f: {  	[sflag:s7] =	ssyncadd.s32 $0xFFFFB000  }
0x80: {  	s1 =	sadd.s32 $0xFFFFFFFF, s1;
	_ =	swait.ge [sflag:s8], $0x5000  }
0x81: {  	p0 =	por $0x1, $0x1;
	s0 =	rddreg [dreg:$0x3];
	[sflag:s8] =	ssyncset.done $0x0  }
.LBB2_2:
0x82: {  	[sflag:s8] =	ssyncadd.s32 $0xFFFFB000  }
0x83: {  	[tilespmem:s2], [sflag:$0x4] =	stream.linear.gather [hbm4b:s0+s2], $0x500, $0x38;
	[tilespmem:$0xA500] =	vst v63  }
0x84: {  	_ =	swait.ge [sflag:s31], $0x500  }
0x85: {  	[sflag:s31] =	ssyncset.done $0x0  }
0x86: {  	[sflag:s31] =	ssyncadd.s32 $0xFFFFFB00  }
0x87: {  	[tilespmem:s11], [sflag:$0x1] =	stream.indirect.gather [hbm4b:s3+s9], $0x80, s2, s9, $0xb8;
	[tilespmem:$0xA500] =	vst v63  }
0x88: {  	_ = 	snop  }
0x89: {  	[tilespmem:s14], [sflag:$0x1] =	stream.indirect.gather [hbm4b:s3+s9], $0x80, s9, s9, $0xb8;
	[tilespmem:$0xA500] =	vst v63  }
0x8a: {  	_ =	swait.ge [sflag:s5], $0x2800  }
0x8b: {  	[sflag:s5] =	ssyncset.done $0x0  }
0x8c: {  	[sflag:s5] =	ssyncadd.s32 $0xFFFFD800  }
0x8d: {  	_ =	swait.ge [sflag:s5], $0x2800  }
0x8e: {  	[sflag:s5] =	ssyncset.done $0x0  }
0x8f: {  	s0 =	rddreg [dreg:$0x4];
	[sflag:s5] =	ssyncadd.s32 $0xFFFFD800  }
0x90: {  	[hbm4b:s0+s2] =	stream.linear.scatter [tilespmem:s11], [sflag:$0x2], $0x5000, $0x38;
	[tilespmem:$0xA500] =	vst v63  }
0x91: {  	_ = 	snop  }
0x92: {  	[tilespmem:s6], [sflag:$0x1] =	stream.indirect.gather [hbm4b:s3+s9], $0x80, s29, s9, $0xb8;
	[tilespmem:$0xA500] =	vst v63  }
0x93: {  	_ = 	snop  }
0x94: {  	[tilespmem:s12], [sflag:$0x1] =	stream.indirect.gather [hbm4b:s3+s9], $0x80, s30, s9, $0xb8;
	[tilespmem:$0xA500] =	vst v63  }
0x95: {  	_ =	swait.ge [sflag:s5], $0x2800  }
0x96: {  	[sflag:s5] =	ssyncset.done $0x0  }
0x97: {  	[sflag:s5] =	ssyncadd.s32 $0xFFFFD800  }
0x98: {  	_ =	swait.ge [sflag:s5], $0x2800  }
0x99: {  	[sflag:s5] =	ssyncset.done $0x0  }
0x9a: {  	s0 =	rddreg [dreg:$0x5];
	[sflag:s5] =	ssyncadd.s32 $0xFFFFD800  }
0x9b: {  	[hbm4b:s0+s2] =	stream.linear.scatter [tilespmem:s6], [sflag:$0x3], $0x5000, $0x38;
	[tilespmem:$0xA500] =	vst v63  }
0x9c: {  	_ =	swait.ge [sflag:s7], $0x5000  }
0x9d: {  	[sflag:s7] =	ssyncset.done $0x0  }
0x9e: {  	[sflag:s7] =	ssyncadd.s32 $0xFFFFB000  }
0x9f: {  	[tilespmem:s11], [sflag:$0x1] =	stream.indirect.gather [hbm4b:s3+s9], $0x80, s26, s9, $0xb8;
	[tilespmem:$0xA500] =	vst v63  }
0xa0: {  	_ = 	snop  }
0xa1: {  	[tilespmem:s14], [sflag:$0x1] =	stream.indirect.gather [hbm4b:s3+s9], $0x80, s28, s9, $0xb8;
	[tilespmem:$0xA500] =	vst v63  }
0xa2: {  	_ =	swait.ge [sflag:s5], $0x2800  }
0xa3: {  	[sflag:s5] =	ssyncset.done $0x0  }
0xa4: {  	[sflag:s5] =	ssyncadd.s32 $0xFFFFD800  }
0xa5: {  	_ =	swait.ge [sflag:s5], $0x2800  }
0xa6: {  	[sflag:s5] =	ssyncset.done $0x0  }
0xa7: {  	s0 =	rddreg [dreg:$0x6];
	[sflag:s5] =	ssyncadd.s32 $0xFFFFD800  }
0xa8: {  	[hbm4b:s0+s2] =	stream.linear.scatter [tilespmem:s11], [sflag:$0x2], $0x5000, $0x38;
	[tilespmem:$0xA500] =	vst v63  }
0xa9: {  	_ =	swait.ge [sflag:s8], $0x5000  }
0xaa: {  	[sflag:s8] =	ssyncset.done $0x0  }
0xab: {  	[sflag:s8] =	ssyncadd.s32 $0xFFFFB000  }
0xac: {  	[tilespmem:s6], [sflag:$0x1] =	stream.indirect.gather [hbm4b:s3+s9], $0x80, s24, s9, $0xb8;
	[tilespmem:$0xA500] =	vst v63  }
0xad: {  	_ = 	snop  }
0xae: {  	[tilespmem:s12], [sflag:$0x1] =	stream.indirect.gather [hbm4b:s3+s9], $0x80, s25, s9, $0xb8;
	[tilespmem:$0xA500] =	vst v63  }
0xaf: {  	_ =	swait.ge [sflag:s5], $0x2800  }
0xb0: {  	[sflag:s5] =	ssyncset.done $0x0  }
0xb1: {  	[sflag:s5] =	ssyncadd.s32 $0xFFFFD800  }
0xb2: {  	_ =	swait.ge [sflag:s5], $0x2800  }
0xb3: {  	[sflag:s5] =	ssyncset.done $0x0  }
0xb4: {  	s0 =	rddreg [dreg:$0x7];
	[sflag:s5] =	ssyncadd.s32 $0xFFFFD800  }
0xb5: {  	[hbm4b:s0+s2] =	stream.linear.scatter [tilespmem:s6], [sflag:$0x3], $0x5000, $0x38;
	[tilespmem:$0xA500] =	vst v63  }
0xb6: {  	_ =	swait.ge [sflag:s7], $0x5000  }
0xb7: {  	[sflag:s7] =	ssyncset.done $0x0  }
0xb8: {  	[sflag:s7] =	ssyncadd.s32 $0xFFFFB000  }
0xb9: {  	[tilespmem:s11], [sflag:$0x1] =	stream.indirect.gather [hbm4b:s3+s9], $0x80, s22, s9, $0xb8;
	[tilespmem:$0xA500] =	vst v63  }
0xba: {  	_ = 	snop  }
0xbb: {  	[tilespmem:s14], [sflag:$0x1] =	stream.indirect.gather [hbm4b:s3+s9], $0x80, s23, s9, $0xb8;
	[tilespmem:$0xA500] =	vst v63  }
0xbc: {  	_ =	swait.ge [sflag:s5], $0x2800  }
0xbd: {  	[sflag:s5] =	ssyncset.done $0x0  }
0xbe: {  	[sflag:s5] =	ssyncadd.s32 $0xFFFFD800  }
0xbf: {  	_ =	swait.ge [sflag:s5], $0x2800  }
0xc0: {  	[sflag:s5] =	ssyncset.done $0x0  }
0xc1: {  	[sflag:s5] =	ssyncadd.s32 $0xFFFFD800  }
0xc2: {  	[hbm4b:s15+s2] =	stream.linear.scatter [tilespmem:s11], [sflag:$0x2], $0x5000, $0x38;
	[tilespmem:$0xA500] =	vst v63  }
0xc3: {  	_ =	swait.ge [sflag:s8], $0x5000  }
0xc4: {  	[sflag:s8] =	ssyncset.done $0x0  }
0xc5: {  	[sflag:s8] =	ssyncadd.s32 $0xFFFFB000  }
0xc6: {  	[tilespmem:s6], [sflag:$0x1] =	stream.indirect.gather [hbm4b:s3+s9], $0x80, s20, s9, $0xb8;
	[tilespmem:$0xA500] =	vst v63  }
0xc7: {  	_ = 	snop  }
0xc8: {  	[tilespmem:s12], [sflag:$0x1] =	stream.indirect.gather [hbm4b:s3+s9], $0x80, s21, s9, $0xb8;
	[tilespmem:$0xA500] =	vst v63  }
0xc9: {  	_ =	swait.ge [sflag:s5], $0x2800  }
0xca: {  	[sflag:s5] =	ssyncset.done $0x0  }
0xcb: {  	[sflag:s5] =	ssyncadd.s32 $0xFFFFD800  }
0xcc: {  	_ =	swait.ge [sflag:s5], $0x2800  }
0xcd: {  	[sflag:s5] =	ssyncset.done $0x0  }
0xce: {  	[sflag:s5] =	ssyncadd.s32 $0xFFFFD800  }
0xcf: {  	[hbm4b:s13+s2] =	stream.linear.scatter [tilespmem:s6], [sflag:$0x3], $0x5000, $0x38;
	[tilespmem:$0xA500] =	vst v63  }
0xd0: {  	_ =	swait.ge [sflag:s7], $0x5000  }
0xd1: {  	[sflag:s7] =	ssyncset.done $0x0  }
0xd2: {  	[sflag:s7] =	ssyncadd.s32 $0xFFFFB000  }
0xd3: {  	[tilespmem:s11], [sflag:$0x1] =	stream.indirect.gather [hbm4b:s3+s9], $0x80, s18, s9, $0xb8;
	[tilespmem:$0xA500] =	vst v63  }
0xd4: {  	_ = 	snop  }
0xd5: {  	[tilespmem:s14], [sflag:$0x1] =	stream.indirect.gather [hbm4b:s3+s9], $0x80, s19, s9, $0xb8;
	[tilespmem:$0xA500] =	vst v63  }
0xd6: {  	_ =	swait.ge [sflag:s5], $0x2800  }
0xd7: {  	[sflag:s5] =	ssyncset.done $0x0  }
0xd8: {  	[sflag:s5] =	ssyncadd.s32 $0xFFFFD800  }
0xd9: {  	_ =	swait.ge [sflag:s5], $0x2800  }
0xda: {  	[sflag:s5] =	ssyncset.done $0x0  }
0xdb: {  	[sflag:s5] =	ssyncadd.s32 $0xFFFFD800  }
0xdc: {  	[hbm4b:s10+s2] =	stream.linear.scatter [tilespmem:s11], [sflag:$0x2], $0x5000, $0x38;
	[tilespmem:$0xA500] =	vst v63  }
0xdd: {  	_ =	swait.ge [sflag:s8], $0x5000  }
0xde: {  	[sflag:s8] =	ssyncset.done $0x0  }
0xdf: {  	[sflag:s8] =	ssyncadd.s32 $0xFFFFB000  }
0xe0: {  	[tilespmem:s6], [sflag:$0x1] =	stream.indirect.gather [hbm4b:s3+s9], $0x80, s16, s9, $0xb8;
	[tilespmem:$0xA500] =	vst v63  }
0xe1: {  	_ = 	snop  }
0xe2: {  	[tilespmem:s12], [sflag:$0x1] =	stream.indirect.gather [hbm4b:s3+s9], $0x80, s17, s9, $0xb8;
	[tilespmem:$0xA500] =	vst v63  }
0xe3: {  	_ =	swait.ge [sflag:s5], $0x2800  }
0xe4: {  	[sflag:s5] =	ssyncset.done $0x0  }
0xe5: {  	[sflag:s5] =	ssyncadd.s32 $0xFFFFD800  }
0xe6: {  	_ =	swait.ge [sflag:s5], $0x2800  }
0xe7: {  	[sflag:s5] =	ssyncset.done $0x0  }
0xe8: {  	p1 =	sne.s32 s1, $0x1;
	[sflag:s5] =	ssyncadd.s32 $0xFFFFD800  }
0xe9: {  	[hbm4b:s4+s2] =	stream.linear.scatter [tilespmem:s6], [sflag:$0x3], $0x5000, $0x38;
	[tilespmem:$0xA500] =	vst v63  }
.Ltmp2:
0xea: {  	_ =	swait.ge [sflag:s7], $0x5000;
	(pc) =	sbr.rel @p1 .LBB2_2-.Ltmp2, $4  }
0xeb: {  	[sflag:s7] =	ssyncset.done $0x0  }
0xec: {  	[sflag:s7] =	ssyncadd.s32 $0xFFFFB000  }
0xed: {  	_ =	swait.ge [sflag:s8], $0x5000  }
0xee: {  	s1 =	sadd.s32 $0xFFFFFFFF, s1;
	s0 =	rddreg [dreg:$0x3];
	[sflag:s8] =	ssyncset.done $0x0  }
.LBB2_3:
0xef: {  	[sflag:s8] =	ssyncadd.s32 @p0 $0xFFFFB000  }
0xf0: {  	[tilespmem:s2], [sflag:$0x4] =	stream.linear.gather [hbm4b:s0+s2], $0x500, $0x38;
	[tilespmem:$0xA500] =	vst v63  }
0xf1: {  	_ =	swait.ge [sflag:s31], $0x500  }
0xf2: {  	[sflag:s31] =	ssyncset.done $0x0  }
0xf3: {  	[sflag:s31] =	ssyncadd.s32 $0xFFFFFB00  }
0xf4: {  	[tilespmem:s11], [sflag:$0x1] =	stream.indirect.gather [hbm4b:s3+s9], $0x80, s2, s9, $0xb8;
	[tilespmem:$0xA500] =	vst v63  }
0xf5: {  	_ = 	snop  }
0xf6: {  	[tilespmem:s14], [sflag:$0x1] =	stream.indirect.gather [hbm4b:s3+s9], $0x80, s9, s9, $0xb8;
	[tilespmem:$0xA500] =	vst v63  }
0xf7: {  	_ =	swait.ge [sflag:s5], $0x2800  }
0xf8: {  	[sflag:s5] =	ssyncset.done $0x0  }
0xf9: {  	[sflag:s5] =	ssyncadd.s32 $0xFFFFD800  }
0xfa: {  	_ =	swait.ge [sflag:s5], $0x2800  }
0xfb: {  	[sflag:s5] =	ssyncset.done $0x0  }
0xfc: {  	s31 =	rddreg [dreg:$0x4];
	[sflag:s5] =	ssyncadd.s32 $0xFFFFD800  }
0xfd: {  	[hbm4b:s31+s2] =	stream.linear.scatter [tilespmem:s11], [sflag:$0x2], $0x5000, $0x38;
	[tilespmem:$0xA500] =	vst v63  }
0xfe: {  	_ = 	snop  }
0xff: {  	[tilespmem:s6], [sflag:$0x1] =	stream.indirect.gather [hbm4b:s3+s9], $0x80, s29, s9, $0xb8;
	[tilespmem:$0xA500] =	vst v63  }
0x100: {  	_ = 	snop  }
0x101: {  	[tilespmem:s12], [sflag:$0x1] =	stream.indirect.gather [hbm4b:s3+s9], $0x80, s30, s9, $0xb8;
	[tilespmem:$0xA500] =	vst v63  }
0x102: {  	_ =	swait.ge [sflag:s5], $0x2800  }
0x103: {  	[sflag:s5] =	ssyncset.done $0x0  }
0x104: {  	[sflag:s5] =	ssyncadd.s32 $0xFFFFD800  }
0x105: {  	_ =	swait.ge [sflag:s5], $0x2800  }
0x106: {  	[sflag:s5] =	ssyncset.done $0x0  }
0x107: {  	s1 =	rddreg [dreg:$0x5];
	[sflag:s5] =	ssyncadd.s32 $0xFFFFD800  }
0x108: {  	[hbm4b:s1+s2] =	stream.linear.scatter [tilespmem:s6], [sflag:$0x3], $0x5000, $0x38;
	[tilespmem:$0xA500] =	vst v63  }
0x109: {  	_ =	swait.ge [sflag:s7], $0x5000  }
0x10a: {  	[sflag:s7] =	ssyncset.done $0x0  }
0x10b: {  	[sflag:s7] =	ssyncadd.s32 $0xFFFFB000  }
0x10c: {  	[tilespmem:s11], [sflag:$0x1] =	stream.indirect.gather [hbm4b:s3+s9], $0x80, s26, s9, $0xb8;
	[tilespmem:$0xA500] =	vst v63  }
0x10d: {  	_ = 	snop  }
0x10e: {  	[tilespmem:s14], [sflag:$0x1] =	stream.indirect.gather [hbm4b:s3+s9], $0x80, s28, s9, $0xb8;
	[tilespmem:$0xA500] =	vst v63  }
0x10f: {  	_ =	swait.ge [sflag:s5], $0x2800  }
0x110: {  	[sflag:s5] =	ssyncset.done $0x0  }
0x111: {  	[sflag:s5] =	ssyncadd.s32 $0xFFFFD800  }
0x112: {  	_ =	swait.ge [sflag:s5], $0x2800  }
0x113: {  	[sflag:s5] =	ssyncset.done $0x0  }
0x114: {  	s29 =	rddreg [dreg:$0x6];
	[sflag:s5] =	ssyncadd.s32 $0xFFFFD800  }
0x115: {  	[hbm4b:s29+s2] =	stream.linear.scatter [tilespmem:s11], [sflag:$0x2], $0x5000, $0x38;
	[tilespmem:$0xA500] =	vst v63  }
0x116: {  	_ =	swait.ge [sflag:s8], $0x5000  }
0x117: {  	[sflag:s8] =	ssyncset.done $0x0  }
0x118: {  	[sflag:s8] =	ssyncadd.s32 $0xFFFFB000  }
0x119: {  	[tilespmem:s6], [sflag:$0x1] =	stream.indirect.gather [hbm4b:s3+s9], $0x80, s24, s9, $0xb8;
	[tilespmem:$0xA500] =	vst v63  }
0x11a: {  	_ = 	snop  }
0x11b: {  	[tilespmem:s12], [sflag:$0x1] =	stream.indirect.gather [hbm4b:s3+s9], $0x80, s25, s9, $0xb8;
	[tilespmem:$0xA500] =	vst v63  }
0x11c: {  	_ =	swait.ge [sflag:s5], $0x2800  }
0x11d: {  	[sflag:s5] =	ssyncset.done $0x0  }
0x11e: {  	[sflag:s5] =	ssyncadd.s32 $0xFFFFD800  }
0x11f: {  	_ =	swait.ge [sflag:s5], $0x2800  }
0x120: {  	[sflag:s5] =	ssyncset.done $0x0  }
0x121: {  	s30 =	rddreg [dreg:$0x7];
	[sflag:s5] =	ssyncadd.s32 $0xFFFFD800  }
0x122: {  	[hbm4b:s30+s2] =	stream.linear.scatter [tilespmem:s6], [sflag:$0x3], $0x5000, $0x38;
	[tilespmem:$0xA500] =	vst v63  }
0x123: {  	_ =	swait.ge [sflag:s7], $0x5000  }
0x124: {  	[sflag:s7] =	ssyncset.done $0x0  }
0x125: {  	[sflag:s7] =	ssyncadd.s32 $0xFFFFB000  }
0x126: {  	[tilespmem:s11], [sflag:$0x1] =	stream.indirect.gather [hbm4b:s3+s9], $0x80, s22, s9, $0xb8;
	[tilespmem:$0xA500] =	vst v63  }
0x127: {  	_ = 	snop  }
0x128: {  	[tilespmem:s14], [sflag:$0x1] =	stream.indirect.gather [hbm4b:s3+s9], $0x80, s23, s9, $0xb8;
	[tilespmem:$0xA500] =	vst v63  }
0x129: {  	_ =	swait.ge [sflag:s5], $0x2800  }
0x12a: {  	[sflag:s5] =	ssyncset.done $0x0  }
0x12b: {  	[sflag:s5] =	ssyncadd.s32 $0xFFFFD800  }
0x12c: {  	_ =	swait.ge [sflag:s5], $0x2800  }
0x12d: {  	[sflag:s5] =	ssyncset.done $0x0  }
0x12e: {  	[sflag:s5] =	ssyncadd.s32 $0xFFFFD800  }
0x12f: {  	[hbm4b:s15+s2] =	stream.linear.scatter [tilespmem:s11], [sflag:$0x2], $0x5000, $0x38;
	[tilespmem:$0xA500] =	vst v63  }
0x130: {  	_ =	swait.ge [sflag:s8], $0x5000  }
0x131: {  	[sflag:s8] =	ssyncset.done $0x0  }
0x132: {  	[sflag:s8] =	ssyncadd.s32 $0xFFFFB000  }
0x133: {  	[tilespmem:s6], [sflag:$0x1] =	stream.indirect.gather [hbm4b:s3+s9], $0x80, s20, s9, $0xb8;
	[tilespmem:$0xA500] =	vst v63  }
0x134: {  	_ = 	snop  }
0x135: {  	[tilespmem:s12], [sflag:$0x1] =	stream.indirect.gather [hbm4b:s3+s9], $0x80, s21, s9, $0xb8;
	[tilespmem:$0xA500] =	vst v63  }
0x136: {  	_ =	swait.ge [sflag:s5], $0x2800  }
0x137: {  	[sflag:s5] =	ssyncset.done $0x0  }
0x138: {  	[sflag:s5] =	ssyncadd.s32 $0xFFFFD800  }
0x139: {  	_ =	swait.ge [sflag:s5], $0x2800  }
0x13a: {  	[sflag:s5] =	ssyncset.done $0x0  }
0x13b: {  	[sflag:s5] =	ssyncadd.s32 $0xFFFFD800  }
0x13c: {  	[hbm4b:s13+s2] =	stream.linear.scatter [tilespmem:s6], [sflag:$0x3], $0x5000, $0x38;
	[tilespmem:$0xA500] =	vst v63  }
0x13d: {  	_ =	swait.ge [sflag:s7], $0x5000  }
0x13e: {  	[sflag:s7] =	ssyncset.done $0x0  }
0x13f: {  	[sflag:s7] =	ssyncadd.s32 $0xFFFFB000  }
0x140: {  	[tilespmem:s11], [sflag:$0x1] =	stream.indirect.gather [hbm4b:s3+s9], $0x80, s18, s9, $0xb8;
	[tilespmem:$0xA500] =	vst v63  }
0x141: {  	_ = 	snop  }
0x142: {  	[tilespmem:s14], [sflag:$0x1] =	stream.indirect.gather [hbm4b:s3+s9], $0x80, s19, s9, $0xb8;
	[tilespmem:$0xA500] =	vst v63  }
0x143: {  	_ =	swait.ge [sflag:s5], $0x2800  }
0x144: {  	[sflag:s5] =	ssyncset.done $0x0  }
0x145: {  	[sflag:s5] =	ssyncadd.s32 $0xFFFFD800  }
0x146: {  	_ =	swait.ge [sflag:s5], $0x2800  }
0x147: {  	[sflag:s5] =	ssyncset.done $0x0  }
0x148: {  	[sflag:s5] =	ssyncadd.s32 $0xFFFFD800  }
0x149: {  	[hbm4b:s10+s2] =	stream.linear.scatter [tilespmem:s11], [sflag:$0x2], $0x5000, $0x38;
	[tilespmem:$0xA500] =	vst v63  }
0x14a: {  	_ =	swait.ge [sflag:s8], $0x5000  }
0x14b: {  	[sflag:s8] =	ssyncset.done $0x0  }
0x14c: {  	[sflag:s8] =	ssyncadd.s32 $0xFFFFB000  }
0x14d: {  	[tilespmem:s6], [sflag:$0x1] =	stream.indirect.gather [hbm4b:s3+s9], $0x80, s16, s9, $0xb8;
	[tilespmem:$0xA500] =	vst v63  }
0x14e: {  	_ = 	snop  }
0x14f: {  	[tilespmem:s12], [sflag:$0x1] =	stream.indirect.gather [hbm4b:s3+s9], $0x80, s17, s9, $0xb8;
	[tilespmem:$0xA500] =	vst v63  }
0x150: {  	_ =	swait.ge [sflag:s5], $0x2800  }
0x151: {  	[sflag:s5] =	ssyncset.done $0x0  }
0x152: {  	[sflag:s5] =	ssyncadd.s32 $0xFFFFD800  }
0x153: {  	_ =	swait.ge [sflag:s5], $0x2800  }
0x154: {  	[sflag:s5] =	ssyncset.done $0x0  }
0x155: {  	[sflag:s5] =	ssyncadd.s32 $0xFFFFD800  }
0x156: {  	[hbm4b:s4+s2] =	stream.linear.scatter [tilespmem:s6], [sflag:$0x3], $0x5000, $0x38;
	[tilespmem:$0xA500] =	vst v63  }
0x157: {  	_ =	swait.ge [sflag:s7], $0x5000  }
0x158: {  	[sflag:s7] =	ssyncset.done $0x0  }
0x159: {  	[sflag:s7] =	ssyncadd.s32 $0xFFFFB000  }
0x15a: {  	_ =	swait.ge [sflag:s8], $0x5000  }
0x15b: {  	[sflag:s8] =	ssyncset.done $0x0  }
0x15c: {  	[sflag:s8] =	ssyncadd.s32 $0xFFFFB000  }
0x15d: {  	_ =	sfence.sel $0x180000  }
0x15e: {  	[bflag:$0x0] =	sbarrier.arrive $0xFFFF  }
0x15f: {  	_ =	strace $0x9000004D  }
0x160: {  	s31 =	stileid.u32;
	[bflag:$0x2] =	sbarrier.arrive $0xFFFF  }
0x161: {  	p0 =	sne.s32 s31, $0x0;
	s0 =	rddreg [dreg:$0x2]  }
0x162: {  	s0 =	sadd.s32 @!p0 $0x100000, s0  }
0x163: {  	[sflag:s0] =	ssyncadd.tile.s32 @!p0 $0x1;
	_ =	shalt  }
.Lfunc_end2:
_tile_overlayer_lowered:
.L_overlay_start_2:
0x164: {  	(tag) =	ssettag $0x2  }
0x165: {  	s0 =	rddreg [dreg:$0x0];
	s2 =	stileid.u32  }
0x166: {  	s1 =	rddreg [dreg:$0x1];
	p0 =	sne.s32 s2, $0x0  }
0x167: {  	s3 =	rddreg [dreg:$0x2];
	[bflag:$0x3] =	sbarrier.arrive $0xFFFF;
	s2 =	simm.s32 @!p0 $0x1C04  }
0x168: {  	[timem:s3], [sflag:s2] =	dma.local @!p0 [hbm:s0], s1  }
0x169: {  	s0 =	simm.s32 @!p0 $0x4  }
0x16a: {  	_ =	swait.ge @!p0 [sflag:s0], s1  }
0x16b: {  	s1 =	ssub.s32 @!p0 $0x0, s1;
	[sflag:s0] =	ssyncset.done @!p0 $0x0  }
0x16c: {  	[sflag:s0] =	ssyncadd.s32 @!p0 s1  }
0x16d: {  	[bflag:$0x3] =	sbarrier.arrive $0xFFFF  }
0x16e: {  	_ =	shalt  }

// kernel: kernel.21.cloned.1.call-start
scs
__scs_entry_jumppad:
0x0: {  	(pc) =	sbr.rel $0x88, $3  }
0x1: {  	(tag) =	ssettag $0x0;
	lr =	simm.s32 $0x1  }
0x2: {  	[smem:$0x3F9C] =	sst lr;
	_ =	strace $0xD0000000  }
0x3: {  	_ = 	snop  }
0x4: {  	_ = 	snop  }
0x5: {  	_ = 	snop  }
0x6: {  	_ = 	snop  }
0x7: {  	_ = 	snop  }
__scs_overlays_trampoline_lowered:
0x8: {  	[smem:$0x3FAB] =	sst s0  }
0x9: {  	[smem:$0x3FAC] =	sst s1  }
0xa: {  	[smem:$0x3FAD] =	sst s2  }
0xb: {  	[smem:$0x3FAE] =	sst s3  }
0xc: {  	[smem:$0x3FAF] =	sst s4  }
0xd: {  	[smem:$0x3FB0] =	sst s5  }
0xe: {  	[smem:$0x3FB1] =	sst s6  }
0xf: {  	[smem:$0x3FB2] =	sst s7  }
0x10: {  	[smem:$0x3FB3] =	sst s8  }
0x11: {  	[smem:$0x3FB4] =	sst s9;
	s0 =	simm.s32 @!p0 $0x0  }
0x12: {  	s1 =	sld [smem:$0x3F9A];
	s0 =	simm.s32 @p0 $0x1  }
0x13: {  	[smem:$0x3FB5] =	sst s0;
	s0 =	simm.s32 @!p1 $0x0  }
0x14: {  	s2 =	sld [smem:$0x3F99];
	s0 =	simm.s32 @p1 $0x1  }
0x15: {  	[smem:$0x3FB6] =	sst s0;
	s0 =	simm.s32 @!p2 $0x0  }
0x16: {  	s3 =	sld [smem:$0x3FDB];
	s0 =	simm.s32 @p2 $0x1  }
0x17: {  	s4 =	simm.s32 $0x1BF5;
	[smem:$0x3FB8] =	sst s0  }
0x18: {  	s0 =	sld [smem:$0x3F9B];
	_ =	swait.ge [sflag:s4], $0x0  }
0x19: {  	s7 =	sld [smem:$0x3F9C]  }
0x1a: {  	s8 =	sadd.s32 $0xFFFFE003, lr  }
0x1b: {  	s9 =	sadd.s32 $0xFFFFFEF7, lr;
	s5 =	simm.s32 $0xFFFFFFFF;
	p2 =	slt.u32 s8, $0xFFFFF086  }
0x1c: {  	p1 =	slt.u32 s9, $0xF7A;
	s5 =	simm.s32 @!p2 $0x0  }
0x1d: {  	s5 =	simm.s32 @p1 $0x1;
	p0 =	seq.s32 s7, s2  }
0x1e: {  	s7 =	smul.u32 @!p0 $0xF7A, s2;
	p2 =	seq.s32 @!p0 s5, $0x0  }
0x1f: {  	s9 =	smul.u32 $0xF7A, s1;
	s8 =	simm.s32 @!p0 $0x1BF5;
	p2 =	por !p2, p0  }
0x20: {  	[sflag:s8] =	ssyncset.s32 @!p0 $0xFFFFF086;
	s6 =	sadd.s32 @!p0 s3, s7;
	s7 =	simm.s32 @!p0 $0x108  }
0x21: {  	s3 =	sadd.s32 s3, s9;
	s6 =	sadd.s32 @!p0 $0x88, s6;
	s7 =	simm.s32 @p2 $0x1082  }
0x22: {  	[simem:s7], [sflag:s8] =	dma.local @!p0 [hbm:s6], $0xF7A  }
0x23: {  	s9 =	sor.u32 $0xD0000000, s2;
	s6 =	simm.s32 $0x108;
	_ =	swait.ge @!p0 [sflag:s8], $0x0  }
0x24: {  	s3 =	sadd.s32 $0x88, s3;
	s6 =	simm.s32 @!p1 $0x1082;
	[sflag:s4] =	ssyncset.s32 $0xFFFFF086  }
0x25: {  	[simem:s6], [sflag:s4] =	dma.local [hbm:s3], $0xF7A  }
0x26: {  	[smem:$0x3F9C] =	sst s1;
	(tag) =	ssettag s2;
	_ =	strace s9  }
0x27: {  	s1 =	sld [smem:$0x3FAC]  }
0x28: {  	s2 =	sld [smem:$0x3FAD]  }
0x29: {  	s4 =	sld [smem:$0x3FAF]  }
0x2a: {  	p0 =	seq.s32 s5, $0x0;
	s5 =	sld [smem:$0x3FB0]  }
0x2b: {  	s6 =	sld [smem:$0x3FB1]  }
0x2c: {  	s7 =	sld [smem:$0x3FB2]  }
0x2d: {  	s3 =	simm.s32 $0x108;
	s8 =	sld [smem:$0x3FB3]  }
0x2e: {  	s3 =	simm.s32 @!p0 $0x1082;
	s9 =	sld [smem:$0x3FB4]  }
0x2f: {  	lr =	sadd.s32 s0, s3;
	s0 =	sld [smem:$0x3FAB]  }
0x30: {  	s3 =	sld [smem:$0x3FAE]  }
0x31: {  	[smem:$0x3FB7] =	sst s10  }
0x32: {  	s10 =	sld [smem:$0x3FB5];
	_ =	sdelay $0x3  }
0x33: {  	p0 =	seq.s32 s10, $0x1;
	s10 =	sld [smem:$0x3FB7];
	_ =	sdelay $0x3  }
0x34: {  	[smem:$0x3FB7] =	sst s10  }
0x35: {  	s10 =	sld [smem:$0x3FB6];
	_ =	sdelay $0x3  }
0x36: {  	p1 =	seq.s32 s10, $0x1;
	s10 =	sld [smem:$0x3FB7];
	_ =	sdelay $0x3  }
0x37: {  	[smem:$0x3FB7] =	sst s10  }
0x38: {  	s10 =	sld [smem:$0x3FB8]  }
0x39: {  	_ = 	snop;
	(pc) =	sbr.ind lr, $3  }
0x3a: {  	_ = 	snop  }
0x3b: {  	_ = 	snop  }
0x3c: {  	p2 =	seq.s32 s10, $0x1;
	s10 =	sld [smem:$0x3FB7]  }
0x3d: {  	_ =	shalt  }
0x3e: {  	_ =	shalt  }
0x3f: {  	_ =	shalt  }
0x40: {  	_ =	shalt  }
0x41: {  	_ =	shalt  }
0x42: {  	_ =	shalt  }
0x43: {  	_ =	shalt  }
0x44: {  	_ =	shalt  }
0x45: {  	_ =	shalt  }
0x46: {  	_ =	shalt  }
0x47: {  	_ =	shalt  }
0x48: {  	_ =	shalt  }
0x49: {  	_ =	shalt  }
0x4a: {  	_ =	shalt  }
0x4b: {  	_ =	shalt  }
0x4c: {  	_ =	shalt  }
0x4d: {  	_ =	shalt  }
0x4e: {  	_ =	shalt  }
0x4f: {  	_ =	shalt  }
0x50: {  	_ =	shalt  }
0x51: {  	_ =	shalt  }
0x52: {  	_ =	shalt  }
0x53: {  	_ =	shalt  }
0x54: {  	_ =	shalt  }
0x55: {  	_ =	shalt  }
0x56: {  	_ =	shalt  }
0x57: {  	_ =	shalt  }
0x58: {  	_ =	shalt  }
0x59: {  	_ =	shalt  }
0x5a: {  	_ =	shalt  }
0x5b: {  	_ =	shalt  }
0x5c: {  	_ =	shalt  }
0x5d: {  	_ =	shalt  }
0x5e: {  	_ =	shalt  }
0x5f: {  	_ =	shalt  }
0x60: {  	_ =	shalt  }
0x61: {  	_ =	shalt  }
0x62: {  	_ =	shalt  }
0x63: {  	_ =	shalt  }
0x64: {  	_ =	shalt  }
0x65: {  	_ =	shalt  }
0x66: {  	_ =	shalt  }
0x67: {  	_ =	shalt  }
0x68: {  	_ =	shalt  }
0x69: {  	_ =	shalt  }
0x6a: {  	_ =	shalt  }
0x6b: {  	_ =	shalt  }
0x6c: {  	_ =	shalt  }
0x6d: {  	_ =	shalt  }
0x6e: {  	_ =	shalt  }
0x6f: {  	_ =	shalt  }
0x70: {  	_ =	shalt  }
0x71: {  	_ =	shalt  }
0x72: {  	_ =	shalt  }
0x73: {  	_ =	shalt  }
0x74: {  	_ =	shalt  }
0x75: {  	_ =	shalt  }
0x76: {  	_ =	shalt  }
0x77: {  	_ =	shalt  }
0x78: {  	_ =	shalt  }
0x79: {  	_ =	shalt  }
0x7a: {  	_ =	shalt  }
0x7b: {  	_ =	shalt  }
0x7c: {  	_ =	shalt  }
0x7d: {  	_ =	shalt  }
0x7e: {  	_ =	shalt  }
0x7f: {  	_ =	shalt  }
0x80: {  	_ =	shalt  }
0x81: {  	_ =	shalt  }
0x82: {  	_ =	shalt  }
0x83: {  	_ =	shalt  }
0x84: {  	_ =	shalt  }
0x85: {  	_ =	shalt  }
0x86: {  	_ =	shalt  }
0x87: {  	_ =	shalt  }
.Lfunc_end0:
.L_simem_size_0:
called_computation.3_lowered:
.L_overlay_start_0:
0x88: {  	s2 =	sld [smem:$0x3FD9]  }
0x89: {  	s3 =	sld [smem:$0x3FFE];
	_ =	sdelay $0x1  }
0x8a: {  	s1 =	srdreg.scid  }
0x8b: {  	s0 =	sand.u32 $0x1, s1  }
0x8c: {  	s17 =	sshll.u32 s0, $0xA;
	s2 =	sadd.s32 s3, s2  }
0x8d: {  	s2 =	sadd.s32 s2, s17  }
0x8e: {  	[smem:$0x3FC3] =	sst s2  }
0x8f: {  	_ = 	snop  }
0x90: {  	s18 =	sld [smem:$0x3FC7];
	(tm) =	ssettm $0x1  }
0x91: {  	s19 =	sld [smem:$0x3FFB];
	_ =	sdelay $0x3  }
0x92: {  	_ =	strace s19  }
0x93: {  	s2 =	sld [smem:$0x3FFC];
	_ =	sdelay $0x3  }
0x94: {  	_ =	strace s2  }
0x95: {  	s2 =	sld [smem:$0x3FFD];
	_ =	sdelay $0x3  }
0x96: {  	_ =	strace s2  }
0x97: {  	_ =	strace $0x8FFFFFFF  }
0x98: {  	s20 =	sld [smem:$0x3FDB];
	_ =	sdelay $0x1  }
0x99: {  	s4 =	simm.s32 $_scs_section_size  }
0x9a: {  	s5 =	simm.s32 $_size__tile_overlayer_lowered;
	s6 =	simm.s32 $_tile_overlayer_lowered  }
0x9b: {  	s7 =	simm.s32 $0x1BFF;
	s21 =	sshll.u32 s6, $0x1;
	s4 =	sadd.s32 s4, s20  }
0x9c: {  	s22 =	simm.s32 $0x0;
	s5 =	sshll.u32 s5, $0x1;
	s6 =	sadd.s32 s21, s4  }
0x9d: {  	[timem:s22], [sflag:s7] =	dma.local [hbm:s6], s5  }
0x9e: {  	_ =	swait.ge [sflag:s7], s5  }
0x9f: {  	s5 =	ssub.s32 $0x0, s5;
	[sflag:s7] =	ssyncset.done $0x0  }
0xa0: {  	[sflag:s7] =	ssyncadd.s32 s5;
	_ =	sdelay $0x1  }
0xa1: {  	s23 =	simm.s32 $0x1B8B  }
0xa2: {  	_ =	swait.ge [sflag:s23], $0x1  }
0xa3: {  	[sflag:s23] =	ssyncset.done $0x0  }
0xa4: {  	[sflag:s23] =	ssyncadd.s32 $0xFFFFFFFF  }
0xa5: {  	s5 =	sld [smem:$0x0]  }
0xa6: {  	s6 =	sand.u32 $0xFFFFFFFE, s1  }
0xa7: {  	p0 =	sne.s32 s1, s6  }
0xa8: {  	s6 =	sshll.u32 @p0 s6, $0xE  }
0xa9: {  	s6 =	sadd.s32 @p0 $0x11B8D, s6;
	s7 =	sshll.u32 @p0 s5, $0x11  }
0xaa: {  	s6 =	sor.u32 @p0 s7, s6  }
0xab: {  	[sflag:s6] =	ssyncadd.remote.s32 @p0 $0x1;
	_ =	sdelay $0x1  }
0xac: {  	s6 =	simm.s32 @p0 $0x1B8D  }
0xad: {  	_ =	swait.eq @p0 [sflag:s6], $0x1  }
0xae: {  	[sflag:s6] =	ssyncadd.s32 @p0 $0xFFFFFFFF  }
0xaf: {  	s7 =	sshll.u32 @!p0 s1, $0xE  }
0xb0: {  	s7 =	sor.u32 @!p0 $0x4000, s7;
	s6 =	simm.s32 @!p0 $0x1B8D  }
0xb1: {  	s5 =	sshll.u32 @!p0 s5, $0x11;
	s7 =	sadd.s32 @!p0 $0x11B8D, s7;
	_ =	swait.eq @!p0 [sflag:s6], $0x1  }
0xb2: {  	s5 =	sor.u32 @!p0 s5, s7;
	[sflag:s6] =	ssyncadd.s32 @!p0 $0xFFFFFFFF  }
0xb3: {  	s25 =	simm.s32 $0x1B8E;
	s24 =	sld [smem:$0x3FFE];
	[sflag:s5] =	ssyncadd.remote.s32 @!p0 $0x1  }
0xb4: {  	s26 =	simm.s32 $execute0_lowered;
	[smem:$0x3FD2] =	sst s25  }
0xb5: {  	s6 =	sshll.u32 s26, $0x1;
	_ =	strace $0x8000004F;
	[dreg:$0x1] =	wrdreg $0xFFFFFFFF  }
0xb6: {  	s28 =	simm.s32 $_size_execute0_lowered;
	s4 =	sadd.s32 s4, s6;
	[dreg:$0x0] =	wrdreg $0x0  }
0xb7: {  	s6 =	sshll.u32 s28, $0x1;
	[dreg:$0x2] =	wrdreg s4  }
0xb8: {  	[dreg:$0x3] =	wrdreg s6  }
0xb9: {  	[dreg:$0x4] =	wrdreg $0xC0  }
0xba: {  	_ =	task [dreg:s22], $0x5FFFF  }
0xbb: {  	[dreg:$0x1] =	wrdreg $0xFFFFFFFF  }
0xbc: {  	[dreg:$0x0] =	wrdreg $0x60  }
0xbd: {  	[dreg:$0x2] =	wrdreg s24  }
0xbe: {  	[dreg:$0x3] =	wrdreg s18  }
0xbf: {  	[dreg:$0x4] =	wrdreg $0xC  }
0xc0: {  	_ =	task.clear_ibuf [dreg:s22], $0x5FFFF;
	_ =	strace $0x9000004F  }
0xc1: {  	s29 =	simm.s32 $0xC;
	_ =	strace $0x80000051  }
0xc2: {  	_ =	swait.ge [sflag:s29], $0x1  }
0xc3: {  	[sflag:s29] =	ssyncadd.s32 $0xFFFFFFFF  }
0xc4: {  	_ =	strace $0x90000051  }
0xc5: {  	_ =	sfence  }
0xc6: {  	s30 =	sld [smem:$0x0];
	_ =	sdelay $0x2  }
0xc7: {  	s31 =	sshll.u32 s1, $0xD;
	s1 =	sshrl.u32 s1, $0x2  }
0xc8: {  	s4 =	sand.u32 $0x4000, s31;
	s1 =	sadd.s32 s1, s30  }
0xc9: {  	s0 =	sor.u32 s4, s0;
	s1 =	sshll.u32 s1, $0x11  }
0xca: {  	s0 =	sor.u32 s1, s0  }
0xcb: {  	s0 =	sadd.s32 $0x8F2B, s0  }
0xcc: {  	[sflag:s0] =	ssyncadd.remote.s32 $0x1  }
0xcd: {  	_ =	sfence.sel $0xFFFF  }
0xce: {  	[dreg:$0x0] =	wrdreg $0xFFFFFFFF;
	(pc) =	sbr.abs _section_cstart, $3  }
0xcf: {  	[dreg:$0x1] =	wrdreg $0xFFFFFFFF  }
0xd0: {  	_ =	task.clear_ibuf [dreg:s22], $0x2FFFF;
	_ =	strace $0x9FFFFFFF  }
0xd1: {  	(tm) =	ssettm $0x7FFFFFFF  }
tec
execute0_lowered:
.L_overlay_start_1:
0x0: {  	(tag) =	ssettag $0x1  }
0x1: {  	s0 =	srdreg.scid;
	s4 =	rddreg [dreg:$0x0]  }
0x2: {  	s1 =	stileid.u32;
	s3 =	rddreg [dreg:$0x1]  }
0x3: {  	s2 =	simm.s32 $0x0;
	s31 =	simm.s32 $0x4;
	s9 =	simm.s32 $0x50  }
0x4: {  	s11 =	simm.s32 $0x500;
	s14 =	simm.s32 $0x2D00;
	s29 =	simm.s32 $0xA0  }
0x5: {  	s6 =	simm.s32 $0x5500;
	s30 =	simm.s32 $0xF0;
	s12 =	simm.s32 $0x7D00  }
0x6: {  	s7 =	simm.s32 $0x2;
	s28 =	simm.s32 $0x190;
	s8 =	simm.s32 $0x3  }
0x7: {  	p0 =	por $0x0, $0x0;
	s0 =	sand.u32 $0x1, s0;
	s1 =	sshll.u32 s1, $0x1  }
0x8: {  	s20 =	simm.s32 $0x320;
	s21 =	simm.s32 $0x370;
	s1 =	sor.u32 s0, s1  }
0x9: {  	s18 =	simm.s32 $0x3C0;
	s19 =	simm.s32 $0x410;
	s5 =	smul.u32 $0x500, s1  }
0xa: {  	s16 =	simm.s32 $0x460;
	s0 =	ssub.s32 $0x2, s0;
	s1 =	smul.u32 $0x5000, s1  }
0xb: {  	s17 =	simm.s32 $0x4B0;
	[smem:$0x7FF] =	sst s2;
	s22 =	sshrl.u32 s0, $0x1  }
0xc: {  	_ =	strace $0x80000050;
	s0 =	ssub.s32 s0, s22;
	s1 =	sadd.s32 s1, s4  }
0xd: {  	s22 =	simm.s32 $0x280;
	s5 =	sshrl.u32 s5, $0x3;
	s23 =	sadd.s32 $0x148C00, s1  }
0xe: {  	s0 =	smax.u32 s0, $0x1;
	s24 =	sadd.s32 $0x149600, s1;
	s25 =	sadd.s32 $0x14A000, s1  }
0xf: {  	s5 =	sadd.s32 s4, s5;
	s26 =	sadd.s32 $0x14AA00, s1;
	s15 =	sadd.s32 $0x14B400, s1  }
0x10: {  	s13 =	sadd.s32 $0x14BE00, s1;
	p1 =	sne.s32 s0, $0x1;
	[dreg:$0x4] =	wrdreg s23  }
.Ltmp0:
0x11: {  	s10 =	sadd.s32 $0x14C800, s1;
	[dreg:$0x5] =	wrdreg s24;
	(pc) =	sbr.rel @!p1 .LBB2_3-.Ltmp0, $4  }
0x12: {  	s4 =	sadd.s32 $0x14D200, s1;
	s1 =	sadd.s32 $0xFFFFFFFF, s0;
	[dreg:$0x6] =	wrdreg s25  }
0x13: {  	s5 =	sadd.s32 $0x6400, s5;
	[dreg:$0x7] =	wrdreg s26;
	s26 =	simm.s32 $0x140  }
0x14: {  	s24 =	simm.s32 $0x1E0;
	s25 =	simm.s32 $0x230;
	[dreg:$0x3] =	wrdreg s5  }
0x15: {  	s23 =	simm.s32 $0x2D0;
	s5 =	simm.s32 $0x1;
	s0 =	rddreg [dreg:$0x3]  }
0x16: {  	[tilespmem:s2], [sflag:$0x4] =	stream.linear.gather [hbm4b:s0+s2], $0x500, $0x38;
	[tilespmem:$0xA500] =	vst v63  }
0x17: {  	_ =	swait.ge [sflag:s31], $0x500  }
0x18: {  	[sflag:s31] =	ssyncset.done $0x0  }
0x19: {  	[sflag:s31] =	ssyncadd.s32 $0xFFFFFB00  }
0x1a: {  	[tilespmem:s11], [sflag:$0x1] =	stream.indirect.gather [hbm4b:s3+s9], $0x80, s2, s9, $0xb8;
	[tilespmem:$0xA500] =	vst v63  }
0x1b: {  	_ = 	snop  }
0x1c: {  	[tilespmem:s14], [sflag:$0x1] =	stream.indirect.gather [hbm4b:s3+s9], $0x80, s9, s9, $0xb8;
	[tilespmem:$0xA500] =	vst v63  }
0x1d: {  	_ =	swait.ge [sflag:s5], $0x2800  }
0x1e: {  	[sflag:s5] =	ssyncset.done $0x0  }
0x1f: {  	[sflag:s5] =	ssyncadd.s32 $0xFFFFD800  }
0x20: {  	_ =	swait.ge [sflag:s5], $0x2800  }
0x21: {  	[sflag:s5] =	ssyncset.done $0x0  }
0x22: {  	s0 =	rddreg [dreg:$0x4];
	[sflag:s5] =	ssyncadd.s32 $0xFFFFD800  }
0x23: {  	[hbm4b:s0+s2] =	stream.linear.scatter [tilespmem:s11], [sflag:$0x2], $0x5000, $0x38;
	[tilespmem:$0xA500] =	vst v63  }
0x24: {  	_ = 	snop  }
0x25: {  	[tilespmem:s6], [sflag:$0x1] =	stream.indirect.gather [hbm4b:s3+s9], $0x80, s29, s9, $0xb8;
	[tilespmem:$0xA500] =	vst v63  }
0x26: {  	_ = 	snop  }
0x27: {  	[tilespmem:s12], [sflag:$0x1] =	stream.indirect.gather [hbm4b:s3+s9], $0x80, s30, s9, $0xb8;
	[tilespmem:$0xA500] =	vst v63  }
0x28: {  	_ =	swait.ge [sflag:s5], $0x2800  }
0x29: {  	[sflag:s5] =	ssyncset.done $0x0  }
0x2a: {  	[sflag:s5] =	ssyncadd.s32 $0xFFFFD800  }
0x2b: {  	_ =	swait.ge [sflag:s5], $0x2800  }
0x2c: {  	[sflag:s5] =	ssyncset.done $0x0  }
0x2d: {  	s0 =	rddreg [dreg:$0x5];
	[sflag:s5] =	ssyncadd.s32 $0xFFFFD800  }
0x2e: {  	[hbm4b:s0+s2] =	stream.linear.scatter [tilespmem:s6], [sflag:$0x3], $0x5000, $0x38;
	[tilespmem:$0xA500] =	vst v63  }
0x2f: {  	_ =	swait.ge [sflag:s7], $0x5000  }
0x30: {  	[sflag:s7] =	ssyncset.done $0x0  }
0x31: {  	[sflag:s7] =	ssyncadd.s32 $0xFFFFB000  }
0x32: {  	[tilespmem:s11], [sflag:$0x1] =	stream.indirect.gather [hbm4b:s3+s9], $0x80, s26, s9, $0xb8;
	[tilespmem:$0xA500] =	vst v63  }
0x33: {  	_ = 	snop  }
0x34: {  	[tilespmem:s14], [sflag:$0x1] =	stream.indirect.gather [hbm4b:s3+s9], $0x80, s28, s9, $0xb8;
	[tilespmem:$0xA500] =	vst v63  }
0x35: {  	_ =	swait.ge [sflag:s5], $0x2800  }
0x36: {  	[sflag:s5] =	ssyncset.done $0x0  }
0x37: {  	[sflag:s5] =	ssyncadd.s32 $0xFFFFD800  }
0x38: {  	_ =	swait.ge [sflag:s5], $0x2800  }
0x39: {  	[sflag:s5] =	ssyncset.done $0x0  }
0x3a: {  	s0 =	rddreg [dreg:$0x6];
	[sflag:s5] =	ssyncadd.s32 $0xFFFFD800  }
0x3b: {  	[hbm4b:s0+s2] =	stream.linear.scatter [tilespmem:s11], [sflag:$0x2], $0x5000, $0x38;
	[tilespmem:$0xA500] =	vst v63  }
0x3c: {  	_ =	swait.ge [sflag:s8], $0x5000  }
0x3d: {  	[sflag:s8] =	ssyncset.done $0x0  }
0x3e: {  	[sflag:s8] =	ssyncadd.s32 $0xFFFFB000  }
0x3f: {  	[tilespmem:s6], [sflag:$0x1] =	stream.indirect.gather [hbm4b:s3+s9], $0x80, s24, s9, $0xb8;
	[tilespmem:$0xA500] =	vst v63  }
0x40: {  	_ = 	snop  }
0x41: {  	[tilespmem:s12], [sflag:$0x1] =	stream.indirect.gather [hbm4b:s3+s9], $0x80, s25, s9, $0xb8;
	[tilespmem:$0xA500] =	vst v63  }
0x42: {  	_ =	swait.ge [sflag:s5], $0x2800  }
0x43: {  	[sflag:s5] =	ssyncset.done $0x0  }
0x44: {  	[sflag:s5] =	ssyncadd.s32 $0xFFFFD800  }
0x45: {  	_ =	swait.ge [sflag:s5], $0x2800  }
0x46: {  	[sflag:s5] =	ssyncset.done $0x0  }
0x47: {  	s0 =	rddreg [dreg:$0x7];
	[sflag:s5] =	ssyncadd.s32 $0xFFFFD800  }
0x48: {  	[hbm4b:s0+s2] =	stream.linear.scatter [tilespmem:s6], [sflag:$0x3], $0x5000, $0x38;
	[tilespmem:$0xA500] =	vst v63  }
0x49: {  	_ =	swait.ge [sflag:s7], $0x5000  }
0x4a: {  	[sflag:s7] =	ssyncset.done $0x0  }
0x4b: {  	[sflag:s7] =	ssyncadd.s32 $0xFFFFB000  }
0x4c: {  	[tilespmem:s11], [sflag:$0x1] =	stream.indirect.gather [hbm4b:s3+s9], $0x80, s22, s9, $0xb8;
	[tilespmem:$0xA500] =	vst v63  }
0x4d: {  	_ = 	snop  }
0x4e: {  	[tilespmem:s14], [sflag:$0x1] =	stream.indirect.gather [hbm4b:s3+s9], $0x80, s23, s9, $0xb8;
	[tilespmem:$0xA500] =	vst v63  }
0x4f: {  	_ =	swait.ge [sflag:s5], $0x2800  }
0x50: {  	[sflag:s5] =	ssyncset.done $0x0  }
0x51: {  	[sflag:s5] =	ssyncadd.s32 $0xFFFFD800  }
0x52: {  	_ =	swait.ge [sflag:s5], $0x2800  }
0x53: {  	[sflag:s5] =	ssyncset.done $0x0  }
0x54: {  	[sflag:s5] =	ssyncadd.s32 $0xFFFFD800  }
0x55: {  	[hbm4b:s15+s2] =	stream.linear.scatter [tilespmem:s11], [sflag:$0x2], $0x5000, $0x38;
	[tilespmem:$0xA500] =	vst v63  }
0x56: {  	_ =	swait.ge [sflag:s8], $0x5000  }
0x57: {  	[sflag:s8] =	ssyncset.done $0x0  }
0x58: {  	[sflag:s8] =	ssyncadd.s32 $0xFFFFB000  }
0x59: {  	[tilespmem:s6], [sflag:$0x1] =	stream.indirect.gather [hbm4b:s3+s9], $0x80, s20, s9, $0xb8;
	[tilespmem:$0xA500] =	vst v63  }
0x5a: {  	_ = 	snop  }
0x5b: {  	[tilespmem:s12], [sflag:$0x1] =	stream.indirect.gather [hbm4b:s3+s9], $0x80, s21, s9, $0xb8;
	[tilespmem:$0xA500] =	vst v63  }
0x5c: {  	_ =	swait.ge [sflag:s5], $0x2800  }
0x5d: {  	[sflag:s5] =	ssyncset.done $0x0  }
0x5e: {  	[sflag:s5] =	ssyncadd.s32 $0xFFFFD800  }
0x5f: {  	_ =	swait.ge [sflag:s5], $0x2800  }
0x60: {  	[sflag:s5] =	ssyncset.done $0x0  }
0x61: {  	[sflag:s5] =	ssyncadd.s32 $0xFFFFD800  }
0x62: {  	[hbm4b:s13+s2] =	stream.linear.scatter [tilespmem:s6], [sflag:$0x3], $0x5000, $0x38;
	[tilespmem:$0xA500] =	vst v63  }
0x63: {  	_ =	swait.ge [sflag:s7], $0x5000  }
0x64: {  	[sflag:s7] =	ssyncset.done $0x0  }
0x65: {  	[sflag:s7] =	ssyncadd.s32 $0xFFFFB000  }
0x66: {  	[tilespmem:s11], [sflag:$0x1] =	stream.indirect.gather [hbm4b:s3+s9], $0x80, s18, s9, $0xb8;
	[tilespmem:$0xA500] =	vst v63  }
0x67: {  	_ = 	snop  }
0x68: {  	[tilespmem:s14], [sflag:$0x1] =	stream.indirect.gather [hbm4b:s3+s9], $0x80, s19, s9, $0xb8;
	[tilespmem:$0xA500] =	vst v63  }
0x69: {  	_ =	swait.ge [sflag:s5], $0x2800  }
0x6a: {  	[sflag:s5] =	ssyncset.done $0x0  }
0x6b: {  	[sflag:s5] =	ssyncadd.s32 $0xFFFFD800  }
0x6c: {  	_ =	swait.ge [sflag:s5], $0x2800  }
0x6d: {  	[sflag:s5] =	ssyncset.done $0x0  }
0x6e: {  	[sflag:s5] =	ssyncadd.s32 $0xFFFFD800  }
0x6f: {  	[hbm4b:s10+s2] =	stream.linear.scatter [tilespmem:s11], [sflag:$0x2], $0x5000, $0x38;
	[tilespmem:$0xA500] =	vst v63  }
0x70: {  	_ =	swait.ge [sflag:s8], $0x5000  }
0x71: {  	[sflag:s8] =	ssyncset.done $0x0  }
0x72: {  	[sflag:s8] =	ssyncadd.s32 $0xFFFFB000  }
0x73: {  	[tilespmem:s6], [sflag:$0x1] =	stream.indirect.gather [hbm4b:s3+s9], $0x80, s16, s9, $0xb8;
	[tilespmem:$0xA500] =	vst v63  }
0x74: {  	_ = 	snop  }
0x75: {  	[tilespmem:s12], [sflag:$0x1] =	stream.indirect.gather [hbm4b:s3+s9], $0x80, s17, s9, $0xb8;
	[tilespmem:$0xA500] =	vst v63  }
0x76: {  	_ =	swait.ge [sflag:s5], $0x2800  }
0x77: {  	[sflag:s5] =	ssyncset.done $0x0  }
0x78: {  	[sflag:s5] =	ssyncadd.s32 $0xFFFFD800  }
0x79: {  	_ =	swait.ge [sflag:s5], $0x2800  }
0x7a: {  	[sflag:s5] =	ssyncset.done $0x0  }
0x7b: {  	p1 =	sne.s32 s1, $0x1;
	[sflag:s5] =	ssyncadd.s32 $0xFFFFD800  }
0x7c: {  	[hbm4b:s4+s2] =	stream.linear.scatter [tilespmem:s6], [sflag:$0x3], $0x5000, $0x38;
	[tilespmem:$0xA500] =	vst v63  }
.Ltmp1:
0x7d: {  	_ =	swait.ge [sflag:s7], $0x5000;
	(pc) =	sbr.rel @!p1 .LBB2_3-.Ltmp1, $4  }
0x7e: {  	[sflag:s7] =	ssyncset.done $0x0  }
0x7f: {  	[sflag:s7] =	ssyncadd.s32 $0xFFFFB000  }
0x80: {  	s1 =	sadd.s32 $0xFFFFFFFF, s1;
	_ =	swait.ge [sflag:s8], $0x5000  }
0x81: {  	p0 =	por $0x1, $0x1;
	s0 =	rddreg [dreg:$0x3];
	[sflag:s8] =	ssyncset.done $0x0  }
.LBB2_2:
0x82: {  	[sflag:s8] =	ssyncadd.s32 $0xFFFFB000  }
0x83: {  	[tilespmem:s2], [sflag:$0x4] =	stream.linear.gather [hbm4b:s0+s2], $0x500, $0x38;
	[tilespmem:$0xA500] =	vst v63  }
0x84: {  	_ =	swait.ge [sflag:s31], $0x500  }
0x85: {  	[sflag:s31] =	ssyncset.done $0x0  }
0x86: {  	[sflag:s31] =	ssyncadd.s32 $0xFFFFFB00  }
0x87: {  	[tilespmem:s11], [sflag:$0x1] =	stream.indirect.gather [hbm4b:s3+s9], $0x80, s2, s9, $0xb8;
	[tilespmem:$0xA500] =	vst v63  }
0x88: {  	_ = 	snop  }
0x89: {  	[tilespmem:s14], [sflag:$0x1] =	stream.indirect.gather [hbm4b:s3+s9], $0x80, s9, s9, $0xb8;
	[tilespmem:$0xA500] =	vst v63  }
0x8a: {  	_ =	swait.ge [sflag:s5], $0x2800  }
0x8b: {  	[sflag:s5] =	ssyncset.done $0x0  }
0x8c: {  	[sflag:s5] =	ssyncadd.s32 $0xFFFFD800  }
0x8d: {  	_ =	swait.ge [sflag:s5], $0x2800  }
0x8e: {  	[sflag:s5] =	ssyncset.done $0x0  }
0x8f: {  	s0 =	rddreg [dreg:$0x4];
	[sflag:s5] =	ssyncadd.s32 $0xFFFFD800  }
0x90: {  	[hbm4b:s0+s2] =	stream.linear.scatter [tilespmem:s11], [sflag:$0x2], $0x5000, $0x38;
	[tilespmem:$0xA500] =	vst v63  }
0x91: {  	_ = 	snop  }
0x92: {  	[tilespmem:s6], [sflag:$0x1] =	stream.indirect.gather [hbm4b:s3+s9], $0x80, s29, s9, $0xb8;
	[tilespmem:$0xA500] =	vst v63  }
0x93: {  	_ = 	snop  }
0x94: {  	[tilespmem:s12], [sflag:$0x1] =	stream.indirect.gather [hbm4b:s3+s9], $0x80, s30, s9, $0xb8;
	[tilespmem:$0xA500] =	vst v63  }
0x95: {  	_ =	swait.ge [sflag:s5], $0x2800  }
0x96: {  	[sflag:s5] =	ssyncset.done $0x0  }
0x97: {  	[sflag:s5] =	ssyncadd.s32 $0xFFFFD800  }
0x98: {  	_ =	swait.ge [sflag:s5], $0x2800  }
0x99: {  	[sflag:s5] =	ssyncset.done $0x0  }
0x9a: {  	s0 =	rddreg [dreg:$0x5];
	[sflag:s5] =	ssyncadd.s32 $0xFFFFD800  }
0x9b: {  	[hbm4b:s0+s2] =	stream.linear.scatter [tilespmem:s6], [sflag:$0x3], $0x5000, $0x38;
	[tilespmem:$0xA500] =	vst v63  }
0x9c: {  	_ =	swait.ge [sflag:s7], $0x5000  }
0x9d: {  	[sflag:s7] =	ssyncset.done $0x0  }
0x9e: {  	[sflag:s7] =	ssyncadd.s32 $0xFFFFB000  }
0x9f: {  	[tilespmem:s11], [sflag:$0x1] =	stream.indirect.gather [hbm4b:s3+s9], $0x80, s26, s9, $0xb8;
	[tilespmem:$0xA500] =	vst v63  }
0xa0: {  	_ = 	snop  }
0xa1: {  	[tilespmem:s14], [sflag:$0x1] =	stream.indirect.gather [hbm4b:s3+s9], $0x80, s28, s9, $0xb8;
	[tilespmem:$0xA500] =	vst v63  }
0xa2: {  	_ =	swait.ge [sflag:s5], $0x2800  }
0xa3: {  	[sflag:s5] =	ssyncset.done $0x0  }
0xa4: {  	[sflag:s5] =	ssyncadd.s32 $0xFFFFD800  }
0xa5: {  	_ =	swait.ge [sflag:s5], $0x2800  }
0xa6: {  	[sflag:s5] =	ssyncset.done $0x0  }
0xa7: {  	s0 =	rddreg [dreg:$0x6];
	[sflag:s5] =	ssyncadd.s32 $0xFFFFD800  }
0xa8: {  	[hbm4b:s0+s2] =	stream.linear.scatter [tilespmem:s11], [sflag:$0x2], $0x5000, $0x38;
	[tilespmem:$0xA500] =	vst v63  }
0xa9: {  	_ =	swait.ge [sflag:s8], $0x5000  }
0xaa: {  	[sflag:s8] =	ssyncset.done $0x0  }
0xab: {  	[sflag:s8] =	ssyncadd.s32 $0xFFFFB000  }
0xac: {  	[tilespmem:s6], [sflag:$0x1] =	stream.indirect.gather [hbm4b:s3+s9], $0x80, s24, s9, $0xb8;
	[tilespmem:$0xA500] =	vst v63  }
0xad: {  	_ = 	snop  }
0xae: {  	[tilespmem:s12], [sflag:$0x1] =	stream.indirect.gather [hbm4b:s3+s9], $0x80, s25, s9, $0xb8;
	[tilespmem:$0xA500] =	vst v63  }
0xaf: {  	_ =	swait.ge [sflag:s5], $0x2800  }
0xb0: {  	[sflag:s5] =	ssyncset.done $0x0  }
0xb1: {  	[sflag:s5] =	ssyncadd.s32 $0xFFFFD800  }
0xb2: {  	_ =	swait.ge [sflag:s5], $0x2800  }
0xb3: {  	[sflag:s5] =	ssyncset.done $0x0  }
0xb4: {  	s0 =	rddreg [dreg:$0x7];
	[sflag:s5] =	ssyncadd.s32 $0xFFFFD800  }
0xb5: {  	[hbm4b:s0+s2] =	stream.linear.scatter [tilespmem:s6], [sflag:$0x3], $0x5000, $0x38;
	[tilespmem:$0xA500] =	vst v63  }
0xb6: {  	_ =	swait.ge [sflag:s7], $0x5000  }
0xb7: {  	[sflag:s7] =	ssyncset.done $0x0  }
0xb8: {  	[sflag:s7] =	ssyncadd.s32 $0xFFFFB000  }
0xb9: {  	[tilespmem:s11], [sflag:$0x1] =	stream.indirect.gather [hbm4b:s3+s9], $0x80, s22, s9, $0xb8;
	[tilespmem:$0xA500] =	vst v63  }
0xba: {  	_ = 	snop  }
0xbb: {  	[tilespmem:s14], [sflag:$0x1] =	stream.indirect.gather [hbm4b:s3+s9], $0x80, s23, s9, $0xb8;
	[tilespmem:$0xA500] =	vst v63  }
0xbc: {  	_ =	swait.ge [sflag:s5], $0x2800  }
0xbd: {  	[sflag:s5] =	ssyncset.done $0x0  }
0xbe: {  	[sflag:s5] =	ssyncadd.s32 $0xFFFFD800  }
0xbf: {  	_ =	swait.ge [sflag:s5], $0x2800  }
0xc0: {  	[sflag:s5] =	ssyncset.done $0x0  }
0xc1: {  	[sflag:s5] =	ssyncadd.s32 $0xFFFFD800  }
0xc2: {  	[hbm4b:s15+s2] =	stream.linear.scatter [tilespmem:s11], [sflag:$0x2], $0x5000, $0x38;
	[tilespmem:$0xA500] =	vst v63  }
0xc3: {  	_ =	swait.ge [sflag:s8], $0x5000  }
0xc4: {  	[sflag:s8] =	ssyncset.done $0x0  }
0xc5: {  	[sflag:s8] =	ssyncadd.s32 $0xFFFFB000  }
0xc6: {  	[tilespmem:s6], [sflag:$0x1] =	stream.indirect.gather [hbm4b:s3+s9], $0x80, s20, s9, $0xb8;
	[tilespmem:$0xA500] =	vst v63  }
0xc7: {  	_ = 	snop  }
0xc8: {  	[tilespmem:s12], [sflag:$0x1] =	stream.indirect.gather [hbm4b:s3+s9], $0x80, s21, s9, $0xb8;
	[tilespmem:$0xA500] =	vst v63  }
0xc9: {  	_ =	swait.ge [sflag:s5], $0x2800  }
0xca: {  	[sflag:s5] =	ssyncset.done $0x0  }
0xcb: {  	[sflag:s5] =	ssyncadd.s32 $0xFFFFD800  }
0xcc: {  	_ =	swait.ge [sflag:s5], $0x2800  }
0xcd: {  	[sflag:s5] =	ssyncset.done $0x0  }
0xce: {  	[sflag:s5] =	ssyncadd.s32 $0xFFFFD800  }
0xcf: {  	[hbm4b:s13+s2] =	stream.linear.scatter [tilespmem:s6], [sflag:$0x3], $0x5000, $0x38;
	[tilespmem:$0xA500] =	vst v63  }
0xd0: {  	_ =	swait.ge [sflag:s7], $0x5000  }
0xd1: {  	[sflag:s7] =	ssyncset.done $0x0  }
0xd2: {  	[sflag:s7] =	ssyncadd.s32 $0xFFFFB000  }
0xd3: {  	[tilespmem:s11], [sflag:$0x1] =	stream.indirect.gather [hbm4b:s3+s9], $0x80, s18, s9, $0xb8;
	[tilespmem:$0xA500] =	vst v63  }
0xd4: {  	_ = 	snop  }
0xd5: {  	[tilespmem:s14], [sflag:$0x1] =	stream.indirect.gather [hbm4b:s3+s9], $0x80, s19, s9, $0xb8;
	[tilespmem:$0xA500] =	vst v63  }
0xd6: {  	_ =	swait.ge [sflag:s5], $0x2800  }
0xd7: {  	[sflag:s5] =	ssyncset.done $0x0  }
0xd8: {  	[sflag:s5] =	ssyncadd.s32 $0xFFFFD800  }
0xd9: {  	_ =	swait.ge [sflag:s5], $0x2800  }
0xda: {  	[sflag:s5] =	ssyncset.done $0x0  }
0xdb: {  	[sflag:s5] =	ssyncadd.s32 $0xFFFFD800  }
0xdc: {  	[hbm4b:s10+s2] =	stream.linear.scatter [tilespmem:s11], [sflag:$0x2], $0x5000, $0x38;
	[tilespmem:$0xA500] =	vst v63  }
0xdd: {  	_ =	swait.ge [sflag:s8], $0x5000  }
0xde: {  	[sflag:s8] =	ssyncset.done $0x0  }
0xdf: {  	[sflag:s8] =	ssyncadd.s32 $0xFFFFB000  }
0xe0: {  	[tilespmem:s6], [sflag:$0x1] =	stream.indirect.gather [hbm4b:s3+s9], $0x80, s16, s9, $0xb8;
	[tilespmem:$0xA500] =	vst v63  }
0xe1: {  	_ = 	snop  }
0xe2: {  	[tilespmem:s12], [sflag:$0x1] =	stream.indirect.gather [hbm4b:s3+s9], $0x80, s17, s9, $0xb8;
	[tilespmem:$0xA500] =	vst v63  }
0xe3: {  	_ =	swait.ge [sflag:s5], $0x2800  }
0xe4: {  	[sflag:s5] =	ssyncset.done $0x0  }
0xe5: {  	[sflag:s5] =	ssyncadd.s32 $0xFFFFD800  }
0xe6: {  	_ =	swait.ge [sflag:s5], $0x2800  }
0xe7: {  	[sflag:s5] =	ssyncset.done $0x0  }
0xe8: {  	p1 =	sne.s32 s1, $0x1;
	[sflag:s5] =	ssyncadd.s32 $0xFFFFD800  }
0xe9: {  	[hbm4b:s4+s2] =	stream.linear.scatter [tilespmem:s6], [sflag:$0x3], $0x5000, $0x38;
	[tilespmem:$0xA500] =	vst v63  }
.Ltmp2:
0xea: {  	_ =	swait.ge [sflag:s7], $0x5000;
	(pc) =	sbr.rel @p1 .LBB2_2-.Ltmp2, $4  }
0xeb: {  	[sflag:s7] =	ssyncset.done $0x0  }
0xec: {  	[sflag:s7] =	ssyncadd.s32 $0xFFFFB000  }
0xed: {  	_ =	swait.ge [sflag:s8], $0x5000  }
0xee: {  	s1 =	sadd.s32 $0xFFFFFFFF, s1;
	s0 =	rddreg [dreg:$0x3];
	[sflag:s8] =	ssyncset.done $0x0  }
.LBB2_3:
0xef: {  	[sflag:s8] =	ssyncadd.s32 @p0 $0xFFFFB000  }
0xf0: {  	[tilespmem:s2], [sflag:$0x4] =	stream.linear.gather [hbm4b:s0+s2], $0x500, $0x38;
	[tilespmem:$0xA500] =	vst v63  }
0xf1: {  	_ =	swait.ge [sflag:s31], $0x500  }
0xf2: {  	[sflag:s31] =	ssyncset.done $0x0  }
0xf3: {  	[sflag:s31] =	ssyncadd.s32 $0xFFFFFB00  }
0xf4: {  	[tilespmem:s11], [sflag:$0x1] =	stream.indirect.gather [hbm4b:s3+s9], $0x80, s2, s9, $0xb8;
	[tilespmem:$0xA500] =	vst v63  }
0xf5: {  	_ = 	snop  }
0xf6: {  	[tilespmem:s14], [sflag:$0x1] =	stream.indirect.gather [hbm4b:s3+s9], $0x80, s9, s9, $0xb8;
	[tilespmem:$0xA500] =	vst v63  }
0xf7: {  	_ =	swait.ge [sflag:s5], $0x2800  }
0xf8: {  	[sflag:s5] =	ssyncset.done $0x0  }
0xf9: {  	[sflag:s5] =	ssyncadd.s32 $0xFFFFD800  }
0xfa: {  	_ =	swait.ge [sflag:s5], $0x2800  }
0xfb: {  	[sflag:s5] =	ssyncset.done $0x0  }
0xfc: {  	s31 =	rddreg [dreg:$0x4];
	[sflag:s5] =	ssyncadd.s32 $0xFFFFD800  }
0xfd: {  	[hbm4b:s31+s2] =	stream.linear.scatter [tilespmem:s11], [sflag:$0x2], $0x5000, $0x38;
	[tilespmem:$0xA500] =	vst v63  }
0xfe: {  	_ = 	snop  }
0xff: {  	[tilespmem:s6], [sflag:$0x1] =	stream.indirect.gather [hbm4b:s3+s9], $0x80, s29, s9, $0xb8;
	[tilespmem:$0xA500] =	vst v63  }
0x100: {  	_ = 	snop  }
0x101: {  	[tilespmem:s12], [sflag:$0x1] =	stream.indirect.gather [hbm4b:s3+s9], $0x80, s30, s9, $0xb8;
	[tilespmem:$0xA500] =	vst v63  }
0x102: {  	_ =	swait.ge [sflag:s5], $0x2800  }
0x103: {  	[sflag:s5] =	ssyncset.done $0x0  }
0x104: {  	[sflag:s5] =	ssyncadd.s32 $0xFFFFD800  }
0x105: {  	_ =	swait.ge [sflag:s5], $0x2800  }
0x106: {  	[sflag:s5] =	ssyncset.done $0x0  }
0x107: {  	s1 =	rddreg [dreg:$0x5];
	[sflag:s5] =	ssyncadd.s32 $0xFFFFD800  }
0x108: {  	[hbm4b:s1+s2] =	stream.linear.scatter [tilespmem:s6], [sflag:$0x3], $0x5000, $0x38;
	[tilespmem:$0xA500] =	vst v63  }
0x109: {  	_ =	swait.ge [sflag:s7], $0x5000  }
0x10a: {  	[sflag:s7] =	ssyncset.done $0x0  }
0x10b: {  	[sflag:s7] =	ssyncadd.s32 $0xFFFFB000  }
0x10c: {  	[tilespmem:s11], [sflag:$0x1] =	stream.indirect.gather [hbm4b:s3+s9], $0x80, s26, s9, $0xb8;
	[tilespmem:$0xA500] =	vst v63  }
0x10d: {  	_ = 	snop  }
0x10e: {  	[tilespmem:s14], [sflag:$0x1] =	stream.indirect.gather [hbm4b:s3+s9], $0x80, s28, s9, $0xb8;
	[tilespmem:$0xA500] =	vst v63  }
0x10f: {  	_ =	swait.ge [sflag:s5], $0x2800  }
0x110: {  	[sflag:s5] =	ssyncset.done $0x0  }
0x111: {  	[sflag:s5] =	ssyncadd.s32 $0xFFFFD800  }
0x112: {  	_ =	swait.ge [sflag:s5], $0x2800  }
0x113: {  	[sflag:s5] =	ssyncset.done $0x0  }
0x114: {  	s29 =	rddreg [dreg:$0x6];
	[sflag:s5] =	ssyncadd.s32 $0xFFFFD800  }
0x115: {  	[hbm4b:s29+s2] =	stream.linear.scatter [tilespmem:s11], [sflag:$0x2], $0x5000, $0x38;
	[tilespmem:$0xA500] =	vst v63  }
0x116: {  	_ =	swait.ge [sflag:s8], $0x5000  }
0x117: {  	[sflag:s8] =	ssyncset.done $0x0  }
0x118: {  	[sflag:s8] =	ssyncadd.s32 $0xFFFFB000  }
0x119: {  	[tilespmem:s6], [sflag:$0x1] =	stream.indirect.gather [hbm4b:s3+s9], $0x80, s24, s9, $0xb8;
	[tilespmem:$0xA500] =	vst v63  }
0x11a: {  	_ = 	snop  }
0x11b: {  	[tilespmem:s12], [sflag:$0x1] =	stream.indirect.gather [hbm4b:s3+s9], $0x80, s25, s9, $0xb8;
	[tilespmem:$0xA500] =	vst v63  }
0x11c: {  	_ =	swait.ge [sflag:s5], $0x2800  }
0x11d: {  	[sflag:s5] =	ssyncset.done $0x0  }
0x11e: {  	[sflag:s5] =	ssyncadd.s32 $0xFFFFD800  }
0x11f: {  	_ =	swait.ge [sflag:s5], $0x2800  }
0x120: {  	[sflag:s5] =	ssyncset.done $0x0  }
0x121: {  	s30 =	rddreg [dreg:$0x7];
	[sflag:s5] =	ssyncadd.s32 $0xFFFFD800  }
0x122: {  	[hbm4b:s30+s2] =	stream.linear.scatter [tilespmem:s6], [sflag:$0x3], $0x5000, $0x38;
	[tilespmem:$0xA500] =	vst v63  }
0x123: {  	_ =	swait.ge [sflag:s7], $0x5000  }
0x124: {  	[sflag:s7] =	ssyncset.done $0x0  }
0x125: {  	[sflag:s7] =	ssyncadd.s32 $0xFFFFB000  }
0x126: {  	[tilespmem:s11], [sflag:$0x1] =	stream.indirect.gather [hbm4b:s3+s9], $0x80, s22, s9, $0xb8;
	[tilespmem:$0xA500] =	vst v63  }
0x127: {  	_ = 	snop  }
0x128: {  	[tilespmem:s14], [sflag:$0x1] =	stream.indirect.gather [hbm4b:s3+s9], $0x80, s23, s9, $0xb8;
	[tilespmem:$0xA500] =	vst v63  }
0x129: {  	_ =	swait.ge [sflag:s5], $0x2800  }
0x12a: {  	[sflag:s5] =	ssyncset.done $0x0  }
0x12b: {  	[sflag:s5] =	ssyncadd.s32 $0xFFFFD800  }
0x12c: {  	_ =	swait.ge [sflag:s5], $0x2800  }
0x12d: {  	[sflag:s5] =	ssyncset.done $0x0  }
0x12e: {  	[sflag:s5] =	ssyncadd.s32 $0xFFFFD800  }
0x12f: {  	[hbm4b:s15+s2] =	stream.linear.scatter [tilespmem:s11], [sflag:$0x2], $0x5000, $0x38;
	[tilespmem:$0xA500] =	vst v63  }
0x130: {  	_ =	swait.ge [sflag:s8], $0x5000  }
0x131: {  	[sflag:s8] =	ssyncset.done $0x0  }
0x132: {  	[sflag:s8] =	ssyncadd.s32 $0xFFFFB000  }
0x133: {  	[tilespmem:s6], [sflag:$0x1] =	stream.indirect.gather [hbm4b:s3+s9], $0x80, s20, s9, $0xb8;
	[tilespmem:$0xA500] =	vst v63  }
0x134: {  	_ = 	snop  }
0x135: {  	[tilespmem:s12], [sflag:$0x1] =	stream.indirect.gather [hbm4b:s3+s9], $0x80, s21, s9, $0xb8;
	[tilespmem:$0xA500] =	vst v63  }
0x136: {  	_ =	swait.ge [sflag:s5], $0x2800  }
0x137: {  	[sflag:s5] =	ssyncset.done $0x0  }
0x138: {  	[sflag:s5] =	ssyncadd.s32 $0xFFFFD800  }
0x139: {  	_ =	swait.ge [sflag:s5], $0x2800  }
0x13a: {  	[sflag:s5] =	ssyncset.done $0x0  }
0x13b: {  	[sflag:s5] =	ssyncadd.s32 $0xFFFFD800  }
0x13c: {  	[hbm4b:s13+s2] =	stream.linear.scatter [tilespmem:s6], [sflag:$0x3], $0x5000, $0x38;
	[tilespmem:$0xA500] =	vst v63  }
0x13d: {  	_ =	swait.ge [sflag:s7], $0x5000  }
0x13e: {  	[sflag:s7] =	ssyncset.done $0x0  }
0x13f: {  	[sflag:s7] =	ssyncadd.s32 $0xFFFFB000  }
0x140: {  	[tilespmem:s11], [sflag:$0x1] =	stream.indirect.gather [hbm4b:s3+s9], $0x80, s18, s9, $0xb8;
	[tilespmem:$0xA500] =	vst v63  }
0x141: {  	_ = 	snop  }
0x142: {  	[tilespmem:s14], [sflag:$0x1] =	stream.indirect.gather [hbm4b:s3+s9], $0x80, s19, s9, $0xb8;
	[tilespmem:$0xA500] =	vst v63  }
0x143: {  	_ =	swait.ge [sflag:s5], $0x2800  }
0x144: {  	[sflag:s5] =	ssyncset.done $0x0  }
0x145: {  	[sflag:s5] =	ssyncadd.s32 $0xFFFFD800  }
0x146: {  	_ =	swait.ge [sflag:s5], $0x2800  }
0x147: {  	[sflag:s5] =	ssyncset.done $0x0  }
0x148: {  	[sflag:s5] =	ssyncadd.s32 $0xFFFFD800  }
0x149: {  	[hbm4b:s10+s2] =	stream.linear.scatter [tilespmem:s11], [sflag:$0x2], $0x5000, $0x38;
	[tilespmem:$0xA500] =	vst v63  }
0x14a: {  	_ =	swait.ge [sflag:s8], $0x5000  }
0x14b: {  	[sflag:s8] =	ssyncset.done $0x0  }
0x14c: {  	[sflag:s8] =	ssyncadd.s32 $0xFFFFB000  }
0x14d: {  	[tilespmem:s6], [sflag:$0x1] =	stream.indirect.gather [hbm4b:s3+s9], $0x80, s16, s9, $0xb8;
	[tilespmem:$0xA500] =	vst v63  }
0x14e: {  	_ = 	snop  }
0x14f: {  	[tilespmem:s12], [sflag:$0x1] =	stream.indirect.gather [hbm4b:s3+s9], $0x80, s17, s9, $0xb8;
	[tilespmem:$0xA500] =	vst v63  }
0x150: {  	_ =	swait.ge [sflag:s5], $0x2800  }
0x151: {  	[sflag:s5] =	ssyncset.done $0x0  }
0x152: {  	[sflag:s5] =	ssyncadd.s32 $0xFFFFD800  }
0x153: {  	_ =	swait.ge [sflag:s5], $0x2800  }
0x154: {  	[sflag:s5] =	ssyncset.done $0x0  }
0x155: {  	[sflag:s5] =	ssyncadd.s32 $0xFFFFD800  }
0x156: {  	[hbm4b:s4+s2] =	stream.linear.scatter [tilespmem:s6], [sflag:$0x3], $0x5000, $0x38;
	[tilespmem:$0xA500] =	vst v63  }
0x157: {  	_ =	swait.ge [sflag:s7], $0x5000  }
0x158: {  	[sflag:s7] =	ssyncset.done $0x0  }
0x159: {  	[sflag:s7] =	ssyncadd.s32 $0xFFFFB000  }
0x15a: {  	_ =	swait.ge [sflag:s8], $0x5000  }
0x15b: {  	[sflag:s8] =	ssyncset.done $0x0  }
0x15c: {  	[sflag:s8] =	ssyncadd.s32 $0xFFFFB000  }
0x15d: {  	_ =	sfence.sel $0x180000  }
0x15e: {  	[bflag:$0x0] =	sbarrier.arrive $0xFFFF  }
0x15f: {  	_ =	strace $0x90000050  }
0x160: {  	s31 =	stileid.u32;
	[bflag:$0x2] =	sbarrier.arrive $0xFFFF  }
0x161: {  	p0 =	sne.s32 s31, $0x0;
	s0 =	rddreg [dreg:$0x2]  }
0x162: {  	s0 =	sadd.s32 @!p0 $0x100000, s0  }
0x163: {  	[sflag:s0] =	ssyncadd.tile.s32 @!p0 $0x1;
	_ =	shalt  }
.Lfunc_end2:
_tile_overlayer_lowered:
.L_overlay_start_2:
0x164: {  	(tag) =	ssettag $0x2  }
0x165: {  	s0 =	rddreg [dreg:$0x0];
	s2 =	stileid.u32  }
0x166: {  	s1 =	rddreg [dreg:$0x1];
	p0 =	sne.s32 s2, $0x0  }
0x167: {  	s3 =	rddreg [dreg:$0x2];
	[bflag:$0x3] =	sbarrier.arrive $0xFFFF;
	s2 =	simm.s32 @!p0 $0x1C04  }
0x168: {  	[timem:s3], [sflag:s2] =	dma.local @!p0 [hbm:s0], s1  }
0x169: {  	s0 =	simm.s32 @!p0 $0x4  }
0x16a: {  	_ =	swait.ge @!p0 [sflag:s0], s1  }
0x16b: {  	s1 =	ssub.s32 @!p0 $0x0, s1;
	[sflag:s0] =	ssyncset.done @!p0 $0x0  }
0x16c: {  	[sflag:s0] =	ssyncadd.s32 @!p0 s1  }
0x16d: {  	[bflag:$0x3] =	sbarrier.arrive $0xFFFF  }
0x16e: {  	_ =	shalt  }

// kernel: kernel.24.cloned.1.call-start
scs
__scs_entry_jumppad:
0x0: {  	(pc) =	sbr.rel $0x88, $3  }
0x1: {  	(tag) =	ssettag $0x0;
	lr =	simm.s32 $0x1  }
0x2: {  	[smem:$0x3F9C] =	sst lr;
	_ =	strace $0xD0000000  }
0x3: {  	_ = 	snop  }
0x4: {  	_ = 	snop  }
0x5: {  	_ = 	snop  }
0x6: {  	_ = 	snop  }
0x7: {  	_ = 	snop  }
__scs_overlays_trampoline_lowered:
0x8: {  	[smem:$0x3FAB] =	sst s0  }
0x9: {  	[smem:$0x3FAC] =	sst s1  }
0xa: {  	[smem:$0x3FAD] =	sst s2  }
0xb: {  	[smem:$0x3FAE] =	sst s3  }
0xc: {  	[smem:$0x3FAF] =	sst s4  }
0xd: {  	[smem:$0x3FB0] =	sst s5  }
0xe: {  	[smem:$0x3FB1] =	sst s6  }
0xf: {  	[smem:$0x3FB2] =	sst s7  }
0x10: {  	[smem:$0x3FB3] =	sst s8  }
0x11: {  	[smem:$0x3FB4] =	sst s9;
	s0 =	simm.s32 @!p0 $0x0  }
0x12: {  	s1 =	sld [smem:$0x3F9A];
	s0 =	simm.s32 @p0 $0x1  }
0x13: {  	[smem:$0x3FB5] =	sst s0;
	s0 =	simm.s32 @!p1 $0x0  }
0x14: {  	s2 =	sld [smem:$0x3F99];
	s0 =	simm.s32 @p1 $0x1  }
0x15: {  	[smem:$0x3FB6] =	sst s0;
	s0 =	simm.s32 @!p2 $0x0  }
0x16: {  	s3 =	sld [smem:$0x3FDB];
	s0 =	simm.s32 @p2 $0x1  }
0x17: {  	s4 =	simm.s32 $0x1BF5;
	[smem:$0x3FB8] =	sst s0  }
0x18: {  	s0 =	sld [smem:$0x3F9B];
	_ =	swait.ge [sflag:s4], $0x0  }
0x19: {  	s7 =	sld [smem:$0x3F9C]  }
0x1a: {  	s8 =	sadd.s32 $0xFFFFE003, lr  }
0x1b: {  	s9 =	sadd.s32 $0xFFFFFEF7, lr;
	s5 =	simm.s32 $0xFFFFFFFF;
	p2 =	slt.u32 s8, $0xFFFFF086  }
0x1c: {  	p1 =	slt.u32 s9, $0xF7A;
	s5 =	simm.s32 @!p2 $0x0  }
0x1d: {  	s5 =	simm.s32 @p1 $0x1;
	p0 =	seq.s32 s7, s2  }
0x1e: {  	s7 =	smul.u32 @!p0 $0xF7A, s2;
	p2 =	seq.s32 @!p0 s5, $0x0  }
0x1f: {  	s9 =	smul.u32 $0xF7A, s1;
	s8 =	simm.s32 @!p0 $0x1BF5;
	p2 =	por !p2, p0  }
0x20: {  	[sflag:s8] =	ssyncset.s32 @!p0 $0xFFFFF086;
	s6 =	sadd.s32 @!p0 s3, s7;
	s7 =	simm.s32 @!p0 $0x108  }
0x21: {  	s3 =	sadd.s32 s3, s9;
	s6 =	sadd.s32 @!p0 $0x88, s6;
	s7 =	simm.s32 @p2 $0x1082  }
0x22: {  	[simem:s7], [sflag:s8] =	dma.local @!p0 [hbm:s6], $0xF7A  }
0x23: {  	s9 =	sor.u32 $0xD0000000, s2;
	s6 =	simm.s32 $0x108;
	_ =	swait.ge @!p0 [sflag:s8], $0x0  }
0x24: {  	s3 =	sadd.s32 $0x88, s3;
	s6 =	simm.s32 @!p1 $0x1082;
	[sflag:s4] =	ssyncset.s32 $0xFFFFF086  }
0x25: {  	[simem:s6], [sflag:s4] =	dma.local [hbm:s3], $0xF7A  }
0x26: {  	[smem:$0x3F9C] =	sst s1;
	(tag) =	ssettag s2;
	_ =	strace s9  }
0x27: {  	s1 =	sld [smem:$0x3FAC]  }
0x28: {  	s2 =	sld [smem:$0x3FAD]  }
0x29: {  	s4 =	sld [smem:$0x3FAF]  }
0x2a: {  	p0 =	seq.s32 s5, $0x0;
	s5 =	sld [smem:$0x3FB0]  }
0x2b: {  	s6 =	sld [smem:$0x3FB1]  }
0x2c: {  	s7 =	sld [smem:$0x3FB2]  }
0x2d: {  	s3 =	simm.s32 $0x108;
	s8 =	sld [smem:$0x3FB3]  }
0x2e: {  	s3 =	simm.s32 @!p0 $0x1082;
	s9 =	sld [smem:$0x3FB4]  }
0x2f: {  	lr =	sadd.s32 s0, s3;
	s0 =	sld [smem:$0x3FAB]  }
0x30: {  	s3 =	sld [smem:$0x3FAE]  }
0x31: {  	[smem:$0x3FB7] =	sst s10  }
0x32: {  	s10 =	sld [smem:$0x3FB5];
	_ =	sdelay $0x3  }
0x33: {  	p0 =	seq.s32 s10, $0x1;
	s10 =	sld [smem:$0x3FB7];
	_ =	sdelay $0x3  }
0x34: {  	[smem:$0x3FB7] =	sst s10  }
0x35: {  	s10 =	sld [smem:$0x3FB6];
	_ =	sdelay $0x3  }
0x36: {  	p1 =	seq.s32 s10, $0x1;
	s10 =	sld [smem:$0x3FB7];
	_ =	sdelay $0x3  }
0x37: {  	[smem:$0x3FB7] =	sst s10  }
0x38: {  	s10 =	sld [smem:$0x3FB8]  }
0x39: {  	_ = 	snop;
	(pc) =	sbr.ind lr, $3  }
0x3a: {  	_ = 	snop  }
0x3b: {  	_ = 	snop  }
0x3c: {  	p2 =	seq.s32 s10, $0x1;
	s10 =	sld [smem:$0x3FB7]  }
0x3d: {  	_ =	shalt  }
0x3e: {  	_ =	shalt  }
0x3f: {  	_ =	shalt  }
0x40: {  	_ =	shalt  }
0x41: {  	_ =	shalt  }
0x42: {  	_ =	shalt  }
0x43: {  	_ =	shalt  }
0x44: {  	_ =	shalt  }
0x45: {  	_ =	shalt  }
0x46: {  	_ =	shalt  }
0x47: {  	_ =	shalt  }
0x48: {  	_ =	shalt  }
0x49: {  	_ =	shalt  }
0x4a: {  	_ =	shalt  }
0x4b: {  	_ =	shalt  }
0x4c: {  	_ =	shalt  }
0x4d: {  	_ =	shalt  }
0x4e: {  	_ =	shalt  }
0x4f: {  	_ =	shalt  }
0x50: {  	_ =	shalt  }
0x51: {  	_ =	shalt  }
0x52: {  	_ =	shalt  }
0x53: {  	_ =	shalt  }
0x54: {  	_ =	shalt  }
0x55: {  	_ =	shalt  }
0x56: {  	_ =	shalt  }
0x57: {  	_ =	shalt  }
0x58: {  	_ =	shalt  }
0x59: {  	_ =	shalt  }
0x5a: {  	_ =	shalt  }
0x5b: {  	_ =	shalt  }
0x5c: {  	_ =	shalt  }
0x5d: {  	_ =	shalt  }
0x5e: {  	_ =	shalt  }
0x5f: {  	_ =	shalt  }
0x60: {  	_ =	shalt  }
0x61: {  	_ =	shalt  }
0x62: {  	_ =	shalt  }
0x63: {  	_ =	shalt  }
0x64: {  	_ =	shalt  }
0x65: {  	_ =	shalt  }
0x66: {  	_ =	shalt  }
0x67: {  	_ =	shalt  }
0x68: {  	_ =	shalt  }
0x69: {  	_ =	shalt  }
0x6a: {  	_ =	shalt  }
0x6b: {  	_ =	shalt  }
0x6c: {  	_ =	shalt  }
0x6d: {  	_ =	shalt  }
0x6e: {  	_ =	shalt  }
0x6f: {  	_ =	shalt  }
0x70: {  	_ =	shalt  }
0x71: {  	_ =	shalt  }
0x72: {  	_ =	shalt  }
0x73: {  	_ =	shalt  }
0x74: {  	_ =	shalt  }
0x75: {  	_ =	shalt  }
0x76: {  	_ =	shalt  }
0x77: {  	_ =	shalt  }
0x78: {  	_ =	shalt  }
0x79: {  	_ =	shalt  }
0x7a: {  	_ =	shalt  }
0x7b: {  	_ =	shalt  }
0x7c: {  	_ =	shalt  }
0x7d: {  	_ =	shalt  }
0x7e: {  	_ =	shalt  }
0x7f: {  	_ =	shalt  }
0x80: {  	_ =	shalt  }
0x81: {  	_ =	shalt  }
0x82: {  	_ =	shalt  }
0x83: {  	_ =	shalt  }
0x84: {  	_ =	shalt  }
0x85: {  	_ =	shalt  }
0x86: {  	_ =	shalt  }
0x87: {  	_ =	shalt  }
.Lfunc_end0:
.L_simem_size_0:
called_computation.4_lowered:
.L_overlay_start_0:
0x88: {  	s2 =	sld [smem:$0x3FD9]  }
0x89: {  	s3 =	sld [smem:$0x3FFE];
	_ =	sdelay $0x1  }
0x8a: {  	s1 =	srdreg.scid  }
0x8b: {  	s0 =	sand.u32 $0x1, s1  }
0x8c: {  	s17 =	sshll.u32 s0, $0xA;
	s2 =	sadd.s32 s3, s2  }
0x8d: {  	s2 =	sadd.s32 s2, s17  }
0x8e: {  	[smem:$0x3FC3] =	sst s2  }
0x8f: {  	_ = 	snop  }
0x90: {  	s18 =	sld [smem:$0x3FC7];
	(tm) =	ssettm $0x1  }
0x91: {  	s19 =	sld [smem:$0x3FFB];
	_ =	sdelay $0x3  }
0x92: {  	_ =	strace s19  }
0x93: {  	s2 =	sld [smem:$0x3FFC];
	_ =	sdelay $0x3  }
0x94: {  	_ =	strace s2  }
0x95: {  	s2 =	sld [smem:$0x3FFD];
	_ =	sdelay $0x3  }
0x96: {  	_ =	strace s2  }
0x97: {  	_ =	strace $0x8FFFFFFF  }
0x98: {  	s20 =	sld [smem:$0x3FDB];
	_ =	sdelay $0x1  }
0x99: {  	s4 =	simm.s32 $_scs_section_size  }
0x9a: {  	s5 =	simm.s32 $_size__tile_overlayer_lowered;
	s6 =	simm.s32 $_tile_overlayer_lowered  }
0x9b: {  	s7 =	simm.s32 $0x1BFF;
	s21 =	sshll.u32 s6, $0x1;
	s4 =	sadd.s32 s4, s20  }
0x9c: {  	s22 =	simm.s32 $0x0;
	s5 =	sshll.u32 s5, $0x1;
	s6 =	sadd.s32 s21, s4  }
0x9d: {  	[timem:s22], [sflag:s7] =	dma.local [hbm:s6], s5  }
0x9e: {  	_ =	swait.ge [sflag:s7], s5  }
0x9f: {  	s5 =	ssub.s32 $0x0, s5;
	[sflag:s7] =	ssyncset.done $0x0  }
0xa0: {  	[sflag:s7] =	ssyncadd.s32 s5;
	_ =	sdelay $0x1  }
0xa1: {  	s23 =	simm.s32 $0x1B8B  }
0xa2: {  	_ =	swait.ge [sflag:s23], $0x1  }
0xa3: {  	[sflag:s23] =	ssyncset.done $0x0  }
0xa4: {  	[sflag:s23] =	ssyncadd.s32 $0xFFFFFFFF  }
0xa5: {  	s5 =	sld [smem:$0x0]  }
0xa6: {  	s6 =	sand.u32 $0xFFFFFFFE, s1  }
0xa7: {  	p0 =	sne.s32 s1, s6  }
0xa8: {  	s6 =	sshll.u32 @p0 s6, $0xE  }
0xa9: {  	s6 =	sadd.s32 @p0 $0x11B8D, s6;
	s7 =	sshll.u32 @p0 s5, $0x11  }
0xaa: {  	s6 =	sor.u32 @p0 s7, s6  }
0xab: {  	[sflag:s6] =	ssyncadd.remote.s32 @p0 $0x1;
	_ =	sdelay $0x1  }
0xac: {  	s6 =	simm.s32 @p0 $0x1B8D  }
0xad: {  	_ =	swait.eq @p0 [sflag:s6], $0x1  }
0xae: {  	[sflag:s6] =	ssyncadd.s32 @p0 $0xFFFFFFFF  }
0xaf: {  	s7 =	sshll.u32 @!p0 s1, $0xE  }
0xb0: {  	s7 =	sor.u32 @!p0 $0x4000, s7;
	s6 =	simm.s32 @!p0 $0x1B8D  }
0xb1: {  	s5 =	sshll.u32 @!p0 s5, $0x11;
	s7 =	sadd.s32 @!p0 $0x11B8D, s7;
	_ =	swait.eq @!p0 [sflag:s6], $0x1  }
0xb2: {  	s5 =	sor.u32 @!p0 s5, s7;
	[sflag:s6] =	ssyncadd.s32 @!p0 $0xFFFFFFFF  }
0xb3: {  	s25 =	simm.s32 $0x1B8E;
	s24 =	sld [smem:$0x3FFE];
	[sflag:s5] =	ssyncadd.remote.s32 @!p0 $0x1  }
0xb4: {  	s26 =	simm.s32 $execute0_lowered;
	[smem:$0x3FD2] =	sst s25  }
0xb5: {  	s6 =	sshll.u32 s26, $0x1;
	_ =	strace $0x80000052;
	[dreg:$0x1] =	wrdreg $0xFFFFFFFF  }
0xb6: {  	s28 =	simm.s32 $_size_execute0_lowered;
	s4 =	sadd.s32 s4, s6;
	[dreg:$0x0] =	wrdreg $0x0  }
0xb7: {  	s6 =	sshll.u32 s28, $0x1;
	[dreg:$0x2] =	wrdreg s4  }
0xb8: {  	[dreg:$0x3] =	wrdreg s6  }
0xb9: {  	[dreg:$0x4] =	wrdreg $0xC0  }
0xba: {  	_ =	task [dreg:s22], $0x5FFFF  }
0xbb: {  	[dreg:$0x1] =	wrdreg $0xFFFFFFFF  }
0xbc: {  	[dreg:$0x0] =	wrdreg $0x60  }
0xbd: {  	[dreg:$0x2] =	wrdreg s24  }
0xbe: {  	[dreg:$0x3] =	wrdreg s18  }
0xbf: {  	[dreg:$0x4] =	wrdreg $0xD  }
0xc0: {  	_ =	task.clear_ibuf [dreg:s22], $0x5FFFF;
	_ =	strace $0x90000052  }
0xc1: {  	s29 =	simm.s32 $0xD;
	_ =	strace $0x80000054  }
0xc2: {  	_ =	swait.ge [sflag:s29], $0x1  }
0xc3: {  	[sflag:s29] =	ssyncadd.s32 $0xFFFFFFFF  }
0xc4: {  	_ =	strace $0x90000054  }
0xc5: {  	_ =	sfence  }
0xc6: {  	s30 =	sld [smem:$0x0];
	_ =	sdelay $0x2  }
0xc7: {  	s31 =	sshll.u32 s1, $0xD;
	s1 =	sshrl.u32 s1, $0x2  }
0xc8: {  	s4 =	sand.u32 $0x4000, s31;
	s1 =	sadd.s32 s1, s30  }
0xc9: {  	s0 =	sor.u32 s4, s0;
	s1 =	sshll.u32 s1, $0x11  }
0xca: {  	s0 =	sor.u32 s1, s0  }
0xcb: {  	s0 =	sadd.s32 $0x8F2B, s0  }
0xcc: {  	[sflag:s0] =	ssyncadd.remote.s32 $0x1  }
0xcd: {  	_ =	sfence.sel $0xFFFF  }
0xce: {  	[dreg:$0x0] =	wrdreg $0xFFFFFFFF;
	(pc) =	sbr.abs _section_cstart, $3  }
0xcf: {  	[dreg:$0x1] =	wrdreg $0xFFFFFFFF  }
0xd0: {  	_ =	task.clear_ibuf [dreg:s22], $0x2FFFF;
	_ =	strace $0x9FFFFFFF  }
0xd1: {  	(tm) =	ssettm $0x7FFFFFFF  }
tec
execute0_lowered:
.L_overlay_start_1:
0x0: {  	(tag) =	ssettag $0x1  }
0x1: {  	s0 =	srdreg.scid;
	s4 =	rddreg [dreg:$0x0]  }
0x2: {  	s1 =	stileid.u32;
	s3 =	rddreg [dreg:$0x1]  }
0x3: {  	s2 =	simm.s32 $0x0;
	s31 =	simm.s32 $0x4;
	s9 =	simm.s32 $0x50  }
0x4: {  	s11 =	simm.s32 $0x500;
	s14 =	simm.s32 $0x2D00;
	s29 =	simm.s32 $0xA0  }
0x5: {  	s6 =	simm.s32 $0x5500;
	s30 =	simm.s32 $0xF0;
	s12 =	simm.s32 $0x7D00  }
0x6: {  	s7 =	simm.s32 $0x2;
	s28 =	simm.s32 $0x190;
	s8 =	simm.s32 $0x3  }
0x7: {  	p0 =	por $0x0, $0x0;
	s0 =	sand.u32 $0x1, s0;
	s1 =	sshll.u32 s1, $0x1  }
0x8: {  	s20 =	simm.s32 $0x320;
	s21 =	simm.s32 $0x370;
	s1 =	sor.u32 s0, s1  }
0x9: {  	s18 =	simm.s32 $0x3C0;
	s19 =	simm.s32 $0x410;
	s5 =	smul.u32 $0x500, s1  }
0xa: {  	s16 =	simm.s32 $0x460;
	s0 =	ssub.s32 $0x2, s0;
	s1 =	smul.u32 $0x5000, s1  }
0xb: {  	s17 =	simm.s32 $0x4B0;
	[smem:$0x7FF] =	sst s2;
	s22 =	sshrl.u32 s0, $0x1  }
0xc: {  	_ =	strace $0x80000053;
	s0 =	ssub.s32 s0, s22;
	s1 =	sadd.s32 s1, s4  }
0xd: {  	s22 =	simm.s32 $0x280;
	s5 =	sshrl.u32 s5, $0x3;
	s23 =	sadd.s32 $0x1E8C00, s1  }
0xe: {  	s0 =	smax.u32 s0, $0x1;
	s24 =	sadd.s32 $0x1E9600, s1;
	s25 =	sadd.s32 $0x1EA000, s1  }
0xf: {  	s5 =	sadd.s32 s4, s5;
	s26 =	sadd.s32 $0x1EAA00, s1;
	s15 =	sadd.s32 $0x1EB400, s1  }
0x10: {  	s13 =	sadd.s32 $0x1EBE00, s1;
	p1 =	sne.s32 s0, $0x1;
	[dreg:$0x4] =	wrdreg s23  }
.Ltmp0:
0x11: {  	s10 =	sadd.s32 $0x1EC800, s1;
	[dreg:$0x5] =	wrdreg s24;
	(pc) =	sbr.rel @!p1 .LBB2_3-.Ltmp0, $4  }
0x12: {  	s4 =	sadd.s32 $0x1ED200, s1;
	s1 =	sadd.s32 $0xFFFFFFFF, s0;
	[dreg:$0x6] =	wrdreg s25  }
0x13: {  	s5 =	sadd.s32 $0x7800, s5;
	[dreg:$0x7] =	wrdreg s26;
	s26 =	simm.s32 $0x140  }
0x14: {  	s24 =	simm.s32 $0x1E0;
	s25 =	simm.s32 $0x230;
	[dreg:$0x3] =	wrdreg s5  }
0x15: {  	s23 =	simm.s32 $0x2D0;
	s5 =	simm.s32 $0x1;
	s0 =	rddreg [dreg:$0x3]  }
0x16: {  	[tilespmem:s2], [sflag:$0x4] =	stream.linear.gather [hbm4b:s0+s2], $0x500, $0x38;
	[tilespmem:$0xA500] =	vst v63  }
0x17: {  	_ =	swait.ge [sflag:s31], $0x500  }
0x18: {  	[sflag:s31] =	ssyncset.done $0x0  }
0x19: {  	[sflag:s31] =	ssyncadd.s32 $0xFFFFFB00  }
0x1a: {  	[tilespmem:s11], [sflag:$0x1] =	stream.indirect.gather [hbm4b:s3+s9], $0x80, s2, s9, $0xb8;
	[tilespmem:$0xA500] =	vst v63  }
0x1b: {  	_ = 	snop  }
0x1c: {  	[tilespmem:s14], [sflag:$0x1] =	stream.indirect.gather [hbm4b:s3+s9], $0x80, s9, s9, $0xb8;
	[tilespmem:$0xA500] =	vst v63  }
0x1d: {  	_ =	swait.ge [sflag:s5], $0x2800  }
0x1e: {  	[sflag:s5] =	ssyncset.done $0x0  }
0x1f: {  	[sflag:s5] =	ssyncadd.s32 $0xFFFFD800  }
0x20: {  	_ =	swait.ge [sflag:s5], $0x2800  }
0x21: {  	[sflag:s5] =	ssyncset.done $0x0  }
0x22: {  	s0 =	rddreg [dreg:$0x4];
	[sflag:s5] =	ssyncadd.s32 $0xFFFFD800  }
0x23: {  	[hbm4b:s0+s2] =	stream.linear.scatter [tilespmem:s11], [sflag:$0x2], $0x5000, $0x38;
	[tilespmem:$0xA500] =	vst v63  }
0x24: {  	_ = 	snop  }
0x25: {  	[tilespmem:s6], [sflag:$0x1] =	stream.indirect.gather [hbm4b:s3+s9], $0x80, s29, s9, $0xb8;
	[tilespmem:$0xA500] =	vst v63  }
0x26: {  	_ = 	snop  }
0x27: {  	[tilespmem:s12], [sflag:$0x1] =	stream.indirect.gather [hbm4b:s3+s9], $0x80, s30, s9, $0xb8;
	[tilespmem:$0xA500] =	vst v63  }
0x28: {  	_ =	swait.ge [sflag:s5], $0x2800  }
0x29: {  	[sflag:s5] =	ssyncset.done $0x0  }
0x2a: {  	[sflag:s5] =	ssyncadd.s32 $0xFFFFD800  }
0x2b: {  	_ =	swait.ge [sflag:s5], $0x2800  }
0x2c: {  	[sflag:s5] =	ssyncset.done $0x0  }
0x2d: {  	s0 =	rddreg [dreg:$0x5];
	[sflag:s5] =	ssyncadd.s32 $0xFFFFD800  }
0x2e: {  	[hbm4b:s0+s2] =	stream.linear.scatter [tilespmem:s6], [sflag:$0x3], $0x5000, $0x38;
	[tilespmem:$0xA500] =	vst v63  }
0x2f: {  	_ =	swait.ge [sflag:s7], $0x5000  }
0x30: {  	[sflag:s7] =	ssyncset.done $0x0  }
0x31: {  	[sflag:s7] =	ssyncadd.s32 $0xFFFFB000  }
0x32: {  	[tilespmem:s11], [sflag:$0x1] =	stream.indirect.gather [hbm4b:s3+s9], $0x80, s26, s9, $0xb8;
	[tilespmem:$0xA500] =	vst v63  }
0x33: {  	_ = 	snop  }
0x34: {  	[tilespmem:s14], [sflag:$0x1] =	stream.indirect.gather [hbm4b:s3+s9], $0x80, s28, s9, $0xb8;
	[tilespmem:$0xA500] =	vst v63  }
0x35: {  	_ =	swait.ge [sflag:s5], $0x2800  }
0x36: {  	[sflag:s5] =	ssyncset.done $0x0  }
0x37: {  	[sflag:s5] =	ssyncadd.s32 $0xFFFFD800  }
0x38: {  	_ =	swait.ge [sflag:s5], $0x2800  }
0x39: {  	[sflag:s5] =	ssyncset.done $0x0  }
0x3a: {  	s0 =	rddreg [dreg:$0x6];
	[sflag:s5] =	ssyncadd.s32 $0xFFFFD800  }
0x3b: {  	[hbm4b:s0+s2] =	stream.linear.scatter [tilespmem:s11], [sflag:$0x2], $0x5000, $0x38;
	[tilespmem:$0xA500] =	vst v63  }
0x3c: {  	_ =	swait.ge [sflag:s8], $0x5000  }
0x3d: {  	[sflag:s8] =	ssyncset.done $0x0  }
0x3e: {  	[sflag:s8] =	ssyncadd.s32 $0xFFFFB000  }
0x3f: {  	[tilespmem:s6], [sflag:$0x1] =	stream.indirect.gather [hbm4b:s3+s9], $0x80, s24, s9, $0xb8;
	[tilespmem:$0xA500] =	vst v63  }
0x40: {  	_ = 	snop  }
0x41: {  	[tilespmem:s12], [sflag:$0x1] =	stream.indirect.gather [hbm4b:s3+s9], $0x80, s25, s9, $0xb8;
	[tilespmem:$0xA500] =	vst v63  }
0x42: {  	_ =	swait.ge [sflag:s5], $0x2800  }
0x43: {  	[sflag:s5] =	ssyncset.done $0x0  }
0x44: {  	[sflag:s5] =	ssyncadd.s32 $0xFFFFD800  }
0x45: {  	_ =	swait.ge [sflag:s5], $0x2800  }
0x46: {  	[sflag:s5] =	ssyncset.done $0x0  }
0x47: {  	s0 =	rddreg [dreg:$0x7];
	[sflag:s5] =	ssyncadd.s32 $0xFFFFD800  }
0x48: {  	[hbm4b:s0+s2] =	stream.linear.scatter [tilespmem:s6], [sflag:$0x3], $0x5000, $0x38;
	[tilespmem:$0xA500] =	vst v63  }
0x49: {  	_ =	swait.ge [sflag:s7], $0x5000  }
0x4a: {  	[sflag:s7] =	ssyncset.done $0x0  }
0x4b: {  	[sflag:s7] =	ssyncadd.s32 $0xFFFFB000  }
0x4c: {  	[tilespmem:s11], [sflag:$0x1] =	stream.indirect.gather [hbm4b:s3+s9], $0x80, s22, s9, $0xb8;
	[tilespmem:$0xA500] =	vst v63  }
0x4d: {  	_ = 	snop  }
0x4e: {  	[tilespmem:s14], [sflag:$0x1] =	stream.indirect.gather [hbm4b:s3+s9], $0x80, s23, s9, $0xb8;
	[tilespmem:$0xA500] =	vst v63  }
0x4f: {  	_ =	swait.ge [sflag:s5], $0x2800  }
0x50: {  	[sflag:s5] =	ssyncset.done $0x0  }
0x51: {  	[sflag:s5] =	ssyncadd.s32 $0xFFFFD800  }
0x52: {  	_ =	swait.ge [sflag:s5], $0x2800  }
0x53: {  	[sflag:s5] =	ssyncset.done $0x0  }
0x54: {  	[sflag:s5] =	ssyncadd.s32 $0xFFFFD800  }
0x55: {  	[hbm4b:s15+s2] =	stream.linear.scatter [tilespmem:s11], [sflag:$0x2], $0x5000, $0x38;
	[tilespmem:$0xA500] =	vst v63  }
0x56: {  	_ =	swait.ge [sflag:s8], $0x5000  }
0x57: {  	[sflag:s8] =	ssyncset.done $0x0  }
0x58: {  	[sflag:s8] =	ssyncadd.s32 $0xFFFFB000  }
0x59: {  	[tilespmem:s6], [sflag:$0x1] =	stream.indirect.gather [hbm4b:s3+s9], $0x80, s20, s9, $0xb8;
	[tilespmem:$0xA500] =	vst v63  }
0x5a: {  	_ = 	snop  }
0x5b: {  	[tilespmem:s12], [sflag:$0x1] =	stream.indirect.gather [hbm4b:s3+s9], $0x80, s21, s9, $0xb8;
	[tilespmem:$0xA500] =	vst v63  }
0x5c: {  	_ =	swait.ge [sflag:s5], $0x2800  }
0x5d: {  	[sflag:s5] =	ssyncset.done $0x0  }
0x5e: {  	[sflag:s5] =	ssyncadd.s32 $0xFFFFD800  }
0x5f: {  	_ =	swait.ge [sflag:s5], $0x2800  }
0x60: {  	[sflag:s5] =	ssyncset.done $0x0  }
0x61: {  	[sflag:s5] =	ssyncadd.s32 $0xFFFFD800  }
0x62: {  	[hbm4b:s13+s2] =	stream.linear.scatter [tilespmem:s6], [sflag:$0x3], $0x5000, $0x38;
	[tilespmem:$0xA500] =	vst v63  }
0x63: {  	_ =	swait.ge [sflag:s7], $0x5000  }
0x64: {  	[sflag:s7] =	ssyncset.done $0x0  }
0x65: {  	[sflag:s7] =	ssyncadd.s32 $0xFFFFB000  }
0x66: {  	[tilespmem:s11], [sflag:$0x1] =	stream.indirect.gather [hbm4b:s3+s9], $0x80, s18, s9, $0xb8;
	[tilespmem:$0xA500] =	vst v63  }
0x67: {  	_ = 	snop  }
0x68: {  	[tilespmem:s14], [sflag:$0x1] =	stream.indirect.gather [hbm4b:s3+s9], $0x80, s19, s9, $0xb8;
	[tilespmem:$0xA500] =	vst v63  }
0x69: {  	_ =	swait.ge [sflag:s5], $0x2800  }
0x6a: {  	[sflag:s5] =	ssyncset.done $0x0  }
0x6b: {  	[sflag:s5] =	ssyncadd.s32 $0xFFFFD800  }
0x6c: {  	_ =	swait.ge [sflag:s5], $0x2800  }
0x6d: {  	[sflag:s5] =	ssyncset.done $0x0  }
0x6e: {  	[sflag:s5] =	ssyncadd.s32 $0xFFFFD800  }
0x6f: {  	[hbm4b:s10+s2] =	stream.linear.scatter [tilespmem:s11], [sflag:$0x2], $0x5000, $0x38;
	[tilespmem:$0xA500] =	vst v63  }
0x70: {  	_ =	swait.ge [sflag:s8], $0x5000  }
0x71: {  	[sflag:s8] =	ssyncset.done $0x0  }
0x72: {  	[sflag:s8] =	ssyncadd.s32 $0xFFFFB000  }
0x73: {  	[tilespmem:s6], [sflag:$0x1] =	stream.indirect.gather [hbm4b:s3+s9], $0x80, s16, s9, $0xb8;
	[tilespmem:$0xA500] =	vst v63  }
0x74: {  	_ = 	snop  }
0x75: {  	[tilespmem:s12], [sflag:$0x1] =	stream.indirect.gather [hbm4b:s3+s9], $0x80, s17, s9, $0xb8;
	[tilespmem:$0xA500] =	vst v63  }
0x76: {  	_ =	swait.ge [sflag:s5], $0x2800  }
0x77: {  	[sflag:s5] =	ssyncset.done $0x0  }
0x78: {  	[sflag:s5] =	ssyncadd.s32 $0xFFFFD800  }
0x79: {  	_ =	swait.ge [sflag:s5], $0x2800  }
0x7a: {  	[sflag:s5] =	ssyncset.done $0x0  }
0x7b: {  	p1 =	sne.s32 s1, $0x1;
	[sflag:s5] =	ssyncadd.s32 $0xFFFFD800  }
0x7c: {  	[hbm4b:s4+s2] =	stream.linear.scatter [tilespmem:s6], [sflag:$0x3], $0x5000, $0x38;
	[tilespmem:$0xA500] =	vst v63  }
.Ltmp1:
0x7d: {  	_ =	swait.ge [sflag:s7], $0x5000;
	(pc) =	sbr.rel @!p1 .LBB2_3-.Ltmp1, $4  }
0x7e: {  	[sflag:s7] =	ssyncset.done $0x0  }
0x7f: {  	[sflag:s7] =	ssyncadd.s32 $0xFFFFB000  }
0x80: {  	s1 =	sadd.s32 $0xFFFFFFFF, s1;
	_ =	swait.ge [sflag:s8], $0x5000  }
0x81: {  	p0 =	por $0x1, $0x1;
	s0 =	rddreg [dreg:$0x3];
	[sflag:s8] =	ssyncset.done $0x0  }
.LBB2_2:
0x82: {  	[sflag:s8] =	ssyncadd.s32 $0xFFFFB000  }
0x83: {  	[tilespmem:s2], [sflag:$0x4] =	stream.linear.gather [hbm4b:s0+s2], $0x500, $0x38;
	[tilespmem:$0xA500] =	vst v63  }
0x84: {  	_ =	swait.ge [sflag:s31], $0x500  }
0x85: {  	[sflag:s31] =	ssyncset.done $0x0  }
0x86: {  	[sflag:s31] =	ssyncadd.s32 $0xFFFFFB00  }
0x87: {  	[tilespmem:s11], [sflag:$0x1] =	stream.indirect.gather [hbm4b:s3+s9], $0x80, s2, s9, $0xb8;
	[tilespmem:$0xA500] =	vst v63  }
0x88: {  	_ = 	snop  }
0x89: {  	[tilespmem:s14], [sflag:$0x1] =	stream.indirect.gather [hbm4b:s3+s9], $0x80, s9, s9, $0xb8;
	[tilespmem:$0xA500] =	vst v63  }
0x8a: {  	_ =	swait.ge [sflag:s5], $0x2800  }
0x8b: {  	[sflag:s5] =	ssyncset.done $0x0  }
0x8c: {  	[sflag:s5] =	ssyncadd.s32 $0xFFFFD800  }
0x8d: {  	_ =	swait.ge [sflag:s5], $0x2800  }
0x8e: {  	[sflag:s5] =	ssyncset.done $0x0  }
0x8f: {  	s0 =	rddreg [dreg:$0x4];
	[sflag:s5] =	ssyncadd.s32 $0xFFFFD800  }
0x90: {  	[hbm4b:s0+s2] =	stream.linear.scatter [tilespmem:s11], [sflag:$0x2], $0x5000, $0x38;
	[tilespmem:$0xA500] =	vst v63  }
0x91: {  	_ = 	snop  }
0x92: {  	[tilespmem:s6], [sflag:$0x1] =	stream.indirect.gather [hbm4b:s3+s9], $0x80, s29, s9, $0xb8;
	[tilespmem:$0xA500] =	vst v63  }
0x93: {  	_ = 	snop  }
0x94: {  	[tilespmem:s12], [sflag:$0x1] =	stream.indirect.gather [hbm4b:s3+s9], $0x80, s30, s9, $0xb8;
	[tilespmem:$0xA500] =	vst v63  }
0x95: {  	_ =	swait.ge [sflag:s5], $0x2800  }
0x96: {  	[sflag:s5] =	ssyncset.done $0x0  }
0x97: {  	[sflag:s5] =	ssyncadd.s32 $0xFFFFD800  }
0x98: {  	_ =	swait.ge [sflag:s5], $0x2800  }
0x99: {  	[sflag:s5] =	ssyncset.done $0x0  }
0x9a: {  	s0 =	rddreg [dreg:$0x5];
	[sflag:s5] =	ssyncadd.s32 $0xFFFFD800  }
0x9b: {  	[hbm4b:s0+s2] =	stream.linear.scatter [tilespmem:s6], [sflag:$0x3], $0x5000, $0x38;
	[tilespmem:$0xA500] =	vst v63  }
0x9c: {  	_ =	swait.ge [sflag:s7], $0x5000  }
0x9d: {  	[sflag:s7] =	ssyncset.done $0x0  }
0x9e: {  	[sflag:s7] =	ssyncadd.s32 $0xFFFFB000  }
0x9f: {  	[tilespmem:s11], [sflag:$0x1] =	stream.indirect.gather [hbm4b:s3+s9], $0x80, s26, s9, $0xb8;
	[tilespmem:$0xA500] =	vst v63  }
0xa0: {  	_ = 	snop  }
0xa1: {  	[tilespmem:s14], [sflag:$0x1] =	stream.indirect.gather [hbm4b:s3+s9], $0x80, s28, s9, $0xb8;
	[tilespmem:$0xA500] =	vst v63  }
0xa2: {  	_ =	swait.ge [sflag:s5], $0x2800  }
0xa3: {  	[sflag:s5] =	ssyncset.done $0x0  }
0xa4: {  	[sflag:s5] =	ssyncadd.s32 $0xFFFFD800  }
0xa5: {  	_ =	swait.ge [sflag:s5], $0x2800  }
0xa6: {  	[sflag:s5] =	ssyncset.done $0x0  }
0xa7: {  	s0 =	rddreg [dreg:$0x6];
	[sflag:s5] =	ssyncadd.s32 $0xFFFFD800  }
0xa8: {  	[hbm4b:s0+s2] =	stream.linear.scatter [tilespmem:s11], [sflag:$0x2], $0x5000, $0x38;
	[tilespmem:$0xA500] =	vst v63  }
0xa9: {  	_ =	swait.ge [sflag:s8], $0x5000  }
0xaa: {  	[sflag:s8] =	ssyncset.done $0x0  }
0xab: {  	[sflag:s8] =	ssyncadd.s32 $0xFFFFB000  }
0xac: {  	[tilespmem:s6], [sflag:$0x1] =	stream.indirect.gather [hbm4b:s3+s9], $0x80, s24, s9, $0xb8;
	[tilespmem:$0xA500] =	vst v63  }
0xad: {  	_ = 	snop  }
0xae: {  	[tilespmem:s12], [sflag:$0x1] =	stream.indirect.gather [hbm4b:s3+s9], $0x80, s25, s9, $0xb8;
	[tilespmem:$0xA500] =	vst v63  }
0xaf: {  	_ =	swait.ge [sflag:s5], $0x2800  }
0xb0: {  	[sflag:s5] =	ssyncset.done $0x0  }
0xb1: {  	[sflag:s5] =	ssyncadd.s32 $0xFFFFD800  }
0xb2: {  	_ =	swait.ge [sflag:s5], $0x2800  }
0xb3: {  	[sflag:s5] =	ssyncset.done $0x0  }
0xb4: {  	s0 =	rddreg [dreg:$0x7];
	[sflag:s5] =	ssyncadd.s32 $0xFFFFD800  }
0xb5: {  	[hbm4b:s0+s2] =	stream.linear.scatter [tilespmem:s6], [sflag:$0x3], $0x5000, $0x38;
	[tilespmem:$0xA500] =	vst v63  }
0xb6: {  	_ =	swait.ge [sflag:s7], $0x5000  }
0xb7: {  	[sflag:s7] =	ssyncset.done $0x0  }
0xb8: {  	[sflag:s7] =	ssyncadd.s32 $0xFFFFB000  }
0xb9: {  	[tilespmem:s11], [sflag:$0x1] =	stream.indirect.gather [hbm4b:s3+s9], $0x80, s22, s9, $0xb8;
	[tilespmem:$0xA500] =	vst v63  }
0xba: {  	_ = 	snop  }
0xbb: {  	[tilespmem:s14], [sflag:$0x1] =	stream.indirect.gather [hbm4b:s3+s9], $0x80, s23, s9, $0xb8;
	[tilespmem:$0xA500] =	vst v63  }
0xbc: {  	_ =	swait.ge [sflag:s5], $0x2800  }
0xbd: {  	[sflag:s5] =	ssyncset.done $0x0  }
0xbe: {  	[sflag:s5] =	ssyncadd.s32 $0xFFFFD800  }
0xbf: {  	_ =	swait.ge [sflag:s5], $0x2800  }
0xc0: {  	[sflag:s5] =	ssyncset.done $0x0  }
0xc1: {  	[sflag:s5] =	ssyncadd.s32 $0xFFFFD800  }
0xc2: {  	[hbm4b:s15+s2] =	stream.linear.scatter [tilespmem:s11], [sflag:$0x2], $0x5000, $0x38;
	[tilespmem:$0xA500] =	vst v63  }
0xc3: {  	_ =	swait.ge [sflag:s8], $0x5000  }
0xc4: {  	[sflag:s8] =	ssyncset.done $0x0  }
0xc5: {  	[sflag:s8] =	ssyncadd.s32 $0xFFFFB000  }
0xc6: {  	[tilespmem:s6], [sflag:$0x1] =	stream.indirect.gather [hbm4b:s3+s9], $0x80, s20, s9, $0xb8;
	[tilespmem:$0xA500] =	vst v63  }
0xc7: {  	_ = 	snop  }
0xc8: {  	[tilespmem:s12], [sflag:$0x1] =	stream.indirect.gather [hbm4b:s3+s9], $0x80, s21, s9, $0xb8;
	[tilespmem:$0xA500] =	vst v63  }
0xc9: {  	_ =	swait.ge [sflag:s5], $0x2800  }
0xca: {  	[sflag:s5] =	ssyncset.done $0x0  }
0xcb: {  	[sflag:s5] =	ssyncadd.s32 $0xFFFFD800  }
0xcc: {  	_ =	swait.ge [sflag:s5], $0x2800  }
0xcd: {  	[sflag:s5] =	ssyncset.done $0x0  }
0xce: {  	[sflag:s5] =	ssyncadd.s32 $0xFFFFD800  }
0xcf: {  	[hbm4b:s13+s2] =	stream.linear.scatter [tilespmem:s6], [sflag:$0x3], $0x5000, $0x38;
	[tilespmem:$0xA500] =	vst v63  }
0xd0: {  	_ =	swait.ge [sflag:s7], $0x5000  }
0xd1: {  	[sflag:s7] =	ssyncset.done $0x0  }
0xd2: {  	[sflag:s7] =	ssyncadd.s32 $0xFFFFB000  }
0xd3: {  	[tilespmem:s11], [sflag:$0x1] =	stream.indirect.gather [hbm4b:s3+s9], $0x80, s18, s9, $0xb8;
	[tilespmem:$0xA500] =	vst v63  }
0xd4: {  	_ = 	snop  }
0xd5: {  	[tilespmem:s14], [sflag:$0x1] =	stream.indirect.gather [hbm4b:s3+s9], $0x80, s19, s9, $0xb8;
	[tilespmem:$0xA500] =	vst v63  }
0xd6: {  	_ =	swait.ge [sflag:s5], $0x2800  }
0xd7: {  	[sflag:s5] =	ssyncset.done $0x0  }
0xd8: {  	[sflag:s5] =	ssyncadd.s32 $0xFFFFD800  }
0xd9: {  	_ =	swait.ge [sflag:s5], $0x2800  }
0xda: {  	[sflag:s5] =	ssyncset.done $0x0  }
0xdb: {  	[sflag:s5] =	ssyncadd.s32 $0xFFFFD800  }
0xdc: {  	[hbm4b:s10+s2] =	stream.linear.scatter [tilespmem:s11], [sflag:$0x2], $0x5000, $0x38;
	[tilespmem:$0xA500] =	vst v63  }
0xdd: {  	_ =	swait.ge [sflag:s8], $0x5000  }
0xde: {  	[sflag:s8] =	ssyncset.done $0x0  }
0xdf: {  	[sflag:s8] =	ssyncadd.s32 $0xFFFFB000  }
0xe0: {  	[tilespmem:s6], [sflag:$0x1] =	stream.indirect.gather [hbm4b:s3+s9], $0x80, s16, s9, $0xb8;
	[tilespmem:$0xA500] =	vst v63  }
0xe1: {  	_ = 	snop  }
0xe2: {  	[tilespmem:s12], [sflag:$0x1] =	stream.indirect.gather [hbm4b:s3+s9], $0x80, s17, s9, $0xb8;
	[tilespmem:$0xA500] =	vst v63  }
0xe3: {  	_ =	swait.ge [sflag:s5], $0x2800  }
0xe4: {  	[sflag:s5] =	ssyncset.done $0x0  }
0xe5: {  	[sflag:s5] =	ssyncadd.s32 $0xFFFFD800  }
0xe6: {  	_ =	swait.ge [sflag:s5], $0x2800  }
0xe7: {  	[sflag:s5] =	ssyncset.done $0x0  }
0xe8: {  	p1 =	sne.s32 s1, $0x1;
	[sflag:s5] =	ssyncadd.s32 $0xFFFFD800  }
0xe9: {  	[hbm4b:s4+s2] =	stream.linear.scatter [tilespmem:s6], [sflag:$0x3], $0x5000, $0x38;
	[tilespmem:$0xA500] =	vst v63  }
.Ltmp2:
0xea: {  	_ =	swait.ge [sflag:s7], $0x5000;
	(pc) =	sbr.rel @p1 .LBB2_2-.Ltmp2, $4  }
0xeb: {  	[sflag:s7] =	ssyncset.done $0x0  }
0xec: {  	[sflag:s7] =	ssyncadd.s32 $0xFFFFB000  }
0xed: {  	_ =	swait.ge [sflag:s8], $0x5000  }
0xee: {  	s1 =	sadd.s32 $0xFFFFFFFF, s1;
	s0 =	rddreg [dreg:$0x3];
	[sflag:s8] =	ssyncset.done $0x0  }
.LBB2_3:
0xef: {  	[sflag:s8] =	ssyncadd.s32 @p0 $0xFFFFB000  }
0xf0: {  	[tilespmem:s2], [sflag:$0x4] =	stream.linear.gather [hbm4b:s0+s2], $0x500, $0x38;
	[tilespmem:$0xA500] =	vst v63  }
0xf1: {  	_ =	swait.ge [sflag:s31], $0x500  }
0xf2: {  	[sflag:s31] =	ssyncset.done $0x0  }
0xf3: {  	[sflag:s31] =	ssyncadd.s32 $0xFFFFFB00  }
0xf4: {  	[tilespmem:s11], [sflag:$0x1] =	stream.indirect.gather [hbm4b:s3+s9], $0x80, s2, s9, $0xb8;
	[tilespmem:$0xA500] =	vst v63  }
0xf5: {  	_ = 	snop  }
0xf6: {  	[tilespmem:s14], [sflag:$0x1] =	stream.indirect.gather [hbm4b:s3+s9], $0x80, s9, s9, $0xb8;
	[tilespmem:$0xA500] =	vst v63  }
0xf7: {  	_ =	swait.ge [sflag:s5], $0x2800  }
0xf8: {  	[sflag:s5] =	ssyncset.done $0x0  }
0xf9: {  	[sflag:s5] =	ssyncadd.s32 $0xFFFFD800  }
0xfa: {  	_ =	swait.ge [sflag:s5], $0x2800  }
0xfb: {  	[sflag:s5] =	ssyncset.done $0x0  }
0xfc: {  	s31 =	rddreg [dreg:$0x4];
	[sflag:s5] =	ssyncadd.s32 $0xFFFFD800  }
0xfd: {  	[hbm4b:s31+s2] =	stream.linear.scatter [tilespmem:s11], [sflag:$0x2], $0x5000, $0x38;
	[tilespmem:$0xA500] =	vst v63  }
0xfe: {  	_ = 	snop  }
0xff: {  	[tilespmem:s6], [sflag:$0x1] =	stream.indirect.gather [hbm4b:s3+s9], $0x80, s29, s9, $0xb8;
	[tilespmem:$0xA500] =	vst v63  }
0x100: {  	_ = 	snop  }
0x101: {  	[tilespmem:s12], [sflag:$0x1] =	stream.indirect.gather [hbm4b:s3+s9], $0x80, s30, s9, $0xb8;
	[tilespmem:$0xA500] =	vst v63  }
0x102: {  	_ =	swait.ge [sflag:s5], $0x2800  }
0x103: {  	[sflag:s5] =	ssyncset.done $0x0  }
0x104: {  	[sflag:s5] =	ssyncadd.s32 $0xFFFFD800  }
0x105: {  	_ =	swait.ge [sflag:s5], $0x2800  }
0x106: {  	[sflag:s5] =	ssyncset.done $0x0  }
0x107: {  	s1 =	rddreg [dreg:$0x5];
	[sflag:s5] =	ssyncadd.s32 $0xFFFFD800  }
0x108: {  	[hbm4b:s1+s2] =	stream.linear.scatter [tilespmem:s6], [sflag:$0x3], $0x5000, $0x38;
	[tilespmem:$0xA500] =	vst v63  }
0x109: {  	_ =	swait.ge [sflag:s7], $0x5000  }
0x10a: {  	[sflag:s7] =	ssyncset.done $0x0  }
0x10b: {  	[sflag:s7] =	ssyncadd.s32 $0xFFFFB000  }
0x10c: {  	[tilespmem:s11], [sflag:$0x1] =	stream.indirect.gather [hbm4b:s3+s9], $0x80, s26, s9, $0xb8;
	[tilespmem:$0xA500] =	vst v63  }
0x10d: {  	_ = 	snop  }
0x10e: {  	[tilespmem:s14], [sflag:$0x1] =	stream.indirect.gather [hbm4b:s3+s9], $0x80, s28, s9, $0xb8;
	[tilespmem:$0xA500] =	vst v63  }
0x10f: {  	_ =	swait.ge [sflag:s5], $0x2800  }
0x110: {  	[sflag:s5] =	ssyncset.done $0x0  }
0x111: {  	[sflag:s5] =	ssyncadd.s32 $0xFFFFD800  }
0x112: {  	_ =	swait.ge [sflag:s5], $0x2800  }
0x113: {  	[sflag:s5] =	ssyncset.done $0x0  }
0x114: {  	s29 =	rddreg [dreg:$0x6];
	[sflag:s5] =	ssyncadd.s32 $0xFFFFD800  }
0x115: {  	[hbm4b:s29+s2] =	stream.linear.scatter [tilespmem:s11], [sflag:$0x2], $0x5000, $0x38;
	[tilespmem:$0xA500] =	vst v63  }
0x116: {  	_ =	swait.ge [sflag:s8], $0x5000  }
0x117: {  	[sflag:s8] =	ssyncset.done $0x0  }
0x118: {  	[sflag:s8] =	ssyncadd.s32 $0xFFFFB000  }
0x119: {  	[tilespmem:s6], [sflag:$0x1] =	stream.indirect.gather [hbm4b:s3+s9], $0x80, s24, s9, $0xb8;
	[tilespmem:$0xA500] =	vst v63  }
0x11a: {  	_ = 	snop  }
0x11b: {  	[tilespmem:s12], [sflag:$0x1] =	stream.indirect.gather [hbm4b:s3+s9], $0x80, s25, s9, $0xb8;
	[tilespmem:$0xA500] =	vst v63  }
0x11c: {  	_ =	swait.ge [sflag:s5], $0x2800  }
0x11d: {  	[sflag:s5] =	ssyncset.done $0x0  }
0x11e: {  	[sflag:s5] =	ssyncadd.s32 $0xFFFFD800  }
0x11f: {  	_ =	swait.ge [sflag:s5], $0x2800  }
0x120: {  	[sflag:s5] =	ssyncset.done $0x0  }
0x121: {  	s30 =	rddreg [dreg:$0x7];
	[sflag:s5] =	ssyncadd.s32 $0xFFFFD800  }
0x122: {  	[hbm4b:s30+s2] =	stream.linear.scatter [tilespmem:s6], [sflag:$0x3], $0x5000, $0x38;
	[tilespmem:$0xA500] =	vst v63  }
0x123: {  	_ =	swait.ge [sflag:s7], $0x5000  }
0x124: {  	[sflag:s7] =	ssyncset.done $0x0  }
0x125: {  	[sflag:s7] =	ssyncadd.s32 $0xFFFFB000  }
0x126: {  	[tilespmem:s11], [sflag:$0x1] =	stream.indirect.gather [hbm4b:s3+s9], $0x80, s22, s9, $0xb8;
	[tilespmem:$0xA500] =	vst v63  }
0x127: {  	_ = 	snop  }
0x128: {  	[tilespmem:s14], [sflag:$0x1] =	stream.indirect.gather [hbm4b:s3+s9], $0x80, s23, s9, $0xb8;
	[tilespmem:$0xA500] =	vst v63  }
0x129: {  	_ =	swait.ge [sflag:s5], $0x2800  }
0x12a: {  	[sflag:s5] =	ssyncset.done $0x0  }
0x12b: {  	[sflag:s5] =	ssyncadd.s32 $0xFFFFD800  }
0x12c: {  	_ =	swait.ge [sflag:s5], $0x2800  }
0x12d: {  	[sflag:s5] =	ssyncset.done $0x0  }
0x12e: {  	[sflag:s5] =	ssyncadd.s32 $0xFFFFD800  }
0x12f: {  	[hbm4b:s15+s2] =	stream.linear.scatter [tilespmem:s11], [sflag:$0x2], $0x5000, $0x38;
	[tilespmem:$0xA500] =	vst v63  }
0x130: {  	_ =	swait.ge [sflag:s8], $0x5000  }
0x131: {  	[sflag:s8] =	ssyncset.done $0x0  }
0x132: {  	[sflag:s8] =	ssyncadd.s32 $0xFFFFB000  }
0x133: {  	[tilespmem:s6], [sflag:$0x1] =	stream.indirect.gather [hbm4b:s3+s9], $0x80, s20, s9, $0xb8;
	[tilespmem:$0xA500] =	vst v63  }
0x134: {  	_ = 	snop  }
0x135: {  	[tilespmem:s12], [sflag:$0x1] =	stream.indirect.gather [hbm4b:s3+s9], $0x80, s21, s9, $0xb8;
	[tilespmem:$0xA500] =	vst v63  }
0x136: {  	_ =	swait.ge [sflag:s5], $0x2800  }
0x137: {  	[sflag:s5] =	ssyncset.done $0x0  }
0x138: {  	[sflag:s5] =	ssyncadd.s32 $0xFFFFD800  }
0x139: {  	_ =	swait.ge [sflag:s5], $0x2800  }
0x13a: {  	[sflag:s5] =	ssyncset.done $0x0  }
0x13b: {  	[sflag:s5] =	ssyncadd.s32 $0xFFFFD800  }
0x13c: {  	[hbm4b:s13+s2] =	stream.linear.scatter [tilespmem:s6], [sflag:$0x3], $0x5000, $0x38;
	[tilespmem:$0xA500] =	vst v63  }
0x13d: {  	_ =	swait.ge [sflag:s7], $0x5000  }
0x13e: {  	[sflag:s7] =	ssyncset.done $0x0  }
0x13f: {  	[sflag:s7] =	ssyncadd.s32 $0xFFFFB000  }
0x140: {  	[tilespmem:s11], [sflag:$0x1] =	stream.indirect.gather [hbm4b:s3+s9], $0x80, s18, s9, $0xb8;
	[tilespmem:$0xA500] =	vst v63  }
0x141: {  	_ = 	snop  }
0x142: {  	[tilespmem:s14], [sflag:$0x1] =	stream.indirect.gather [hbm4b:s3+s9], $0x80, s19, s9, $0xb8;
	[tilespmem:$0xA500] =	vst v63  }
0x143: {  	_ =	swait.ge [sflag:s5], $0x2800  }
0x144: {  	[sflag:s5] =	ssyncset.done $0x0  }
0x145: {  	[sflag:s5] =	ssyncadd.s32 $0xFFFFD800  }
0x146: {  	_ =	swait.ge [sflag:s5], $0x2800  }
0x147: {  	[sflag:s5] =	ssyncset.done $0x0  }
0x148: {  	[sflag:s5] =	ssyncadd.s32 $0xFFFFD800  }
0x149: {  	[hbm4b:s10+s2] =	stream.linear.scatter [tilespmem:s11], [sflag:$0x2], $0x5000, $0x38;
	[tilespmem:$0xA500] =	vst v63  }
0x14a: {  	_ =	swait.ge [sflag:s8], $0x5000  }
0x14b: {  	[sflag:s8] =	ssyncset.done $0x0  }
0x14c: {  	[sflag:s8] =	ssyncadd.s32 $0xFFFFB000  }
0x14d: {  	[tilespmem:s6], [sflag:$0x1] =	stream.indirect.gather [hbm4b:s3+s9], $0x80, s16, s9, $0xb8;
	[tilespmem:$0xA500] =	vst v63  }
0x14e: {  	_ = 	snop  }
0x14f: {  	[tilespmem:s12], [sflag:$0x1] =	stream.indirect.gather [hbm4b:s3+s9], $0x80, s17, s9, $0xb8;
	[tilespmem:$0xA500] =	vst v63  }
0x150: {  	_ =	swait.ge [sflag:s5], $0x2800  }
0x151: {  	[sflag:s5] =	ssyncset.done $0x0  }
0x152: {  	[sflag:s5] =	ssyncadd.s32 $0xFFFFD800  }
0x153: {  	_ =	swait.ge [sflag:s5], $0x2800  }
0x154: {  	[sflag:s5] =	ssyncset.done $0x0  }
0x155: {  	[sflag:s5] =	ssyncadd.s32 $0xFFFFD800  }
0x156: {  	[hbm4b:s4+s2] =	stream.linear.scatter [tilespmem:s6], [sflag:$0x3], $0x5000, $0x38;
	[tilespmem:$0xA500] =	vst v63  }
0x157: {  	_ =	swait.ge [sflag:s7], $0x5000  }
0x158: {  	[sflag:s7] =	ssyncset.done $0x0  }
0x159: {  	[sflag:s7] =	ssyncadd.s32 $0xFFFFB000  }
0x15a: {  	_ =	swait.ge [sflag:s8], $0x5000  }
0x15b: {  	[sflag:s8] =	ssyncset.done $0x0  }
0x15c: {  	[sflag:s8] =	ssyncadd.s32 $0xFFFFB000  }
0x15d: {  	_ =	sfence.sel $0x180000  }
0x15e: {  	[bflag:$0x0] =	sbarrier.arrive $0xFFFF  }
0x15f: {  	_ =	strace $0x90000053  }
0x160: {  	s31 =	stileid.u32;
	[bflag:$0x2] =	sbarrier.arrive $0xFFFF  }
0x161: {  	p0 =	sne.s32 s31, $0x0;
	s0 =	rddreg [dreg:$0x2]  }
0x162: {  	s0 =	sadd.s32 @!p0 $0x100000, s0  }
0x163: {  	[sflag:s0] =	ssyncadd.tile.s32 @!p0 $0x1;
	_ =	shalt  }
.Lfunc_end2:
_tile_overlayer_lowered:
.L_overlay_start_2:
0x164: {  	(tag) =	ssettag $0x2  }
0x165: {  	s0 =	rddreg [dreg:$0x0];
	s2 =	stileid.u32  }
0x166: {  	s1 =	rddreg [dreg:$0x1];
	p0 =	sne.s32 s2, $0x0  }
0x167: {  	s3 =	rddreg [dreg:$0x2];
	[bflag:$0x3] =	sbarrier.arrive $0xFFFF;
	s2 =	simm.s32 @!p0 $0x1C04  }
0x168: {  	[timem:s3], [sflag:s2] =	dma.local @!p0 [hbm:s0], s1  }
0x169: {  	s0 =	simm.s32 @!p0 $0x4  }
0x16a: {  	_ =	swait.ge @!p0 [sflag:s0], s1  }
0x16b: {  	s1 =	ssub.s32 @!p0 $0x0, s1;
	[sflag:s0] =	ssyncset.done @!p0 $0x0  }
0x16c: {  	[sflag:s0] =	ssyncadd.s32 @!p0 s1  }
0x16d: {  	[bflag:$0x3] =	sbarrier.arrive $0xFFFF  }
0x16e: {  	_ =	shalt  }

</sc_bundles>
